<compile_context>
chip_gen: v7x
topology: tpu7x:2x2x1
jax: 0.10.2.dev20260603
libtpu: 0.0.44.dev20260713+nightly
codegen_flags: <defaults>
</compile_context>

<pallas_src>
import functools

import jax
import jax.numpy as jnp
from jax import lax
from jax.experimental import pallas as pl
from jax.experimental.pallas import tpu as pltpu
from jax.experimental.pallas import tpu_sc as plsc

ROWS, COLS, EMBED = 16384, 26, 32
B = ROWS * COLS
NW = 32
B_PER_W = B // NW
IDX_MINOR = 128
CH_J = 13
CHUNK = CH_J * IDX_MINOR
N_CHUNK = B_PER_W // CHUNK
ROWS_PER_W = B_PER_W // IDX_MINOR

_mesh = plsc.VectorSubcoreMesh(core_axis_name="c", subcore_axis_name="s")


@functools.partial(
    pl.kernel,
    mesh=_mesh,
    out_type=jax.ShapeDtypeStruct((B, EMBED), jnp.float32),
    scratch_types=[
        pltpu.VMEM((2, CH_J, IDX_MINOR), jnp.int32),
        pltpu.VMEM((2, CHUNK, EMBED), jnp.float32),
        pltpu.SemaphoreType.DMA,
        pltpu.SemaphoreType.DMA,
        pltpu.SemaphoreType.DMA,
    ],
    compiler_params=pltpu.CompilerParams(use_tc_tiling_on_sc=False),
)
def _embed_lookup(idx_hbm, table_hbm, out_hbm, idx_v, rows_v, gsem, osem0,
                  osem1):
    wid = lax.axis_index("s") * 2 + lax.axis_index("c")
    row_base = wid * ROWS_PER_W
    osems = (osem0, osem1)

    def do_chunk(c, b, wait_prev_store):
        row_off = row_base + c * CH_J
        flat_off = row_off * IDX_MINOR
        my_idx = idx_v.at[b]
        my_rows = rows_v.at[b]
        pltpu.sync_copy(idx_hbm.at[pl.ds(row_off, CH_J)], my_idx)
        if wait_prev_store:
            pltpu.make_async_copy(
                my_rows, out_hbm.at[pl.ds(flat_off, CHUNK)], osems[b]
            ).wait()
        copies = [
            pltpu.async_copy(
                table_hbm.at[my_idx.at[j]],
                my_rows.at[pl.ds(j * IDX_MINOR, IDX_MINOR)],
                gsem,
            )
            for j in range(CH_J)
        ]
        for cp in copies:
            cp.wait()
        pltpu.async_copy(my_rows, out_hbm.at[pl.ds(flat_off, CHUNK)],
                         osems[b])

    do_chunk(0, 0, False)
    do_chunk(1, 1, False)

    def pair_body(p, _):
        do_chunk(2 * p, 0, True)
        do_chunk(2 * p + 1, 1, True)
        return 0

    lax.fori_loop(1, N_CHUNK // 2, pair_body, 0)

    for b in range(2):
        pltpu.make_async_copy(
            rows_v.at[b], out_hbm.at[pl.ds(0, CHUNK)], osems[b]
        ).wait()


def kernel(ms, table):
    idx2d = ms.reshape(B // IDX_MINOR, IDX_MINOR)
    out = _embed_lookup(idx2d, table)
    return out.reshape(ROWS, COLS, EMBED)

# --- scband reference (transcript-rebuilt; emitter-appended) ---
"""Pipeline reference for scband-model-embedder-28544352649739 (READ-ONLY COPY).

The authoritative reference and input builder live on the scoring server;
editing this copy changes nothing except your own understanding.
"""

import jax, jax.numpy as jnp
import numpy as np

VOCAB = 1000000 + 1
EMBED_DIM = 32

def setup_inputs(seed: int = 0) -> dict:
    key = jax.random.key(seed)
    k1, k2 = jax.random.split(key)
    ms = jax.random.randint(k1, (16384, 26), 0, VOCAB, dtype=jnp.int64 if jax.config.jax_enable_x64 else jnp.int32).astype(jnp.int32)
    table = jax.random.normal(k2, (VOCAB, EMBED_DIM), dtype=jnp.float32)
    return {"ms": ms, "table": table}

def reference(ms, table):
    # nn.Embedding lookup: gather rows of the table by index
    return jnp.take(table, ms, axis=0)

if __name__ == "__main__":
    import jax
    _d = setup_inputs()
    print(jax.jit(kernel)(*tuple(_d.values())))

</pallas_src>

<mosaic_0001>
#map = affine_map<(d0, d1) -> (0, 0)>
module attributes {stable_mosaic.version = 14 : i64} {
  func.func @_embed_lookup(%arg0: i32, %arg1: i32, %arg2: memref<3328x128xi32, #tpu.memory_space<hbm>>, %arg3: memref<1000001x32xf32, #tpu.memory_space<hbm>>, %arg4: memref<425984x32xf32, #tpu.memory_space<hbm>>, %arg5: memref<2x13x128xi32, #tpu.memory_space<vmem>>, %arg6: memref<2x1664x32xf32, #tpu.memory_space<vmem>>, %arg7: memref<!tpu.dma_semaphore, #tpu.memory_space<semaphore_mem>>, %arg8: memref<!tpu.dma_semaphore, #tpu.memory_space<semaphore_mem>>, %arg9: memref<!tpu.dma_semaphore, #tpu.memory_space<semaphore_mem>>) attributes {dimension_semantics = [#tpu.dimension_semantics<core_parallel>, #tpu.dimension_semantics<subcore_parallel>], iteration_bounds = array<i64: 2, 16>, scalar_prefetch = 0 : i64, scratch_operands = 5 : i64, tpu.core_type = #tpu.core_type<sc_vector_subcore>, window_params = [{transform_indices = #map}, {transform_indices = #map}, {transform_indices = #map}]} {
    %mul3A = arith.constant 2 : i32
    %mul3A_0 = arith.muli %arg1, %mul3A : i32
    %add3A = arith.addi %mul3A_0, %arg0 : i32
    %mul3A_1 = arith.constant 104 : i32
    %mul3A_2 = arith.muli %add3A, %mul3A_1 : i32
    %add3A_3 = arith.constant 0 : i32
    %add3A_4 = arith.addi %mul3A_2, %add3A_3 : i32
    %mul3A_5 = arith.constant 128 : i32
    %mul3A_6 = arith.muli %add3A_4, %mul3A_5 : i32
    %run_scoped3A = arith.constant 0 : i32
    "tpu.region"() ({
      %run_scoped3A_1112 = tpu.sem_alloc : memref<!tpu.dma_semaphore, #tpu.memory_space<semaphore_mem>>
      %dma_start3A_1113 = arith.constant 0 : i32
      %dma_start3A_1114 = arith.constant 0 : i32
      %dma_start3A_1115 = tpu.memref_slice %arg5[%run_scoped3A, %dma_start3A_1113, %dma_start3A_1114] : memref<2x13x128xi32, #tpu.memory_space<vmem>> -> memref<1x13x128xi32, #tpu.memory_space<vmem>>
      %dma_start3A_1116 = tpu.memref_squeeze %dma_start3A_1115 : memref<1x13x128xi32, #tpu.memory_space<vmem>> -> memref<13x128xi32, #tpu.memory_space<vmem>>
      %dma_start3A_1117 = arith.constant 0 : i32
      %dma_start3A_1118 = tpu.memref_slice %arg2[%add3A_4, %dma_start3A_1117] : memref<3328x128xi32, #tpu.memory_space<hbm>> -> memref<13x128xi32, #tpu.memory_space<hbm>>
      %dma_start3A_1119 = arith.constant 0 : i32
      %dma_start3A_1120 = arith.constant 0 : i32
      %dma_start3A_1121 = tpu.memref_slice %arg5[%run_scoped3A, %dma_start3A_1119, %dma_start3A_1120] : memref<2x13x128xi32, #tpu.memory_space<vmem>> -> memref<1x13x128xi32, #tpu.memory_space<vmem>>
      %dma_start3A_1122 = tpu.memref_squeeze %dma_start3A_1121 : memref<1x13x128xi32, #tpu.memory_space<vmem>> -> memref<13x128xi32, #tpu.memory_space<vmem>>
      %dma_start3A_1123 = arith.constant 0 : i32
      %dma_start3A_1124 = tpu.memref_slice %arg2[%add3A_4, %dma_start3A_1123] : memref<3328x128xi32, #tpu.memory_space<hbm>> -> memref<13x128xi32, #tpu.memory_space<hbm>>
      tpu.enqueue_dma source(%dma_start3A_1124 : memref<13x128xi32, #tpu.memory_space<hbm>>) target(%dma_start3A_1122 : memref<13x128xi32, #tpu.memory_space<vmem>>) target_semaphore(%run_scoped3A_1112 : memref<!tpu.dma_semaphore, #tpu.memory_space<semaphore_mem>>)
      %dma_wait3A_1125 = arith.constant 0 : i32
      %dma_wait3A_1126 = arith.constant 0 : i32
      %dma_wait3A_1127 = tpu.memref_slice %arg5[%run_scoped3A, %dma_wait3A_1125, %dma_wait3A_1126] : memref<2x13x128xi32, #tpu.memory_space<vmem>> -> memref<1x13x128xi32, #tpu.memory_space<vmem>>
      %dma_wait3A_1128 = tpu.memref_squeeze %dma_wait3A_1127 : memref<1x13x128xi32, #tpu.memory_space<vmem>> -> memref<13x128xi32, #tpu.memory_space<vmem>>
      %dma_wait3A_1129 = arith.constant 0 : i32
      %dma_wait3A_1130 = tpu.memref_slice %arg2[%add3A_4, %dma_wait3A_1129] : memref<3328x128xi32, #tpu.memory_space<hbm>> -> memref<13x128xi32, #tpu.memory_space<hbm>>
      %dma_wait3A_1131 = arith.constant 0 : i32
      %dma_wait3A_1132 = arith.constant 0 : i32
      %dma_wait3A_1133 = tpu.memref_slice %arg5[%run_scoped3A, %dma_wait3A_1131, %dma_wait3A_1132] : memref<2x13x128xi32, #tpu.memory_space<vmem>> -> memref<1x13x128xi32, #tpu.memory_space<vmem>>
      %dma_wait3A_1134 = tpu.memref_squeeze %dma_wait3A_1133 : memref<1x13x128xi32, #tpu.memory_space<vmem>> -> memref<13x128xi32, #tpu.memory_space<vmem>>
      %dma_wait3A_1135 = arith.constant 0 : i32
      %dma_wait3A_1136 = tpu.memref_slice %arg2[%add3A_4, %dma_wait3A_1135] : memref<3328x128xi32, #tpu.memory_space<hbm>> -> memref<13x128xi32, #tpu.memory_space<hbm>>
      tpu.wait_dma2 semaphore(%run_scoped3A_1112 : memref<!tpu.dma_semaphore, #tpu.memory_space<semaphore_mem>>) src(%dma_wait3A_1136 : memref<13x128xi32, #tpu.memory_space<hbm>>) dst(%dma_wait3A_1134 : memref<13x128xi32, #tpu.memory_space<vmem>>)
      tpu.yield
    }) : () -> ()
    %dma_start3A = arith.constant 0 : i32
    %dma_start3A_7 = arith.constant 0 : i32
    %dma_start3A_8 = arith.constant 0 : i32
    %dma_start3A_9 = arith.constant 0 : i32
    %dma_start3A_10 = arith.constant 0 : i32
    %dma_start3A_11 = tpu.memref_slice %arg6[%dma_start3A_8, %dma_start3A_9, %dma_start3A_10] : memref<2x1664x32xf32, #tpu.memory_space<vmem>> -> memref<1x1664x32xf32, #tpu.memory_space<vmem>>
    %dma_start3A_12 = tpu.memref_squeeze %dma_start3A_11 : memref<1x1664x32xf32, #tpu.memory_space<vmem>> -> memref<1664x32xf32, #tpu.memory_space<vmem>>
    %dma_start3A_13 = arith.constant 0 : i32
    %dma_start3A_14 = arith.constant 0 : i32
    %dma_start3A_15 = tpu.memref_slice %dma_start3A_12[%dma_start3A_13, %dma_start3A_14] : memref<1664x32xf32, #tpu.memory_space<vmem>> -> memref<128x32xf32, #tpu.memory_space<vmem>>
    %dma_start3A_16 = arith.constant 0 : i32
    %dma_start3A_17 = arith.constant 0 : i32
    %dma_start3A_18 = tpu.memref_slice %arg5[%dma_start3A, %dma_start3A_16, %dma_start3A_17] : memref<2x13x128xi32, #tpu.memory_space<vmem>> -> memref<1x13x128xi32, #tpu.memory_space<vmem>>
    %dma_start3A_19 = tpu.memref_squeeze %dma_start3A_18 : memref<1x13x128xi32, #tpu.memory_space<vmem>> -> memref<13x128xi32, #tpu.memory_space<vmem>>
    %dma_start3A_20 = arith.constant 0 : i32
    %dma_start3A_21 = tpu.memref_slice %dma_start3A_19[%dma_start3A_7, %dma_start3A_20] : memref<13x128xi32, #tpu.memory_space<vmem>> -> memref<1x128xi32, #tpu.memory_space<vmem>>
    %dma_start3A_22 = tpu.memref_squeeze %dma_start3A_21 : memref<1x128xi32, #tpu.memory_space<vmem>> -> memref<128xi32, #tpu.memory_space<vmem>>
    %dma_start3A_23 = arith.constant 0 : i32
    %dma_start3A_24 = arith.constant 0 : i32
    %dma_start3A_25 = tpu.memref_slice %arg3[%dma_start3A_23, %dma_start3A_24] : memref<1000001x32xf32, #tpu.memory_space<hbm>> -> memref<1000001x32xf32, #tpu.memory_space<hbm>>
    tpu.enqueue_indirect_dma source(%dma_start3A_25 : memref<1000001x32xf32, #tpu.memory_space<hbm>>) target(%dma_start3A_15 : memref<128x32xf32, #tpu.memory_space<vmem>>) offsets(%dma_start3A_22 : memref<128xi32, #tpu.memory_space<vmem>>) semaphore(%arg7 : memref<!tpu.dma_semaphore, #tpu.memory_space<semaphore_mem>>)
    %dma_start3A_26 = arith.constant 0 : i32
    %dma_start3A_27 = arith.constant 1 : i32
    %dma_start3A_28 = arith.constant 0 : i32
    %dma_start3A_29 = arith.constant 0 : i32
    %dma_start3A_30 = arith.constant 0 : i32
    %dma_start3A_31 = tpu.memref_slice %arg6[%dma_start3A_28, %dma_start3A_29, %dma_start3A_30] : memref<2x1664x32xf32, #tpu.memory_space<vmem>> -> memref<1x1664x32xf32, #tpu.memory_space<vmem>>
    %dma_start3A_32 = tpu.memref_squeeze %dma_start3A_31 : memref<1x1664x32xf32, #tpu.memory_space<vmem>> -> memref<1664x32xf32, #tpu.memory_space<vmem>>
    %dma_start3A_33 = arith.constant 128 : i32
    %dma_start3A_34 = arith.constant 0 : i32
    %dma_start3A_35 = tpu.memref_slice %dma_start3A_32[%dma_start3A_33, %dma_start3A_34] : memref<1664x32xf32, #tpu.memory_space<vmem>> -> memref<128x32xf32, #tpu.memory_space<vmem>>
    %dma_start3A_36 = arith.constant 0 : i32
    %dma_start3A_37 = arith.constant 0 : i32
    %dma_start3A_38 = tpu.memref_slice %arg5[%dma_start3A_26, %dma_start3A_36, %dma_start3A_37] : memref<2x13x128xi32, #tpu.memory_space<vmem>> -> memref<1x13x128xi32, #tpu.memory_space<vmem>>
    %dma_start3A_39 = tpu.memref_squeeze %dma_start3A_38 : memref<1x13x128xi32, #tpu.memory_space<vmem>> -> memref<13x128xi32, #tpu.memory_space<vmem>>
    %dma_start3A_40 = arith.constant 0 : i32
    %dma_start3A_41 = tpu.memref_slice %dma_start3A_39[%dma_start3A_27, %dma_start3A_40] : memref<13x128xi32, #tpu.memory_space<vmem>> -> memref<1x128xi32, #tpu.memory_space<vmem>>
    %dma_start3A_42 = tpu.memref_squeeze %dma_start3A_41 : memref<1x128xi32, #tpu.memory_space<vmem>> -> memref<128xi32, #tpu.memory_space<vmem>>
    %dma_start3A_43 = arith.constant 0 : i32
    %dma_start3A_44 = arith.constant 0 : i32
    %dma_start3A_45 = tpu.memref_slice %arg3[%dma_start3A_43, %dma_start3A_44] : memref<1000001x32xf32, #tpu.memory_space<hbm>> -> memref<1000001x32xf32, #tpu.memory_space<hbm>>
    tpu.enqueue_indirect_dma source(%dma_start3A_45 : memref<1000001x32xf32, #tpu.memory_space<hbm>>) target(%dma_start3A_35 : memref<128x32xf32, #tpu.memory_space<vmem>>) offsets(%dma_start3A_42 : memref<128xi32, #tpu.memory_space<vmem>>) semaphore(%arg7 : memref<!tpu.dma_semaphore, #tpu.memory_space<semaphore_mem>>)
    %dma_start3A_46 = arith.constant 0 : i32
    %dma_start3A_47 = arith.constant 2 : i32
    %dma_start3A_48 = arith.constant 0 : i32
    %dma_start3A_49 = arith.constant 0 : i32
    %dma_start3A_50 = arith.constant 0 : i32
    %dma_start3A_51 = tpu.memref_slice %arg6[%dma_start3A_48, %dma_start3A_49, %dma_start3A_50] : memref<2x1664x32xf32, #tpu.memory_space<vmem>> -> memref<1x1664x32xf32, #tpu.memory_space<vmem>>
    %dma_start3A_52 = tpu.memref_squeeze %dma_start3A_51 : memref<1x1664x32xf32, #tpu.memory_space<vmem>> -> memref<1664x32xf32, #tpu.memory_space<vmem>>
    %dma_start3A_53 = arith.constant 256 : i32
    %dma_start3A_54 = arith.constant 0 : i32
    %dma_start3A_55 = tpu.memref_slice %dma_start3A_52[%dma_start3A_53, %dma_start3A_54] : memref<1664x32xf32, #tpu.memory_space<vmem>> -> memref<128x32xf32, #tpu.memory_space<vmem>>
    %dma_start3A_56 = arith.constant 0 : i32
    %dma_start3A_57 = arith.constant 0 : i32
    %dma_start3A_58 = tpu.memref_slice %arg5[%dma_start3A_46, %dma_start3A_56, %dma_start3A_57] : memref<2x13x128xi32, #tpu.memory_space<vmem>> -> memref<1x13x128xi32, #tpu.memory_space<vmem>>
    %dma_start3A_59 = tpu.memref_squeeze %dma_start3A_58 : memref<1x13x128xi32, #tpu.memory_space<vmem>> -> memref<13x128xi32, #tpu.memory_space<vmem>>
    %dma_start3A_60 = arith.constant 0 : i32
    %dma_start3A_61 = tpu.memref_slice %dma_start3A_59[%dma_start3A_47, %dma_start3A_60] : memref<13x128xi32, #tpu.memory_space<vmem>> -> memref<1x128xi32, #tpu.memory_space<vmem>>
    %dma_start3A_62 = tpu.memref_squeeze %dma_start3A_61 : memref<1x128xi32, #tpu.memory_space<vmem>> -> memref<128xi32, #tpu.memory_space<vmem>>
    %dma_start3A_63 = arith.constant 0 : i32
    %dma_start3A_64 = arith.constant 0 : i32
    %dma_start3A_65 = tpu.memref_slice %arg3[%dma_start3A_63, %dma_start3A_64] : memref<1000001x32xf32, #tpu.memory_space<hbm>> -> memref<1000001x32xf32, #tpu.memory_space<hbm>>
    tpu.enqueue_indirect_dma source(%dma_start3A_65 : memref<1000001x32xf32, #tpu.memory_space<hbm>>) target(%dma_start3A_55 : memref<128x32xf32, #tpu.memory_space<vmem>>) offsets(%dma_start3A_62 : memref<128xi32, #tpu.memory_space<vmem>>) semaphore(%arg7 : memref<!tpu.dma_semaphore, #tpu.memory_space<semaphore_mem>>)
    %dma_start3A_66 = arith.constant 0 : i32
    %dma_start3A_67 = arith.constant 3 : i32
    %dma_start3A_68 = arith.constant 0 : i32
    %dma_start3A_69 = arith.constant 0 : i32
    %dma_start3A_70 = arith.constant 0 : i32
    %dma_start3A_71 = tpu.memref_slice %arg6[%dma_start3A_68, %dma_start3A_69, %dma_start3A_70] : memref<2x1664x32xf32, #tpu.memory_space<vmem>> -> memref<1x1664x32xf32, #tpu.memory_space<vmem>>
    %dma_start3A_72 = tpu.memref_squeeze %dma_start3A_71 : memref<1x1664x32xf32, #tpu.memory_space<vmem>> -> memref<1664x32xf32, #tpu.memory_space<vmem>>
    %dma_start3A_73 = arith.constant 384 : i32
    %dma_start3A_74 = arith.constant 0 : i32
    %dma_start3A_75 = tpu.memref_slice %dma_start3A_72[%dma_start3A_73, %dma_start3A_74] : memref<1664x32xf32, #tpu.memory_space<vmem>> -> memref<128x32xf32, #tpu.memory_space<vmem>>
    %dma_start3A_76 = arith.constant 0 : i32
    %dma_start3A_77 = arith.constant 0 : i32
    %dma_start3A_78 = tpu.memref_slice %arg5[%dma_start3A_66, %dma_start3A_76, %dma_start3A_77] : memref<2x13x128xi32, #tpu.memory_space<vmem>> -> memref<1x13x128xi32, #tpu.memory_space<vmem>>
    %dma_start3A_79 = tpu.memref_squeeze %dma_start3A_78 : memref<1x13x128xi32, #tpu.memory_space<vmem>> -> memref<13x128xi32, #tpu.memory_space<vmem>>
    %dma_start3A_80 = arith.constant 0 : i32
    %dma_start3A_81 = tpu.memref_slice %dma_start3A_79[%dma_start3A_67, %dma_start3A_80] : memref<13x128xi32, #tpu.memory_space<vmem>> -> memref<1x128xi32, #tpu.memory_space<vmem>>
    %dma_start3A_82 = tpu.memref_squeeze %dma_start3A_81 : memref<1x128xi32, #tpu.memory_space<vmem>> -> memref<128xi32, #tpu.memory_space<vmem>>
    %dma_start3A_83 = arith.constant 0 : i32
    %dma_start3A_84 = arith.constant 0 : i32
    %dma_start3A_85 = tpu.memref_slice %arg3[%dma_start3A_83, %dma_start3A_84] : memref<1000001x32xf32, #tpu.memory_space<hbm>> -> memref<1000001x32xf32, #tpu.memory_space<hbm>>
    tpu.enqueue_indirect_dma source(%dma_start3A_85 : memref<1000001x32xf32, #tpu.memory_space<hbm>>) target(%dma_start3A_75 : memref<128x32xf32, #tpu.memory_space<vmem>>) offsets(%dma_start3A_82 : memref<128xi32, #tpu.memory_space<vmem>>) semaphore(%arg7 : memref<!tpu.dma_semaphore, #tpu.memory_space<semaphore_mem>>)
    %dma_start3A_86 = arith.constant 0 : i32
    %dma_start3A_87 = arith.constant 4 : i32
    %dma_start3A_88 = arith.constant 0 : i32
    %dma_start3A_89 = arith.constant 0 : i32
    %dma_start3A_90 = arith.constant 0 : i32
    %dma_start3A_91 = tpu.memref_slice %arg6[%dma_start3A_88, %dma_start3A_89, %dma_start3A_90] : memref<2x1664x32xf32, #tpu.memory_space<vmem>> -> memref<1x1664x32xf32, #tpu.memory_space<vmem>>
    %dma_start3A_92 = tpu.memref_squeeze %dma_start3A_91 : memref<1x1664x32xf32, #tpu.memory_space<vmem>> -> memref<1664x32xf32, #tpu.memory_space<vmem>>
    %dma_start3A_93 = arith.constant 512 : i32
    %dma_start3A_94 = arith.constant 0 : i32
    %dma_start3A_95 = tpu.memref_slice %dma_start3A_92[%dma_start3A_93, %dma_start3A_94] : memref<1664x32xf32, #tpu.memory_space<vmem>> -> memref<128x32xf32, #tpu.memory_space<vmem>>
    %dma_start3A_96 = arith.constant 0 : i32
    %dma_start3A_97 = arith.constant 0 : i32
    %dma_start3A_98 = tpu.memref_slice %arg5[%dma_start3A_86, %dma_start3A_96, %dma_start3A_97] : memref<2x13x128xi32, #tpu.memory_space<vmem>> -> memref<1x13x128xi32, #tpu.memory_space<vmem>>
    %dma_start3A_99 = tpu.memref_squeeze %dma_start3A_98 : memref<1x13x128xi32, #tpu.memory_space<vmem>> -> memref<13x128xi32, #tpu.memory_space<vmem>>
    %dma_start3A_100 = arith.constant 0 : i32
    %dma_start3A_101 = tpu.memref_slice %dma_start3A_99[%dma_start3A_87, %dma_start3A_100] : memref<13x128xi32, #tpu.memory_space<vmem>> -> memref<1x128xi32, #tpu.memory_space<vmem>>
    %dma_start3A_102 = tpu.memref_squeeze %dma_start3A_101 : memref<1x128xi32, #tpu.memory_space<vmem>> -> memref<128xi32, #tpu.memory_space<vmem>>
    %dma_start3A_103 = arith.constant 0 : i32
    %dma_start3A_104 = arith.constant 0 : i32
    %dma_start3A_105 = tpu.memref_slice %arg3[%dma_start3A_103, %dma_start3A_104] : memref<1000001x32xf32, #tpu.memory_space<hbm>> -> memref<1000001x32xf32, #tpu.memory_space<hbm>>
    tpu.enqueue_indirect_dma source(%dma_start3A_105 : memref<1000001x32xf32, #tpu.memory_space<hbm>>) target(%dma_start3A_95 : memref<128x32xf32, #tpu.memory_space<vmem>>) offsets(%dma_start3A_102 : memref<128xi32, #tpu.memory_space<vmem>>) semaphore(%arg7 : memref<!tpu.dma_semaphore, #tpu.memory_space<semaphore_mem>>)
    %dma_start3A_106 = arith.constant 0 : i32
    %dma_start3A_107 = arith.constant 5 : i32
    %dma_start3A_108 = arith.constant 0 : i32
    %dma_start3A_109 = arith.constant 0 : i32
    %dma_start3A_110 = arith.constant 0 : i32
    %dma_start3A_111 = tpu.memref_slice %arg6[%dma_start3A_108, %dma_start3A_109, %dma_start3A_110] : memref<2x1664x32xf32, #tpu.memory_space<vmem>> -> memref<1x1664x32xf32, #tpu.memory_space<vmem>>
    %dma_start3A_112 = tpu.memref_squeeze %dma_start3A_111 : memref<1x1664x32xf32, #tpu.memory_space<vmem>> -> memref<1664x32xf32, #tpu.memory_space<vmem>>
    %dma_start3A_113 = arith.constant 640 : i32
    %dma_start3A_114 = arith.constant 0 : i32
    %dma_start3A_115 = tpu.memref_slice %dma_start3A_112[%dma_start3A_113, %dma_start3A_114] : memref<1664x32xf32, #tpu.memory_space<vmem>> -> memref<128x32xf32, #tpu.memory_space<vmem>>
    %dma_start3A_116 = arith.constant 0 : i32
    %dma_start3A_117 = arith.constant 0 : i32
    %dma_start3A_118 = tpu.memref_slice %arg5[%dma_start3A_106, %dma_start3A_116, %dma_start3A_117] : memref<2x13x128xi32, #tpu.memory_space<vmem>> -> memref<1x13x128xi32, #tpu.memory_space<vmem>>
    %dma_start3A_119 = tpu.memref_squeeze %dma_start3A_118 : memref<1x13x128xi32, #tpu.memory_space<vmem>> -> memref<13x128xi32, #tpu.memory_space<vmem>>
    %dma_start3A_120 = arith.constant 0 : i32
    %dma_start3A_121 = tpu.memref_slice %dma_start3A_119[%dma_start3A_107, %dma_start3A_120] : memref<13x128xi32, #tpu.memory_space<vmem>> -> memref<1x128xi32, #tpu.memory_space<vmem>>
    %dma_start3A_122 = tpu.memref_squeeze %dma_start3A_121 : memref<1x128xi32, #tpu.memory_space<vmem>> -> memref<128xi32, #tpu.memory_space<vmem>>
    %dma_start3A_123 = arith.constant 0 : i32
    %dma_start3A_124 = arith.constant 0 : i32
    %dma_start3A_125 = tpu.memref_slice %arg3[%dma_start3A_123, %dma_start3A_124] : memref<1000001x32xf32, #tpu.memory_space<hbm>> -> memref<1000001x32xf32, #tpu.memory_space<hbm>>
    tpu.enqueue_indirect_dma source(%dma_start3A_125 : memref<1000001x32xf32, #tpu.memory_space<hbm>>) target(%dma_start3A_115 : memref<128x32xf32, #tpu.memory_space<vmem>>) offsets(%dma_start3A_122 : memref<128xi32, #tpu.memory_space<vmem>>) semaphore(%arg7 : memref<!tpu.dma_semaphore, #tpu.memory_space<semaphore_mem>>)
    %dma_start3A_126 = arith.constant 0 : i32
    %dma_start3A_127 = arith.constant 6 : i32
    %dma_start3A_128 = arith.constant 0 : i32
    %dma_start3A_129 = arith.constant 0 : i32
    %dma_start3A_130 = arith.constant 0 : i32
    %dma_start3A_131 = tpu.memref_slice %arg6[%dma_start3A_128, %dma_start3A_129, %dma_start3A_130] : memref<2x1664x32xf32, #tpu.memory_space<vmem>> -> memref<1x1664x32xf32, #tpu.memory_space<vmem>>
    %dma_start3A_132 = tpu.memref_squeeze %dma_start3A_131 : memref<1x1664x32xf32, #tpu.memory_space<vmem>> -> memref<1664x32xf32, #tpu.memory_space<vmem>>
    %dma_start3A_133 = arith.constant 768 : i32
    %dma_start3A_134 = arith.constant 0 : i32
    %dma_start3A_135 = tpu.memref_slice %dma_start3A_132[%dma_start3A_133, %dma_start3A_134] : memref<1664x32xf32, #tpu.memory_space<vmem>> -> memref<128x32xf32, #tpu.memory_space<vmem>>
    %dma_start3A_136 = arith.constant 0 : i32
    %dma_start3A_137 = arith.constant 0 : i32
    %dma_start3A_138 = tpu.memref_slice %arg5[%dma_start3A_126, %dma_start3A_136, %dma_start3A_137] : memref<2x13x128xi32, #tpu.memory_space<vmem>> -> memref<1x13x128xi32, #tpu.memory_space<vmem>>
    %dma_start3A_139 = tpu.memref_squeeze %dma_start3A_138 : memref<1x13x128xi32, #tpu.memory_space<vmem>> -> memref<13x128xi32, #tpu.memory_space<vmem>>
    %dma_start3A_140 = arith.constant 0 : i32
    %dma_start3A_141 = tpu.memref_slice %dma_start3A_139[%dma_start3A_127, %dma_start3A_140] : memref<13x128xi32, #tpu.memory_space<vmem>> -> memref<1x128xi32, #tpu.memory_space<vmem>>
    %dma_start3A_142 = tpu.memref_squeeze %dma_start3A_141 : memref<1x128xi32, #tpu.memory_space<vmem>> -> memref<128xi32, #tpu.memory_space<vmem>>
    %dma_start3A_143 = arith.constant 0 : i32
    %dma_start3A_144 = arith.constant 0 : i32
    %dma_start3A_145 = tpu.memref_slice %arg3[%dma_start3A_143, %dma_start3A_144] : memref<1000001x32xf32, #tpu.memory_space<hbm>> -> memref<1000001x32xf32, #tpu.memory_space<hbm>>
    tpu.enqueue_indirect_dma source(%dma_start3A_145 : memref<1000001x32xf32, #tpu.memory_space<hbm>>) target(%dma_start3A_135 : memref<128x32xf32, #tpu.memory_space<vmem>>) offsets(%dma_start3A_142 : memref<128xi32, #tpu.memory_space<vmem>>) semaphore(%arg7 : memref<!tpu.dma_semaphore, #tpu.memory_space<semaphore_mem>>)
    %dma_start3A_146 = arith.constant 0 : i32
    %dma_start3A_147 = arith.constant 7 : i32
    %dma_start3A_148 = arith.constant 0 : i32
    %dma_start3A_149 = arith.constant 0 : i32
    %dma_start3A_150 = arith.constant 0 : i32
    %dma_start3A_151 = tpu.memref_slice %arg6[%dma_start3A_148, %dma_start3A_149, %dma_start3A_150] : memref<2x1664x32xf32, #tpu.memory_space<vmem>> -> memref<1x1664x32xf32, #tpu.memory_space<vmem>>
    %dma_start3A_152 = tpu.memref_squeeze %dma_start3A_151 : memref<1x1664x32xf32, #tpu.memory_space<vmem>> -> memref<1664x32xf32, #tpu.memory_space<vmem>>
    %dma_start3A_153 = arith.constant 896 : i32
    %dma_start3A_154 = arith.constant 0 : i32
    %dma_start3A_155 = tpu.memref_slice %dma_start3A_152[%dma_start3A_153, %dma_start3A_154] : memref<1664x32xf32, #tpu.memory_space<vmem>> -> memref<128x32xf32, #tpu.memory_space<vmem>>
    %dma_start3A_156 = arith.constant 0 : i32
    %dma_start3A_157 = arith.constant 0 : i32
    %dma_start3A_158 = tpu.memref_slice %arg5[%dma_start3A_146, %dma_start3A_156, %dma_start3A_157] : memref<2x13x128xi32, #tpu.memory_space<vmem>> -> memref<1x13x128xi32, #tpu.memory_space<vmem>>
    %dma_start3A_159 = tpu.memref_squeeze %dma_start3A_158 : memref<1x13x128xi32, #tpu.memory_space<vmem>> -> memref<13x128xi32, #tpu.memory_space<vmem>>
    %dma_start3A_160 = arith.constant 0 : i32
    %dma_start3A_161 = tpu.memref_slice %dma_start3A_159[%dma_start3A_147, %dma_start3A_160] : memref<13x128xi32, #tpu.memory_space<vmem>> -> memref<1x128xi32, #tpu.memory_space<vmem>>
    %dma_start3A_162 = tpu.memref_squeeze %dma_start3A_161 : memref<1x128xi32, #tpu.memory_space<vmem>> -> memref<128xi32, #tpu.memory_space<vmem>>
    %dma_start3A_163 = arith.constant 0 : i32
    %dma_start3A_164 = arith.constant 0 : i32
    %dma_start3A_165 = tpu.memref_slice %arg3[%dma_start3A_163, %dma_start3A_164] : memref<1000001x32xf32, #tpu.memory_space<hbm>> -> memref<1000001x32xf32, #tpu.memory_space<hbm>>
    tpu.enqueue_indirect_dma source(%dma_start3A_165 : memref<1000001x32xf32, #tpu.memory_space<hbm>>) target(%dma_start3A_155 : memref<128x32xf32, #tpu.memory_space<vmem>>) offsets(%dma_start3A_162 : memref<128xi32, #tpu.memory_space<vmem>>) semaphore(%arg7 : memref<!tpu.dma_semaphore, #tpu.memory_space<semaphore_mem>>)
    %dma_start3A_166 = arith.constant 0 : i32
    %dma_start3A_167 = arith.constant 8 : i32
    %dma_start3A_168 = arith.constant 0 : i32
    %dma_start3A_169 = arith.constant 0 : i32
    %dma_start3A_170 = arith.constant 0 : i32
    %dma_start3A_171 = tpu.memref_slice %arg6[%dma_start3A_168, %dma_start3A_169, %dma_start3A_170] : memref<2x1664x32xf32, #tpu.memory_space<vmem>> -> memref<1x1664x32xf32, #tpu.memory_space<vmem>>
    %dma_start3A_172 = tpu.memref_squeeze %dma_start3A_171 : memref<1x1664x32xf32, #tpu.memory_space<vmem>> -> memref<1664x32xf32, #tpu.memory_space<vmem>>
    %dma_start3A_173 = arith.constant 1024 : i32
    %dma_start3A_174 = arith.constant 0 : i32
    %dma_start3A_175 = tpu.memref_slice %dma_start3A_172[%dma_start3A_173, %dma_start3A_174] : memref<1664x32xf32, #tpu.memory_space<vmem>> -> memref<128x32xf32, #tpu.memory_space<vmem>>
    %dma_start3A_176 = arith.constant 0 : i32
    %dma_start3A_177 = arith.constant 0 : i32
    %dma_start3A_178 = tpu.memref_slice %arg5[%dma_start3A_166, %dma_start3A_176, %dma_start3A_177] : memref<2x13x128xi32, #tpu.memory_space<vmem>> -> memref<1x13x128xi32, #tpu.memory_space<vmem>>
    %dma_start3A_179 = tpu.memref_squeeze %dma_start3A_178 : memref<1x13x128xi32, #tpu.memory_space<vmem>> -> memref<13x128xi32, #tpu.memory_space<vmem>>
    %dma_start3A_180 = arith.constant 0 : i32
    %dma_start3A_181 = tpu.memref_slice %dma_start3A_179[%dma_start3A_167, %dma_start3A_180] : memref<13x128xi32, #tpu.memory_space<vmem>> -> memref<1x128xi32, #tpu.memory_space<vmem>>
    %dma_start3A_182 = tpu.memref_squeeze %dma_start3A_181 : memref<1x128xi32, #tpu.memory_space<vmem>> -> memref<128xi32, #tpu.memory_space<vmem>>
    %dma_start3A_183 = arith.constant 0 : i32
    %dma_start3A_184 = arith.constant 0 : i32
    %dma_start3A_185 = tpu.memref_slice %arg3[%dma_start3A_183, %dma_start3A_184] : memref<1000001x32xf32, #tpu.memory_space<hbm>> -> memref<1000001x32xf32, #tpu.memory_space<hbm>>
    tpu.enqueue_indirect_dma source(%dma_start3A_185 : memref<1000001x32xf32, #tpu.memory_space<hbm>>) target(%dma_start3A_175 : memref<128x32xf32, #tpu.memory_space<vmem>>) offsets(%dma_start3A_182 : memref<128xi32, #tpu.memory_space<vmem>>) semaphore(%arg7 : memref<!tpu.dma_semaphore, #tpu.memory_space<semaphore_mem>>)
    %dma_start3A_186 = arith.constant 0 : i32
    %dma_start3A_187 = arith.constant 9 : i32
    %dma_start3A_188 = arith.constant 0 : i32
    %dma_start3A_189 = arith.constant 0 : i32
    %dma_start3A_190 = arith.constant 0 : i32
    %dma_start3A_191 = tpu.memref_slice %arg6[%dma_start3A_188, %dma_start3A_189, %dma_start3A_190] : memref<2x1664x32xf32, #tpu.memory_space<vmem>> -> memref<1x1664x32xf32, #tpu.memory_space<vmem>>
    %dma_start3A_192 = tpu.memref_squeeze %dma_start3A_191 : memref<1x1664x32xf32, #tpu.memory_space<vmem>> -> memref<1664x32xf32, #tpu.memory_space<vmem>>
    %dma_start3A_193 = arith.constant 1152 : i32
    %dma_start3A_194 = arith.constant 0 : i32
    %dma_start3A_195 = tpu.memref_slice %dma_start3A_192[%dma_start3A_193, %dma_start3A_194] : memref<1664x32xf32, #tpu.memory_space<vmem>> -> memref<128x32xf32, #tpu.memory_space<vmem>>
    %dma_start3A_196 = arith.constant 0 : i32
    %dma_start3A_197 = arith.constant 0 : i32
    %dma_start3A_198 = tpu.memref_slice %arg5[%dma_start3A_186, %dma_start3A_196, %dma_start3A_197] : memref<2x13x128xi32, #tpu.memory_space<vmem>> -> memref<1x13x128xi32, #tpu.memory_space<vmem>>
    %dma_start3A_199 = tpu.memref_squeeze %dma_start3A_198 : memref<1x13x128xi32, #tpu.memory_space<vmem>> -> memref<13x128xi32, #tpu.memory_space<vmem>>
    %dma_start3A_200 = arith.constant 0 : i32
    %dma_start3A_201 = tpu.memref_slice %dma_start3A_199[%dma_start3A_187, %dma_start3A_200] : memref<13x128xi32, #tpu.memory_space<vmem>> -> memref<1x128xi32, #tpu.memory_space<vmem>>
    %dma_start3A_202 = tpu.memref_squeeze %dma_start3A_201 : memref<1x128xi32, #tpu.memory_space<vmem>> -> memref<128xi32, #tpu.memory_space<vmem>>
    %dma_start3A_203 = arith.constant 0 : i32
    %dma_start3A_204 = arith.constant 0 : i32
    %dma_start3A_205 = tpu.memref_slice %arg3[%dma_start3A_203, %dma_start3A_204] : memref<1000001x32xf32, #tpu.memory_space<hbm>> -> memref<1000001x32xf32, #tpu.memory_space<hbm>>
    tpu.enqueue_indirect_dma source(%dma_start3A_205 : memref<1000001x32xf32, #tpu.memory_space<hbm>>) target(%dma_start3A_195 : memref<128x32xf32, #tpu.memory_space<vmem>>) offsets(%dma_start3A_202 : memref<128xi32, #tpu.memory_space<vmem>>) semaphore(%arg7 : memref<!tpu.dma_semaphore, #tpu.memory_space<semaphore_mem>>)
    %dma_start3A_206 = arith.constant 0 : i32
    %dma_start3A_207 = arith.constant 10 : i32
    %dma_start3A_208 = arith.constant 0 : i32
    %dma_start3A_209 = arith.constant 0 : i32
    %dma_start3A_210 = arith.constant 0 : i32
    %dma_start3A_211 = tpu.memref_slice %arg6[%dma_start3A_208, %dma_start3A_209, %dma_start3A_210] : memref<2x1664x32xf32, #tpu.memory_space<vmem>> -> memref<1x1664x32xf32, #tpu.memory_space<vmem>>
    %dma_start3A_212 = tpu.memref_squeeze %dma_start3A_211 : memref<1x1664x32xf32, #tpu.memory_space<vmem>> -> memref<1664x32xf32, #tpu.memory_space<vmem>>
    %dma_start3A_213 = arith.constant 1280 : i32
    %dma_start3A_214 = arith.constant 0 : i32
    %dma_start3A_215 = tpu.memref_slice %dma_start3A_212[%dma_start3A_213, %dma_start3A_214] : memref<1664x32xf32, #tpu.memory_space<vmem>> -> memref<128x32xf32, #tpu.memory_space<vmem>>
    %dma_start3A_216 = arith.constant 0 : i32
    %dma_start3A_217 = arith.constant 0 : i32
    %dma_start3A_218 = tpu.memref_slice %arg5[%dma_start3A_206, %dma_start3A_216, %dma_start3A_217] : memref<2x13x128xi32, #tpu.memory_space<vmem>> -> memref<1x13x128xi32, #tpu.memory_space<vmem>>
    %dma_start3A_219 = tpu.memref_squeeze %dma_start3A_218 : memref<1x13x128xi32, #tpu.memory_space<vmem>> -> memref<13x128xi32, #tpu.memory_space<vmem>>
    %dma_start3A_220 = arith.constant 0 : i32
    %dma_start3A_221 = tpu.memref_slice %dma_start3A_219[%dma_start3A_207, %dma_start3A_220] : memref<13x128xi32, #tpu.memory_space<vmem>> -> memref<1x128xi32, #tpu.memory_space<vmem>>
    %dma_start3A_222 = tpu.memref_squeeze %dma_start3A_221 : memref<1x128xi32, #tpu.memory_space<vmem>> -> memref<128xi32, #tpu.memory_space<vmem>>
    %dma_start3A_223 = arith.constant 0 : i32
    %dma_start3A_224 = arith.constant 0 : i32
    %dma_start3A_225 = tpu.memref_slice %arg3[%dma_start3A_223, %dma_start3A_224] : memref<1000001x32xf32, #tpu.memory_space<hbm>> -> memref<1000001x32xf32, #tpu.memory_space<hbm>>
    tpu.enqueue_indirect_dma source(%dma_start3A_225 : memref<1000001x32xf32, #tpu.memory_space<hbm>>) target(%dma_start3A_215 : memref<128x32xf32, #tpu.memory_space<vmem>>) offsets(%dma_start3A_222 : memref<128xi32, #tpu.memory_space<vmem>>) semaphore(%arg7 : memref<!tpu.dma_semaphore, #tpu.memory_space<semaphore_mem>>)
    %dma_start3A_226 = arith.constant 0 : i32
    %dma_start3A_227 = arith.constant 11 : i32
    %dma_start3A_228 = arith.constant 0 : i32
    %dma_start3A_229 = arith.constant 0 : i32
    %dma_start3A_230 = arith.constant 0 : i32
    %dma_start3A_231 = tpu.memref_slice %arg6[%dma_start3A_228, %dma_start3A_229, %dma_start3A_230] : memref<2x1664x32xf32, #tpu.memory_space<vmem>> -> memref<1x1664x32xf32, #tpu.memory_space<vmem>>
    %dma_start3A_232 = tpu.memref_squeeze %dma_start3A_231 : memref<1x1664x32xf32, #tpu.memory_space<vmem>> -> memref<1664x32xf32, #tpu.memory_space<vmem>>
    %dma_start3A_233 = arith.constant 1408 : i32
    %dma_start3A_234 = arith.constant 0 : i32
    %dma_start3A_235 = tpu.memref_slice %dma_start3A_232[%dma_start3A_233, %dma_start3A_234] : memref<1664x32xf32, #tpu.memory_space<vmem>> -> memref<128x32xf32, #tpu.memory_space<vmem>>
    %dma_start3A_236 = arith.constant 0 : i32
    %dma_start3A_237 = arith.constant 0 : i32
    %dma_start3A_238 = tpu.memref_slice %arg5[%dma_start3A_226, %dma_start3A_236, %dma_start3A_237] : memref<2x13x128xi32, #tpu.memory_space<vmem>> -> memref<1x13x128xi32, #tpu.memory_space<vmem>>
    %dma_start3A_239 = tpu.memref_squeeze %dma_start3A_238 : memref<1x13x128xi32, #tpu.memory_space<vmem>> -> memref<13x128xi32, #tpu.memory_space<vmem>>
    %dma_start3A_240 = arith.constant 0 : i32
    %dma_start3A_241 = tpu.memref_slice %dma_start3A_239[%dma_start3A_227, %dma_start3A_240] : memref<13x128xi32, #tpu.memory_space<vmem>> -> memref<1x128xi32, #tpu.memory_space<vmem>>
    %dma_start3A_242 = tpu.memref_squeeze %dma_start3A_241 : memref<1x128xi32, #tpu.memory_space<vmem>> -> memref<128xi32, #tpu.memory_space<vmem>>
    %dma_start3A_243 = arith.constant 0 : i32
    %dma_start3A_244 = arith.constant 0 : i32
    %dma_start3A_245 = tpu.memref_slice %arg3[%dma_start3A_243, %dma_start3A_244] : memref<1000001x32xf32, #tpu.memory_space<hbm>> -> memref<1000001x32xf32, #tpu.memory_space<hbm>>
    tpu.enqueue_indirect_dma source(%dma_start3A_245 : memref<1000001x32xf32, #tpu.memory_space<hbm>>) target(%dma_start3A_235 : memref<128x32xf32, #tpu.memory_space<vmem>>) offsets(%dma_start3A_242 : memref<128xi32, #tpu.memory_space<vmem>>) semaphore(%arg7 : memref<!tpu.dma_semaphore, #tpu.memory_space<semaphore_mem>>)
    %dma_start3A_246 = arith.constant 0 : i32
    %dma_start3A_247 = arith.constant 12 : i32
    %dma_start3A_248 = arith.constant 0 : i32
    %dma_start3A_249 = arith.constant 0 : i32
    %dma_start3A_250 = arith.constant 0 : i32
    %dma_start3A_251 = tpu.memref_slice %arg6[%dma_start3A_248, %dma_start3A_249, %dma_start3A_250] : memref<2x1664x32xf32, #tpu.memory_space<vmem>> -> memref<1x1664x32xf32, #tpu.memory_space<vmem>>
    %dma_start3A_252 = tpu.memref_squeeze %dma_start3A_251 : memref<1x1664x32xf32, #tpu.memory_space<vmem>> -> memref<1664x32xf32, #tpu.memory_space<vmem>>
    %dma_start3A_253 = arith.constant 1536 : i32
    %dma_start3A_254 = arith.constant 0 : i32
    %dma_start3A_255 = tpu.memref_slice %dma_start3A_252[%dma_start3A_253, %dma_start3A_254] : memref<1664x32xf32, #tpu.memory_space<vmem>> -> memref<128x32xf32, #tpu.memory_space<vmem>>
    %dma_start3A_256 = arith.constant 0 : i32
    %dma_start3A_257 = arith.constant 0 : i32
    %dma_start3A_258 = tpu.memref_slice %arg5[%dma_start3A_246, %dma_start3A_256, %dma_start3A_257] : memref<2x13x128xi32, #tpu.memory_space<vmem>> -> memref<1x13x128xi32, #tpu.memory_space<vmem>>
    %dma_start3A_259 = tpu.memref_squeeze %dma_start3A_258 : memref<1x13x128xi32, #tpu.memory_space<vmem>> -> memref<13x128xi32, #tpu.memory_space<vmem>>
    %dma_start3A_260 = arith.constant 0 : i32
    %dma_start3A_261 = tpu.memref_slice %dma_start3A_259[%dma_start3A_247, %dma_start3A_260] : memref<13x128xi32, #tpu.memory_space<vmem>> -> memref<1x128xi32, #tpu.memory_space<vmem>>
    %dma_start3A_262 = tpu.memref_squeeze %dma_start3A_261 : memref<1x128xi32, #tpu.memory_space<vmem>> -> memref<128xi32, #tpu.memory_space<vmem>>
    %dma_start3A_263 = arith.constant 0 : i32
    %dma_start3A_264 = arith.constant 0 : i32
    %dma_start3A_265 = tpu.memref_slice %arg3[%dma_start3A_263, %dma_start3A_264] : memref<1000001x32xf32, #tpu.memory_space<hbm>> -> memref<1000001x32xf32, #tpu.memory_space<hbm>>
    tpu.enqueue_indirect_dma source(%dma_start3A_265 : memref<1000001x32xf32, #tpu.memory_space<hbm>>) target(%dma_start3A_255 : memref<128x32xf32, #tpu.memory_space<vmem>>) offsets(%dma_start3A_262 : memref<128xi32, #tpu.memory_space<vmem>>) semaphore(%arg7 : memref<!tpu.dma_semaphore, #tpu.memory_space<semaphore_mem>>)
    %dma_wait3A = arith.constant 0 : i32
    %dma_wait3A_266 = arith.constant 0 : i32
    %dma_wait3A_267 = arith.constant 0 : i32
    %dma_wait3A_268 = arith.constant 0 : i32
    %dma_wait3A_269 = arith.constant 0 : i32
    %dma_wait3A_270 = tpu.memref_slice %arg6[%dma_wait3A_267, %dma_wait3A_268, %dma_wait3A_269] : memref<2x1664x32xf32, #tpu.memory_space<vmem>> -> memref<1x1664x32xf32, #tpu.memory_space<vmem>>
    %dma_wait3A_271 = tpu.memref_squeeze %dma_wait3A_270 : memref<1x1664x32xf32, #tpu.memory_space<vmem>> -> memref<1664x32xf32, #tpu.memory_space<vmem>>
    %dma_wait3A_272 = arith.constant 0 : i32
    %dma_wait3A_273 = arith.constant 0 : i32
    %dma_wait3A_274 = tpu.memref_slice %dma_wait3A_271[%dma_wait3A_272, %dma_wait3A_273] : memref<1664x32xf32, #tpu.memory_space<vmem>> -> memref<128x32xf32, #tpu.memory_space<vmem>>
    %dma_wait3A_275 = arith.constant 0 : i32
    %dma_wait3A_276 = arith.constant 0 : i32
    %dma_wait3A_277 = tpu.memref_slice %arg5[%dma_wait3A, %dma_wait3A_275, %dma_wait3A_276] : memref<2x13x128xi32, #tpu.memory_space<vmem>> -> memref<1x13x128xi32, #tpu.memory_space<vmem>>
    %dma_wait3A_278 = tpu.memref_squeeze %dma_wait3A_277 : memref<1x13x128xi32, #tpu.memory_space<vmem>> -> memref<13x128xi32, #tpu.memory_space<vmem>>
    %dma_wait3A_279 = arith.constant 0 : i32
    %dma_wait3A_280 = tpu.memref_slice %dma_wait3A_278[%dma_wait3A_266, %dma_wait3A_279] : memref<13x128xi32, #tpu.memory_space<vmem>> -> memref<1x128xi32, #tpu.memory_space<vmem>>
    %dma_wait3A_281 = tpu.memref_squeeze %dma_wait3A_280 : memref<1x128xi32, #tpu.memory_space<vmem>> -> memref<128xi32, #tpu.memory_space<vmem>>
    %dma_wait3A_282 = arith.constant 0 : i32
    %dma_wait3A_283 = arith.constant 0 : i32
    %dma_wait3A_284 = tpu.memref_slice %arg3[%dma_wait3A_282, %dma_wait3A_283] : memref<1000001x32xf32, #tpu.memory_space<hbm>> -> memref<1000001x32xf32, #tpu.memory_space<hbm>>
    tpu.wait_indirect_dma semaphore(%arg7 : memref<!tpu.dma_semaphore, #tpu.memory_space<semaphore_mem>>) src(%dma_wait3A_284 : memref<1000001x32xf32, #tpu.memory_space<hbm>>) dst(%dma_wait3A_274 : memref<128x32xf32, #tpu.memory_space<vmem>>)
    %dma_wait3A_285 = arith.constant 0 : i32
    %dma_wait3A_286 = arith.constant 1 : i32
    %dma_wait3A_287 = arith.constant 0 : i32
    %dma_wait3A_288 = arith.constant 0 : i32
    %dma_wait3A_289 = arith.constant 0 : i32
    %dma_wait3A_290 = tpu.memref_slice %arg6[%dma_wait3A_287, %dma_wait3A_288, %dma_wait3A_289] : memref<2x1664x32xf32, #tpu.memory_space<vmem>> -> memref<1x1664x32xf32, #tpu.memory_space<vmem>>
    %dma_wait3A_291 = tpu.memref_squeeze %dma_wait3A_290 : memref<1x1664x32xf32, #tpu.memory_space<vmem>> -> memref<1664x32xf32, #tpu.memory_space<vmem>>
    %dma_wait3A_292 = arith.constant 128 : i32
    %dma_wait3A_293 = arith.constant 0 : i32
    %dma_wait3A_294 = tpu.memref_slice %dma_wait3A_291[%dma_wait3A_292, %dma_wait3A_293] : memref<1664x32xf32, #tpu.memory_space<vmem>> -> memref<128x32xf32, #tpu.memory_space<vmem>>
    %dma_wait3A_295 = arith.constant 0 : i32
    %dma_wait3A_296 = arith.constant 0 : i32
    %dma_wait3A_297 = tpu.memref_slice %arg5[%dma_wait3A_285, %dma_wait3A_295, %dma_wait3A_296] : memref<2x13x128xi32, #tpu.memory_space<vmem>> -> memref<1x13x128xi32, #tpu.memory_space<vmem>>
    %dma_wait3A_298 = tpu.memref_squeeze %dma_wait3A_297 : memref<1x13x128xi32, #tpu.memory_space<vmem>> -> memref<13x128xi32, #tpu.memory_space<vmem>>
    %dma_wait3A_299 = arith.constant 0 : i32
    %dma_wait3A_300 = tpu.memref_slice %dma_wait3A_298[%dma_wait3A_286, %dma_wait3A_299] : memref<13x128xi32, #tpu.memory_space<vmem>> -> memref<1x128xi32, #tpu.memory_space<vmem>>
    %dma_wait3A_301 = tpu.memref_squeeze %dma_wait3A_300 : memref<1x128xi32, #tpu.memory_space<vmem>> -> memref<128xi32, #tpu.memory_space<vmem>>
    %dma_wait3A_302 = arith.constant 0 : i32
    %dma_wait3A_303 = arith.constant 0 : i32
    %dma_wait3A_304 = tpu.memref_slice %arg3[%dma_wait3A_302, %dma_wait3A_303] : memref<1000001x32xf32, #tpu.memory_space<hbm>> -> memref<1000001x32xf32, #tpu.memory_space<hbm>>
    tpu.wait_indirect_dma semaphore(%arg7 : memref<!tpu.dma_semaphore, #tpu.memory_space<semaphore_mem>>) src(%dma_wait3A_304 : memref<1000001x32xf32, #tpu.memory_space<hbm>>) dst(%dma_wait3A_294 : memref<128x32xf32, #tpu.memory_space<vmem>>)
    %dma_wait3A_305 = arith.constant 0 : i32
    %dma_wait3A_306 = arith.constant 2 : i32
    %dma_wait3A_307 = arith.constant 0 : i32
    %dma_wait3A_308 = arith.constant 0 : i32
    %dma_wait3A_309 = arith.constant 0 : i32
    %dma_wait3A_310 = tpu.memref_slice %arg6[%dma_wait3A_307, %dma_wait3A_308, %dma_wait3A_309] : memref<2x1664x32xf32, #tpu.memory_space<vmem>> -> memref<1x1664x32xf32, #tpu.memory_space<vmem>>
    %dma_wait3A_311 = tpu.memref_squeeze %dma_wait3A_310 : memref<1x1664x32xf32, #tpu.memory_space<vmem>> -> memref<1664x32xf32, #tpu.memory_space<vmem>>
    %dma_wait3A_312 = arith.constant 256 : i32
    %dma_wait3A_313 = arith.constant 0 : i32
    %dma_wait3A_314 = tpu.memref_slice %dma_wait3A_311[%dma_wait3A_312, %dma_wait3A_313] : memref<1664x32xf32, #tpu.memory_space<vmem>> -> memref<128x32xf32, #tpu.memory_space<vmem>>
    %dma_wait3A_315 = arith.constant 0 : i32
    %dma_wait3A_316 = arith.constant 0 : i32
    %dma_wait3A_317 = tpu.memref_slice %arg5[%dma_wait3A_305, %dma_wait3A_315, %dma_wait3A_316] : memref<2x13x128xi32, #tpu.memory_space<vmem>> -> memref<1x13x128xi32, #tpu.memory_space<vmem>>
    %dma_wait3A_318 = tpu.memref_squeeze %dma_wait3A_317 : memref<1x13x128xi32, #tpu.memory_space<vmem>> -> memref<13x128xi32, #tpu.memory_space<vmem>>
    %dma_wait3A_319 = arith.constant 0 : i32
    %dma_wait3A_320 = tpu.memref_slice %dma_wait3A_318[%dma_wait3A_306, %dma_wait3A_319] : memref<13x128xi32, #tpu.memory_space<vmem>> -> memref<1x128xi32, #tpu.memory_space<vmem>>
    %dma_wait3A_321 = tpu.memref_squeeze %dma_wait3A_320 : memref<1x128xi32, #tpu.memory_space<vmem>> -> memref<128xi32, #tpu.memory_space<vmem>>
    %dma_wait3A_322 = arith.constant 0 : i32
    %dma_wait3A_323 = arith.constant 0 : i32
    %dma_wait3A_324 = tpu.memref_slice %arg3[%dma_wait3A_322, %dma_wait3A_323] : memref<1000001x32xf32, #tpu.memory_space<hbm>> -> memref<1000001x32xf32, #tpu.memory_space<hbm>>
    tpu.wait_indirect_dma semaphore(%arg7 : memref<!tpu.dma_semaphore, #tpu.memory_space<semaphore_mem>>) src(%dma_wait3A_324 : memref<1000001x32xf32, #tpu.memory_space<hbm>>) dst(%dma_wait3A_314 : memref<128x32xf32, #tpu.memory_space<vmem>>)
    %dma_wait3A_325 = arith.constant 0 : i32
    %dma_wait3A_326 = arith.constant 3 : i32
    %dma_wait3A_327 = arith.constant 0 : i32
    %dma_wait3A_328 = arith.constant 0 : i32
    %dma_wait3A_329 = arith.constant 0 : i32
    %dma_wait3A_330 = tpu.memref_slice %arg6[%dma_wait3A_327, %dma_wait3A_328, %dma_wait3A_329] : memref<2x1664x32xf32, #tpu.memory_space<vmem>> -> memref<1x1664x32xf32, #tpu.memory_space<vmem>>
    %dma_wait3A_331 = tpu.memref_squeeze %dma_wait3A_330 : memref<1x1664x32xf32, #tpu.memory_space<vmem>> -> memref<1664x32xf32, #tpu.memory_space<vmem>>
    %dma_wait3A_332 = arith.constant 384 : i32
    %dma_wait3A_333 = arith.constant 0 : i32
    %dma_wait3A_334 = tpu.memref_slice %dma_wait3A_331[%dma_wait3A_332, %dma_wait3A_333] : memref<1664x32xf32, #tpu.memory_space<vmem>> -> memref<128x32xf32, #tpu.memory_space<vmem>>
    %dma_wait3A_335 = arith.constant 0 : i32
    %dma_wait3A_336 = arith.constant 0 : i32
    %dma_wait3A_337 = tpu.memref_slice %arg5[%dma_wait3A_325, %dma_wait3A_335, %dma_wait3A_336] : memref<2x13x128xi32, #tpu.memory_space<vmem>> -> memref<1x13x128xi32, #tpu.memory_space<vmem>>
    %dma_wait3A_338 = tpu.memref_squeeze %dma_wait3A_337 : memref<1x13x128xi32, #tpu.memory_space<vmem>> -> memref<13x128xi32, #tpu.memory_space<vmem>>
    %dma_wait3A_339 = arith.constant 0 : i32
    %dma_wait3A_340 = tpu.memref_slice %dma_wait3A_338[%dma_wait3A_326, %dma_wait3A_339] : memref<13x128xi32, #tpu.memory_space<vmem>> -> memref<1x128xi32, #tpu.memory_space<vmem>>
    %dma_wait3A_341 = tpu.memref_squeeze %dma_wait3A_340 : memref<1x128xi32, #tpu.memory_space<vmem>> -> memref<128xi32, #tpu.memory_space<vmem>>
    %dma_wait3A_342 = arith.constant 0 : i32
    %dma_wait3A_343 = arith.constant 0 : i32
    %dma_wait3A_344 = tpu.memref_slice %arg3[%dma_wait3A_342, %dma_wait3A_343] : memref<1000001x32xf32, #tpu.memory_space<hbm>> -> memref<1000001x32xf32, #tpu.memory_space<hbm>>
    tpu.wait_indirect_dma semaphore(%arg7 : memref<!tpu.dma_semaphore, #tpu.memory_space<semaphore_mem>>) src(%dma_wait3A_344 : memref<1000001x32xf32, #tpu.memory_space<hbm>>) dst(%dma_wait3A_334 : memref<128x32xf32, #tpu.memory_space<vmem>>)
    %dma_wait3A_345 = arith.constant 0 : i32
    %dma_wait3A_346 = arith.constant 4 : i32
    %dma_wait3A_347 = arith.constant 0 : i32
    %dma_wait3A_348 = arith.constant 0 : i32
    %dma_wait3A_349 = arith.constant 0 : i32
    %dma_wait3A_350 = tpu.memref_slice %arg6[%dma_wait3A_347, %dma_wait3A_348, %dma_wait3A_349] : memref<2x1664x32xf32, #tpu.memory_space<vmem>> -> memref<1x1664x32xf32, #tpu.memory_space<vmem>>
    %dma_wait3A_351 = tpu.memref_squeeze %dma_wait3A_350 : memref<1x1664x32xf32, #tpu.memory_space<vmem>> -> memref<1664x32xf32, #tpu.memory_space<vmem>>
    %dma_wait3A_352 = arith.constant 512 : i32
    %dma_wait3A_353 = arith.constant 0 : i32
    %dma_wait3A_354 = tpu.memref_slice %dma_wait3A_351[%dma_wait3A_352, %dma_wait3A_353] : memref<1664x32xf32, #tpu.memory_space<vmem>> -> memref<128x32xf32, #tpu.memory_space<vmem>>
    %dma_wait3A_355 = arith.constant 0 : i32
    %dma_wait3A_356 = arith.constant 0 : i32
    %dma_wait3A_357 = tpu.memref_slice %arg5[%dma_wait3A_345, %dma_wait3A_355, %dma_wait3A_356] : memref<2x13x128xi32, #tpu.memory_space<vmem>> -> memref<1x13x128xi32, #tpu.memory_space<vmem>>
    %dma_wait3A_358 = tpu.memref_squeeze %dma_wait3A_357 : memref<1x13x128xi32, #tpu.memory_space<vmem>> -> memref<13x128xi32, #tpu.memory_space<vmem>>
    %dma_wait3A_359 = arith.constant 0 : i32
    %dma_wait3A_360 = tpu.memref_slice %dma_wait3A_358[%dma_wait3A_346, %dma_wait3A_359] : memref<13x128xi32, #tpu.memory_space<vmem>> -> memref<1x128xi32, #tpu.memory_space<vmem>>
    %dma_wait3A_361 = tpu.memref_squeeze %dma_wait3A_360 : memref<1x128xi32, #tpu.memory_space<vmem>> -> memref<128xi32, #tpu.memory_space<vmem>>
    %dma_wait3A_362 = arith.constant 0 : i32
    %dma_wait3A_363 = arith.constant 0 : i32
    %dma_wait3A_364 = tpu.memref_slice %arg3[%dma_wait3A_362, %dma_wait3A_363] : memref<1000001x32xf32, #tpu.memory_space<hbm>> -> memref<1000001x32xf32, #tpu.memory_space<hbm>>
    tpu.wait_indirect_dma semaphore(%arg7 : memref<!tpu.dma_semaphore, #tpu.memory_space<semaphore_mem>>) src(%dma_wait3A_364 : memref<1000001x32xf32, #tpu.memory_space<hbm>>) dst(%dma_wait3A_354 : memref<128x32xf32, #tpu.memory_space<vmem>>)
    %dma_wait3A_365 = arith.constant 0 : i32
    %dma_wait3A_366 = arith.constant 5 : i32
    %dma_wait3A_367 = arith.constant 0 : i32
    %dma_wait3A_368 = arith.constant 0 : i32
    %dma_wait3A_369 = arith.constant 0 : i32
    %dma_wait3A_370 = tpu.memref_slice %arg6[%dma_wait3A_367, %dma_wait3A_368, %dma_wait3A_369] : memref<2x1664x32xf32, #tpu.memory_space<vmem>> -> memref<1x1664x32xf32, #tpu.memory_space<vmem>>
    %dma_wait3A_371 = tpu.memref_squeeze %dma_wait3A_370 : memref<1x1664x32xf32, #tpu.memory_space<vmem>> -> memref<1664x32xf32, #tpu.memory_space<vmem>>
    %dma_wait3A_372 = arith.constant 640 : i32
    %dma_wait3A_373 = arith.constant 0 : i32
    %dma_wait3A_374 = tpu.memref_slice %dma_wait3A_371[%dma_wait3A_372, %dma_wait3A_373] : memref<1664x32xf32, #tpu.memory_space<vmem>> -> memref<128x32xf32, #tpu.memory_space<vmem>>
    %dma_wait3A_375 = arith.constant 0 : i32
    %dma_wait3A_376 = arith.constant 0 : i32
    %dma_wait3A_377 = tpu.memref_slice %arg5[%dma_wait3A_365, %dma_wait3A_375, %dma_wait3A_376] : memref<2x13x128xi32, #tpu.memory_space<vmem>> -> memref<1x13x128xi32, #tpu.memory_space<vmem>>
    %dma_wait3A_378 = tpu.memref_squeeze %dma_wait3A_377 : memref<1x13x128xi32, #tpu.memory_space<vmem>> -> memref<13x128xi32, #tpu.memory_space<vmem>>
    %dma_wait3A_379 = arith.constant 0 : i32
    %dma_wait3A_380 = tpu.memref_slice %dma_wait3A_378[%dma_wait3A_366, %dma_wait3A_379] : memref<13x128xi32, #tpu.memory_space<vmem>> -> memref<1x128xi32, #tpu.memory_space<vmem>>
    %dma_wait3A_381 = tpu.memref_squeeze %dma_wait3A_380 : memref<1x128xi32, #tpu.memory_space<vmem>> -> memref<128xi32, #tpu.memory_space<vmem>>
    %dma_wait3A_382 = arith.constant 0 : i32
    %dma_wait3A_383 = arith.constant 0 : i32
    %dma_wait3A_384 = tpu.memref_slice %arg3[%dma_wait3A_382, %dma_wait3A_383] : memref<1000001x32xf32, #tpu.memory_space<hbm>> -> memref<1000001x32xf32, #tpu.memory_space<hbm>>
    tpu.wait_indirect_dma semaphore(%arg7 : memref<!tpu.dma_semaphore, #tpu.memory_space<semaphore_mem>>) src(%dma_wait3A_384 : memref<1000001x32xf32, #tpu.memory_space<hbm>>) dst(%dma_wait3A_374 : memref<128x32xf32, #tpu.memory_space<vmem>>)
    %dma_wait3A_385 = arith.constant 0 : i32
    %dma_wait3A_386 = arith.constant 6 : i32
    %dma_wait3A_387 = arith.constant 0 : i32
    %dma_wait3A_388 = arith.constant 0 : i32
    %dma_wait3A_389 = arith.constant 0 : i32
    %dma_wait3A_390 = tpu.memref_slice %arg6[%dma_wait3A_387, %dma_wait3A_388, %dma_wait3A_389] : memref<2x1664x32xf32, #tpu.memory_space<vmem>> -> memref<1x1664x32xf32, #tpu.memory_space<vmem>>
    %dma_wait3A_391 = tpu.memref_squeeze %dma_wait3A_390 : memref<1x1664x32xf32, #tpu.memory_space<vmem>> -> memref<1664x32xf32, #tpu.memory_space<vmem>>
    %dma_wait3A_392 = arith.constant 768 : i32
    %dma_wait3A_393 = arith.constant 0 : i32
    %dma_wait3A_394 = tpu.memref_slice %dma_wait3A_391[%dma_wait3A_392, %dma_wait3A_393] : memref<1664x32xf32, #tpu.memory_space<vmem>> -> memref<128x32xf32, #tpu.memory_space<vmem>>
    %dma_wait3A_395 = arith.constant 0 : i32
    %dma_wait3A_396 = arith.constant 0 : i32
    %dma_wait3A_397 = tpu.memref_slice %arg5[%dma_wait3A_385, %dma_wait3A_395, %dma_wait3A_396] : memref<2x13x128xi32, #tpu.memory_space<vmem>> -> memref<1x13x128xi32, #tpu.memory_space<vmem>>
    %dma_wait3A_398 = tpu.memref_squeeze %dma_wait3A_397 : memref<1x13x128xi32, #tpu.memory_space<vmem>> -> memref<13x128xi32, #tpu.memory_space<vmem>>
    %dma_wait3A_399 = arith.constant 0 : i32
    %dma_wait3A_400 = tpu.memref_slice %dma_wait3A_398[%dma_wait3A_386, %dma_wait3A_399] : memref<13x128xi32, #tpu.memory_space<vmem>> -> memref<1x128xi32, #tpu.memory_space<vmem>>
    %dma_wait3A_401 = tpu.memref_squeeze %dma_wait3A_400 : memref<1x128xi32, #tpu.memory_space<vmem>> -> memref<128xi32, #tpu.memory_space<vmem>>
    %dma_wait3A_402 = arith.constant 0 : i32
    %dma_wait3A_403 = arith.constant 0 : i32
    %dma_wait3A_404 = tpu.memref_slice %arg3[%dma_wait3A_402, %dma_wait3A_403] : memref<1000001x32xf32, #tpu.memory_space<hbm>> -> memref<1000001x32xf32, #tpu.memory_space<hbm>>
    tpu.wait_indirect_dma semaphore(%arg7 : memref<!tpu.dma_semaphore, #tpu.memory_space<semaphore_mem>>) src(%dma_wait3A_404 : memref<1000001x32xf32, #tpu.memory_space<hbm>>) dst(%dma_wait3A_394 : memref<128x32xf32, #tpu.memory_space<vmem>>)
    %dma_wait3A_405 = arith.constant 0 : i32
    %dma_wait3A_406 = arith.constant 7 : i32
    %dma_wait3A_407 = arith.constant 0 : i32
    %dma_wait3A_408 = arith.constant 0 : i32
    %dma_wait3A_409 = arith.constant 0 : i32
    %dma_wait3A_410 = tpu.memref_slice %arg6[%dma_wait3A_407, %dma_wait3A_408, %dma_wait3A_409] : memref<2x1664x32xf32, #tpu.memory_space<vmem>> -> memref<1x1664x32xf32, #tpu.memory_space<vmem>>
    %dma_wait3A_411 = tpu.memref_squeeze %dma_wait3A_410 : memref<1x1664x32xf32, #tpu.memory_space<vmem>> -> memref<1664x32xf32, #tpu.memory_space<vmem>>
    %dma_wait3A_412 = arith.constant 896 : i32
    %dma_wait3A_413 = arith.constant 0 : i32
    %dma_wait3A_414 = tpu.memref_slice %dma_wait3A_411[%dma_wait3A_412, %dma_wait3A_413] : memref<1664x32xf32, #tpu.memory_space<vmem>> -> memref<128x32xf32, #tpu.memory_space<vmem>>
    %dma_wait3A_415 = arith.constant 0 : i32
    %dma_wait3A_416 = arith.constant 0 : i32
    %dma_wait3A_417 = tpu.memref_slice %arg5[%dma_wait3A_405, %dma_wait3A_415, %dma_wait3A_416] : memref<2x13x128xi32, #tpu.memory_space<vmem>> -> memref<1x13x128xi32, #tpu.memory_space<vmem>>
    %dma_wait3A_418 = tpu.memref_squeeze %dma_wait3A_417 : memref<1x13x128xi32, #tpu.memory_space<vmem>> -> memref<13x128xi32, #tpu.memory_space<vmem>>
    %dma_wait3A_419 = arith.constant 0 : i32
    %dma_wait3A_420 = tpu.memref_slice %dma_wait3A_418[%dma_wait3A_406, %dma_wait3A_419] : memref<13x128xi32, #tpu.memory_space<vmem>> -> memref<1x128xi32, #tpu.memory_space<vmem>>
    %dma_wait3A_421 = tpu.memref_squeeze %dma_wait3A_420 : memref<1x128xi32, #tpu.memory_space<vmem>> -> memref<128xi32, #tpu.memory_space<vmem>>
    %dma_wait3A_422 = arith.constant 0 : i32
    %dma_wait3A_423 = arith.constant 0 : i32
    %dma_wait3A_424 = tpu.memref_slice %arg3[%dma_wait3A_422, %dma_wait3A_423] : memref<1000001x32xf32, #tpu.memory_space<hbm>> -> memref<1000001x32xf32, #tpu.memory_space<hbm>>
    tpu.wait_indirect_dma semaphore(%arg7 : memref<!tpu.dma_semaphore, #tpu.memory_space<semaphore_mem>>) src(%dma_wait3A_424 : memref<1000001x32xf32, #tpu.memory_space<hbm>>) dst(%dma_wait3A_414 : memref<128x32xf32, #tpu.memory_space<vmem>>)
    %dma_wait3A_425 = arith.constant 0 : i32
    %dma_wait3A_426 = arith.constant 8 : i32
    %dma_wait3A_427 = arith.constant 0 : i32
    %dma_wait3A_428 = arith.constant 0 : i32
    %dma_wait3A_429 = arith.constant 0 : i32
    %dma_wait3A_430 = tpu.memref_slice %arg6[%dma_wait3A_427, %dma_wait3A_428, %dma_wait3A_429] : memref<2x1664x32xf32, #tpu.memory_space<vmem>> -> memref<1x1664x32xf32, #tpu.memory_space<vmem>>
    %dma_wait3A_431 = tpu.memref_squeeze %dma_wait3A_430 : memref<1x1664x32xf32, #tpu.memory_space<vmem>> -> memref<1664x32xf32, #tpu.memory_space<vmem>>
    %dma_wait3A_432 = arith.constant 1024 : i32
    %dma_wait3A_433 = arith.constant 0 : i32
    %dma_wait3A_434 = tpu.memref_slice %dma_wait3A_431[%dma_wait3A_432, %dma_wait3A_433] : memref<1664x32xf32, #tpu.memory_space<vmem>> -> memref<128x32xf32, #tpu.memory_space<vmem>>
    %dma_wait3A_435 = arith.constant 0 : i32
    %dma_wait3A_436 = arith.constant 0 : i32
    %dma_wait3A_437 = tpu.memref_slice %arg5[%dma_wait3A_425, %dma_wait3A_435, %dma_wait3A_436] : memref<2x13x128xi32, #tpu.memory_space<vmem>> -> memref<1x13x128xi32, #tpu.memory_space<vmem>>
    %dma_wait3A_438 = tpu.memref_squeeze %dma_wait3A_437 : memref<1x13x128xi32, #tpu.memory_space<vmem>> -> memref<13x128xi32, #tpu.memory_space<vmem>>
    %dma_wait3A_439 = arith.constant 0 : i32
    %dma_wait3A_440 = tpu.memref_slice %dma_wait3A_438[%dma_wait3A_426, %dma_wait3A_439] : memref<13x128xi32, #tpu.memory_space<vmem>> -> memref<1x128xi32, #tpu.memory_space<vmem>>
    %dma_wait3A_441 = tpu.memref_squeeze %dma_wait3A_440 : memref<1x128xi32, #tpu.memory_space<vmem>> -> memref<128xi32, #tpu.memory_space<vmem>>
    %dma_wait3A_442 = arith.constant 0 : i32
    %dma_wait3A_443 = arith.constant 0 : i32
    %dma_wait3A_444 = tpu.memref_slice %arg3[%dma_wait3A_442, %dma_wait3A_443] : memref<1000001x32xf32, #tpu.memory_space<hbm>> -> memref<1000001x32xf32, #tpu.memory_space<hbm>>
    tpu.wait_indirect_dma semaphore(%arg7 : memref<!tpu.dma_semaphore, #tpu.memory_space<semaphore_mem>>) src(%dma_wait3A_444 : memref<1000001x32xf32, #tpu.memory_space<hbm>>) dst(%dma_wait3A_434 : memref<128x32xf32, #tpu.memory_space<vmem>>)
    %dma_wait3A_445 = arith.constant 0 : i32
    %dma_wait3A_446 = arith.constant 9 : i32
    %dma_wait3A_447 = arith.constant 0 : i32
    %dma_wait3A_448 = arith.constant 0 : i32
    %dma_wait3A_449 = arith.constant 0 : i32
    %dma_wait3A_450 = tpu.memref_slice %arg6[%dma_wait3A_447, %dma_wait3A_448, %dma_wait3A_449] : memref<2x1664x32xf32, #tpu.memory_space<vmem>> -> memref<1x1664x32xf32, #tpu.memory_space<vmem>>
    %dma_wait3A_451 = tpu.memref_squeeze %dma_wait3A_450 : memref<1x1664x32xf32, #tpu.memory_space<vmem>> -> memref<1664x32xf32, #tpu.memory_space<vmem>>
    %dma_wait3A_452 = arith.constant 1152 : i32
    %dma_wait3A_453 = arith.constant 0 : i32
    %dma_wait3A_454 = tpu.memref_slice %dma_wait3A_451[%dma_wait3A_452, %dma_wait3A_453] : memref<1664x32xf32, #tpu.memory_space<vmem>> -> memref<128x32xf32, #tpu.memory_space<vmem>>
    %dma_wait3A_455 = arith.constant 0 : i32
    %dma_wait3A_456 = arith.constant 0 : i32
    %dma_wait3A_457 = tpu.memref_slice %arg5[%dma_wait3A_445, %dma_wait3A_455, %dma_wait3A_456] : memref<2x13x128xi32, #tpu.memory_space<vmem>> -> memref<1x13x128xi32, #tpu.memory_space<vmem>>
    %dma_wait3A_458 = tpu.memref_squeeze %dma_wait3A_457 : memref<1x13x128xi32, #tpu.memory_space<vmem>> -> memref<13x128xi32, #tpu.memory_space<vmem>>
    %dma_wait3A_459 = arith.constant 0 : i32
    %dma_wait3A_460 = tpu.memref_slice %dma_wait3A_458[%dma_wait3A_446, %dma_wait3A_459] : memref<13x128xi32, #tpu.memory_space<vmem>> -> memref<1x128xi32, #tpu.memory_space<vmem>>
    %dma_wait3A_461 = tpu.memref_squeeze %dma_wait3A_460 : memref<1x128xi32, #tpu.memory_space<vmem>> -> memref<128xi32, #tpu.memory_space<vmem>>
    %dma_wait3A_462 = arith.constant 0 : i32
    %dma_wait3A_463 = arith.constant 0 : i32
    %dma_wait3A_464 = tpu.memref_slice %arg3[%dma_wait3A_462, %dma_wait3A_463] : memref<1000001x32xf32, #tpu.memory_space<hbm>> -> memref<1000001x32xf32, #tpu.memory_space<hbm>>
    tpu.wait_indirect_dma semaphore(%arg7 : memref<!tpu.dma_semaphore, #tpu.memory_space<semaphore_mem>>) src(%dma_wait3A_464 : memref<1000001x32xf32, #tpu.memory_space<hbm>>) dst(%dma_wait3A_454 : memref<128x32xf32, #tpu.memory_space<vmem>>)
    %dma_wait3A_465 = arith.constant 0 : i32
    %dma_wait3A_466 = arith.constant 10 : i32
    %dma_wait3A_467 = arith.constant 0 : i32
    %dma_wait3A_468 = arith.constant 0 : i32
    %dma_wait3A_469 = arith.constant 0 : i32
    %dma_wait3A_470 = tpu.memref_slice %arg6[%dma_wait3A_467, %dma_wait3A_468, %dma_wait3A_469] : memref<2x1664x32xf32, #tpu.memory_space<vmem>> -> memref<1x1664x32xf32, #tpu.memory_space<vmem>>
    %dma_wait3A_471 = tpu.memref_squeeze %dma_wait3A_470 : memref<1x1664x32xf32, #tpu.memory_space<vmem>> -> memref<1664x32xf32, #tpu.memory_space<vmem>>
    %dma_wait3A_472 = arith.constant 1280 : i32
    %dma_wait3A_473 = arith.constant 0 : i32
    %dma_wait3A_474 = tpu.memref_slice %dma_wait3A_471[%dma_wait3A_472, %dma_wait3A_473] : memref<1664x32xf32, #tpu.memory_space<vmem>> -> memref<128x32xf32, #tpu.memory_space<vmem>>
    %dma_wait3A_475 = arith.constant 0 : i32
    %dma_wait3A_476 = arith.constant 0 : i32
    %dma_wait3A_477 = tpu.memref_slice %arg5[%dma_wait3A_465, %dma_wait3A_475, %dma_wait3A_476] : memref<2x13x128xi32, #tpu.memory_space<vmem>> -> memref<1x13x128xi32, #tpu.memory_space<vmem>>
    %dma_wait3A_478 = tpu.memref_squeeze %dma_wait3A_477 : memref<1x13x128xi32, #tpu.memory_space<vmem>> -> memref<13x128xi32, #tpu.memory_space<vmem>>
    %dma_wait3A_479 = arith.constant 0 : i32
    %dma_wait3A_480 = tpu.memref_slice %dma_wait3A_478[%dma_wait3A_466, %dma_wait3A_479] : memref<13x128xi32, #tpu.memory_space<vmem>> -> memref<1x128xi32, #tpu.memory_space<vmem>>
    %dma_wait3A_481 = tpu.memref_squeeze %dma_wait3A_480 : memref<1x128xi32, #tpu.memory_space<vmem>> -> memref<128xi32, #tpu.memory_space<vmem>>
    %dma_wait3A_482 = arith.constant 0 : i32
    %dma_wait3A_483 = arith.constant 0 : i32
    %dma_wait3A_484 = tpu.memref_slice %arg3[%dma_wait3A_482, %dma_wait3A_483] : memref<1000001x32xf32, #tpu.memory_space<hbm>> -> memref<1000001x32xf32, #tpu.memory_space<hbm>>
    tpu.wait_indirect_dma semaphore(%arg7 : memref<!tpu.dma_semaphore, #tpu.memory_space<semaphore_mem>>) src(%dma_wait3A_484 : memref<1000001x32xf32, #tpu.memory_space<hbm>>) dst(%dma_wait3A_474 : memref<128x32xf32, #tpu.memory_space<vmem>>)
    %dma_wait3A_485 = arith.constant 0 : i32
    %dma_wait3A_486 = arith.constant 11 : i32
    %dma_wait3A_487 = arith.constant 0 : i32
    %dma_wait3A_488 = arith.constant 0 : i32
    %dma_wait3A_489 = arith.constant 0 : i32
    %dma_wait3A_490 = tpu.memref_slice %arg6[%dma_wait3A_487, %dma_wait3A_488, %dma_wait3A_489] : memref<2x1664x32xf32, #tpu.memory_space<vmem>> -> memref<1x1664x32xf32, #tpu.memory_space<vmem>>
    %dma_wait3A_491 = tpu.memref_squeeze %dma_wait3A_490 : memref<1x1664x32xf32, #tpu.memory_space<vmem>> -> memref<1664x32xf32, #tpu.memory_space<vmem>>
    %dma_wait3A_492 = arith.constant 1408 : i32
    %dma_wait3A_493 = arith.constant 0 : i32
    %dma_wait3A_494 = tpu.memref_slice %dma_wait3A_491[%dma_wait3A_492, %dma_wait3A_493] : memref<1664x32xf32, #tpu.memory_space<vmem>> -> memref<128x32xf32, #tpu.memory_space<vmem>>
    %dma_wait3A_495 = arith.constant 0 : i32
    %dma_wait3A_496 = arith.constant 0 : i32
    %dma_wait3A_497 = tpu.memref_slice %arg5[%dma_wait3A_485, %dma_wait3A_495, %dma_wait3A_496] : memref<2x13x128xi32, #tpu.memory_space<vmem>> -> memref<1x13x128xi32, #tpu.memory_space<vmem>>
    %dma_wait3A_498 = tpu.memref_squeeze %dma_wait3A_497 : memref<1x13x128xi32, #tpu.memory_space<vmem>> -> memref<13x128xi32, #tpu.memory_space<vmem>>
    %dma_wait3A_499 = arith.constant 0 : i32
    %dma_wait3A_500 = tpu.memref_slice %dma_wait3A_498[%dma_wait3A_486, %dma_wait3A_499] : memref<13x128xi32, #tpu.memory_space<vmem>> -> memref<1x128xi32, #tpu.memory_space<vmem>>
    %dma_wait3A_501 = tpu.memref_squeeze %dma_wait3A_500 : memref<1x128xi32, #tpu.memory_space<vmem>> -> memref<128xi32, #tpu.memory_space<vmem>>
    %dma_wait3A_502 = arith.constant 0 : i32
    %dma_wait3A_503 = arith.constant 0 : i32
    %dma_wait3A_504 = tpu.memref_slice %arg3[%dma_wait3A_502, %dma_wait3A_503] : memref<1000001x32xf32, #tpu.memory_space<hbm>> -> memref<1000001x32xf32, #tpu.memory_space<hbm>>
    tpu.wait_indirect_dma semaphore(%arg7 : memref<!tpu.dma_semaphore, #tpu.memory_space<semaphore_mem>>) src(%dma_wait3A_504 : memref<1000001x32xf32, #tpu.memory_space<hbm>>) dst(%dma_wait3A_494 : memref<128x32xf32, #tpu.memory_space<vmem>>)
    %dma_wait3A_505 = arith.constant 0 : i32
    %dma_wait3A_506 = arith.constant 12 : i32
    %dma_wait3A_507 = arith.constant 0 : i32
    %dma_wait3A_508 = arith.constant 0 : i32
    %dma_wait3A_509 = arith.constant 0 : i32
    %dma_wait3A_510 = tpu.memref_slice %arg6[%dma_wait3A_507, %dma_wait3A_508, %dma_wait3A_509] : memref<2x1664x32xf32, #tpu.memory_space<vmem>> -> memref<1x1664x32xf32, #tpu.memory_space<vmem>>
    %dma_wait3A_511 = tpu.memref_squeeze %dma_wait3A_510 : memref<1x1664x32xf32, #tpu.memory_space<vmem>> -> memref<1664x32xf32, #tpu.memory_space<vmem>>
    %dma_wait3A_512 = arith.constant 1536 : i32
    %dma_wait3A_513 = arith.constant 0 : i32
    %dma_wait3A_514 = tpu.memref_slice %dma_wait3A_511[%dma_wait3A_512, %dma_wait3A_513] : memref<1664x32xf32, #tpu.memory_space<vmem>> -> memref<128x32xf32, #tpu.memory_space<vmem>>
    %dma_wait3A_515 = arith.constant 0 : i32
    %dma_wait3A_516 = arith.constant 0 : i32
    %dma_wait3A_517 = tpu.memref_slice %arg5[%dma_wait3A_505, %dma_wait3A_515, %dma_wait3A_516] : memref<2x13x128xi32, #tpu.memory_space<vmem>> -> memref<1x13x128xi32, #tpu.memory_space<vmem>>
    %dma_wait3A_518 = tpu.memref_squeeze %dma_wait3A_517 : memref<1x13x128xi32, #tpu.memory_space<vmem>> -> memref<13x128xi32, #tpu.memory_space<vmem>>
    %dma_wait3A_519 = arith.constant 0 : i32
    %dma_wait3A_520 = tpu.memref_slice %dma_wait3A_518[%dma_wait3A_506, %dma_wait3A_519] : memref<13x128xi32, #tpu.memory_space<vmem>> -> memref<1x128xi32, #tpu.memory_space<vmem>>
    %dma_wait3A_521 = tpu.memref_squeeze %dma_wait3A_520 : memref<1x128xi32, #tpu.memory_space<vmem>> -> memref<128xi32, #tpu.memory_space<vmem>>
    %dma_wait3A_522 = arith.constant 0 : i32
    %dma_wait3A_523 = arith.constant 0 : i32
    %dma_wait3A_524 = tpu.memref_slice %arg3[%dma_wait3A_522, %dma_wait3A_523] : memref<1000001x32xf32, #tpu.memory_space<hbm>> -> memref<1000001x32xf32, #tpu.memory_space<hbm>>
    tpu.wait_indirect_dma semaphore(%arg7 : memref<!tpu.dma_semaphore, #tpu.memory_space<semaphore_mem>>) src(%dma_wait3A_524 : memref<1000001x32xf32, #tpu.memory_space<hbm>>) dst(%dma_wait3A_514 : memref<128x32xf32, #tpu.memory_space<vmem>>)
    %dma_start3A_525 = arith.constant 0 : i32
    %dma_start3A_526 = arith.constant 0 : i32
    %dma_start3A_527 = arith.constant 0 : i32
    %dma_start3A_528 = tpu.memref_slice %arg6[%dma_start3A_525, %dma_start3A_526, %dma_start3A_527] : memref<2x1664x32xf32, #tpu.memory_space<vmem>> -> memref<1x1664x32xf32, #tpu.memory_space<vmem>>
    %dma_start3A_529 = tpu.memref_squeeze %dma_start3A_528 : memref<1x1664x32xf32, #tpu.memory_space<vmem>> -> memref<1664x32xf32, #tpu.memory_space<vmem>>
    %dma_start3A_530 = arith.constant 0 : i32
    %dma_start3A_531 = tpu.memref_slice %arg4[%mul3A_6, %dma_start3A_530] : memref<425984x32xf32, #tpu.memory_space<hbm>> -> memref<1664x32xf32, #tpu.memory_space<hbm>>
    %dma_start3A_532 = arith.constant 0 : i32
    %dma_start3A_533 = tpu.memref_slice %arg4[%mul3A_6, %dma_start3A_532] : memref<425984x32xf32, #tpu.memory_space<hbm>> -> memref<1664x32xf32, #tpu.memory_space<hbm>>
    %dma_start3A_534 = arith.constant 0 : i32
    %dma_start3A_535 = arith.constant 0 : i32
    %dma_start3A_536 = tpu.memref_slice %arg6[%dma_start3A_525, %dma_start3A_534, %dma_start3A_535] : memref<2x1664x32xf32, #tpu.memory_space<vmem>> -> memref<1x1664x32xf32, #tpu.memory_space<vmem>>
    %dma_start3A_537 = tpu.memref_squeeze %dma_start3A_536 : memref<1x1664x32xf32, #tpu.memory_space<vmem>> -> memref<1664x32xf32, #tpu.memory_space<vmem>>
    tpu.enqueue_dma source(%dma_start3A_537 : memref<1664x32xf32, #tpu.memory_space<vmem>>) target(%dma_start3A_533 : memref<1664x32xf32, #tpu.memory_space<hbm>>) target_semaphore(%arg8 : memref<!tpu.dma_semaphore, #tpu.memory_space<semaphore_mem>>)
    %add3A_538 = arith.constant 13 : i32
    %add3A_539 = arith.addi %mul3A_2, %add3A_538 : i32
    %mul3A_540 = arith.constant 128 : i32
    %mul3A_541 = arith.muli %add3A_539, %mul3A_540 : i32
    %run_scoped3A_542 = arith.constant 1 : i32
    "tpu.region"() ({
      %run_scoped3A_1112 = tpu.sem_alloc : memref<!tpu.dma_semaphore, #tpu.memory_space<semaphore_mem>>
      %dma_start3A_1113 = arith.constant 0 : i32
      %dma_start3A_1114 = arith.constant 0 : i32
      %dma_start3A_1115 = tpu.memref_slice %arg5[%run_scoped3A_542, %dma_start3A_1113, %dma_start3A_1114] : memref<2x13x128xi32, #tpu.memory_space<vmem>> -> memref<1x13x128xi32, #tpu.memory_space<vmem>>
      %dma_start3A_1116 = tpu.memref_squeeze %dma_start3A_1115 : memref<1x13x128xi32, #tpu.memory_space<vmem>> -> memref<13x128xi32, #tpu.memory_space<vmem>>
      %dma_start3A_1117 = arith.constant 0 : i32
      %dma_start3A_1118 = tpu.memref_slice %arg2[%add3A_539, %dma_start3A_1117] : memref<3328x128xi32, #tpu.memory_space<hbm>> -> memref<13x128xi32, #tpu.memory_space<hbm>>
      %dma_start3A_1119 = arith.constant 0 : i32
      %dma_start3A_1120 = arith.constant 0 : i32
      %dma_start3A_1121 = tpu.memref_slice %arg5[%run_scoped3A_542, %dma_start3A_1119, %dma_start3A_1120] : memref<2x13x128xi32, #tpu.memory_space<vmem>> -> memref<1x13x128xi32, #tpu.memory_space<vmem>>
      %dma_start3A_1122 = tpu.memref_squeeze %dma_start3A_1121 : memref<1x13x128xi32, #tpu.memory_space<vmem>> -> memref<13x128xi32, #tpu.memory_space<vmem>>
      %dma_start3A_1123 = arith.constant 0 : i32
      %dma_start3A_1124 = tpu.memref_slice %arg2[%add3A_539, %dma_start3A_1123] : memref<3328x128xi32, #tpu.memory_space<hbm>> -> memref<13x128xi32, #tpu.memory_space<hbm>>
      tpu.enqueue_dma source(%dma_start3A_1124 : memref<13x128xi32, #tpu.memory_space<hbm>>) target(%dma_start3A_1122 : memref<13x128xi32, #tpu.memory_space<vmem>>) target_semaphore(%run_scoped3A_1112 : memref<!tpu.dma_semaphore, #tpu.memory_space<semaphore_mem>>)
      %dma_wait3A_1125 = arith.constant 0 : i32
      %dma_wait3A_1126 = arith.constant 0 : i32
      %dma_wait3A_1127 = tpu.memref_slice %arg5[%run_scoped3A_542, %dma_wait3A_1125, %dma_wait3A_1126] : memref<2x13x128xi32, #tpu.memory_space<vmem>> -> memref<1x13x128xi32, #tpu.memory_space<vmem>>
      %dma_wait3A_1128 = tpu.memref_squeeze %dma_wait3A_1127 : memref<1x13x128xi32, #tpu.memory_space<vmem>> -> memref<13x128xi32, #tpu.memory_space<vmem>>
      %dma_wait3A_1129 = arith.constant 0 : i32
      %dma_wait3A_1130 = tpu.memref_slice %arg2[%add3A_539, %dma_wait3A_1129] : memref<3328x128xi32, #tpu.memory_space<hbm>> -> memref<13x128xi32, #tpu.memory_space<hbm>>
      %dma_wait3A_1131 = arith.constant 0 : i32
      %dma_wait3A_1132 = arith.constant 0 : i32
      %dma_wait3A_1133 = tpu.memref_slice %arg5[%run_scoped3A_542, %dma_wait3A_1131, %dma_wait3A_1132] : memref<2x13x128xi32, #tpu.memory_space<vmem>> -> memref<1x13x128xi32, #tpu.memory_space<vmem>>
      %dma_wait3A_1134 = tpu.memref_squeeze %dma_wait3A_1133 : memref<1x13x128xi32, #tpu.memory_space<vmem>> -> memref<13x128xi32, #tpu.memory_space<vmem>>
      %dma_wait3A_1135 = arith.constant 0 : i32
      %dma_wait3A_1136 = tpu.memref_slice %arg2[%add3A_539, %dma_wait3A_1135] : memref<3328x128xi32, #tpu.memory_space<hbm>> -> memref<13x128xi32, #tpu.memory_space<hbm>>
      tpu.wait_dma2 semaphore(%run_scoped3A_1112 : memref<!tpu.dma_semaphore, #tpu.memory_space<semaphore_mem>>) src(%dma_wait3A_1136 : memref<13x128xi32, #tpu.memory_space<hbm>>) dst(%dma_wait3A_1134 : memref<13x128xi32, #tpu.memory_space<vmem>>)
      tpu.yield
    }) : () -> ()
    %dma_start3A_543 = arith.constant 1 : i32
    %dma_start3A_544 = arith.constant 0 : i32
    %dma_start3A_545 = arith.constant 1 : i32
    %dma_start3A_546 = arith.constant 0 : i32
    %dma_start3A_547 = arith.constant 0 : i32
    %dma_start3A_548 = tpu.memref_slice %arg6[%dma_start3A_545, %dma_start3A_546, %dma_start3A_547] : memref<2x1664x32xf32, #tpu.memory_space<vmem>> -> memref<1x1664x32xf32, #tpu.memory_space<vmem>>
    %dma_start3A_549 = tpu.memref_squeeze %dma_start3A_548 : memref<1x1664x32xf32, #tpu.memory_space<vmem>> -> memref<1664x32xf32, #tpu.memory_space<vmem>>
    %dma_start3A_550 = arith.constant 0 : i32
    %dma_start3A_551 = arith.constant 0 : i32
    %dma_start3A_552 = tpu.memref_slice %dma_start3A_549[%dma_start3A_550, %dma_start3A_551] : memref<1664x32xf32, #tpu.memory_space<vmem>> -> memref<128x32xf32, #tpu.memory_space<vmem>>
    %dma_start3A_553 = arith.constant 0 : i32
    %dma_start3A_554 = arith.constant 0 : i32
    %dma_start3A_555 = tpu.memref_slice %arg5[%dma_start3A_543, %dma_start3A_553, %dma_start3A_554] : memref<2x13x128xi32, #tpu.memory_space<vmem>> -> memref<1x13x128xi32, #tpu.memory_space<vmem>>
    %dma_start3A_556 = tpu.memref_squeeze %dma_start3A_555 : memref<1x13x128xi32, #tpu.memory_space<vmem>> -> memref<13x128xi32, #tpu.memory_space<vmem>>
    %dma_start3A_557 = arith.constant 0 : i32
    %dma_start3A_558 = tpu.memref_slice %dma_start3A_556[%dma_start3A_544, %dma_start3A_557] : memref<13x128xi32, #tpu.memory_space<vmem>> -> memref<1x128xi32, #tpu.memory_space<vmem>>
    %dma_start3A_559 = tpu.memref_squeeze %dma_start3A_558 : memref<1x128xi32, #tpu.memory_space<vmem>> -> memref<128xi32, #tpu.memory_space<vmem>>
    %dma_start3A_560 = arith.constant 0 : i32
    %dma_start3A_561 = arith.constant 0 : i32
    %dma_start3A_562 = tpu.memref_slice %arg3[%dma_start3A_560, %dma_start3A_561] : memref<1000001x32xf32, #tpu.memory_space<hbm>> -> memref<1000001x32xf32, #tpu.memory_space<hbm>>
    tpu.enqueue_indirect_dma source(%dma_start3A_562 : memref<1000001x32xf32, #tpu.memory_space<hbm>>) target(%dma_start3A_552 : memref<128x32xf32, #tpu.memory_space<vmem>>) offsets(%dma_start3A_559 : memref<128xi32, #tpu.memory_space<vmem>>) semaphore(%arg7 : memref<!tpu.dma_semaphore, #tpu.memory_space<semaphore_mem>>)
    %dma_start3A_563 = arith.constant 1 : i32
    %dma_start3A_564 = arith.constant 1 : i32
    %dma_start3A_565 = arith.constant 1 : i32
    %dma_start3A_566 = arith.constant 0 : i32
    %dma_start3A_567 = arith.constant 0 : i32
    %dma_start3A_568 = tpu.memref_slice %arg6[%dma_start3A_565, %dma_start3A_566, %dma_start3A_567] : memref<2x1664x32xf32, #tpu.memory_space<vmem>> -> memref<1x1664x32xf32, #tpu.memory_space<vmem>>
    %dma_start3A_569 = tpu.memref_squeeze %dma_start3A_568 : memref<1x1664x32xf32, #tpu.memory_space<vmem>> -> memref<1664x32xf32, #tpu.memory_space<vmem>>
    %dma_start3A_570 = arith.constant 128 : i32
    %dma_start3A_571 = arith.constant 0 : i32
    %dma_start3A_572 = tpu.memref_slice %dma_start3A_569[%dma_start3A_570, %dma_start3A_571] : memref<1664x32xf32, #tpu.memory_space<vmem>> -> memref<128x32xf32, #tpu.memory_space<vmem>>
    %dma_start3A_573 = arith.constant 0 : i32
    %dma_start3A_574 = arith.constant 0 : i32
    %dma_start3A_575 = tpu.memref_slice %arg5[%dma_start3A_563, %dma_start3A_573, %dma_start3A_574] : memref<2x13x128xi32, #tpu.memory_space<vmem>> -> memref<1x13x128xi32, #tpu.memory_space<vmem>>
    %dma_start3A_576 = tpu.memref_squeeze %dma_start3A_575 : memref<1x13x128xi32, #tpu.memory_space<vmem>> -> memref<13x128xi32, #tpu.memory_space<vmem>>
    %dma_start3A_577 = arith.constant 0 : i32
    %dma_start3A_578 = tpu.memref_slice %dma_start3A_576[%dma_start3A_564, %dma_start3A_577] : memref<13x128xi32, #tpu.memory_space<vmem>> -> memref<1x128xi32, #tpu.memory_space<vmem>>
    %dma_start3A_579 = tpu.memref_squeeze %dma_start3A_578 : memref<1x128xi32, #tpu.memory_space<vmem>> -> memref<128xi32, #tpu.memory_space<vmem>>
    %dma_start3A_580 = arith.constant 0 : i32
    %dma_start3A_581 = arith.constant 0 : i32
    %dma_start3A_582 = tpu.memref_slice %arg3[%dma_start3A_580, %dma_start3A_581] : memref<1000001x32xf32, #tpu.memory_space<hbm>> -> memref<1000001x32xf32, #tpu.memory_space<hbm>>
    tpu.enqueue_indirect_dma source(%dma_start3A_582 : memref<1000001x32xf32, #tpu.memory_space<hbm>>) target(%dma_start3A_572 : memref<128x32xf32, #tpu.memory_space<vmem>>) offsets(%dma_start3A_579 : memref<128xi32, #tpu.memory_space<vmem>>) semaphore(%arg7 : memref<!tpu.dma_semaphore, #tpu.memory_space<semaphore_mem>>)
    %dma_start3A_583 = arith.constant 1 : i32
    %dma_start3A_584 = arith.constant 2 : i32
    %dma_start3A_585 = arith.constant 1 : i32
    %dma_start3A_586 = arith.constant 0 : i32
    %dma_start3A_587 = arith.constant 0 : i32
    %dma_start3A_588 = tpu.memref_slice %arg6[%dma_start3A_585, %dma_start3A_586, %dma_start3A_587] : memref<2x1664x32xf32, #tpu.memory_space<vmem>> -> memref<1x1664x32xf32, #tpu.memory_space<vmem>>
    %dma_start3A_589 = tpu.memref_squeeze %dma_start3A_588 : memref<1x1664x32xf32, #tpu.memory_space<vmem>> -> memref<1664x32xf32, #tpu.memory_space<vmem>>
    %dma_start3A_590 = arith.constant 256 : i32
    %dma_start3A_591 = arith.constant 0 : i32
    %dma_start3A_592 = tpu.memref_slice %dma_start3A_589[%dma_start3A_590, %dma_start3A_591] : memref<1664x32xf32, #tpu.memory_space<vmem>> -> memref<128x32xf32, #tpu.memory_space<vmem>>
    %dma_start3A_593 = arith.constant 0 : i32
    %dma_start3A_594 = arith.constant 0 : i32
    %dma_start3A_595 = tpu.memref_slice %arg5[%dma_start3A_583, %dma_start3A_593, %dma_start3A_594] : memref<2x13x128xi32, #tpu.memory_space<vmem>> -> memref<1x13x128xi32, #tpu.memory_space<vmem>>
    %dma_start3A_596 = tpu.memref_squeeze %dma_start3A_595 : memref<1x13x128xi32, #tpu.memory_space<vmem>> -> memref<13x128xi32, #tpu.memory_space<vmem>>
    %dma_start3A_597 = arith.constant 0 : i32
    %dma_start3A_598 = tpu.memref_slice %dma_start3A_596[%dma_start3A_584, %dma_start3A_597] : memref<13x128xi32, #tpu.memory_space<vmem>> -> memref<1x128xi32, #tpu.memory_space<vmem>>
    %dma_start3A_599 = tpu.memref_squeeze %dma_start3A_598 : memref<1x128xi32, #tpu.memory_space<vmem>> -> memref<128xi32, #tpu.memory_space<vmem>>
    %dma_start3A_600 = arith.constant 0 : i32
    %dma_start3A_601 = arith.constant 0 : i32
    %dma_start3A_602 = tpu.memref_slice %arg3[%dma_start3A_600, %dma_start3A_601] : memref<1000001x32xf32, #tpu.memory_space<hbm>> -> memref<1000001x32xf32, #tpu.memory_space<hbm>>
    tpu.enqueue_indirect_dma source(%dma_start3A_602 : memref<1000001x32xf32, #tpu.memory_space<hbm>>) target(%dma_start3A_592 : memref<128x32xf32, #tpu.memory_space<vmem>>) offsets(%dma_start3A_599 : memref<128xi32, #tpu.memory_space<vmem>>) semaphore(%arg7 : memref<!tpu.dma_semaphore, #tpu.memory_space<semaphore_mem>>)
    %dma_start3A_603 = arith.constant 1 : i32
    %dma_start3A_604 = arith.constant 3 : i32
    %dma_start3A_605 = arith.constant 1 : i32
    %dma_start3A_606 = arith.constant 0 : i32
    %dma_start3A_607 = arith.constant 0 : i32
    %dma_start3A_608 = tpu.memref_slice %arg6[%dma_start3A_605, %dma_start3A_606, %dma_start3A_607] : memref<2x1664x32xf32, #tpu.memory_space<vmem>> -> memref<1x1664x32xf32, #tpu.memory_space<vmem>>
    %dma_start3A_609 = tpu.memref_squeeze %dma_start3A_608 : memref<1x1664x32xf32, #tpu.memory_space<vmem>> -> memref<1664x32xf32, #tpu.memory_space<vmem>>
    %dma_start3A_610 = arith.constant 384 : i32
    %dma_start3A_611 = arith.constant 0 : i32
    %dma_start3A_612 = tpu.memref_slice %dma_start3A_609[%dma_start3A_610, %dma_start3A_611] : memref<1664x32xf32, #tpu.memory_space<vmem>> -> memref<128x32xf32, #tpu.memory_space<vmem>>
    %dma_start3A_613 = arith.constant 0 : i32
    %dma_start3A_614 = arith.constant 0 : i32
    %dma_start3A_615 = tpu.memref_slice %arg5[%dma_start3A_603, %dma_start3A_613, %dma_start3A_614] : memref<2x13x128xi32, #tpu.memory_space<vmem>> -> memref<1x13x128xi32, #tpu.memory_space<vmem>>
    %dma_start3A_616 = tpu.memref_squeeze %dma_start3A_615 : memref<1x13x128xi32, #tpu.memory_space<vmem>> -> memref<13x128xi32, #tpu.memory_space<vmem>>
    %dma_start3A_617 = arith.constant 0 : i32
    %dma_start3A_618 = tpu.memref_slice %dma_start3A_616[%dma_start3A_604, %dma_start3A_617] : memref<13x128xi32, #tpu.memory_space<vmem>> -> memref<1x128xi32, #tpu.memory_space<vmem>>
    %dma_start3A_619 = tpu.memref_squeeze %dma_start3A_618 : memref<1x128xi32, #tpu.memory_space<vmem>> -> memref<128xi32, #tpu.memory_space<vmem>>
    %dma_start3A_620 = arith.constant 0 : i32
    %dma_start3A_621 = arith.constant 0 : i32
    %dma_start3A_622 = tpu.memref_slice %arg3[%dma_start3A_620, %dma_start3A_621] : memref<1000001x32xf32, #tpu.memory_space<hbm>> -> memref<1000001x32xf32, #tpu.memory_space<hbm>>
    tpu.enqueue_indirect_dma source(%dma_start3A_622 : memref<1000001x32xf32, #tpu.memory_space<hbm>>) target(%dma_start3A_612 : memref<128x32xf32, #tpu.memory_space<vmem>>) offsets(%dma_start3A_619 : memref<128xi32, #tpu.memory_space<vmem>>) semaphore(%arg7 : memref<!tpu.dma_semaphore, #tpu.memory_space<semaphore_mem>>)
    %dma_start3A_623 = arith.constant 1 : i32
    %dma_start3A_624 = arith.constant 4 : i32
    %dma_start3A_625 = arith.constant 1 : i32
    %dma_start3A_626 = arith.constant 0 : i32
    %dma_start3A_627 = arith.constant 0 : i32
    %dma_start3A_628 = tpu.memref_slice %arg6[%dma_start3A_625, %dma_start3A_626, %dma_start3A_627] : memref<2x1664x32xf32, #tpu.memory_space<vmem>> -> memref<1x1664x32xf32, #tpu.memory_space<vmem>>
    %dma_start3A_629 = tpu.memref_squeeze %dma_start3A_628 : memref<1x1664x32xf32, #tpu.memory_space<vmem>> -> memref<1664x32xf32, #tpu.memory_space<vmem>>
    %dma_start3A_630 = arith.constant 512 : i32
    %dma_start3A_631 = arith.constant 0 : i32
    %dma_start3A_632 = tpu.memref_slice %dma_start3A_629[%dma_start3A_630, %dma_start3A_631] : memref<1664x32xf32, #tpu.memory_space<vmem>> -> memref<128x32xf32, #tpu.memory_space<vmem>>
    %dma_start3A_633 = arith.constant 0 : i32
    %dma_start3A_634 = arith.constant 0 : i32
    %dma_start3A_635 = tpu.memref_slice %arg5[%dma_start3A_623, %dma_start3A_633, %dma_start3A_634] : memref<2x13x128xi32, #tpu.memory_space<vmem>> -> memref<1x13x128xi32, #tpu.memory_space<vmem>>
    %dma_start3A_636 = tpu.memref_squeeze %dma_start3A_635 : memref<1x13x128xi32, #tpu.memory_space<vmem>> -> memref<13x128xi32, #tpu.memory_space<vmem>>
    %dma_start3A_637 = arith.constant 0 : i32
    %dma_start3A_638 = tpu.memref_slice %dma_start3A_636[%dma_start3A_624, %dma_start3A_637] : memref<13x128xi32, #tpu.memory_space<vmem>> -> memref<1x128xi32, #tpu.memory_space<vmem>>
    %dma_start3A_639 = tpu.memref_squeeze %dma_start3A_638 : memref<1x128xi32, #tpu.memory_space<vmem>> -> memref<128xi32, #tpu.memory_space<vmem>>
    %dma_start3A_640 = arith.constant 0 : i32
    %dma_start3A_641 = arith.constant 0 : i32
    %dma_start3A_642 = tpu.memref_slice %arg3[%dma_start3A_640, %dma_start3A_641] : memref<1000001x32xf32, #tpu.memory_space<hbm>> -> memref<1000001x32xf32, #tpu.memory_space<hbm>>
    tpu.enqueue_indirect_dma source(%dma_start3A_642 : memref<1000001x32xf32, #tpu.memory_space<hbm>>) target(%dma_start3A_632 : memref<128x32xf32, #tpu.memory_space<vmem>>) offsets(%dma_start3A_639 : memref<128xi32, #tpu.memory_space<vmem>>) semaphore(%arg7 : memref<!tpu.dma_semaphore, #tpu.memory_space<semaphore_mem>>)
    %dma_start3A_643 = arith.constant 1 : i32
    %dma_start3A_644 = arith.constant 5 : i32
    %dma_start3A_645 = arith.constant 1 : i32
    %dma_start3A_646 = arith.constant 0 : i32
    %dma_start3A_647 = arith.constant 0 : i32
    %dma_start3A_648 = tpu.memref_slice %arg6[%dma_start3A_645, %dma_start3A_646, %dma_start3A_647] : memref<2x1664x32xf32, #tpu.memory_space<vmem>> -> memref<1x1664x32xf32, #tpu.memory_space<vmem>>
    %dma_start3A_649 = tpu.memref_squeeze %dma_start3A_648 : memref<1x1664x32xf32, #tpu.memory_space<vmem>> -> memref<1664x32xf32, #tpu.memory_space<vmem>>
    %dma_start3A_650 = arith.constant 640 : i32
    %dma_start3A_651 = arith.constant 0 : i32
    %dma_start3A_652 = tpu.memref_slice %dma_start3A_649[%dma_start3A_650, %dma_start3A_651] : memref<1664x32xf32, #tpu.memory_space<vmem>> -> memref<128x32xf32, #tpu.memory_space<vmem>>
    %dma_start3A_653 = arith.constant 0 : i32
    %dma_start3A_654 = arith.constant 0 : i32
    %dma_start3A_655 = tpu.memref_slice %arg5[%dma_start3A_643, %dma_start3A_653, %dma_start3A_654] : memref<2x13x128xi32, #tpu.memory_space<vmem>> -> memref<1x13x128xi32, #tpu.memory_space<vmem>>
    %dma_start3A_656 = tpu.memref_squeeze %dma_start3A_655 : memref<1x13x128xi32, #tpu.memory_space<vmem>> -> memref<13x128xi32, #tpu.memory_space<vmem>>
    %dma_start3A_657 = arith.constant 0 : i32
    %dma_start3A_658 = tpu.memref_slice %dma_start3A_656[%dma_start3A_644, %dma_start3A_657] : memref<13x128xi32, #tpu.memory_space<vmem>> -> memref<1x128xi32, #tpu.memory_space<vmem>>
    %dma_start3A_659 = tpu.memref_squeeze %dma_start3A_658 : memref<1x128xi32, #tpu.memory_space<vmem>> -> memref<128xi32, #tpu.memory_space<vmem>>
    %dma_start3A_660 = arith.constant 0 : i32
    %dma_start3A_661 = arith.constant 0 : i32
    %dma_start3A_662 = tpu.memref_slice %arg3[%dma_start3A_660, %dma_start3A_661] : memref<1000001x32xf32, #tpu.memory_space<hbm>> -> memref<1000001x32xf32, #tpu.memory_space<hbm>>
    tpu.enqueue_indirect_dma source(%dma_start3A_662 : memref<1000001x32xf32, #tpu.memory_space<hbm>>) target(%dma_start3A_652 : memref<128x32xf32, #tpu.memory_space<vmem>>) offsets(%dma_start3A_659 : memref<128xi32, #tpu.memory_space<vmem>>) semaphore(%arg7 : memref<!tpu.dma_semaphore, #tpu.memory_space<semaphore_mem>>)
    %dma_start3A_663 = arith.constant 1 : i32
    %dma_start3A_664 = arith.constant 6 : i32
    %dma_start3A_665 = arith.constant 1 : i32
    %dma_start3A_666 = arith.constant 0 : i32
    %dma_start3A_667 = arith.constant 0 : i32
    %dma_start3A_668 = tpu.memref_slice %arg6[%dma_start3A_665, %dma_start3A_666, %dma_start3A_667] : memref<2x1664x32xf32, #tpu.memory_space<vmem>> -> memref<1x1664x32xf32, #tpu.memory_space<vmem>>
    %dma_start3A_669 = tpu.memref_squeeze %dma_start3A_668 : memref<1x1664x32xf32, #tpu.memory_space<vmem>> -> memref<1664x32xf32, #tpu.memory_space<vmem>>
    %dma_start3A_670 = arith.constant 768 : i32
    %dma_start3A_671 = arith.constant 0 : i32
    %dma_start3A_672 = tpu.memref_slice %dma_start3A_669[%dma_start3A_670, %dma_start3A_671] : memref<1664x32xf32, #tpu.memory_space<vmem>> -> memref<128x32xf32, #tpu.memory_space<vmem>>
    %dma_start3A_673 = arith.constant 0 : i32
    %dma_start3A_674 = arith.constant 0 : i32
    %dma_start3A_675 = tpu.memref_slice %arg5[%dma_start3A_663, %dma_start3A_673, %dma_start3A_674] : memref<2x13x128xi32, #tpu.memory_space<vmem>> -> memref<1x13x128xi32, #tpu.memory_space<vmem>>
    %dma_start3A_676 = tpu.memref_squeeze %dma_start3A_675 : memref<1x13x128xi32, #tpu.memory_space<vmem>> -> memref<13x128xi32, #tpu.memory_space<vmem>>
    %dma_start3A_677 = arith.constant 0 : i32
    %dma_start3A_678 = tpu.memref_slice %dma_start3A_676[%dma_start3A_664, %dma_start3A_677] : memref<13x128xi32, #tpu.memory_space<vmem>> -> memref<1x128xi32, #tpu.memory_space<vmem>>
    %dma_start3A_679 = tpu.memref_squeeze %dma_start3A_678 : memref<1x128xi32, #tpu.memory_space<vmem>> -> memref<128xi32, #tpu.memory_space<vmem>>
    %dma_start3A_680 = arith.constant 0 : i32
    %dma_start3A_681 = arith.constant 0 : i32
    %dma_start3A_682 = tpu.memref_slice %arg3[%dma_start3A_680, %dma_start3A_681] : memref<1000001x32xf32, #tpu.memory_space<hbm>> -> memref<1000001x32xf32, #tpu.memory_space<hbm>>
    tpu.enqueue_indirect_dma source(%dma_start3A_682 : memref<1000001x32xf32, #tpu.memory_space<hbm>>) target(%dma_start3A_672 : memref<128x32xf32, #tpu.memory_space<vmem>>) offsets(%dma_start3A_679 : memref<128xi32, #tpu.memory_space<vmem>>) semaphore(%arg7 : memref<!tpu.dma_semaphore, #tpu.memory_space<semaphore_mem>>)
    %dma_start3A_683 = arith.constant 1 : i32
    %dma_start3A_684 = arith.constant 7 : i32
    %dma_start3A_685 = arith.constant 1 : i32
    %dma_start3A_686 = arith.constant 0 : i32
    %dma_start3A_687 = arith.constant 0 : i32
    %dma_start3A_688 = tpu.memref_slice %arg6[%dma_start3A_685, %dma_start3A_686, %dma_start3A_687] : memref<2x1664x32xf32, #tpu.memory_space<vmem>> -> memref<1x1664x32xf32, #tpu.memory_space<vmem>>
    %dma_start3A_689 = tpu.memref_squeeze %dma_start3A_688 : memref<1x1664x32xf32, #tpu.memory_space<vmem>> -> memref<1664x32xf32, #tpu.memory_space<vmem>>
    %dma_start3A_690 = arith.constant 896 : i32
    %dma_start3A_691 = arith.constant 0 : i32
    %dma_start3A_692 = tpu.memref_slice %dma_start3A_689[%dma_start3A_690, %dma_start3A_691] : memref<1664x32xf32, #tpu.memory_space<vmem>> -> memref<128x32xf32, #tpu.memory_space<vmem>>
    %dma_start3A_693 = arith.constant 0 : i32
    %dma_start3A_694 = arith.constant 0 : i32
    %dma_start3A_695 = tpu.memref_slice %arg5[%dma_start3A_683, %dma_start3A_693, %dma_start3A_694] : memref<2x13x128xi32, #tpu.memory_space<vmem>> -> memref<1x13x128xi32, #tpu.memory_space<vmem>>
    %dma_start3A_696 = tpu.memref_squeeze %dma_start3A_695 : memref<1x13x128xi32, #tpu.memory_space<vmem>> -> memref<13x128xi32, #tpu.memory_space<vmem>>
    %dma_start3A_697 = arith.constant 0 : i32
    %dma_start3A_698 = tpu.memref_slice %dma_start3A_696[%dma_start3A_684, %dma_start3A_697] : memref<13x128xi32, #tpu.memory_space<vmem>> -> memref<1x128xi32, #tpu.memory_space<vmem>>
    %dma_start3A_699 = tpu.memref_squeeze %dma_start3A_698 : memref<1x128xi32, #tpu.memory_space<vmem>> -> memref<128xi32, #tpu.memory_space<vmem>>
    %dma_start3A_700 = arith.constant 0 : i32
    %dma_start3A_701 = arith.constant 0 : i32
    %dma_start3A_702 = tpu.memref_slice %arg3[%dma_start3A_700, %dma_start3A_701] : memref<1000001x32xf32, #tpu.memory_space<hbm>> -> memref<1000001x32xf32, #tpu.memory_space<hbm>>
    tpu.enqueue_indirect_dma source(%dma_start3A_702 : memref<1000001x32xf32, #tpu.memory_space<hbm>>) target(%dma_start3A_692 : memref<128x32xf32, #tpu.memory_space<vmem>>) offsets(%dma_start3A_699 : memref<128xi32, #tpu.memory_space<vmem>>) semaphore(%arg7 : memref<!tpu.dma_semaphore, #tpu.memory_space<semaphore_mem>>)
    %dma_start3A_703 = arith.constant 1 : i32
    %dma_start3A_704 = arith.constant 8 : i32
    %dma_start3A_705 = arith.constant 1 : i32
    %dma_start3A_706 = arith.constant 0 : i32
    %dma_start3A_707 = arith.constant 0 : i32
    %dma_start3A_708 = tpu.memref_slice %arg6[%dma_start3A_705, %dma_start3A_706, %dma_start3A_707] : memref<2x1664x32xf32, #tpu.memory_space<vmem>> -> memref<1x1664x32xf32, #tpu.memory_space<vmem>>
    %dma_start3A_709 = tpu.memref_squeeze %dma_start3A_708 : memref<1x1664x32xf32, #tpu.memory_space<vmem>> -> memref<1664x32xf32, #tpu.memory_space<vmem>>
    %dma_start3A_710 = arith.constant 1024 : i32
    %dma_start3A_711 = arith.constant 0 : i32
    %dma_start3A_712 = tpu.memref_slice %dma_start3A_709[%dma_start3A_710, %dma_start3A_711] : memref<1664x32xf32, #tpu.memory_space<vmem>> -> memref<128x32xf32, #tpu.memory_space<vmem>>
    %dma_start3A_713 = arith.constant 0 : i32
    %dma_start3A_714 = arith.constant 0 : i32
    %dma_start3A_715 = tpu.memref_slice %arg5[%dma_start3A_703, %dma_start3A_713, %dma_start3A_714] : memref<2x13x128xi32, #tpu.memory_space<vmem>> -> memref<1x13x128xi32, #tpu.memory_space<vmem>>
    %dma_start3A_716 = tpu.memref_squeeze %dma_start3A_715 : memref<1x13x128xi32, #tpu.memory_space<vmem>> -> memref<13x128xi32, #tpu.memory_space<vmem>>
    %dma_start3A_717 = arith.constant 0 : i32
    %dma_start3A_718 = tpu.memref_slice %dma_start3A_716[%dma_start3A_704, %dma_start3A_717] : memref<13x128xi32, #tpu.memory_space<vmem>> -> memref<1x128xi32, #tpu.memory_space<vmem>>
    %dma_start3A_719 = tpu.memref_squeeze %dma_start3A_718 : memref<1x128xi32, #tpu.memory_space<vmem>> -> memref<128xi32, #tpu.memory_space<vmem>>
    %dma_start3A_720 = arith.constant 0 : i32
    %dma_start3A_721 = arith.constant 0 : i32
    %dma_start3A_722 = tpu.memref_slice %arg3[%dma_start3A_720, %dma_start3A_721] : memref<1000001x32xf32, #tpu.memory_space<hbm>> -> memref<1000001x32xf32, #tpu.memory_space<hbm>>
    tpu.enqueue_indirect_dma source(%dma_start3A_722 : memref<1000001x32xf32, #tpu.memory_space<hbm>>) target(%dma_start3A_712 : memref<128x32xf32, #tpu.memory_space<vmem>>) offsets(%dma_start3A_719 : memref<128xi32, #tpu.memory_space<vmem>>) semaphore(%arg7 : memref<!tpu.dma_semaphore, #tpu.memory_space<semaphore_mem>>)
    %dma_start3A_723 = arith.constant 1 : i32
    %dma_start3A_724 = arith.constant 9 : i32
    %dma_start3A_725 = arith.constant 1 : i32
    %dma_start3A_726 = arith.constant 0 : i32
    %dma_start3A_727 = arith.constant 0 : i32
    %dma_start3A_728 = tpu.memref_slice %arg6[%dma_start3A_725, %dma_start3A_726, %dma_start3A_727] : memref<2x1664x32xf32, #tpu.memory_space<vmem>> -> memref<1x1664x32xf32, #tpu.memory_space<vmem>>
    %dma_start3A_729 = tpu.memref_squeeze %dma_start3A_728 : memref<1x1664x32xf32, #tpu.memory_space<vmem>> -> memref<1664x32xf32, #tpu.memory_space<vmem>>
    %dma_start3A_730 = arith.constant 1152 : i32
    %dma_start3A_731 = arith.constant 0 : i32
    %dma_start3A_732 = tpu.memref_slice %dma_start3A_729[%dma_start3A_730, %dma_start3A_731] : memref<1664x32xf32, #tpu.memory_space<vmem>> -> memref<128x32xf32, #tpu.memory_space<vmem>>
    %dma_start3A_733 = arith.constant 0 : i32
    %dma_start3A_734 = arith.constant 0 : i32
    %dma_start3A_735 = tpu.memref_slice %arg5[%dma_start3A_723, %dma_start3A_733, %dma_start3A_734] : memref<2x13x128xi32, #tpu.memory_space<vmem>> -> memref<1x13x128xi32, #tpu.memory_space<vmem>>
    %dma_start3A_736 = tpu.memref_squeeze %dma_start3A_735 : memref<1x13x128xi32, #tpu.memory_space<vmem>> -> memref<13x128xi32, #tpu.memory_space<vmem>>
    %dma_start3A_737 = arith.constant 0 : i32
    %dma_start3A_738 = tpu.memref_slice %dma_start3A_736[%dma_start3A_724, %dma_start3A_737] : memref<13x128xi32, #tpu.memory_space<vmem>> -> memref<1x128xi32, #tpu.memory_space<vmem>>
    %dma_start3A_739 = tpu.memref_squeeze %dma_start3A_738 : memref<1x128xi32, #tpu.memory_space<vmem>> -> memref<128xi32, #tpu.memory_space<vmem>>
    %dma_start3A_740 = arith.constant 0 : i32
    %dma_start3A_741 = arith.constant 0 : i32
    %dma_start3A_742 = tpu.memref_slice %arg3[%dma_start3A_740, %dma_start3A_741] : memref<1000001x32xf32, #tpu.memory_space<hbm>> -> memref<1000001x32xf32, #tpu.memory_space<hbm>>
    tpu.enqueue_indirect_dma source(%dma_start3A_742 : memref<1000001x32xf32, #tpu.memory_space<hbm>>) target(%dma_start3A_732 : memref<128x32xf32, #tpu.memory_space<vmem>>) offsets(%dma_start3A_739 : memref<128xi32, #tpu.memory_space<vmem>>) semaphore(%arg7 : memref<!tpu.dma_semaphore, #tpu.memory_space<semaphore_mem>>)
    %dma_start3A_743 = arith.constant 1 : i32
    %dma_start3A_744 = arith.constant 10 : i32
    %dma_start3A_745 = arith.constant 1 : i32
    %dma_start3A_746 = arith.constant 0 : i32
    %dma_start3A_747 = arith.constant 0 : i32
    %dma_start3A_748 = tpu.memref_slice %arg6[%dma_start3A_745, %dma_start3A_746, %dma_start3A_747] : memref<2x1664x32xf32, #tpu.memory_space<vmem>> -> memref<1x1664x32xf32, #tpu.memory_space<vmem>>
    %dma_start3A_749 = tpu.memref_squeeze %dma_start3A_748 : memref<1x1664x32xf32, #tpu.memory_space<vmem>> -> memref<1664x32xf32, #tpu.memory_space<vmem>>
    %dma_start3A_750 = arith.constant 1280 : i32
    %dma_start3A_751 = arith.constant 0 : i32
    %dma_start3A_752 = tpu.memref_slice %dma_start3A_749[%dma_start3A_750, %dma_start3A_751] : memref<1664x32xf32, #tpu.memory_space<vmem>> -> memref<128x32xf32, #tpu.memory_space<vmem>>
    %dma_start3A_753 = arith.constant 0 : i32
    %dma_start3A_754 = arith.constant 0 : i32
    %dma_start3A_755 = tpu.memref_slice %arg5[%dma_start3A_743, %dma_start3A_753, %dma_start3A_754] : memref<2x13x128xi32, #tpu.memory_space<vmem>> -> memref<1x13x128xi32, #tpu.memory_space<vmem>>
    %dma_start3A_756 = tpu.memref_squeeze %dma_start3A_755 : memref<1x13x128xi32, #tpu.memory_space<vmem>> -> memref<13x128xi32, #tpu.memory_space<vmem>>
    %dma_start3A_757 = arith.constant 0 : i32
    %dma_start3A_758 = tpu.memref_slice %dma_start3A_756[%dma_start3A_744, %dma_start3A_757] : memref<13x128xi32, #tpu.memory_space<vmem>> -> memref<1x128xi32, #tpu.memory_space<vmem>>
    %dma_start3A_759 = tpu.memref_squeeze %dma_start3A_758 : memref<1x128xi32, #tpu.memory_space<vmem>> -> memref<128xi32, #tpu.memory_space<vmem>>
    %dma_start3A_760 = arith.constant 0 : i32
    %dma_start3A_761 = arith.constant 0 : i32
    %dma_start3A_762 = tpu.memref_slice %arg3[%dma_start3A_760, %dma_start3A_761] : memref<1000001x32xf32, #tpu.memory_space<hbm>> -> memref<1000001x32xf32, #tpu.memory_space<hbm>>
    tpu.enqueue_indirect_dma source(%dma_start3A_762 : memref<1000001x32xf32, #tpu.memory_space<hbm>>) target(%dma_start3A_752 : memref<128x32xf32, #tpu.memory_space<vmem>>) offsets(%dma_start3A_759 : memref<128xi32, #tpu.memory_space<vmem>>) semaphore(%arg7 : memref<!tpu.dma_semaphore, #tpu.memory_space<semaphore_mem>>)
    %dma_start3A_763 = arith.constant 1 : i32
    %dma_start3A_764 = arith.constant 11 : i32
    %dma_start3A_765 = arith.constant 1 : i32
    %dma_start3A_766 = arith.constant 0 : i32
    %dma_start3A_767 = arith.constant 0 : i32
    %dma_start3A_768 = tpu.memref_slice %arg6[%dma_start3A_765, %dma_start3A_766, %dma_start3A_767] : memref<2x1664x32xf32, #tpu.memory_space<vmem>> -> memref<1x1664x32xf32, #tpu.memory_space<vmem>>
    %dma_start3A_769 = tpu.memref_squeeze %dma_start3A_768 : memref<1x1664x32xf32, #tpu.memory_space<vmem>> -> memref<1664x32xf32, #tpu.memory_space<vmem>>
    %dma_start3A_770 = arith.constant 1408 : i32
    %dma_start3A_771 = arith.constant 0 : i32
    %dma_start3A_772 = tpu.memref_slice %dma_start3A_769[%dma_start3A_770, %dma_start3A_771] : memref<1664x32xf32, #tpu.memory_space<vmem>> -> memref<128x32xf32, #tpu.memory_space<vmem>>
    %dma_start3A_773 = arith.constant 0 : i32
    %dma_start3A_774 = arith.constant 0 : i32
    %dma_start3A_775 = tpu.memref_slice %arg5[%dma_start3A_763, %dma_start3A_773, %dma_start3A_774] : memref<2x13x128xi32, #tpu.memory_space<vmem>> -> memref<1x13x128xi32, #tpu.memory_space<vmem>>
    %dma_start3A_776 = tpu.memref_squeeze %dma_start3A_775 : memref<1x13x128xi32, #tpu.memory_space<vmem>> -> memref<13x128xi32, #tpu.memory_space<vmem>>
    %dma_start3A_777 = arith.constant 0 : i32
    %dma_start3A_778 = tpu.memref_slice %dma_start3A_776[%dma_start3A_764, %dma_start3A_777] : memref<13x128xi32, #tpu.memory_space<vmem>> -> memref<1x128xi32, #tpu.memory_space<vmem>>
    %dma_start3A_779 = tpu.memref_squeeze %dma_start3A_778 : memref<1x128xi32, #tpu.memory_space<vmem>> -> memref<128xi32, #tpu.memory_space<vmem>>
    %dma_start3A_780 = arith.constant 0 : i32
    %dma_start3A_781 = arith.constant 0 : i32
    %dma_start3A_782 = tpu.memref_slice %arg3[%dma_start3A_780, %dma_start3A_781] : memref<1000001x32xf32, #tpu.memory_space<hbm>> -> memref<1000001x32xf32, #tpu.memory_space<hbm>>
    tpu.enqueue_indirect_dma source(%dma_start3A_782 : memref<1000001x32xf32, #tpu.memory_space<hbm>>) target(%dma_start3A_772 : memref<128x32xf32, #tpu.memory_space<vmem>>) offsets(%dma_start3A_779 : memref<128xi32, #tpu.memory_space<vmem>>) semaphore(%arg7 : memref<!tpu.dma_semaphore, #tpu.memory_space<semaphore_mem>>)
    %dma_start3A_783 = arith.constant 1 : i32
    %dma_start3A_784 = arith.constant 12 : i32
    %dma_start3A_785 = arith.constant 1 : i32
    %dma_start3A_786 = arith.constant 0 : i32
    %dma_start3A_787 = arith.constant 0 : i32
    %dma_start3A_788 = tpu.memref_slice %arg6[%dma_start3A_785, %dma_start3A_786, %dma_start3A_787] : memref<2x1664x32xf32, #tpu.memory_space<vmem>> -> memref<1x1664x32xf32, #tpu.memory_space<vmem>>
    %dma_start3A_789 = tpu.memref_squeeze %dma_start3A_788 : memref<1x1664x32xf32, #tpu.memory_space<vmem>> -> memref<1664x32xf32, #tpu.memory_space<vmem>>
    %dma_start3A_790 = arith.constant 1536 : i32
    %dma_start3A_791 = arith.constant 0 : i32
    %dma_start3A_792 = tpu.memref_slice %dma_start3A_789[%dma_start3A_790, %dma_start3A_791] : memref<1664x32xf32, #tpu.memory_space<vmem>> -> memref<128x32xf32, #tpu.memory_space<vmem>>
    %dma_start3A_793 = arith.constant 0 : i32
    %dma_start3A_794 = arith.constant 0 : i32
    %dma_start3A_795 = tpu.memref_slice %arg5[%dma_start3A_783, %dma_start3A_793, %dma_start3A_794] : memref<2x13x128xi32, #tpu.memory_space<vmem>> -> memref<1x13x128xi32, #tpu.memory_space<vmem>>
    %dma_start3A_796 = tpu.memref_squeeze %dma_start3A_795 : memref<1x13x128xi32, #tpu.memory_space<vmem>> -> memref<13x128xi32, #tpu.memory_space<vmem>>
    %dma_start3A_797 = arith.constant 0 : i32
    %dma_start3A_798 = tpu.memref_slice %dma_start3A_796[%dma_start3A_784, %dma_start3A_797] : memref<13x128xi32, #tpu.memory_space<vmem>> -> memref<1x128xi32, #tpu.memory_space<vmem>>
    %dma_start3A_799 = tpu.memref_squeeze %dma_start3A_798 : memref<1x128xi32, #tpu.memory_space<vmem>> -> memref<128xi32, #tpu.memory_space<vmem>>
    %dma_start3A_800 = arith.constant 0 : i32
    %dma_start3A_801 = arith.constant 0 : i32
    %dma_start3A_802 = tpu.memref_slice %arg3[%dma_start3A_800, %dma_start3A_801] : memref<1000001x32xf32, #tpu.memory_space<hbm>> -> memref<1000001x32xf32, #tpu.memory_space<hbm>>
    tpu.enqueue_indirect_dma source(%dma_start3A_802 : memref<1000001x32xf32, #tpu.memory_space<hbm>>) target(%dma_start3A_792 : memref<128x32xf32, #tpu.memory_space<vmem>>) offsets(%dma_start3A_799 : memref<128xi32, #tpu.memory_space<vmem>>) semaphore(%arg7 : memref<!tpu.dma_semaphore, #tpu.memory_space<semaphore_mem>>)
    %dma_wait3A_803 = arith.constant 1 : i32
    %dma_wait3A_804 = arith.constant 0 : i32
    %dma_wait3A_805 = arith.constant 1 : i32
    %dma_wait3A_806 = arith.constant 0 : i32
    %dma_wait3A_807 = arith.constant 0 : i32
    %dma_wait3A_808 = tpu.memref_slice %arg6[%dma_wait3A_805, %dma_wait3A_806, %dma_wait3A_807] : memref<2x1664x32xf32, #tpu.memory_space<vmem>> -> memref<1x1664x32xf32, #tpu.memory_space<vmem>>
    %dma_wait3A_809 = tpu.memref_squeeze %dma_wait3A_808 : memref<1x1664x32xf32, #tpu.memory_space<vmem>> -> memref<1664x32xf32, #tpu.memory_space<vmem>>
    %dma_wait3A_810 = arith.constant 0 : i32
    %dma_wait3A_811 = arith.constant 0 : i32
    %dma_wait3A_812 = tpu.memref_slice %dma_wait3A_809[%dma_wait3A_810, %dma_wait3A_811] : memref<1664x32xf32, #tpu.memory_space<vmem>> -> memref<128x32xf32, #tpu.memory_space<vmem>>
    %dma_wait3A_813 = arith.constant 0 : i32
    %dma_wait3A_814 = arith.constant 0 : i32
    %dma_wait3A_815 = tpu.memref_slice %arg5[%dma_wait3A_803, %dma_wait3A_813, %dma_wait3A_814] : memref<2x13x128xi32, #tpu.memory_space<vmem>> -> memref<1x13x128xi32, #tpu.memory_space<vmem>>
    %dma_wait3A_816 = tpu.memref_squeeze %dma_wait3A_815 : memref<1x13x128xi32, #tpu.memory_space<vmem>> -> memref<13x128xi32, #tpu.memory_space<vmem>>
    %dma_wait3A_817 = arith.constant 0 : i32
    %dma_wait3A_818 = tpu.memref_slice %dma_wait3A_816[%dma_wait3A_804, %dma_wait3A_817] : memref<13x128xi32, #tpu.memory_space<vmem>> -> memref<1x128xi32, #tpu.memory_space<vmem>>
    %dma_wait3A_819 = tpu.memref_squeeze %dma_wait3A_818 : memref<1x128xi32, #tpu.memory_space<vmem>> -> memref<128xi32, #tpu.memory_space<vmem>>
    %dma_wait3A_820 = arith.constant 0 : i32
    %dma_wait3A_821 = arith.constant 0 : i32
    %dma_wait3A_822 = tpu.memref_slice %arg3[%dma_wait3A_820, %dma_wait3A_821] : memref<1000001x32xf32, #tpu.memory_space<hbm>> -> memref<1000001x32xf32, #tpu.memory_space<hbm>>
    tpu.wait_indirect_dma semaphore(%arg7 : memref<!tpu.dma_semaphore, #tpu.memory_space<semaphore_mem>>) src(%dma_wait3A_822 : memref<1000001x32xf32, #tpu.memory_space<hbm>>) dst(%dma_wait3A_812 : memref<128x32xf32, #tpu.memory_space<vmem>>)
    %dma_wait3A_823 = arith.constant 1 : i32
    %dma_wait3A_824 = arith.constant 1 : i32
    %dma_wait3A_825 = arith.constant 1 : i32
    %dma_wait3A_826 = arith.constant 0 : i32
    %dma_wait3A_827 = arith.constant 0 : i32
    %dma_wait3A_828 = tpu.memref_slice %arg6[%dma_wait3A_825, %dma_wait3A_826, %dma_wait3A_827] : memref<2x1664x32xf32, #tpu.memory_space<vmem>> -> memref<1x1664x32xf32, #tpu.memory_space<vmem>>
    %dma_wait3A_829 = tpu.memref_squeeze %dma_wait3A_828 : memref<1x1664x32xf32, #tpu.memory_space<vmem>> -> memref<1664x32xf32, #tpu.memory_space<vmem>>
    %dma_wait3A_830 = arith.constant 128 : i32
    %dma_wait3A_831 = arith.constant 0 : i32
    %dma_wait3A_832 = tpu.memref_slice %dma_wait3A_829[%dma_wait3A_830, %dma_wait3A_831] : memref<1664x32xf32, #tpu.memory_space<vmem>> -> memref<128x32xf32, #tpu.memory_space<vmem>>
    %dma_wait3A_833 = arith.constant 0 : i32
    %dma_wait3A_834 = arith.constant 0 : i32
    %dma_wait3A_835 = tpu.memref_slice %arg5[%dma_wait3A_823, %dma_wait3A_833, %dma_wait3A_834] : memref<2x13x128xi32, #tpu.memory_space<vmem>> -> memref<1x13x128xi32, #tpu.memory_space<vmem>>
    %dma_wait3A_836 = tpu.memref_squeeze %dma_wait3A_835 : memref<1x13x128xi32, #tpu.memory_space<vmem>> -> memref<13x128xi32, #tpu.memory_space<vmem>>
    %dma_wait3A_837 = arith.constant 0 : i32
    %dma_wait3A_838 = tpu.memref_slice %dma_wait3A_836[%dma_wait3A_824, %dma_wait3A_837] : memref<13x128xi32, #tpu.memory_space<vmem>> -> memref<1x128xi32, #tpu.memory_space<vmem>>
    %dma_wait3A_839 = tpu.memref_squeeze %dma_wait3A_838 : memref<1x128xi32, #tpu.memory_space<vmem>> -> memref<128xi32, #tpu.memory_space<vmem>>
    %dma_wait3A_840 = arith.constant 0 : i32
    %dma_wait3A_841 = arith.constant 0 : i32
    %dma_wait3A_842 = tpu.memref_slice %arg3[%dma_wait3A_840, %dma_wait3A_841] : memref<1000001x32xf32, #tpu.memory_space<hbm>> -> memref<1000001x32xf32, #tpu.memory_space<hbm>>
    tpu.wait_indirect_dma semaphore(%arg7 : memref<!tpu.dma_semaphore, #tpu.memory_space<semaphore_mem>>) src(%dma_wait3A_842 : memref<1000001x32xf32, #tpu.memory_space<hbm>>) dst(%dma_wait3A_832 : memref<128x32xf32, #tpu.memory_space<vmem>>)
    %dma_wait3A_843 = arith.constant 1 : i32
    %dma_wait3A_844 = arith.constant 2 : i32
    %dma_wait3A_845 = arith.constant 1 : i32
    %dma_wait3A_846 = arith.constant 0 : i32
    %dma_wait3A_847 = arith.constant 0 : i32
    %dma_wait3A_848 = tpu.memref_slice %arg6[%dma_wait3A_845, %dma_wait3A_846, %dma_wait3A_847] : memref<2x1664x32xf32, #tpu.memory_space<vmem>> -> memref<1x1664x32xf32, #tpu.memory_space<vmem>>
    %dma_wait3A_849 = tpu.memref_squeeze %dma_wait3A_848 : memref<1x1664x32xf32, #tpu.memory_space<vmem>> -> memref<1664x32xf32, #tpu.memory_space<vmem>>
    %dma_wait3A_850 = arith.constant 256 : i32
    %dma_wait3A_851 = arith.constant 0 : i32
    %dma_wait3A_852 = tpu.memref_slice %dma_wait3A_849[%dma_wait3A_850, %dma_wait3A_851] : memref<1664x32xf32, #tpu.memory_space<vmem>> -> memref<128x32xf32, #tpu.memory_space<vmem>>
    %dma_wait3A_853 = arith.constant 0 : i32
    %dma_wait3A_854 = arith.constant 0 : i32
    %dma_wait3A_855 = tpu.memref_slice %arg5[%dma_wait3A_843, %dma_wait3A_853, %dma_wait3A_854] : memref<2x13x128xi32, #tpu.memory_space<vmem>> -> memref<1x13x128xi32, #tpu.memory_space<vmem>>
    %dma_wait3A_856 = tpu.memref_squeeze %dma_wait3A_855 : memref<1x13x128xi32, #tpu.memory_space<vmem>> -> memref<13x128xi32, #tpu.memory_space<vmem>>
    %dma_wait3A_857 = arith.constant 0 : i32
    %dma_wait3A_858 = tpu.memref_slice %dma_wait3A_856[%dma_wait3A_844, %dma_wait3A_857] : memref<13x128xi32, #tpu.memory_space<vmem>> -> memref<1x128xi32, #tpu.memory_space<vmem>>
    %dma_wait3A_859 = tpu.memref_squeeze %dma_wait3A_858 : memref<1x128xi32, #tpu.memory_space<vmem>> -> memref<128xi32, #tpu.memory_space<vmem>>
    %dma_wait3A_860 = arith.constant 0 : i32
    %dma_wait3A_861 = arith.constant 0 : i32
    %dma_wait3A_862 = tpu.memref_slice %arg3[%dma_wait3A_860, %dma_wait3A_861] : memref<1000001x32xf32, #tpu.memory_space<hbm>> -> memref<1000001x32xf32, #tpu.memory_space<hbm>>
    tpu.wait_indirect_dma semaphore(%arg7 : memref<!tpu.dma_semaphore, #tpu.memory_space<semaphore_mem>>) src(%dma_wait3A_862 : memref<1000001x32xf32, #tpu.memory_space<hbm>>) dst(%dma_wait3A_852 : memref<128x32xf32, #tpu.memory_space<vmem>>)
    %dma_wait3A_863 = arith.constant 1 : i32
    %dma_wait3A_864 = arith.constant 3 : i32
    %dma_wait3A_865 = arith.constant 1 : i32
    %dma_wait3A_866 = arith.constant 0 : i32
    %dma_wait3A_867 = arith.constant 0 : i32
    %dma_wait3A_868 = tpu.memref_slice %arg6[%dma_wait3A_865, %dma_wait3A_866, %dma_wait3A_867] : memref<2x1664x32xf32, #tpu.memory_space<vmem>> -> memref<1x1664x32xf32, #tpu.memory_space<vmem>>
    %dma_wait3A_869 = tpu.memref_squeeze %dma_wait3A_868 : memref<1x1664x32xf32, #tpu.memory_space<vmem>> -> memref<1664x32xf32, #tpu.memory_space<vmem>>
    %dma_wait3A_870 = arith.constant 384 : i32
    %dma_wait3A_871 = arith.constant 0 : i32
    %dma_wait3A_872 = tpu.memref_slice %dma_wait3A_869[%dma_wait3A_870, %dma_wait3A_871] : memref<1664x32xf32, #tpu.memory_space<vmem>> -> memref<128x32xf32, #tpu.memory_space<vmem>>
    %dma_wait3A_873 = arith.constant 0 : i32
    %dma_wait3A_874 = arith.constant 0 : i32
    %dma_wait3A_875 = tpu.memref_slice %arg5[%dma_wait3A_863, %dma_wait3A_873, %dma_wait3A_874] : memref<2x13x128xi32, #tpu.memory_space<vmem>> -> memref<1x13x128xi32, #tpu.memory_space<vmem>>
    %dma_wait3A_876 = tpu.memref_squeeze %dma_wait3A_875 : memref<1x13x128xi32, #tpu.memory_space<vmem>> -> memref<13x128xi32, #tpu.memory_space<vmem>>
    %dma_wait3A_877 = arith.constant 0 : i32
    %dma_wait3A_878 = tpu.memref_slice %dma_wait3A_876[%dma_wait3A_864, %dma_wait3A_877] : memref<13x128xi32, #tpu.memory_space<vmem>> -> memref<1x128xi32, #tpu.memory_space<vmem>>
    %dma_wait3A_879 = tpu.memref_squeeze %dma_wait3A_878 : memref<1x128xi32, #tpu.memory_space<vmem>> -> memref<128xi32, #tpu.memory_space<vmem>>
    %dma_wait3A_880 = arith.constant 0 : i32
    %dma_wait3A_881 = arith.constant 0 : i32
    %dma_wait3A_882 = tpu.memref_slice %arg3[%dma_wait3A_880, %dma_wait3A_881] : memref<1000001x32xf32, #tpu.memory_space<hbm>> -> memref<1000001x32xf32, #tpu.memory_space<hbm>>
    tpu.wait_indirect_dma semaphore(%arg7 : memref<!tpu.dma_semaphore, #tpu.memory_space<semaphore_mem>>) src(%dma_wait3A_882 : memref<1000001x32xf32, #tpu.memory_space<hbm>>) dst(%dma_wait3A_872 : memref<128x32xf32, #tpu.memory_space<vmem>>)
    %dma_wait3A_883 = arith.constant 1 : i32
    %dma_wait3A_884 = arith.constant 4 : i32
    %dma_wait3A_885 = arith.constant 1 : i32
    %dma_wait3A_886 = arith.constant 0 : i32
    %dma_wait3A_887 = arith.constant 0 : i32
    %dma_wait3A_888 = tpu.memref_slice %arg6[%dma_wait3A_885, %dma_wait3A_886, %dma_wait3A_887] : memref<2x1664x32xf32, #tpu.memory_space<vmem>> -> memref<1x1664x32xf32, #tpu.memory_space<vmem>>
    %dma_wait3A_889 = tpu.memref_squeeze %dma_wait3A_888 : memref<1x1664x32xf32, #tpu.memory_space<vmem>> -> memref<1664x32xf32, #tpu.memory_space<vmem>>
    %dma_wait3A_890 = arith.constant 512 : i32
    %dma_wait3A_891 = arith.constant 0 : i32
    %dma_wait3A_892 = tpu.memref_slice %dma_wait3A_889[%dma_wait3A_890, %dma_wait3A_891] : memref<1664x32xf32, #tpu.memory_space<vmem>> -> memref<128x32xf32, #tpu.memory_space<vmem>>
    %dma_wait3A_893 = arith.constant 0 : i32
    %dma_wait3A_894 = arith.constant 0 : i32
    %dma_wait3A_895 = tpu.memref_slice %arg5[%dma_wait3A_883, %dma_wait3A_893, %dma_wait3A_894] : memref<2x13x128xi32, #tpu.memory_space<vmem>> -> memref<1x13x128xi32, #tpu.memory_space<vmem>>
    %dma_wait3A_896 = tpu.memref_squeeze %dma_wait3A_895 : memref<1x13x128xi32, #tpu.memory_space<vmem>> -> memref<13x128xi32, #tpu.memory_space<vmem>>
    %dma_wait3A_897 = arith.constant 0 : i32
    %dma_wait3A_898 = tpu.memref_slice %dma_wait3A_896[%dma_wait3A_884, %dma_wait3A_897] : memref<13x128xi32, #tpu.memory_space<vmem>> -> memref<1x128xi32, #tpu.memory_space<vmem>>
    %dma_wait3A_899 = tpu.memref_squeeze %dma_wait3A_898 : memref<1x128xi32, #tpu.memory_space<vmem>> -> memref<128xi32, #tpu.memory_space<vmem>>
    %dma_wait3A_900 = arith.constant 0 : i32
    %dma_wait3A_901 = arith.constant 0 : i32
    %dma_wait3A_902 = tpu.memref_slice %arg3[%dma_wait3A_900, %dma_wait3A_901] : memref<1000001x32xf32, #tpu.memory_space<hbm>> -> memref<1000001x32xf32, #tpu.memory_space<hbm>>
    tpu.wait_indirect_dma semaphore(%arg7 : memref<!tpu.dma_semaphore, #tpu.memory_space<semaphore_mem>>) src(%dma_wait3A_902 : memref<1000001x32xf32, #tpu.memory_space<hbm>>) dst(%dma_wait3A_892 : memref<128x32xf32, #tpu.memory_space<vmem>>)
    %dma_wait3A_903 = arith.constant 1 : i32
    %dma_wait3A_904 = arith.constant 5 : i32
    %dma_wait3A_905 = arith.constant 1 : i32
    %dma_wait3A_906 = arith.constant 0 : i32
    %dma_wait3A_907 = arith.constant 0 : i32
    %dma_wait3A_908 = tpu.memref_slice %arg6[%dma_wait3A_905, %dma_wait3A_906, %dma_wait3A_907] : memref<2x1664x32xf32, #tpu.memory_space<vmem>> -> memref<1x1664x32xf32, #tpu.memory_space<vmem>>
    %dma_wait3A_909 = tpu.memref_squeeze %dma_wait3A_908 : memref<1x1664x32xf32, #tpu.memory_space<vmem>> -> memref<1664x32xf32, #tpu.memory_space<vmem>>
    %dma_wait3A_910 = arith.constant 640 : i32
    %dma_wait3A_911 = arith.constant 0 : i32
    %dma_wait3A_912 = tpu.memref_slice %dma_wait3A_909[%dma_wait3A_910, %dma_wait3A_911] : memref<1664x32xf32, #tpu.memory_space<vmem>> -> memref<128x32xf32, #tpu.memory_space<vmem>>
    %dma_wait3A_913 = arith.constant 0 : i32
    %dma_wait3A_914 = arith.constant 0 : i32
    %dma_wait3A_915 = tpu.memref_slice %arg5[%dma_wait3A_903, %dma_wait3A_913, %dma_wait3A_914] : memref<2x13x128xi32, #tpu.memory_space<vmem>> -> memref<1x13x128xi32, #tpu.memory_space<vmem>>
    %dma_wait3A_916 = tpu.memref_squeeze %dma_wait3A_915 : memref<1x13x128xi32, #tpu.memory_space<vmem>> -> memref<13x128xi32, #tpu.memory_space<vmem>>
    %dma_wait3A_917 = arith.constant 0 : i32
    %dma_wait3A_918 = tpu.memref_slice %dma_wait3A_916[%dma_wait3A_904, %dma_wait3A_917] : memref<13x128xi32, #tpu.memory_space<vmem>> -> memref<1x128xi32, #tpu.memory_space<vmem>>
    %dma_wait3A_919 = tpu.memref_squeeze %dma_wait3A_918 : memref<1x128xi32, #tpu.memory_space<vmem>> -> memref<128xi32, #tpu.memory_space<vmem>>
    %dma_wait3A_920 = arith.constant 0 : i32
    %dma_wait3A_921 = arith.constant 0 : i32
    %dma_wait3A_922 = tpu.memref_slice %arg3[%dma_wait3A_920, %dma_wait3A_921] : memref<1000001x32xf32, #tpu.memory_space<hbm>> -> memref<1000001x32xf32, #tpu.memory_space<hbm>>
    tpu.wait_indirect_dma semaphore(%arg7 : memref<!tpu.dma_semaphore, #tpu.memory_space<semaphore_mem>>) src(%dma_wait3A_922 : memref<1000001x32xf32, #tpu.memory_space<hbm>>) dst(%dma_wait3A_912 : memref<128x32xf32, #tpu.memory_space<vmem>>)
    %dma_wait3A_923 = arith.constant 1 : i32
    %dma_wait3A_924 = arith.constant 6 : i32
    %dma_wait3A_925 = arith.constant 1 : i32
    %dma_wait3A_926 = arith.constant 0 : i32
    %dma_wait3A_927 = arith.constant 0 : i32
    %dma_wait3A_928 = tpu.memref_slice %arg6[%dma_wait3A_925, %dma_wait3A_926, %dma_wait3A_927] : memref<2x1664x32xf32, #tpu.memory_space<vmem>> -> memref<1x1664x32xf32, #tpu.memory_space<vmem>>
    %dma_wait3A_929 = tpu.memref_squeeze %dma_wait3A_928 : memref<1x1664x32xf32, #tpu.memory_space<vmem>> -> memref<1664x32xf32, #tpu.memory_space<vmem>>
    %dma_wait3A_930 = arith.constant 768 : i32
    %dma_wait3A_931 = arith.constant 0 : i32
    %dma_wait3A_932 = tpu.memref_slice %dma_wait3A_929[%dma_wait3A_930, %dma_wait3A_931] : memref<1664x32xf32, #tpu.memory_space<vmem>> -> memref<128x32xf32, #tpu.memory_space<vmem>>
    %dma_wait3A_933 = arith.constant 0 : i32
    %dma_wait3A_934 = arith.constant 0 : i32
    %dma_wait3A_935 = tpu.memref_slice %arg5[%dma_wait3A_923, %dma_wait3A_933, %dma_wait3A_934] : memref<2x13x128xi32, #tpu.memory_space<vmem>> -> memref<1x13x128xi32, #tpu.memory_space<vmem>>
    %dma_wait3A_936 = tpu.memref_squeeze %dma_wait3A_935 : memref<1x13x128xi32, #tpu.memory_space<vmem>> -> memref<13x128xi32, #tpu.memory_space<vmem>>
    %dma_wait3A_937 = arith.constant 0 : i32
    %dma_wait3A_938 = tpu.memref_slice %dma_wait3A_936[%dma_wait3A_924, %dma_wait3A_937] : memref<13x128xi32, #tpu.memory_space<vmem>> -> memref<1x128xi32, #tpu.memory_space<vmem>>
    %dma_wait3A_939 = tpu.memref_squeeze %dma_wait3A_938 : memref<1x128xi32, #tpu.memory_space<vmem>> -> memref<128xi32, #tpu.memory_space<vmem>>
    %dma_wait3A_940 = arith.constant 0 : i32
    %dma_wait3A_941 = arith.constant 0 : i32
    %dma_wait3A_942 = tpu.memref_slice %arg3[%dma_wait3A_940, %dma_wait3A_941] : memref<1000001x32xf32, #tpu.memory_space<hbm>> -> memref<1000001x32xf32, #tpu.memory_space<hbm>>
    tpu.wait_indirect_dma semaphore(%arg7 : memref<!tpu.dma_semaphore, #tpu.memory_space<semaphore_mem>>) src(%dma_wait3A_942 : memref<1000001x32xf32, #tpu.memory_space<hbm>>) dst(%dma_wait3A_932 : memref<128x32xf32, #tpu.memory_space<vmem>>)
    %dma_wait3A_943 = arith.constant 1 : i32
    %dma_wait3A_944 = arith.constant 7 : i32
    %dma_wait3A_945 = arith.constant 1 : i32
    %dma_wait3A_946 = arith.constant 0 : i32
    %dma_wait3A_947 = arith.constant 0 : i32
    %dma_wait3A_948 = tpu.memref_slice %arg6[%dma_wait3A_945, %dma_wait3A_946, %dma_wait3A_947] : memref<2x1664x32xf32, #tpu.memory_space<vmem>> -> memref<1x1664x32xf32, #tpu.memory_space<vmem>>
    %dma_wait3A_949 = tpu.memref_squeeze %dma_wait3A_948 : memref<1x1664x32xf32, #tpu.memory_space<vmem>> -> memref<1664x32xf32, #tpu.memory_space<vmem>>
    %dma_wait3A_950 = arith.constant 896 : i32
    %dma_wait3A_951 = arith.constant 0 : i32
    %dma_wait3A_952 = tpu.memref_slice %dma_wait3A_949[%dma_wait3A_950, %dma_wait3A_951] : memref<1664x32xf32, #tpu.memory_space<vmem>> -> memref<128x32xf32, #tpu.memory_space<vmem>>
    %dma_wait3A_953 = arith.constant 0 : i32
    %dma_wait3A_954 = arith.constant 0 : i32
    %dma_wait3A_955 = tpu.memref_slice %arg5[%dma_wait3A_943, %dma_wait3A_953, %dma_wait3A_954] : memref<2x13x128xi32, #tpu.memory_space<vmem>> -> memref<1x13x128xi32, #tpu.memory_space<vmem>>
    %dma_wait3A_956 = tpu.memref_squeeze %dma_wait3A_955 : memref<1x13x128xi32, #tpu.memory_space<vmem>> -> memref<13x128xi32, #tpu.memory_space<vmem>>
    %dma_wait3A_957 = arith.constant 0 : i32
    %dma_wait3A_958 = tpu.memref_slice %dma_wait3A_956[%dma_wait3A_944, %dma_wait3A_957] : memref<13x128xi32, #tpu.memory_space<vmem>> -> memref<1x128xi32, #tpu.memory_space<vmem>>
    %dma_wait3A_959 = tpu.memref_squeeze %dma_wait3A_958 : memref<1x128xi32, #tpu.memory_space<vmem>> -> memref<128xi32, #tpu.memory_space<vmem>>
    %dma_wait3A_960 = arith.constant 0 : i32
    %dma_wait3A_961 = arith.constant 0 : i32
    %dma_wait3A_962 = tpu.memref_slice %arg3[%dma_wait3A_960, %dma_wait3A_961] : memref<1000001x32xf32, #tpu.memory_space<hbm>> -> memref<1000001x32xf32, #tpu.memory_space<hbm>>
    tpu.wait_indirect_dma semaphore(%arg7 : memref<!tpu.dma_semaphore, #tpu.memory_space<semaphore_mem>>) src(%dma_wait3A_962 : memref<1000001x32xf32, #tpu.memory_space<hbm>>) dst(%dma_wait3A_952 : memref<128x32xf32, #tpu.memory_space<vmem>>)
    %dma_wait3A_963 = arith.constant 1 : i32
    %dma_wait3A_964 = arith.constant 8 : i32
    %dma_wait3A_965 = arith.constant 1 : i32
    %dma_wait3A_966 = arith.constant 0 : i32
    %dma_wait3A_967 = arith.constant 0 : i32
    %dma_wait3A_968 = tpu.memref_slice %arg6[%dma_wait3A_965, %dma_wait3A_966, %dma_wait3A_967] : memref<2x1664x32xf32, #tpu.memory_space<vmem>> -> memref<1x1664x32xf32, #tpu.memory_space<vmem>>
    %dma_wait3A_969 = tpu.memref_squeeze %dma_wait3A_968 : memref<1x1664x32xf32, #tpu.memory_space<vmem>> -> memref<1664x32xf32, #tpu.memory_space<vmem>>
    %dma_wait3A_970 = arith.constant 1024 : i32
    %dma_wait3A_971 = arith.constant 0 : i32
    %dma_wait3A_972 = tpu.memref_slice %dma_wait3A_969[%dma_wait3A_970, %dma_wait3A_971] : memref<1664x32xf32, #tpu.memory_space<vmem>> -> memref<128x32xf32, #tpu.memory_space<vmem>>
    %dma_wait3A_973 = arith.constant 0 : i32
    %dma_wait3A_974 = arith.constant 0 : i32
    %dma_wait3A_975 = tpu.memref_slice %arg5[%dma_wait3A_963, %dma_wait3A_973, %dma_wait3A_974] : memref<2x13x128xi32, #tpu.memory_space<vmem>> -> memref<1x13x128xi32, #tpu.memory_space<vmem>>
    %dma_wait3A_976 = tpu.memref_squeeze %dma_wait3A_975 : memref<1x13x128xi32, #tpu.memory_space<vmem>> -> memref<13x128xi32, #tpu.memory_space<vmem>>
    %dma_wait3A_977 = arith.constant 0 : i32
    %dma_wait3A_978 = tpu.memref_slice %dma_wait3A_976[%dma_wait3A_964, %dma_wait3A_977] : memref<13x128xi32, #tpu.memory_space<vmem>> -> memref<1x128xi32, #tpu.memory_space<vmem>>
    %dma_wait3A_979 = tpu.memref_squeeze %dma_wait3A_978 : memref<1x128xi32, #tpu.memory_space<vmem>> -> memref<128xi32, #tpu.memory_space<vmem>>
    %dma_wait3A_980 = arith.constant 0 : i32
    %dma_wait3A_981 = arith.constant 0 : i32
    %dma_wait3A_982 = tpu.memref_slice %arg3[%dma_wait3A_980, %dma_wait3A_981] : memref<1000001x32xf32, #tpu.memory_space<hbm>> -> memref<1000001x32xf32, #tpu.memory_space<hbm>>
    tpu.wait_indirect_dma semaphore(%arg7 : memref<!tpu.dma_semaphore, #tpu.memory_space<semaphore_mem>>) src(%dma_wait3A_982 : memref<1000001x32xf32, #tpu.memory_space<hbm>>) dst(%dma_wait3A_972 : memref<128x32xf32, #tpu.memory_space<vmem>>)
    %dma_wait3A_983 = arith.constant 1 : i32
    %dma_wait3A_984 = arith.constant 9 : i32
    %dma_wait3A_985 = arith.constant 1 : i32
    %dma_wait3A_986 = arith.constant 0 : i32
    %dma_wait3A_987 = arith.constant 0 : i32
    %dma_wait3A_988 = tpu.memref_slice %arg6[%dma_wait3A_985, %dma_wait3A_986, %dma_wait3A_987] : memref<2x1664x32xf32, #tpu.memory_space<vmem>> -> memref<1x1664x32xf32, #tpu.memory_space<vmem>>
    %dma_wait3A_989 = tpu.memref_squeeze %dma_wait3A_988 : memref<1x1664x32xf32, #tpu.memory_space<vmem>> -> memref<1664x32xf32, #tpu.memory_space<vmem>>
    %dma_wait3A_990 = arith.constant 1152 : i32
    %dma_wait3A_991 = arith.constant 0 : i32
    %dma_wait3A_992 = tpu.memref_slice %dma_wait3A_989[%dma_wait3A_990, %dma_wait3A_991] : memref<1664x32xf32, #tpu.memory_space<vmem>> -> memref<128x32xf32, #tpu.memory_space<vmem>>
    %dma_wait3A_993 = arith.constant 0 : i32
    %dma_wait3A_994 = arith.constant 0 : i32
    %dma_wait3A_995 = tpu.memref_slice %arg5[%dma_wait3A_983, %dma_wait3A_993, %dma_wait3A_994] : memref<2x13x128xi32, #tpu.memory_space<vmem>> -> memref<1x13x128xi32, #tpu.memory_space<vmem>>
    %dma_wait3A_996 = tpu.memref_squeeze %dma_wait3A_995 : memref<1x13x128xi32, #tpu.memory_space<vmem>> -> memref<13x128xi32, #tpu.memory_space<vmem>>
    %dma_wait3A_997 = arith.constant 0 : i32
    %dma_wait3A_998 = tpu.memref_slice %dma_wait3A_996[%dma_wait3A_984, %dma_wait3A_997] : memref<13x128xi32, #tpu.memory_space<vmem>> -> memref<1x128xi32, #tpu.memory_space<vmem>>
    %dma_wait3A_999 = tpu.memref_squeeze %dma_wait3A_998 : memref<1x128xi32, #tpu.memory_space<vmem>> -> memref<128xi32, #tpu.memory_space<vmem>>
    %dma_wait3A_1000 = arith.constant 0 : i32
    %dma_wait3A_1001 = arith.constant 0 : i32
    %dma_wait3A_1002 = tpu.memref_slice %arg3[%dma_wait3A_1000, %dma_wait3A_1001] : memref<1000001x32xf32, #tpu.memory_space<hbm>> -> memref<1000001x32xf32, #tpu.memory_space<hbm>>
    tpu.wait_indirect_dma semaphore(%arg7 : memref<!tpu.dma_semaphore, #tpu.memory_space<semaphore_mem>>) src(%dma_wait3A_1002 : memref<1000001x32xf32, #tpu.memory_space<hbm>>) dst(%dma_wait3A_992 : memref<128x32xf32, #tpu.memory_space<vmem>>)
    %dma_wait3A_1003 = arith.constant 1 : i32
    %dma_wait3A_1004 = arith.constant 10 : i32
    %dma_wait3A_1005 = arith.constant 1 : i32
    %dma_wait3A_1006 = arith.constant 0 : i32
    %dma_wait3A_1007 = arith.constant 0 : i32
    %dma_wait3A_1008 = tpu.memref_slice %arg6[%dma_wait3A_1005, %dma_wait3A_1006, %dma_wait3A_1007] : memref<2x1664x32xf32, #tpu.memory_space<vmem>> -> memref<1x1664x32xf32, #tpu.memory_space<vmem>>
    %dma_wait3A_1009 = tpu.memref_squeeze %dma_wait3A_1008 : memref<1x1664x32xf32, #tpu.memory_space<vmem>> -> memref<1664x32xf32, #tpu.memory_space<vmem>>
    %dma_wait3A_1010 = arith.constant 1280 : i32
    %dma_wait3A_1011 = arith.constant 0 : i32
    %dma_wait3A_1012 = tpu.memref_slice %dma_wait3A_1009[%dma_wait3A_1010, %dma_wait3A_1011] : memref<1664x32xf32, #tpu.memory_space<vmem>> -> memref<128x32xf32, #tpu.memory_space<vmem>>
    %dma_wait3A_1013 = arith.constant 0 : i32
    %dma_wait3A_1014 = arith.constant 0 : i32
    %dma_wait3A_1015 = tpu.memref_slice %arg5[%dma_wait3A_1003, %dma_wait3A_1013, %dma_wait3A_1014] : memref<2x13x128xi32, #tpu.memory_space<vmem>> -> memref<1x13x128xi32, #tpu.memory_space<vmem>>
    %dma_wait3A_1016 = tpu.memref_squeeze %dma_wait3A_1015 : memref<1x13x128xi32, #tpu.memory_space<vmem>> -> memref<13x128xi32, #tpu.memory_space<vmem>>
    %dma_wait3A_1017 = arith.constant 0 : i32
    %dma_wait3A_1018 = tpu.memref_slice %dma_wait3A_1016[%dma_wait3A_1004, %dma_wait3A_1017] : memref<13x128xi32, #tpu.memory_space<vmem>> -> memref<1x128xi32, #tpu.memory_space<vmem>>
    %dma_wait3A_1019 = tpu.memref_squeeze %dma_wait3A_1018 : memref<1x128xi32, #tpu.memory_space<vmem>> -> memref<128xi32, #tpu.memory_space<vmem>>
    %dma_wait3A_1020 = arith.constant 0 : i32
    %dma_wait3A_1021 = arith.constant 0 : i32
    %dma_wait3A_1022 = tpu.memref_slice %arg3[%dma_wait3A_1020, %dma_wait3A_1021] : memref<1000001x32xf32, #tpu.memory_space<hbm>> -> memref<1000001x32xf32, #tpu.memory_space<hbm>>
    tpu.wait_indirect_dma semaphore(%arg7 : memref<!tpu.dma_semaphore, #tpu.memory_space<semaphore_mem>>) src(%dma_wait3A_1022 : memref<1000001x32xf32, #tpu.memory_space<hbm>>) dst(%dma_wait3A_1012 : memref<128x32xf32, #tpu.memory_space<vmem>>)
    %dma_wait3A_1023 = arith.constant 1 : i32
    %dma_wait3A_1024 = arith.constant 11 : i32
    %dma_wait3A_1025 = arith.constant 1 : i32
    %dma_wait3A_1026 = arith.constant 0 : i32
    %dma_wait3A_1027 = arith.constant 0 : i32
    %dma_wait3A_1028 = tpu.memref_slice %arg6[%dma_wait3A_1025, %dma_wait3A_1026, %dma_wait3A_1027] : memref<2x1664x32xf32, #tpu.memory_space<vmem>> -> memref<1x1664x32xf32, #tpu.memory_space<vmem>>
    %dma_wait3A_1029 = tpu.memref_squeeze %dma_wait3A_1028 : memref<1x1664x32xf32, #tpu.memory_space<vmem>> -> memref<1664x32xf32, #tpu.memory_space<vmem>>
    %dma_wait3A_1030 = arith.constant 1408 : i32
    %dma_wait3A_1031 = arith.constant 0 : i32
    %dma_wait3A_1032 = tpu.memref_slice %dma_wait3A_1029[%dma_wait3A_1030, %dma_wait3A_1031] : memref<1664x32xf32, #tpu.memory_space<vmem>> -> memref<128x32xf32, #tpu.memory_space<vmem>>
    %dma_wait3A_1033 = arith.constant 0 : i32
    %dma_wait3A_1034 = arith.constant 0 : i32
    %dma_wait3A_1035 = tpu.memref_slice %arg5[%dma_wait3A_1023, %dma_wait3A_1033, %dma_wait3A_1034] : memref<2x13x128xi32, #tpu.memory_space<vmem>> -> memref<1x13x128xi32, #tpu.memory_space<vmem>>
    %dma_wait3A_1036 = tpu.memref_squeeze %dma_wait3A_1035 : memref<1x13x128xi32, #tpu.memory_space<vmem>> -> memref<13x128xi32, #tpu.memory_space<vmem>>
    %dma_wait3A_1037 = arith.constant 0 : i32
    %dma_wait3A_1038 = tpu.memref_slice %dma_wait3A_1036[%dma_wait3A_1024, %dma_wait3A_1037] : memref<13x128xi32, #tpu.memory_space<vmem>> -> memref<1x128xi32, #tpu.memory_space<vmem>>
    %dma_wait3A_1039 = tpu.memref_squeeze %dma_wait3A_1038 : memref<1x128xi32, #tpu.memory_space<vmem>> -> memref<128xi32, #tpu.memory_space<vmem>>
    %dma_wait3A_1040 = arith.constant 0 : i32
    %dma_wait3A_1041 = arith.constant 0 : i32
    %dma_wait3A_1042 = tpu.memref_slice %arg3[%dma_wait3A_1040, %dma_wait3A_1041] : memref<1000001x32xf32, #tpu.memory_space<hbm>> -> memref<1000001x32xf32, #tpu.memory_space<hbm>>
    tpu.wait_indirect_dma semaphore(%arg7 : memref<!tpu.dma_semaphore, #tpu.memory_space<semaphore_mem>>) src(%dma_wait3A_1042 : memref<1000001x32xf32, #tpu.memory_space<hbm>>) dst(%dma_wait3A_1032 : memref<128x32xf32, #tpu.memory_space<vmem>>)
    %dma_wait3A_1043 = arith.constant 1 : i32
    %dma_wait3A_1044 = arith.constant 12 : i32
    %dma_wait3A_1045 = arith.constant 1 : i32
    %dma_wait3A_1046 = arith.constant 0 : i32
    %dma_wait3A_1047 = arith.constant 0 : i32
    %dma_wait3A_1048 = tpu.memref_slice %arg6[%dma_wait3A_1045, %dma_wait3A_1046, %dma_wait3A_1047] : memref<2x1664x32xf32, #tpu.memory_space<vmem>> -> memref<1x1664x32xf32, #tpu.memory_space<vmem>>
    %dma_wait3A_1049 = tpu.memref_squeeze %dma_wait3A_1048 : memref<1x1664x32xf32, #tpu.memory_space<vmem>> -> memref<1664x32xf32, #tpu.memory_space<vmem>>
    %dma_wait3A_1050 = arith.constant 1536 : i32
    %dma_wait3A_1051 = arith.constant 0 : i32
    %dma_wait3A_1052 = tpu.memref_slice %dma_wait3A_1049[%dma_wait3A_1050, %dma_wait3A_1051] : memref<1664x32xf32, #tpu.memory_space<vmem>> -> memref<128x32xf32, #tpu.memory_space<vmem>>
    %dma_wait3A_1053 = arith.constant 0 : i32
    %dma_wait3A_1054 = arith.constant 0 : i32
    %dma_wait3A_1055 = tpu.memref_slice %arg5[%dma_wait3A_1043, %dma_wait3A_1053, %dma_wait3A_1054] : memref<2x13x128xi32, #tpu.memory_space<vmem>> -> memref<1x13x128xi32, #tpu.memory_space<vmem>>
    %dma_wait3A_1056 = tpu.memref_squeeze %dma_wait3A_1055 : memref<1x13x128xi32, #tpu.memory_space<vmem>> -> memref<13x128xi32, #tpu.memory_space<vmem>>
    %dma_wait3A_1057 = arith.constant 0 : i32
    %dma_wait3A_1058 = tpu.memref_slice %dma_wait3A_1056[%dma_wait3A_1044, %dma_wait3A_1057] : memref<13x128xi32, #tpu.memory_space<vmem>> -> memref<1x128xi32, #tpu.memory_space<vmem>>
    %dma_wait3A_1059 = tpu.memref_squeeze %dma_wait3A_1058 : memref<1x128xi32, #tpu.memory_space<vmem>> -> memref<128xi32, #tpu.memory_space<vmem>>
    %dma_wait3A_1060 = arith.constant 0 : i32
    %dma_wait3A_1061 = arith.constant 0 : i32
    %dma_wait3A_1062 = tpu.memref_slice %arg3[%dma_wait3A_1060, %dma_wait3A_1061] : memref<1000001x32xf32, #tpu.memory_space<hbm>> -> memref<1000001x32xf32, #tpu.memory_space<hbm>>
    tpu.wait_indirect_dma semaphore(%arg7 : memref<!tpu.dma_semaphore, #tpu.memory_space<semaphore_mem>>) src(%dma_wait3A_1062 : memref<1000001x32xf32, #tpu.memory_space<hbm>>) dst(%dma_wait3A_1052 : memref<128x32xf32, #tpu.memory_space<vmem>>)
    %dma_start3A_1063 = arith.constant 1 : i32
    %dma_start3A_1064 = arith.constant 0 : i32
    %dma_start3A_1065 = arith.constant 0 : i32
    %dma_start3A_1066 = tpu.memref_slice %arg6[%dma_start3A_1063, %dma_start3A_1064, %dma_start3A_1065] : memref<2x1664x32xf32, #tpu.memory_space<vmem>> -> memref<1x1664x32xf32, #tpu.memory_space<vmem>>
    %dma_start3A_1067 = tpu.memref_squeeze %dma_start3A_1066 : memref<1x1664x32xf32, #tpu.memory_space<vmem>> -> memref<1664x32xf32, #tpu.memory_space<vmem>>
    %dma_start3A_1068 = arith.constant 0 : i32
    %dma_start3A_1069 = tpu.memref_slice %arg4[%mul3A_541, %dma_start3A_1068] : memref<425984x32xf32, #tpu.memory_space<hbm>> -> memref<1664x32xf32, #tpu.memory_space<hbm>>
    %dma_start3A_1070 = arith.constant 0 : i32
    %dma_start3A_1071 = tpu.memref_slice %arg4[%mul3A_541, %dma_start3A_1070] : memref<425984x32xf32, #tpu.memory_space<hbm>> -> memref<1664x32xf32, #tpu.memory_space<hbm>>
    %dma_start3A_1072 = arith.constant 0 : i32
    %dma_start3A_1073 = arith.constant 0 : i32
    %dma_start3A_1074 = tpu.memref_slice %arg6[%dma_start3A_1063, %dma_start3A_1072, %dma_start3A_1073] : memref<2x1664x32xf32, #tpu.memory_space<vmem>> -> memref<1x1664x32xf32, #tpu.memory_space<vmem>>
    %dma_start3A_1075 = tpu.memref_squeeze %dma_start3A_1074 : memref<1x1664x32xf32, #tpu.memory_space<vmem>> -> memref<1664x32xf32, #tpu.memory_space<vmem>>
    tpu.enqueue_dma source(%dma_start3A_1075 : memref<1664x32xf32, #tpu.memory_space<vmem>>) target(%dma_start3A_1071 : memref<1664x32xf32, #tpu.memory_space<hbm>>) target_semaphore(%arg9 : memref<!tpu.dma_semaphore, #tpu.memory_space<semaphore_mem>>)
    %scan3A = arith.constant 0 : i32
    %scan3A_1076 = arith.constant 1 : i32
    %scan3A_1077 = arith.constant 3 : i32
    %scan3A_1078 = arith.addi %scan3A_1076, %scan3A_1077 : i32
    %scan3A_1079 = arith.constant 1 : i32
    %scan3A_1080 = scf.for %scan3A_1112 = %scan3A_1076 to %scan3A_1078 step %scan3A_1079 iter_args(%scan3A_1113 = %scan3A) -> (i32)  : i32 {
      %mul3A_1114 = arith.constant 2 : i32
      %mul3A_1115 = arith.muli %mul3A_1114, %scan3A_1112 : i32
      %mul3A_1116 = arith.constant 13 : i32
      %mul3A_1117 = arith.muli %mul3A_1115, %mul3A_1116 : i32
      %add3A_1118 = arith.addi %mul3A_2, %mul3A_1117 : i32
      %mul3A_1119 = arith.constant 128 : i32
      %mul3A_1120 = arith.muli %add3A_1118, %mul3A_1119 : i32
      %run_scoped3A_1121 = arith.constant 0 : i32
      "tpu.region"() ({
        %run_scoped3A_2225 = tpu.sem_alloc : memref<!tpu.dma_semaphore, #tpu.memory_space<semaphore_mem>>
        %dma_start3A_2226 = arith.constant 0 : i32
        %dma_start3A_2227 = arith.constant 0 : i32
        %dma_start3A_2228 = tpu.memref_slice %arg5[%run_scoped3A_1121, %dma_start3A_2226, %dma_start3A_2227] : memref<2x13x128xi32, #tpu.memory_space<vmem>> -> memref<1x13x128xi32, #tpu.memory_space<vmem>>
        %dma_start3A_2229 = tpu.memref_squeeze %dma_start3A_2228 : memref<1x13x128xi32, #tpu.memory_space<vmem>> -> memref<13x128xi32, #tpu.memory_space<vmem>>
        %dma_start3A_2230 = arith.constant 0 : i32
        %dma_start3A_2231 = tpu.memref_slice %arg2[%add3A_1118, %dma_start3A_2230] : memref<3328x128xi32, #tpu.memory_space<hbm>> -> memref<13x128xi32, #tpu.memory_space<hbm>>
        %dma_start3A_2232 = arith.constant 0 : i32
        %dma_start3A_2233 = arith.constant 0 : i32
        %dma_start3A_2234 = tpu.memref_slice %arg5[%run_scoped3A_1121, %dma_start3A_2232, %dma_start3A_2233] : memref<2x13x128xi32, #tpu.memory_space<vmem>> -> memref<1x13x128xi32, #tpu.memory_space<vmem>>
        %dma_start3A_2235 = tpu.memref_squeeze %dma_start3A_2234 : memref<1x13x128xi32, #tpu.memory_space<vmem>> -> memref<13x128xi32, #tpu.memory_space<vmem>>
        %dma_start3A_2236 = arith.constant 0 : i32
        %dma_start3A_2237 = tpu.memref_slice %arg2[%add3A_1118, %dma_start3A_2236] : memref<3328x128xi32, #tpu.memory_space<hbm>> -> memref<13x128xi32, #tpu.memory_space<hbm>>
        tpu.enqueue_dma source(%dma_start3A_2237 : memref<13x128xi32, #tpu.memory_space<hbm>>) target(%dma_start3A_2235 : memref<13x128xi32, #tpu.memory_space<vmem>>) target_semaphore(%run_scoped3A_2225 : memref<!tpu.dma_semaphore, #tpu.memory_space<semaphore_mem>>)
        %dma_wait3A_2238 = arith.constant 0 : i32
        %dma_wait3A_2239 = arith.constant 0 : i32
        %dma_wait3A_2240 = tpu.memref_slice %arg5[%run_scoped3A_1121, %dma_wait3A_2238, %dma_wait3A_2239] : memref<2x13x128xi32, #tpu.memory_space<vmem>> -> memref<1x13x128xi32, #tpu.memory_space<vmem>>
        %dma_wait3A_2241 = tpu.memref_squeeze %dma_wait3A_2240 : memref<1x13x128xi32, #tpu.memory_space<vmem>> -> memref<13x128xi32, #tpu.memory_space<vmem>>
        %dma_wait3A_2242 = arith.constant 0 : i32
        %dma_wait3A_2243 = tpu.memref_slice %arg2[%add3A_1118, %dma_wait3A_2242] : memref<3328x128xi32, #tpu.memory_space<hbm>> -> memref<13x128xi32, #tpu.memory_space<hbm>>
        %dma_wait3A_2244 = arith.constant 0 : i32
        %dma_wait3A_2245 = arith.constant 0 : i32
        %dma_wait3A_2246 = tpu.memref_slice %arg5[%run_scoped3A_1121, %dma_wait3A_2244, %dma_wait3A_2245] : memref<2x13x128xi32, #tpu.memory_space<vmem>> -> memref<1x13x128xi32, #tpu.memory_space<vmem>>
        %dma_wait3A_2247 = tpu.memref_squeeze %dma_wait3A_2246 : memref<1x13x128xi32, #tpu.memory_space<vmem>> -> memref<13x128xi32, #tpu.memory_space<vmem>>
        %dma_wait3A_2248 = arith.constant 0 : i32
        %dma_wait3A_2249 = tpu.memref_slice %arg2[%add3A_1118, %dma_wait3A_2248] : memref<3328x128xi32, #tpu.memory_space<hbm>> -> memref<13x128xi32, #tpu.memory_space<hbm>>
        tpu.wait_dma2 semaphore(%run_scoped3A_2225 : memref<!tpu.dma_semaphore, #tpu.memory_space<semaphore_mem>>) src(%dma_wait3A_2249 : memref<13x128xi32, #tpu.memory_space<hbm>>) dst(%dma_wait3A_2247 : memref<13x128xi32, #tpu.memory_space<vmem>>)
        tpu.yield
      }) : () -> ()
      %dma_wait3A_1122 = arith.constant 0 : i32
      %dma_wait3A_1123 = arith.constant 0 : i32
      %dma_wait3A_1124 = arith.constant 0 : i32
      %dma_wait3A_1125 = tpu.memref_slice %arg6[%dma_wait3A_1122, %dma_wait3A_1123, %dma_wait3A_1124] : memref<2x1664x32xf32, #tpu.memory_space<vmem>> -> memref<1x1664x32xf32, #tpu.memory_space<vmem>>
      %dma_wait3A_1126 = tpu.memref_squeeze %dma_wait3A_1125 : memref<1x1664x32xf32, #tpu.memory_space<vmem>> -> memref<1664x32xf32, #tpu.memory_space<vmem>>
      %dma_wait3A_1127 = arith.constant 0 : i32
      %dma_wait3A_1128 = tpu.memref_slice %arg4[%mul3A_1120, %dma_wait3A_1127] : memref<425984x32xf32, #tpu.memory_space<hbm>> -> memref<1664x32xf32, #tpu.memory_space<hbm>>
      %dma_wait3A_1129 = arith.constant 0 : i32
      %dma_wait3A_1130 = tpu.memref_slice %arg4[%mul3A_1120, %dma_wait3A_1129] : memref<425984x32xf32, #tpu.memory_space<hbm>> -> memref<1664x32xf32, #tpu.memory_space<hbm>>
      %dma_wait3A_1131 = arith.constant 0 : i32
      %dma_wait3A_1132 = arith.constant 0 : i32
      %dma_wait3A_1133 = tpu.memref_slice %arg6[%dma_wait3A_1122, %dma_wait3A_1131, %dma_wait3A_1132] : memref<2x1664x32xf32, #tpu.memory_space<vmem>> -> memref<1x1664x32xf32, #tpu.memory_space<vmem>>
      %dma_wait3A_1134 = tpu.memref_squeeze %dma_wait3A_1133 : memref<1x1664x32xf32, #tpu.memory_space<vmem>> -> memref<1664x32xf32, #tpu.memory_space<vmem>>
      tpu.wait_dma2 semaphore(%arg8 : memref<!tpu.dma_semaphore, #tpu.memory_space<semaphore_mem>>) src(%dma_wait3A_1134 : memref<1664x32xf32, #tpu.memory_space<vmem>>) dst(%dma_wait3A_1130 : memref<1664x32xf32, #tpu.memory_space<hbm>>)
      %dma_start3A_1135 = arith.constant 0 : i32
      %dma_start3A_1136 = arith.constant 0 : i32
      %dma_start3A_1137 = arith.constant 0 : i32
      %dma_start3A_1138 = arith.constant 0 : i32
      %dma_start3A_1139 = arith.constant 0 : i32
      %dma_start3A_1140 = tpu.memref_slice %arg6[%dma_start3A_1137, %dma_start3A_1138, %dma_start3A_1139] : memref<2x1664x32xf32, #tpu.memory_space<vmem>> -> memref<1x1664x32xf32, #tpu.memory_space<vmem>>
      %dma_start3A_1141 = tpu.memref_squeeze %dma_start3A_1140 : memref<1x1664x32xf32, #tpu.memory_space<vmem>> -> memref<1664x32xf32, #tpu.memory_space<vmem>>
      %dma_start3A_1142 = arith.constant 0 : i32
      %dma_start3A_1143 = arith.constant 0 : i32
      %dma_start3A_1144 = tpu.memref_slice %dma_start3A_1141[%dma_start3A_1142, %dma_start3A_1143] : memref<1664x32xf32, #tpu.memory_space<vmem>> -> memref<128x32xf32, #tpu.memory_space<vmem>>
      %dma_start3A_1145 = arith.constant 0 : i32
      %dma_start3A_1146 = arith.constant 0 : i32
      %dma_start3A_1147 = tpu.memref_slice %arg5[%dma_start3A_1135, %dma_start3A_1145, %dma_start3A_1146] : memref<2x13x128xi32, #tpu.memory_space<vmem>> -> memref<1x13x128xi32, #tpu.memory_space<vmem>>
      %dma_start3A_1148 = tpu.memref_squeeze %dma_start3A_1147 : memref<1x13x128xi32, #tpu.memory_space<vmem>> -> memref<13x128xi32, #tpu.memory_space<vmem>>
      %dma_start3A_1149 = arith.constant 0 : i32
      %dma_start3A_1150 = tpu.memref_slice %dma_start3A_1148[%dma_start3A_1136, %dma_start3A_1149] : memref<13x128xi32, #tpu.memory_space<vmem>> -> memref<1x128xi32, #tpu.memory_space<vmem>>
      %dma_start3A_1151 = tpu.memref_squeeze %dma_start3A_1150 : memref<1x128xi32, #tpu.memory_space<vmem>> -> memref<128xi32, #tpu.memory_space<vmem>>
      %dma_start3A_1152 = arith.constant 0 : i32
      %dma_start3A_1153 = arith.constant 0 : i32
      %dma_start3A_1154 = tpu.memref_slice %arg3[%dma_start3A_1152, %dma_start3A_1153] : memref<1000001x32xf32, #tpu.memory_space<hbm>> -> memref<1000001x32xf32, #tpu.memory_space<hbm>>
      tpu.enqueue_indirect_dma source(%dma_start3A_1154 : memref<1000001x32xf32, #tpu.memory_space<hbm>>) target(%dma_start3A_1144 : memref<128x32xf32, #tpu.memory_space<vmem>>) offsets(%dma_start3A_1151 : memref<128xi32, #tpu.memory_space<vmem>>) semaphore(%arg7 : memref<!tpu.dma_semaphore, #tpu.memory_space<semaphore_mem>>)
      %dma_start3A_1155 = arith.constant 0 : i32
      %dma_start3A_1156 = arith.constant 1 : i32
      %dma_start3A_1157 = arith.constant 0 : i32
      %dma_start3A_1158 = arith.constant 0 : i32
      %dma_start3A_1159 = arith.constant 0 : i32
      %dma_start3A_1160 = tpu.memref_slice %arg6[%dma_start3A_1157, %dma_start3A_1158, %dma_start3A_1159] : memref<2x1664x32xf32, #tpu.memory_space<vmem>> -> memref<1x1664x32xf32, #tpu.memory_space<vmem>>
      %dma_start3A_1161 = tpu.memref_squeeze %dma_start3A_1160 : memref<1x1664x32xf32, #tpu.memory_space<vmem>> -> memref<1664x32xf32, #tpu.memory_space<vmem>>
      %dma_start3A_1162 = arith.constant 128 : i32
      %dma_start3A_1163 = arith.constant 0 : i32
      %dma_start3A_1164 = tpu.memref_slice %dma_start3A_1161[%dma_start3A_1162, %dma_start3A_1163] : memref<1664x32xf32, #tpu.memory_space<vmem>> -> memref<128x32xf32, #tpu.memory_space<vmem>>
      %dma_start3A_1165 = arith.constant 0 : i32
      %dma_start3A_1166 = arith.constant 0 : i32
      %dma_start3A_1167 = tpu.memref_slice %arg5[%dma_start3A_1155, %dma_start3A_1165, %dma_start3A_1166] : memref<2x13x128xi32, #tpu.memory_space<vmem>> -> memref<1x13x128xi32, #tpu.memory_space<vmem>>
      %dma_start3A_1168 = tpu.memref_squeeze %dma_start3A_1167 : memref<1x13x128xi32, #tpu.memory_space<vmem>> -> memref<13x128xi32, #tpu.memory_space<vmem>>
      %dma_start3A_1169 = arith.constant 0 : i32
      %dma_start3A_1170 = tpu.memref_slice %dma_start3A_1168[%dma_start3A_1156, %dma_start3A_1169] : memref<13x128xi32, #tpu.memory_space<vmem>> -> memref<1x128xi32, #tpu.memory_space<vmem>>
      %dma_start3A_1171 = tpu.memref_squeeze %dma_start3A_1170 : memref<1x128xi32, #tpu.memory_space<vmem>> -> memref<128xi32, #tpu.memory_space<vmem>>
      %dma_start3A_1172 = arith.constant 0 : i32
      %dma_start3A_1173 = arith.constant 0 : i32
      %dma_start3A_1174 = tpu.memref_slice %arg3[%dma_start3A_1172, %dma_start3A_1173] : memref<1000001x32xf32, #tpu.memory_space<hbm>> -> memref<1000001x32xf32, #tpu.memory_space<hbm>>
      tpu.enqueue_indirect_dma source(%dma_start3A_1174 : memref<1000001x32xf32, #tpu.memory_space<hbm>>) target(%dma_start3A_1164 : memref<128x32xf32, #tpu.memory_space<vmem>>) offsets(%dma_start3A_1171 : memref<128xi32, #tpu.memory_space<vmem>>) semaphore(%arg7 : memref<!tpu.dma_semaphore, #tpu.memory_space<semaphore_mem>>)
      %dma_start3A_1175 = arith.constant 0 : i32
      %dma_start3A_1176 = arith.constant 2 : i32
      %dma_start3A_1177 = arith.constant 0 : i32
      %dma_start3A_1178 = arith.constant 0 : i32
      %dma_start3A_1179 = arith.constant 0 : i32
      %dma_start3A_1180 = tpu.memref_slice %arg6[%dma_start3A_1177, %dma_start3A_1178, %dma_start3A_1179] : memref<2x1664x32xf32, #tpu.memory_space<vmem>> -> memref<1x1664x32xf32, #tpu.memory_space<vmem>>
      %dma_start3A_1181 = tpu.memref_squeeze %dma_start3A_1180 : memref<1x1664x32xf32, #tpu.memory_space<vmem>> -> memref<1664x32xf32, #tpu.memory_space<vmem>>
      %dma_start3A_1182 = arith.constant 256 : i32
      %dma_start3A_1183 = arith.constant 0 : i32
      %dma_start3A_1184 = tpu.memref_slice %dma_start3A_1181[%dma_start3A_1182, %dma_start3A_1183] : memref<1664x32xf32, #tpu.memory_space<vmem>> -> memref<128x32xf32, #tpu.memory_space<vmem>>
      %dma_start3A_1185 = arith.constant 0 : i32
      %dma_start3A_1186 = arith.constant 0 : i32
      %dma_start3A_1187 = tpu.memref_slice %arg5[%dma_start3A_1175, %dma_start3A_1185, %dma_start3A_1186] : memref<2x13x128xi32, #tpu.memory_space<vmem>> -> memref<1x13x128xi32, #tpu.memory_space<vmem>>
      %dma_start3A_1188 = tpu.memref_squeeze %dma_start3A_1187 : memref<1x13x128xi32, #tpu.memory_space<vmem>> -> memref<13x128xi32, #tpu.memory_space<vmem>>
      %dma_start3A_1189 = arith.constant 0 : i32
      %dma_start3A_1190 = tpu.memref_slice %dma_start3A_1188[%dma_start3A_1176, %dma_start3A_1189] : memref<13x128xi32, #tpu.memory_space<vmem>> -> memref<1x128xi32, #tpu.memory_space<vmem>>
      %dma_start3A_1191 = tpu.memref_squeeze %dma_start3A_1190 : memref<1x128xi32, #tpu.memory_space<vmem>> -> memref<128xi32, #tpu.memory_space<vmem>>
      %dma_start3A_1192 = arith.constant 0 : i32
      %dma_start3A_1193 = arith.constant 0 : i32
      %dma_start3A_1194 = tpu.memref_slice %arg3[%dma_start3A_1192, %dma_start3A_1193] : memref<1000001x32xf32, #tpu.memory_space<hbm>> -> memref<1000001x32xf32, #tpu.memory_space<hbm>>
      tpu.enqueue_indirect_dma source(%dma_start3A_1194 : memref<1000001x32xf32, #tpu.memory_space<hbm>>) target(%dma_start3A_1184 : memref<128x32xf32, #tpu.memory_space<vmem>>) offsets(%dma_start3A_1191 : memref<128xi32, #tpu.memory_space<vmem>>) semaphore(%arg7 : memref<!tpu.dma_semaphore, #tpu.memory_space<semaphore_mem>>)
      %dma_start3A_1195 = arith.constant 0 : i32
      %dma_start3A_1196 = arith.constant 3 : i32
      %dma_start3A_1197 = arith.constant 0 : i32
      %dma_start3A_1198 = arith.constant 0 : i32
      %dma_start3A_1199 = arith.constant 0 : i32
      %dma_start3A_1200 = tpu.memref_slice %arg6[%dma_start3A_1197, %dma_start3A_1198, %dma_start3A_1199] : memref<2x1664x32xf32, #tpu.memory_space<vmem>> -> memref<1x1664x32xf32, #tpu.memory_space<vmem>>
      %dma_start3A_1201 = tpu.memref_squeeze %dma_start3A_1200 : memref<1x1664x32xf32, #tpu.memory_space<vmem>> -> memref<1664x32xf32, #tpu.memory_space<vmem>>
      %dma_start3A_1202 = arith.constant 384 : i32
      %dma_start3A_1203 = arith.constant 0 : i32
      %dma_start3A_1204 = tpu.memref_slice %dma_start3A_1201[%dma_start3A_1202, %dma_start3A_1203] : memref<1664x32xf32, #tpu.memory_space<vmem>> -> memref<128x32xf32, #tpu.memory_space<vmem>>
      %dma_start3A_1205 = arith.constant 0 : i32
      %dma_start3A_1206 = arith.constant 0 : i32
      %dma_start3A_1207 = tpu.memref_slice %arg5[%dma_start3A_1195, %dma_start3A_1205, %dma_start3A_1206] : memref<2x13x128xi32, #tpu.memory_space<vmem>> -> memref<1x13x128xi32, #tpu.memory_space<vmem>>
      %dma_start3A_1208 = tpu.memref_squeeze %dma_start3A_1207 : memref<1x13x128xi32, #tpu.memory_space<vmem>> -> memref<13x128xi32, #tpu.memory_space<vmem>>
      %dma_start3A_1209 = arith.constant 0 : i32
      %dma_start3A_1210 = tpu.memref_slice %dma_start3A_1208[%dma_start3A_1196, %dma_start3A_1209] : memref<13x128xi32, #tpu.memory_space<vmem>> -> memref<1x128xi32, #tpu.memory_space<vmem>>
      %dma_start3A_1211 = tpu.memref_squeeze %dma_start3A_1210 : memref<1x128xi32, #tpu.memory_space<vmem>> -> memref<128xi32, #tpu.memory_space<vmem>>
      %dma_start3A_1212 = arith.constant 0 : i32
      %dma_start3A_1213 = arith.constant 0 : i32
      %dma_start3A_1214 = tpu.memref_slice %arg3[%dma_start3A_1212, %dma_start3A_1213] : memref<1000001x32xf32, #tpu.memory_space<hbm>> -> memref<1000001x32xf32, #tpu.memory_space<hbm>>
      tpu.enqueue_indirect_dma source(%dma_start3A_1214 : memref<1000001x32xf32, #tpu.memory_space<hbm>>) target(%dma_start3A_1204 : memref<128x32xf32, #tpu.memory_space<vmem>>) offsets(%dma_start3A_1211 : memref<128xi32, #tpu.memory_space<vmem>>) semaphore(%arg7 : memref<!tpu.dma_semaphore, #tpu.memory_space<semaphore_mem>>)
      %dma_start3A_1215 = arith.constant 0 : i32
      %dma_start3A_1216 = arith.constant 4 : i32
      %dma_start3A_1217 = arith.constant 0 : i32
      %dma_start3A_1218 = arith.constant 0 : i32
      %dma_start3A_1219 = arith.constant 0 : i32
      %dma_start3A_1220 = tpu.memref_slice %arg6[%dma_start3A_1217, %dma_start3A_1218, %dma_start3A_1219] : memref<2x1664x32xf32, #tpu.memory_space<vmem>> -> memref<1x1664x32xf32, #tpu.memory_space<vmem>>
      %dma_start3A_1221 = tpu.memref_squeeze %dma_start3A_1220 : memref<1x1664x32xf32, #tpu.memory_space<vmem>> -> memref<1664x32xf32, #tpu.memory_space<vmem>>
      %dma_start3A_1222 = arith.constant 512 : i32
      %dma_start3A_1223 = arith.constant 0 : i32
      %dma_start3A_1224 = tpu.memref_slice %dma_start3A_1221[%dma_start3A_1222, %dma_start3A_1223] : memref<1664x32xf32, #tpu.memory_space<vmem>> -> memref<128x32xf32, #tpu.memory_space<vmem>>
      %dma_start3A_1225 = arith.constant 0 : i32
      %dma_start3A_1226 = arith.constant 0 : i32
      %dma_start3A_1227 = tpu.memref_slice %arg5[%dma_start3A_1215, %dma_start3A_1225, %dma_start3A_1226] : memref<2x13x128xi32, #tpu.memory_space<vmem>> -> memref<1x13x128xi32, #tpu.memory_space<vmem>>
      %dma_start3A_1228 = tpu.memref_squeeze %dma_start3A_1227 : memref<1x13x128xi32, #tpu.memory_space<vmem>> -> memref<13x128xi32, #tpu.memory_space<vmem>>
      %dma_start3A_1229 = arith.constant 0 : i32
      %dma_start3A_1230 = tpu.memref_slice %dma_start3A_1228[%dma_start3A_1216, %dma_start3A_1229] : memref<13x128xi32, #tpu.memory_space<vmem>> -> memref<1x128xi32, #tpu.memory_space<vmem>>
      %dma_start3A_1231 = tpu.memref_squeeze %dma_start3A_1230 : memref<1x128xi32, #tpu.memory_space<vmem>> -> memref<128xi32, #tpu.memory_space<vmem>>
      %dma_start3A_1232 = arith.constant 0 : i32
      %dma_start3A_1233 = arith.constant 0 : i32
      %dma_start3A_1234 = tpu.memref_slice %arg3[%dma_start3A_1232, %dma_start3A_1233] : memref<1000001x32xf32, #tpu.memory_space<hbm>> -> memref<1000001x32xf32, #tpu.memory_space<hbm>>
      tpu.enqueue_indirect_dma source(%dma_start3A_1234 : memref<1000001x32xf32, #tpu.memory_space<hbm>>) target(%dma_start3A_1224 : memref<128x32xf32, #tpu.memory_space<vmem>>) offsets(%dma_start3A_1231 : memref<128xi32, #tpu.memory_space<vmem>>) semaphore(%arg7 : memref<!tpu.dma_semaphore, #tpu.memory_space<semaphore_mem>>)
      %dma_start3A_1235 = arith.constant 0 : i32
      %dma_start3A_1236 = arith.constant 5 : i32
      %dma_start3A_1237 = arith.constant 0 : i32
      %dma_start3A_1238 = arith.constant 0 : i32
      %dma_start3A_1239 = arith.constant 0 : i32
      %dma_start3A_1240 = tpu.memref_slice %arg6[%dma_start3A_1237, %dma_start3A_1238, %dma_start3A_1239] : memref<2x1664x32xf32, #tpu.memory_space<vmem>> -> memref<1x1664x32xf32, #tpu.memory_space<vmem>>
      %dma_start3A_1241 = tpu.memref_squeeze %dma_start3A_1240 : memref<1x1664x32xf32, #tpu.memory_space<vmem>> -> memref<1664x32xf32, #tpu.memory_space<vmem>>
      %dma_start3A_1242 = arith.constant 640 : i32
      %dma_start3A_1243 = arith.constant 0 : i32
      %dma_start3A_1244 = tpu.memref_slice %dma_start3A_1241[%dma_start3A_1242, %dma_start3A_1243] : memref<1664x32xf32, #tpu.memory_space<vmem>> -> memref<128x32xf32, #tpu.memory_space<vmem>>
      %dma_start3A_1245 = arith.constant 0 : i32
      %dma_start3A_1246 = arith.constant 0 : i32
      %dma_start3A_1247 = tpu.memref_slice %arg5[%dma_start3A_1235, %dma_start3A_1245, %dma_start3A_1246] : memref<2x13x128xi32, #tpu.memory_space<vmem>> -> memref<1x13x128xi32, #tpu.memory_space<vmem>>
      %dma_start3A_1248 = tpu.memref_squeeze %dma_start3A_1247 : memref<1x13x128xi32, #tpu.memory_space<vmem>> -> memref<13x128xi32, #tpu.memory_space<vmem>>
      %dma_start3A_1249 = arith.constant 0 : i32
      %dma_start3A_1250 = tpu.memref_slice %dma_start3A_1248[%dma_start3A_1236, %dma_start3A_1249] : memref<13x128xi32, #tpu.memory_space<vmem>> -> memref<1x128xi32, #tpu.memory_space<vmem>>
      %dma_start3A_1251 = tpu.memref_squeeze %dma_start3A_1250 : memref<1x128xi32, #tpu.memory_space<vmem>> -> memref<128xi32, #tpu.memory_space<vmem>>
      %dma_start3A_1252 = arith.constant 0 : i32
      %dma_start3A_1253 = arith.constant 0 : i32
      %dma_start3A_1254 = tpu.memref_slice %arg3[%dma_start3A_1252, %dma_start3A_1253] : memref<1000001x32xf32, #tpu.memory_space<hbm>> -> memref<1000001x32xf32, #tpu.memory_space<hbm>>
      tpu.enqueue_indirect_dma source(%dma_start3A_1254 : memref<1000001x32xf32, #tpu.memory_space<hbm>>) target(%dma_start3A_1244 : memref<128x32xf32, #tpu.memory_space<vmem>>) offsets(%dma_start3A_1251 : memref<128xi32, #tpu.memory_space<vmem>>) semaphore(%arg7 : memref<!tpu.dma_semaphore, #tpu.memory_space<semaphore_mem>>)
      %dma_start3A_1255 = arith.constant 0 : i32
      %dma_start3A_1256 = arith.constant 6 : i32
      %dma_start3A_1257 = arith.constant 0 : i32
      %dma_start3A_1258 = arith.constant 0 : i32
      %dma_start3A_1259 = arith.constant 0 : i32
      %dma_start3A_1260 = tpu.memref_slice %arg6[%dma_start3A_1257, %dma_start3A_1258, %dma_start3A_1259] : memref<2x1664x32xf32, #tpu.memory_space<vmem>> -> memref<1x1664x32xf32, #tpu.memory_space<vmem>>
      %dma_start3A_1261 = tpu.memref_squeeze %dma_start3A_1260 : memref<1x1664x32xf32, #tpu.memory_space<vmem>> -> memref<1664x32xf32, #tpu.memory_space<vmem>>
      %dma_start3A_1262 = arith.constant 768 : i32
      %dma_start3A_1263 = arith.constant 0 : i32
      %dma_start3A_1264 = tpu.memref_slice %dma_start3A_1261[%dma_start3A_1262, %dma_start3A_1263] : memref<1664x32xf32, #tpu.memory_space<vmem>> -> memref<128x32xf32, #tpu.memory_space<vmem>>
      %dma_start3A_1265 = arith.constant 0 : i32
      %dma_start3A_1266 = arith.constant 0 : i32
      %dma_start3A_1267 = tpu.memref_slice %arg5[%dma_start3A_1255, %dma_start3A_1265, %dma_start3A_1266] : memref<2x13x128xi32, #tpu.memory_space<vmem>> -> memref<1x13x128xi32, #tpu.memory_space<vmem>>
      %dma_start3A_1268 = tpu.memref_squeeze %dma_start3A_1267 : memref<1x13x128xi32, #tpu.memory_space<vmem>> -> memref<13x128xi32, #tpu.memory_space<vmem>>
      %dma_start3A_1269 = arith.constant 0 : i32
      %dma_start3A_1270 = tpu.memref_slice %dma_start3A_1268[%dma_start3A_1256, %dma_start3A_1269] : memref<13x128xi32, #tpu.memory_space<vmem>> -> memref<1x128xi32, #tpu.memory_space<vmem>>
      %dma_start3A_1271 = tpu.memref_squeeze %dma_start3A_1270 : memref<1x128xi32, #tpu.memory_space<vmem>> -> memref<128xi32, #tpu.memory_space<vmem>>
      %dma_start3A_1272 = arith.constant 0 : i32
      %dma_start3A_1273 = arith.constant 0 : i32
      %dma_start3A_1274 = tpu.memref_slice %arg3[%dma_start3A_1272, %dma_start3A_1273] : memref<1000001x32xf32, #tpu.memory_space<hbm>> -> memref<1000001x32xf32, #tpu.memory_space<hbm>>
      tpu.enqueue_indirect_dma source(%dma_start3A_1274 : memref<1000001x32xf32, #tpu.memory_space<hbm>>) target(%dma_start3A_1264 : memref<128x32xf32, #tpu.memory_space<vmem>>) offsets(%dma_start3A_1271 : memref<128xi32, #tpu.memory_space<vmem>>) semaphore(%arg7 : memref<!tpu.dma_semaphore, #tpu.memory_space<semaphore_mem>>)
      %dma_start3A_1275 = arith.constant 0 : i32
      %dma_start3A_1276 = arith.constant 7 : i32
      %dma_start3A_1277 = arith.constant 0 : i32
      %dma_start3A_1278 = arith.constant 0 : i32
      %dma_start3A_1279 = arith.constant 0 : i32
      %dma_start3A_1280 = tpu.memref_slice %arg6[%dma_start3A_1277, %dma_start3A_1278, %dma_start3A_1279] : memref<2x1664x32xf32, #tpu.memory_space<vmem>> -> memref<1x1664x32xf32, #tpu.memory_space<vmem>>
      %dma_start3A_1281 = tpu.memref_squeeze %dma_start3A_1280 : memref<1x1664x32xf32, #tpu.memory_space<vmem>> -> memref<1664x32xf32, #tpu.memory_space<vmem>>
      %dma_start3A_1282 = arith.constant 896 : i32
      %dma_start3A_1283 = arith.constant 0 : i32
      %dma_start3A_1284 = tpu.memref_slice %dma_start3A_1281[%dma_start3A_1282, %dma_start3A_1283] : memref<1664x32xf32, #tpu.memory_space<vmem>> -> memref<128x32xf32, #tpu.memory_space<vmem>>
      %dma_start3A_1285 = arith.constant 0 : i32
      %dma_start3A_1286 = arith.constant 0 : i32
      %dma_start3A_1287 = tpu.memref_slice %arg5[%dma_start3A_1275, %dma_start3A_1285, %dma_start3A_1286] : memref<2x13x128xi32, #tpu.memory_space<vmem>> -> memref<1x13x128xi32, #tpu.memory_space<vmem>>
      %dma_start3A_1288 = tpu.memref_squeeze %dma_start3A_1287 : memref<1x13x128xi32, #tpu.memory_space<vmem>> -> memref<13x128xi32, #tpu.memory_space<vmem>>
      %dma_start3A_1289 = arith.constant 0 : i32
      %dma_start3A_1290 = tpu.memref_slice %dma_start3A_1288[%dma_start3A_1276, %dma_start3A_1289] : memref<13x128xi32, #tpu.memory_space<vmem>> -> memref<1x128xi32, #tpu.memory_space<vmem>>
      %dma_start3A_1291 = tpu.memref_squeeze %dma_start3A_1290 : memref<1x128xi32, #tpu.memory_space<vmem>> -> memref<128xi32, #tpu.memory_space<vmem>>
      %dma_start3A_1292 = arith.constant 0 : i32
      %dma_start3A_1293 = arith.constant 0 : i32
      %dma_start3A_1294 = tpu.memref_slice %arg3[%dma_start3A_1292, %dma_start3A_1293] : memref<1000001x32xf32, #tpu.memory_space<hbm>> -> memref<1000001x32xf32, #tpu.memory_space<hbm>>
      tpu.enqueue_indirect_dma source(%dma_start3A_1294 : memref<1000001x32xf32, #tpu.memory_space<hbm>>) target(%dma_start3A_1284 : memref<128x32xf32, #tpu.memory_space<vmem>>) offsets(%dma_start3A_1291 : memref<128xi32, #tpu.memory_space<vmem>>) semaphore(%arg7 : memref<!tpu.dma_semaphore, #tpu.memory_space<semaphore_mem>>)
      %dma_start3A_1295 = arith.constant 0 : i32
      %dma_start3A_1296 = arith.constant 8 : i32
      %dma_start3A_1297 = arith.constant 0 : i32
      %dma_start3A_1298 = arith.constant 0 : i32
      %dma_start3A_1299 = arith.constant 0 : i32
      %dma_start3A_1300 = tpu.memref_slice %arg6[%dma_start3A_1297, %dma_start3A_1298, %dma_start3A_1299] : memref<2x1664x32xf32, #tpu.memory_space<vmem>> -> memref<1x1664x32xf32, #tpu.memory_space<vmem>>
      %dma_start3A_1301 = tpu.memref_squeeze %dma_start3A_1300 : memref<1x1664x32xf32, #tpu.memory_space<vmem>> -> memref<1664x32xf32, #tpu.memory_space<vmem>>
      %dma_start3A_1302 = arith.constant 1024 : i32
      %dma_start3A_1303 = arith.constant 0 : i32
      %dma_start3A_1304 = tpu.memref_slice %dma_start3A_1301[%dma_start3A_1302, %dma_start3A_1303] : memref<1664x32xf32, #tpu.memory_space<vmem>> -> memref<128x32xf32, #tpu.memory_space<vmem>>
      %dma_start3A_1305 = arith.constant 0 : i32
      %dma_start3A_1306 = arith.constant 0 : i32
      %dma_start3A_1307 = tpu.memref_slice %arg5[%dma_start3A_1295, %dma_start3A_1305, %dma_start3A_1306] : memref<2x13x128xi32, #tpu.memory_space<vmem>> -> memref<1x13x128xi32, #tpu.memory_space<vmem>>
      %dma_start3A_1308 = tpu.memref_squeeze %dma_start3A_1307 : memref<1x13x128xi32, #tpu.memory_space<vmem>> -> memref<13x128xi32, #tpu.memory_space<vmem>>
      %dma_start3A_1309 = arith.constant 0 : i32
      %dma_start3A_1310 = tpu.memref_slice %dma_start3A_1308[%dma_start3A_1296, %dma_start3A_1309] : memref<13x128xi32, #tpu.memory_space<vmem>> -> memref<1x128xi32, #tpu.memory_space<vmem>>
      %dma_start3A_1311 = tpu.memref_squeeze %dma_start3A_1310 : memref<1x128xi32, #tpu.memory_space<vmem>> -> memref<128xi32, #tpu.memory_space<vmem>>
      %dma_start3A_1312 = arith.constant 0 : i32
      %dma_start3A_1313 = arith.constant 0 : i32
      %dma_start3A_1314 = tpu.memref_slice %arg3[%dma_start3A_1312, %dma_start3A_1313] : memref<1000001x32xf32, #tpu.memory_space<hbm>> -> memref<1000001x32xf32, #tpu.memory_space<hbm>>
      tpu.enqueue_indirect_dma source(%dma_start3A_1314 : memref<1000001x32xf32, #tpu.memory_space<hbm>>) target(%dma_start3A_1304 : memref<128x32xf32, #tpu.memory_space<vmem>>) offsets(%dma_start3A_1311 : memref<128xi32, #tpu.memory_space<vmem>>) semaphore(%arg7 : memref<!tpu.dma_semaphore, #tpu.memory_space<semaphore_mem>>)
      %dma_start3A_1315 = arith.constant 0 : i32
      %dma_start3A_1316 = arith.constant 9 : i32
      %dma_start3A_1317 = arith.constant 0 : i32
      %dma_start3A_1318 = arith.constant 0 : i32
      %dma_start3A_1319 = arith.constant 0 : i32
      %dma_start3A_1320 = tpu.memref_slice %arg6[%dma_start3A_1317, %dma_start3A_1318, %dma_start3A_1319] : memref<2x1664x32xf32, #tpu.memory_space<vmem>> -> memref<1x1664x32xf32, #tpu.memory_space<vmem>>
      %dma_start3A_1321 = tpu.memref_squeeze %dma_start3A_1320 : memref<1x1664x32xf32, #tpu.memory_space<vmem>> -> memref<1664x32xf32, #tpu.memory_space<vmem>>
      %dma_start3A_1322 = arith.constant 1152 : i32
      %dma_start3A_1323 = arith.constant 0 : i32
      %dma_start3A_1324 = tpu.memref_slice %dma_start3A_1321[%dma_start3A_1322, %dma_start3A_1323] : memref<1664x32xf32, #tpu.memory_space<vmem>> -> memref<128x32xf32, #tpu.memory_space<vmem>>
      %dma_start3A_1325 = arith.constant 0 : i32
      %dma_start3A_1326 = arith.constant 0 : i32
      %dma_start3A_1327 = tpu.memref_slice %arg5[%dma_start3A_1315, %dma_start3A_1325, %dma_start3A_1326] : memref<2x13x128xi32, #tpu.memory_space<vmem>> -> memref<1x13x128xi32, #tpu.memory_space<vmem>>
      %dma_start3A_1328 = tpu.memref_squeeze %dma_start3A_1327 : memref<1x13x128xi32, #tpu.memory_space<vmem>> -> memref<13x128xi32, #tpu.memory_space<vmem>>
      %dma_start3A_1329 = arith.constant 0 : i32
      %dma_start3A_1330 = tpu.memref_slice %dma_start3A_1328[%dma_start3A_1316, %dma_start3A_1329] : memref<13x128xi32, #tpu.memory_space<vmem>> -> memref<1x128xi32, #tpu.memory_space<vmem>>
      %dma_start3A_1331 = tpu.memref_squeeze %dma_start3A_1330 : memref<1x128xi32, #tpu.memory_space<vmem>> -> memref<128xi32, #tpu.memory_space<vmem>>
      %dma_start3A_1332 = arith.constant 0 : i32
      %dma_start3A_1333 = arith.constant 0 : i32
      %dma_start3A_1334 = tpu.memref_slice %arg3[%dma_start3A_1332, %dma_start3A_1333] : memref<1000001x32xf32, #tpu.memory_space<hbm>> -> memref<1000001x32xf32, #tpu.memory_space<hbm>>
      tpu.enqueue_indirect_dma source(%dma_start3A_1334 : memref<1000001x32xf32, #tpu.memory_space<hbm>>) target(%dma_start3A_1324 : memref<128x32xf32, #tpu.memory_space<vmem>>) offsets(%dma_start3A_1331 : memref<128xi32, #tpu.memory_space<vmem>>) semaphore(%arg7 : memref<!tpu.dma_semaphore, #tpu.memory_space<semaphore_mem>>)
      %dma_start3A_1335 = arith.constant 0 : i32
      %dma_start3A_1336 = arith.constant 10 : i32
      %dma_start3A_1337 = arith.constant 0 : i32
      %dma_start3A_1338 = arith.constant 0 : i32
      %dma_start3A_1339 = arith.constant 0 : i32
      %dma_start3A_1340 = tpu.memref_slice %arg6[%dma_start3A_1337, %dma_start3A_1338, %dma_start3A_1339] : memref<2x1664x32xf32, #tpu.memory_space<vmem>> -> memref<1x1664x32xf32, #tpu.memory_space<vmem>>
      %dma_start3A_1341 = tpu.memref_squeeze %dma_start3A_1340 : memref<1x1664x32xf32, #tpu.memory_space<vmem>> -> memref<1664x32xf32, #tpu.memory_space<vmem>>
      %dma_start3A_1342 = arith.constant 1280 : i32
      %dma_start3A_1343 = arith.constant 0 : i32
      %dma_start3A_1344 = tpu.memref_slice %dma_start3A_1341[%dma_start3A_1342, %dma_start3A_1343] : memref<1664x32xf32, #tpu.memory_space<vmem>> -> memref<128x32xf32, #tpu.memory_space<vmem>>
      %dma_start3A_1345 = arith.constant 0 : i32
      %dma_start3A_1346 = arith.constant 0 : i32
      %dma_start3A_1347 = tpu.memref_slice %arg5[%dma_start3A_1335, %dma_start3A_1345, %dma_start3A_1346] : memref<2x13x128xi32, #tpu.memory_space<vmem>> -> memref<1x13x128xi32, #tpu.memory_space<vmem>>
      %dma_start3A_1348 = tpu.memref_squeeze %dma_start3A_1347 : memref<1x13x128xi32, #tpu.memory_space<vmem>> -> memref<13x128xi32, #tpu.memory_space<vmem>>
      %dma_start3A_1349 = arith.constant 0 : i32
      %dma_start3A_1350 = tpu.memref_slice %dma_start3A_1348[%dma_start3A_1336, %dma_start3A_1349] : memref<13x128xi32, #tpu.memory_space<vmem>> -> memref<1x128xi32, #tpu.memory_space<vmem>>
      %dma_start3A_1351 = tpu.memref_squeeze %dma_start3A_1350 : memref<1x128xi32, #tpu.memory_space<vmem>> -> memref<128xi32, #tpu.memory_space<vmem>>
      %dma_start3A_1352 = arith.constant 0 : i32
      %dma_start3A_1353 = arith.constant 0 : i32
      %dma_start3A_1354 = tpu.memref_slice %arg3[%dma_start3A_1352, %dma_start3A_1353] : memref<1000001x32xf32, #tpu.memory_space<hbm>> -> memref<1000001x32xf32, #tpu.memory_space<hbm>>
      tpu.enqueue_indirect_dma source(%dma_start3A_1354 : memref<1000001x32xf32, #tpu.memory_space<hbm>>) target(%dma_start3A_1344 : memref<128x32xf32, #tpu.memory_space<vmem>>) offsets(%dma_start3A_1351 : memref<128xi32, #tpu.memory_space<vmem>>) semaphore(%arg7 : memref<!tpu.dma_semaphore, #tpu.memory_space<semaphore_mem>>)
      %dma_start3A_1355 = arith.constant 0 : i32
      %dma_start3A_1356 = arith.constant 11 : i32
      %dma_start3A_1357 = arith.constant 0 : i32
      %dma_start3A_1358 = arith.constant 0 : i32
      %dma_start3A_1359 = arith.constant 0 : i32
      %dma_start3A_1360 = tpu.memref_slice %arg6[%dma_start3A_1357, %dma_start3A_1358, %dma_start3A_1359] : memref<2x1664x32xf32, #tpu.memory_space<vmem>> -> memref<1x1664x32xf32, #tpu.memory_space<vmem>>
      %dma_start3A_1361 = tpu.memref_squeeze %dma_start3A_1360 : memref<1x1664x32xf32, #tpu.memory_space<vmem>> -> memref<1664x32xf32, #tpu.memory_space<vmem>>
      %dma_start3A_1362 = arith.constant 1408 : i32
      %dma_start3A_1363 = arith.constant 0 : i32
      %dma_start3A_1364 = tpu.memref_slice %dma_start3A_1361[%dma_start3A_1362, %dma_start3A_1363] : memref<1664x32xf32, #tpu.memory_space<vmem>> -> memref<128x32xf32, #tpu.memory_space<vmem>>
      %dma_start3A_1365 = arith.constant 0 : i32
      %dma_start3A_1366 = arith.constant 0 : i32
      %dma_start3A_1367 = tpu.memref_slice %arg5[%dma_start3A_1355, %dma_start3A_1365, %dma_start3A_1366] : memref<2x13x128xi32, #tpu.memory_space<vmem>> -> memref<1x13x128xi32, #tpu.memory_space<vmem>>
      %dma_start3A_1368 = tpu.memref_squeeze %dma_start3A_1367 : memref<1x13x128xi32, #tpu.memory_space<vmem>> -> memref<13x128xi32, #tpu.memory_space<vmem>>
      %dma_start3A_1369 = arith.constant 0 : i32
      %dma_start3A_1370 = tpu.memref_slice %dma_start3A_1368[%dma_start3A_1356, %dma_start3A_1369] : memref<13x128xi32, #tpu.memory_space<vmem>> -> memref<1x128xi32, #tpu.memory_space<vmem>>
      %dma_start3A_1371 = tpu.memref_squeeze %dma_start3A_1370 : memref<1x128xi32, #tpu.memory_space<vmem>> -> memref<128xi32, #tpu.memory_space<vmem>>
      %dma_start3A_1372 = arith.constant 0 : i32
      %dma_start3A_1373 = arith.constant 0 : i32
      %dma_start3A_1374 = tpu.memref_slice %arg3[%dma_start3A_1372, %dma_start3A_1373] : memref<1000001x32xf32, #tpu.memory_space<hbm>> -> memref<1000001x32xf32, #tpu.memory_space<hbm>>
      tpu.enqueue_indirect_dma source(%dma_start3A_1374 : memref<1000001x32xf32, #tpu.memory_space<hbm>>) target(%dma_start3A_1364 : memref<128x32xf32, #tpu.memory_space<vmem>>) offsets(%dma_start3A_1371 : memref<128xi32, #tpu.memory_space<vmem>>) semaphore(%arg7 : memref<!tpu.dma_semaphore, #tpu.memory_space<semaphore_mem>>)
      %dma_start3A_1375 = arith.constant 0 : i32
      %dma_start3A_1376 = arith.constant 12 : i32
      %dma_start3A_1377 = arith.constant 0 : i32
      %dma_start3A_1378 = arith.constant 0 : i32
      %dma_start3A_1379 = arith.constant 0 : i32
      %dma_start3A_1380 = tpu.memref_slice %arg6[%dma_start3A_1377, %dma_start3A_1378, %dma_start3A_1379] : memref<2x1664x32xf32, #tpu.memory_space<vmem>> -> memref<1x1664x32xf32, #tpu.memory_space<vmem>>
      %dma_start3A_1381 = tpu.memref_squeeze %dma_start3A_1380 : memref<1x1664x32xf32, #tpu.memory_space<vmem>> -> memref<1664x32xf32, #tpu.memory_space<vmem>>
      %dma_start3A_1382 = arith.constant 1536 : i32
      %dma_start3A_1383 = arith.constant 0 : i32
      %dma_start3A_1384 = tpu.memref_slice %dma_start3A_1381[%dma_start3A_1382, %dma_start3A_1383] : memref<1664x32xf32, #tpu.memory_space<vmem>> -> memref<128x32xf32, #tpu.memory_space<vmem>>
      %dma_start3A_1385 = arith.constant 0 : i32
      %dma_start3A_1386 = arith.constant 0 : i32
      %dma_start3A_1387 = tpu.memref_slice %arg5[%dma_start3A_1375, %dma_start3A_1385, %dma_start3A_1386] : memref<2x13x128xi32, #tpu.memory_space<vmem>> -> memref<1x13x128xi32, #tpu.memory_space<vmem>>
      %dma_start3A_1388 = tpu.memref_squeeze %dma_start3A_1387 : memref<1x13x128xi32, #tpu.memory_space<vmem>> -> memref<13x128xi32, #tpu.memory_space<vmem>>
      %dma_start3A_1389 = arith.constant 0 : i32
      %dma_start3A_1390 = tpu.memref_slice %dma_start3A_1388[%dma_start3A_1376, %dma_start3A_1389] : memref<13x128xi32, #tpu.memory_space<vmem>> -> memref<1x128xi32, #tpu.memory_space<vmem>>
      %dma_start3A_1391 = tpu.memref_squeeze %dma_start3A_1390 : memref<1x128xi32, #tpu.memory_space<vmem>> -> memref<128xi32, #tpu.memory_space<vmem>>
      %dma_start3A_1392 = arith.constant 0 : i32
      %dma_start3A_1393 = arith.constant 0 : i32
      %dma_start3A_1394 = tpu.memref_slice %arg3[%dma_start3A_1392, %dma_start3A_1393] : memref<1000001x32xf32, #tpu.memory_space<hbm>> -> memref<1000001x32xf32, #tpu.memory_space<hbm>>
      tpu.enqueue_indirect_dma source(%dma_start3A_1394 : memref<1000001x32xf32, #tpu.memory_space<hbm>>) target(%dma_start3A_1384 : memref<128x32xf32, #tpu.memory_space<vmem>>) offsets(%dma_start3A_1391 : memref<128xi32, #tpu.memory_space<vmem>>) semaphore(%arg7 : memref<!tpu.dma_semaphore, #tpu.memory_space<semaphore_mem>>)
      %dma_wait3A_1395 = arith.constant 0 : i32
      %dma_wait3A_1396 = arith.constant 0 : i32
      %dma_wait3A_1397 = arith.constant 0 : i32
      %dma_wait3A_1398 = arith.constant 0 : i32
      %dma_wait3A_1399 = arith.constant 0 : i32
      %dma_wait3A_1400 = tpu.memref_slice %arg6[%dma_wait3A_1397, %dma_wait3A_1398, %dma_wait3A_1399] : memref<2x1664x32xf32, #tpu.memory_space<vmem>> -> memref<1x1664x32xf32, #tpu.memory_space<vmem>>
      %dma_wait3A_1401 = tpu.memref_squeeze %dma_wait3A_1400 : memref<1x1664x32xf32, #tpu.memory_space<vmem>> -> memref<1664x32xf32, #tpu.memory_space<vmem>>
      %dma_wait3A_1402 = arith.constant 0 : i32
      %dma_wait3A_1403 = arith.constant 0 : i32
      %dma_wait3A_1404 = tpu.memref_slice %dma_wait3A_1401[%dma_wait3A_1402, %dma_wait3A_1403] : memref<1664x32xf32, #tpu.memory_space<vmem>> -> memref<128x32xf32, #tpu.memory_space<vmem>>
      %dma_wait3A_1405 = arith.constant 0 : i32
      %dma_wait3A_1406 = arith.constant 0 : i32
      %dma_wait3A_1407 = tpu.memref_slice %arg5[%dma_wait3A_1395, %dma_wait3A_1405, %dma_wait3A_1406] : memref<2x13x128xi32, #tpu.memory_space<vmem>> -> memref<1x13x128xi32, #tpu.memory_space<vmem>>
      %dma_wait3A_1408 = tpu.memref_squeeze %dma_wait3A_1407 : memref<1x13x128xi32, #tpu.memory_space<vmem>> -> memref<13x128xi32, #tpu.memory_space<vmem>>
      %dma_wait3A_1409 = arith.constant 0 : i32
      %dma_wait3A_1410 = tpu.memref_slice %dma_wait3A_1408[%dma_wait3A_1396, %dma_wait3A_1409] : memref<13x128xi32, #tpu.memory_space<vmem>> -> memref<1x128xi32, #tpu.memory_space<vmem>>
      %dma_wait3A_1411 = tpu.memref_squeeze %dma_wait3A_1410 : memref<1x128xi32, #tpu.memory_space<vmem>> -> memref<128xi32, #tpu.memory_space<vmem>>
      %dma_wait3A_1412 = arith.constant 0 : i32
      %dma_wait3A_1413 = arith.constant 0 : i32
      %dma_wait3A_1414 = tpu.memref_slice %arg3[%dma_wait3A_1412, %dma_wait3A_1413] : memref<1000001x32xf32, #tpu.memory_space<hbm>> -> memref<1000001x32xf32, #tpu.memory_space<hbm>>
      tpu.wait_indirect_dma semaphore(%arg7 : memref<!tpu.dma_semaphore, #tpu.memory_space<semaphore_mem>>) src(%dma_wait3A_1414 : memref<1000001x32xf32, #tpu.memory_space<hbm>>) dst(%dma_wait3A_1404 : memref<128x32xf32, #tpu.memory_space<vmem>>)
      %dma_wait3A_1415 = arith.constant 0 : i32
      %dma_wait3A_1416 = arith.constant 1 : i32
      %dma_wait3A_1417 = arith.constant 0 : i32
      %dma_wait3A_1418 = arith.constant 0 : i32
      %dma_wait3A_1419 = arith.constant 0 : i32
      %dma_wait3A_1420 = tpu.memref_slice %arg6[%dma_wait3A_1417, %dma_wait3A_1418, %dma_wait3A_1419] : memref<2x1664x32xf32, #tpu.memory_space<vmem>> -> memref<1x1664x32xf32, #tpu.memory_space<vmem>>
      %dma_wait3A_1421 = tpu.memref_squeeze %dma_wait3A_1420 : memref<1x1664x32xf32, #tpu.memory_space<vmem>> -> memref<1664x32xf32, #tpu.memory_space<vmem>>
      %dma_wait3A_1422 = arith.constant 128 : i32
      %dma_wait3A_1423 = arith.constant 0 : i32
      %dma_wait3A_1424 = tpu.memref_slice %dma_wait3A_1421[%dma_wait3A_1422, %dma_wait3A_1423] : memref<1664x32xf32, #tpu.memory_space<vmem>> -> memref<128x32xf32, #tpu.memory_space<vmem>>
      %dma_wait3A_1425 = arith.constant 0 : i32
      %dma_wait3A_1426 = arith.constant 0 : i32
      %dma_wait3A_1427 = tpu.memref_slice %arg5[%dma_wait3A_1415, %dma_wait3A_1425, %dma_wait3A_1426] : memref<2x13x128xi32, #tpu.memory_space<vmem>> -> memref<1x13x128xi32, #tpu.memory_space<vmem>>
      %dma_wait3A_1428 = tpu.memref_squeeze %dma_wait3A_1427 : memref<1x13x128xi32, #tpu.memory_space<vmem>> -> memref<13x128xi32, #tpu.memory_space<vmem>>
      %dma_wait3A_1429 = arith.constant 0 : i32
      %dma_wait3A_1430 = tpu.memref_slice %dma_wait3A_1428[%dma_wait3A_1416, %dma_wait3A_1429] : memref<13x128xi32, #tpu.memory_space<vmem>> -> memref<1x128xi32, #tpu.memory_space<vmem>>
      %dma_wait3A_1431 = tpu.memref_squeeze %dma_wait3A_1430 : memref<1x128xi32, #tpu.memory_space<vmem>> -> memref<128xi32, #tpu.memory_space<vmem>>
      %dma_wait3A_1432 = arith.constant 0 : i32
      %dma_wait3A_1433 = arith.constant 0 : i32
      %dma_wait3A_1434 = tpu.memref_slice %arg3[%dma_wait3A_1432, %dma_wait3A_1433] : memref<1000001x32xf32, #tpu.memory_space<hbm>> -> memref<1000001x32xf32, #tpu.memory_space<hbm>>
      tpu.wait_indirect_dma semaphore(%arg7 : memref<!tpu.dma_semaphore, #tpu.memory_space<semaphore_mem>>) src(%dma_wait3A_1434 : memref<1000001x32xf32, #tpu.memory_space<hbm>>) dst(%dma_wait3A_1424 : memref<128x32xf32, #tpu.memory_space<vmem>>)
      %dma_wait3A_1435 = arith.constant 0 : i32
      %dma_wait3A_1436 = arith.constant 2 : i32
      %dma_wait3A_1437 = arith.constant 0 : i32
      %dma_wait3A_1438 = arith.constant 0 : i32
      %dma_wait3A_1439 = arith.constant 0 : i32
      %dma_wait3A_1440 = tpu.memref_slice %arg6[%dma_wait3A_1437, %dma_wait3A_1438, %dma_wait3A_1439] : memref<2x1664x32xf32, #tpu.memory_space<vmem>> -> memref<1x1664x32xf32, #tpu.memory_space<vmem>>
      %dma_wait3A_1441 = tpu.memref_squeeze %dma_wait3A_1440 : memref<1x1664x32xf32, #tpu.memory_space<vmem>> -> memref<1664x32xf32, #tpu.memory_space<vmem>>
      %dma_wait3A_1442 = arith.constant 256 : i32
      %dma_wait3A_1443 = arith.constant 0 : i32
      %dma_wait3A_1444 = tpu.memref_slice %dma_wait3A_1441[%dma_wait3A_1442, %dma_wait3A_1443] : memref<1664x32xf32, #tpu.memory_space<vmem>> -> memref<128x32xf32, #tpu.memory_space<vmem>>
      %dma_wait3A_1445 = arith.constant 0 : i32
      %dma_wait3A_1446 = arith.constant 0 : i32
      %dma_wait3A_1447 = tpu.memref_slice %arg5[%dma_wait3A_1435, %dma_wait3A_1445, %dma_wait3A_1446] : memref<2x13x128xi32, #tpu.memory_space<vmem>> -> memref<1x13x128xi32, #tpu.memory_space<vmem>>
      %dma_wait3A_1448 = tpu.memref_squeeze %dma_wait3A_1447 : memref<1x13x128xi32, #tpu.memory_space<vmem>> -> memref<13x128xi32, #tpu.memory_space<vmem>>
      %dma_wait3A_1449 = arith.constant 0 : i32
      %dma_wait3A_1450 = tpu.memref_slice %dma_wait3A_1448[%dma_wait3A_1436, %dma_wait3A_1449] : memref<13x128xi32, #tpu.memory_space<vmem>> -> memref<1x128xi32, #tpu.memory_space<vmem>>
      %dma_wait3A_1451 = tpu.memref_squeeze %dma_wait3A_1450 : memref<1x128xi32, #tpu.memory_space<vmem>> -> memref<128xi32, #tpu.memory_space<vmem>>
      %dma_wait3A_1452 = arith.constant 0 : i32
      %dma_wait3A_1453 = arith.constant 0 : i32
      %dma_wait3A_1454 = tpu.memref_slice %arg3[%dma_wait3A_1452, %dma_wait3A_1453] : memref<1000001x32xf32, #tpu.memory_space<hbm>> -> memref<1000001x32xf32, #tpu.memory_space<hbm>>
      tpu.wait_indirect_dma semaphore(%arg7 : memref<!tpu.dma_semaphore, #tpu.memory_space<semaphore_mem>>) src(%dma_wait3A_1454 : memref<1000001x32xf32, #tpu.memory_space<hbm>>) dst(%dma_wait3A_1444 : memref<128x32xf32, #tpu.memory_space<vmem>>)
      %dma_wait3A_1455 = arith.constant 0 : i32
      %dma_wait3A_1456 = arith.constant 3 : i32
      %dma_wait3A_1457 = arith.constant 0 : i32
      %dma_wait3A_1458 = arith.constant 0 : i32
      %dma_wait3A_1459 = arith.constant 0 : i32
      %dma_wait3A_1460 = tpu.memref_slice %arg6[%dma_wait3A_1457, %dma_wait3A_1458, %dma_wait3A_1459] : memref<2x1664x32xf32, #tpu.memory_space<vmem>> -> memref<1x1664x32xf32, #tpu.memory_space<vmem>>
      %dma_wait3A_1461 = tpu.memref_squeeze %dma_wait3A_1460 : memref<1x1664x32xf32, #tpu.memory_space<vmem>> -> memref<1664x32xf32, #tpu.memory_space<vmem>>
      %dma_wait3A_1462 = arith.constant 384 : i32
      %dma_wait3A_1463 = arith.constant 0 : i32
      %dma_wait3A_1464 = tpu.memref_slice %dma_wait3A_1461[%dma_wait3A_1462, %dma_wait3A_1463] : memref<1664x32xf32, #tpu.memory_space<vmem>> -> memref<128x32xf32, #tpu.memory_space<vmem>>
      %dma_wait3A_1465 = arith.constant 0 : i32
      %dma_wait3A_1466 = arith.constant 0 : i32
      %dma_wait3A_1467 = tpu.memref_slice %arg5[%dma_wait3A_1455, %dma_wait3A_1465, %dma_wait3A_1466] : memref<2x13x128xi32, #tpu.memory_space<vmem>> -> memref<1x13x128xi32, #tpu.memory_space<vmem>>
      %dma_wait3A_1468 = tpu.memref_squeeze %dma_wait3A_1467 : memref<1x13x128xi32, #tpu.memory_space<vmem>> -> memref<13x128xi32, #tpu.memory_space<vmem>>
      %dma_wait3A_1469 = arith.constant 0 : i32
      %dma_wait3A_1470 = tpu.memref_slice %dma_wait3A_1468[%dma_wait3A_1456, %dma_wait3A_1469] : memref<13x128xi32, #tpu.memory_space<vmem>> -> memref<1x128xi32, #tpu.memory_space<vmem>>
      %dma_wait3A_1471 = tpu.memref_squeeze %dma_wait3A_1470 : memref<1x128xi32, #tpu.memory_space<vmem>> -> memref<128xi32, #tpu.memory_space<vmem>>
      %dma_wait3A_1472 = arith.constant 0 : i32
      %dma_wait3A_1473 = arith.constant 0 : i32
      %dma_wait3A_1474 = tpu.memref_slice %arg3[%dma_wait3A_1472, %dma_wait3A_1473] : memref<1000001x32xf32, #tpu.memory_space<hbm>> -> memref<1000001x32xf32, #tpu.memory_space<hbm>>
      tpu.wait_indirect_dma semaphore(%arg7 : memref<!tpu.dma_semaphore, #tpu.memory_space<semaphore_mem>>) src(%dma_wait3A_1474 : memref<1000001x32xf32, #tpu.memory_space<hbm>>) dst(%dma_wait3A_1464 : memref<128x32xf32, #tpu.memory_space<vmem>>)
      %dma_wait3A_1475 = arith.constant 0 : i32
      %dma_wait3A_1476 = arith.constant 4 : i32
      %dma_wait3A_1477 = arith.constant 0 : i32
      %dma_wait3A_1478 = arith.constant 0 : i32
      %dma_wait3A_1479 = arith.constant 0 : i32
      %dma_wait3A_1480 = tpu.memref_slice %arg6[%dma_wait3A_1477, %dma_wait3A_1478, %dma_wait3A_1479] : memref<2x1664x32xf32, #tpu.memory_space<vmem>> -> memref<1x1664x32xf32, #tpu.memory_space<vmem>>
      %dma_wait3A_1481 = tpu.memref_squeeze %dma_wait3A_1480 : memref<1x1664x32xf32, #tpu.memory_space<vmem>> -> memref<1664x32xf32, #tpu.memory_space<vmem>>
      %dma_wait3A_1482 = arith.constant 512 : i32
      %dma_wait3A_1483 = arith.constant 0 : i32
      %dma_wait3A_1484 = tpu.memref_slice %dma_wait3A_1481[%dma_wait3A_1482, %dma_wait3A_1483] : memref<1664x32xf32, #tpu.memory_space<vmem>> -> memref<128x32xf32, #tpu.memory_space<vmem>>
      %dma_wait3A_1485 = arith.constant 0 : i32
      %dma_wait3A_1486 = arith.constant 0 : i32
      %dma_wait3A_1487 = tpu.memref_slice %arg5[%dma_wait3A_1475, %dma_wait3A_1485, %dma_wait3A_1486] : memref<2x13x128xi32, #tpu.memory_space<vmem>> -> memref<1x13x128xi32, #tpu.memory_space<vmem>>
      %dma_wait3A_1488 = tpu.memref_squeeze %dma_wait3A_1487 : memref<1x13x128xi32, #tpu.memory_space<vmem>> -> memref<13x128xi32, #tpu.memory_space<vmem>>
      %dma_wait3A_1489 = arith.constant 0 : i32
      %dma_wait3A_1490 = tpu.memref_slice %dma_wait3A_1488[%dma_wait3A_1476, %dma_wait3A_1489] : memref<13x128xi32, #tpu.memory_space<vmem>> -> memref<1x128xi32, #tpu.memory_space<vmem>>
      %dma_wait3A_1491 = tpu.memref_squeeze %dma_wait3A_1490 : memref<1x128xi32, #tpu.memory_space<vmem>> -> memref<128xi32, #tpu.memory_space<vmem>>
      %dma_wait3A_1492 = arith.constant 0 : i32
      %dma_wait3A_1493 = arith.constant 0 : i32
      %dma_wait3A_1494 = tpu.memref_slice %arg3[%dma_wait3A_1492, %dma_wait3A_1493] : memref<1000001x32xf32, #tpu.memory_space<hbm>> -> memref<1000001x32xf32, #tpu.memory_space<hbm>>
      tpu.wait_indirect_dma semaphore(%arg7 : memref<!tpu.dma_semaphore, #tpu.memory_space<semaphore_mem>>) src(%dma_wait3A_1494 : memref<1000001x32xf32, #tpu.memory_space<hbm>>) dst(%dma_wait3A_1484 : memref<128x32xf32, #tpu.memory_space<vmem>>)
      %dma_wait3A_1495 = arith.constant 0 : i32
      %dma_wait3A_1496 = arith.constant 5 : i32
      %dma_wait3A_1497 = arith.constant 0 : i32
      %dma_wait3A_1498 = arith.constant 0 : i32
      %dma_wait3A_1499 = arith.constant 0 : i32
      %dma_wait3A_1500 = tpu.memref_slice %arg6[%dma_wait3A_1497, %dma_wait3A_1498, %dma_wait3A_1499] : memref<2x1664x32xf32, #tpu.memory_space<vmem>> -> memref<1x1664x32xf32, #tpu.memory_space<vmem>>
      %dma_wait3A_1501 = tpu.memref_squeeze %dma_wait3A_1500 : memref<1x1664x32xf32, #tpu.memory_space<vmem>> -> memref<1664x32xf32, #tpu.memory_space<vmem>>
      %dma_wait3A_1502 = arith.constant 640 : i32
      %dma_wait3A_1503 = arith.constant 0 : i32
      %dma_wait3A_1504 = tpu.memref_slice %dma_wait3A_1501[%dma_wait3A_1502, %dma_wait3A_1503] : memref<1664x32xf32, #tpu.memory_space<vmem>> -> memref<128x32xf32, #tpu.memory_space<vmem>>
      %dma_wait3A_1505 = arith.constant 0 : i32
      %dma_wait3A_1506 = arith.constant 0 : i32
      %dma_wait3A_1507 = tpu.memref_slice %arg5[%dma_wait3A_1495, %dma_wait3A_1505, %dma_wait3A_1506] : memref<2x13x128xi32, #tpu.memory_space<vmem>> -> memref<1x13x128xi32, #tpu.memory_space<vmem>>
      %dma_wait3A_1508 = tpu.memref_squeeze %dma_wait3A_1507 : memref<1x13x128xi32, #tpu.memory_space<vmem>> -> memref<13x128xi32, #tpu.memory_space<vmem>>
      %dma_wait3A_1509 = arith.constant 0 : i32
      %dma_wait3A_1510 = tpu.memref_slice %dma_wait3A_1508[%dma_wait3A_1496, %dma_wait3A_1509] : memref<13x128xi32, #tpu.memory_space<vmem>> -> memref<1x128xi32, #tpu.memory_space<vmem>>
      %dma_wait3A_1511 = tpu.memref_squeeze %dma_wait3A_1510 : memref<1x128xi32, #tpu.memory_space<vmem>> -> memref<128xi32, #tpu.memory_space<vmem>>
      %dma_wait3A_1512 = arith.constant 0 : i32
      %dma_wait3A_1513 = arith.constant 0 : i32
      %dma_wait3A_1514 = tpu.memref_slice %arg3[%dma_wait3A_1512, %dma_wait3A_1513] : memref<1000001x32xf32, #tpu.memory_space<hbm>> -> memref<1000001x32xf32, #tpu.memory_space<hbm>>
      tpu.wait_indirect_dma semaphore(%arg7 : memref<!tpu.dma_semaphore, #tpu.memory_space<semaphore_mem>>) src(%dma_wait3A_1514 : memref<1000001x32xf32, #tpu.memory_space<hbm>>) dst(%dma_wait3A_1504 : memref<128x32xf32, #tpu.memory_space<vmem>>)
      %dma_wait3A_1515 = arith.constant 0 : i32
      %dma_wait3A_1516 = arith.constant 6 : i32
      %dma_wait3A_1517 = arith.constant 0 : i32
      %dma_wait3A_1518 = arith.constant 0 : i32
      %dma_wait3A_1519 = arith.constant 0 : i32
      %dma_wait3A_1520 = tpu.memref_slice %arg6[%dma_wait3A_1517, %dma_wait3A_1518, %dma_wait3A_1519] : memref<2x1664x32xf32, #tpu.memory_space<vmem>> -> memref<1x1664x32xf32, #tpu.memory_space<vmem>>
      %dma_wait3A_1521 = tpu.memref_squeeze %dma_wait3A_1520 : memref<1x1664x32xf32, #tpu.memory_space<vmem>> -> memref<1664x32xf32, #tpu.memory_space<vmem>>
      %dma_wait3A_1522 = arith.constant 768 : i32
      %dma_wait3A_1523 = arith.constant 0 : i32
      %dma_wait3A_1524 = tpu.memref_slice %dma_wait3A_1521[%dma_wait3A_1522, %dma_wait3A_1523] : memref<1664x32xf32, #tpu.memory_space<vmem>> -> memref<128x32xf32, #tpu.memory_space<vmem>>
      %dma_wait3A_1525 = arith.constant 0 : i32
      %dma_wait3A_1526 = arith.constant 0 : i32
      %dma_wait3A_1527 = tpu.memref_slice %arg5[%dma_wait3A_1515, %dma_wait3A_1525, %dma_wait3A_1526] : memref<2x13x128xi32, #tpu.memory_space<vmem>> -> memref<1x13x128xi32, #tpu.memory_space<vmem>>
      %dma_wait3A_1528 = tpu.memref_squeeze %dma_wait3A_1527 : memref<1x13x128xi32, #tpu.memory_space<vmem>> -> memref<13x128xi32, #tpu.memory_space<vmem>>
      %dma_wait3A_1529 = arith.constant 0 : i32
      %dma_wait3A_1530 = tpu.memref_slice %dma_wait3A_1528[%dma_wait3A_1516, %dma_wait3A_1529] : memref<13x128xi32, #tpu.memory_space<vmem>> -> memref<1x128xi32, #tpu.memory_space<vmem>>
      %dma_wait3A_1531 = tpu.memref_squeeze %dma_wait3A_1530 : memref<1x128xi32, #tpu.memory_space<vmem>> -> memref<128xi32, #tpu.memory_space<vmem>>
      %dma_wait3A_1532 = arith.constant 0 : i32
      %dma_wait3A_1533 = arith.constant 0 : i32
      %dma_wait3A_1534 = tpu.memref_slice %arg3[%dma_wait3A_1532, %dma_wait3A_1533] : memref<1000001x32xf32, #tpu.memory_space<hbm>> -> memref<1000001x32xf32, #tpu.memory_space<hbm>>
      tpu.wait_indirect_dma semaphore(%arg7 : memref<!tpu.dma_semaphore, #tpu.memory_space<semaphore_mem>>) src(%dma_wait3A_1534 : memref<1000001x32xf32, #tpu.memory_space<hbm>>) dst(%dma_wait3A_1524 : memref<128x32xf32, #tpu.memory_space<vmem>>)
      %dma_wait3A_1535 = arith.constant 0 : i32
      %dma_wait3A_1536 = arith.constant 7 : i32
      %dma_wait3A_1537 = arith.constant 0 : i32
      %dma_wait3A_1538 = arith.constant 0 : i32
      %dma_wait3A_1539 = arith.constant 0 : i32
      %dma_wait3A_1540 = tpu.memref_slice %arg6[%dma_wait3A_1537, %dma_wait3A_1538, %dma_wait3A_1539] : memref<2x1664x32xf32, #tpu.memory_space<vmem>> -> memref<1x1664x32xf32, #tpu.memory_space<vmem>>
      %dma_wait3A_1541 = tpu.memref_squeeze %dma_wait3A_1540 : memref<1x1664x32xf32, #tpu.memory_space<vmem>> -> memref<1664x32xf32, #tpu.memory_space<vmem>>
      %dma_wait3A_1542 = arith.constant 896 : i32
      %dma_wait3A_1543 = arith.constant 0 : i32
      %dma_wait3A_1544 = tpu.memref_slice %dma_wait3A_1541[%dma_wait3A_1542, %dma_wait3A_1543] : memref<1664x32xf32, #tpu.memory_space<vmem>> -> memref<128x32xf32, #tpu.memory_space<vmem>>
      %dma_wait3A_1545 = arith.constant 0 : i32
      %dma_wait3A_1546 = arith.constant 0 : i32
      %dma_wait3A_1547 = tpu.memref_slice %arg5[%dma_wait3A_1535, %dma_wait3A_1545, %dma_wait3A_1546] : memref<2x13x128xi32, #tpu.memory_space<vmem>> -> memref<1x13x128xi32, #tpu.memory_space<vmem>>
      %dma_wait3A_1548 = tpu.memref_squeeze %dma_wait3A_1547 : memref<1x13x128xi32, #tpu.memory_space<vmem>> -> memref<13x128xi32, #tpu.memory_space<vmem>>
      %dma_wait3A_1549 = arith.constant 0 : i32
      %dma_wait3A_1550 = tpu.memref_slice %dma_wait3A_1548[%dma_wait3A_1536, %dma_wait3A_1549] : memref<13x128xi32, #tpu.memory_space<vmem>> -> memref<1x128xi32, #tpu.memory_space<vmem>>
      %dma_wait3A_1551 = tpu.memref_squeeze %dma_wait3A_1550 : memref<1x128xi32, #tpu.memory_space<vmem>> -> memref<128xi32, #tpu.memory_space<vmem>>
      %dma_wait3A_1552 = arith.constant 0 : i32
      %dma_wait3A_1553 = arith.constant 0 : i32
      %dma_wait3A_1554 = tpu.memref_slice %arg3[%dma_wait3A_1552, %dma_wait3A_1553] : memref<1000001x32xf32, #tpu.memory_space<hbm>> -> memref<1000001x32xf32, #tpu.memory_space<hbm>>
      tpu.wait_indirect_dma semaphore(%arg7 : memref<!tpu.dma_semaphore, #tpu.memory_space<semaphore_mem>>) src(%dma_wait3A_1554 : memref<1000001x32xf32, #tpu.memory_space<hbm>>) dst(%dma_wait3A_1544 : memref<128x32xf32, #tpu.memory_space<vmem>>)
      %dma_wait3A_1555 = arith.constant 0 : i32
      %dma_wait3A_1556 = arith.constant 8 : i32
      %dma_wait3A_1557 = arith.constant 0 : i32
      %dma_wait3A_1558 = arith.constant 0 : i32
      %dma_wait3A_1559 = arith.constant 0 : i32
      %dma_wait3A_1560 = tpu.memref_slice %arg6[%dma_wait3A_1557, %dma_wait3A_1558, %dma_wait3A_1559] : memref<2x1664x32xf32, #tpu.memory_space<vmem>> -> memref<1x1664x32xf32, #tpu.memory_space<vmem>>
      %dma_wait3A_1561 = tpu.memref_squeeze %dma_wait3A_1560 : memref<1x1664x32xf32, #tpu.memory_space<vmem>> -> memref<1664x32xf32, #tpu.memory_space<vmem>>
      %dma_wait3A_1562 = arith.constant 1024 : i32
      %dma_wait3A_1563 = arith.constant 0 : i32
      %dma_wait3A_1564 = tpu.memref_slice %dma_wait3A_1561[%dma_wait3A_1562, %dma_wait3A_1563] : memref<1664x32xf32, #tpu.memory_space<vmem>> -> memref<128x32xf32, #tpu.memory_space<vmem>>
      %dma_wait3A_1565 = arith.constant 0 : i32
      %dma_wait3A_1566 = arith.constant 0 : i32
      %dma_wait3A_1567 = tpu.memref_slice %arg5[%dma_wait3A_1555, %dma_wait3A_1565, %dma_wait3A_1566] : memref<2x13x128xi32, #tpu.memory_space<vmem>> -> memref<1x13x128xi32, #tpu.memory_space<vmem>>
      %dma_wait3A_1568 = tpu.memref_squeeze %dma_wait3A_1567 : memref<1x13x128xi32, #tpu.memory_space<vmem>> -> memref<13x128xi32, #tpu.memory_space<vmem>>
      %dma_wait3A_1569 = arith.constant 0 : i32
      %dma_wait3A_1570 = tpu.memref_slice %dma_wait3A_1568[%dma_wait3A_1556, %dma_wait3A_1569] : memref<13x128xi32, #tpu.memory_space<vmem>> -> memref<1x128xi32, #tpu.memory_space<vmem>>
      %dma_wait3A_1571 = tpu.memref_squeeze %dma_wait3A_1570 : memref<1x128xi32, #tpu.memory_space<vmem>> -> memref<128xi32, #tpu.memory_space<vmem>>
      %dma_wait3A_1572 = arith.constant 0 : i32
      %dma_wait3A_1573 = arith.constant 0 : i32
      %dma_wait3A_1574 = tpu.memref_slice %arg3[%dma_wait3A_1572, %dma_wait3A_1573] : memref<1000001x32xf32, #tpu.memory_space<hbm>> -> memref<1000001x32xf32, #tpu.memory_space<hbm>>
      tpu.wait_indirect_dma semaphore(%arg7 : memref<!tpu.dma_semaphore, #tpu.memory_space<semaphore_mem>>) src(%dma_wait3A_1574 : memref<1000001x32xf32, #tpu.memory_space<hbm>>) dst(%dma_wait3A_1564 : memref<128x32xf32, #tpu.memory_space<vmem>>)
      %dma_wait3A_1575 = arith.constant 0 : i32
      %dma_wait3A_1576 = arith.constant 9 : i32
      %dma_wait3A_1577 = arith.constant 0 : i32
      %dma_wait3A_1578 = arith.constant 0 : i32
      %dma_wait3A_1579 = arith.constant 0 : i32
      %dma_wait3A_1580 = tpu.memref_slice %arg6[%dma_wait3A_1577, %dma_wait3A_1578, %dma_wait3A_1579] : memref<2x1664x32xf32, #tpu.memory_space<vmem>> -> memref<1x1664x32xf32, #tpu.memory_space<vmem>>
      %dma_wait3A_1581 = tpu.memref_squeeze %dma_wait3A_1580 : memref<1x1664x32xf32, #tpu.memory_space<vmem>> -> memref<1664x32xf32, #tpu.memory_space<vmem>>
      %dma_wait3A_1582 = arith.constant 1152 : i32
      %dma_wait3A_1583 = arith.constant 0 : i32
      %dma_wait3A_1584 = tpu.memref_slice %dma_wait3A_1581[%dma_wait3A_1582, %dma_wait3A_1583] : memref<1664x32xf32, #tpu.memory_space<vmem>> -> memref<128x32xf32, #tpu.memory_space<vmem>>
      %dma_wait3A_1585 = arith.constant 0 : i32
      %dma_wait3A_1586 = arith.constant 0 : i32
      %dma_wait3A_1587 = tpu.memref_slice %arg5[%dma_wait3A_1575, %dma_wait3A_1585, %dma_wait3A_1586] : memref<2x13x128xi32, #tpu.memory_space<vmem>> -> memref<1x13x128xi32, #tpu.memory_space<vmem>>
      %dma_wait3A_1588 = tpu.memref_squeeze %dma_wait3A_1587 : memref<1x13x128xi32, #tpu.memory_space<vmem>> -> memref<13x128xi32, #tpu.memory_space<vmem>>
      %dma_wait3A_1589 = arith.constant 0 : i32
      %dma_wait3A_1590 = tpu.memref_slice %dma_wait3A_1588[%dma_wait3A_1576, %dma_wait3A_1589] : memref<13x128xi32, #tpu.memory_space<vmem>> -> memref<1x128xi32, #tpu.memory_space<vmem>>
      %dma_wait3A_1591 = tpu.memref_squeeze %dma_wait3A_1590 : memref<1x128xi32, #tpu.memory_space<vmem>> -> memref<128xi32, #tpu.memory_space<vmem>>
      %dma_wait3A_1592 = arith.constant 0 : i32
      %dma_wait3A_1593 = arith.constant 0 : i32
      %dma_wait3A_1594 = tpu.memref_slice %arg3[%dma_wait3A_1592, %dma_wait3A_1593] : memref<1000001x32xf32, #tpu.memory_space<hbm>> -> memref<1000001x32xf32, #tpu.memory_space<hbm>>
      tpu.wait_indirect_dma semaphore(%arg7 : memref<!tpu.dma_semaphore, #tpu.memory_space<semaphore_mem>>) src(%dma_wait3A_1594 : memref<1000001x32xf32, #tpu.memory_space<hbm>>) dst(%dma_wait3A_1584 : memref<128x32xf32, #tpu.memory_space<vmem>>)
      %dma_wait3A_1595 = arith.constant 0 : i32
      %dma_wait3A_1596 = arith.constant 10 : i32
      %dma_wait3A_1597 = arith.constant 0 : i32
      %dma_wait3A_1598 = arith.constant 0 : i32
      %dma_wait3A_1599 = arith.constant 0 : i32
      %dma_wait3A_1600 = tpu.memref_slice %arg6[%dma_wait3A_1597, %dma_wait3A_1598, %dma_wait3A_1599] : memref<2x1664x32xf32, #tpu.memory_space<vmem>> -> memref<1x1664x32xf32, #tpu.memory_space<vmem>>
      %dma_wait3A_1601 = tpu.memref_squeeze %dma_wait3A_1600 : memref<1x1664x32xf32, #tpu.memory_space<vmem>> -> memref<1664x32xf32, #tpu.memory_space<vmem>>
      %dma_wait3A_1602 = arith.constant 1280 : i32
      %dma_wait3A_1603 = arith.constant 0 : i32
      %dma_wait3A_1604 = tpu.memref_slice %dma_wait3A_1601[%dma_wait3A_1602, %dma_wait3A_1603] : memref<1664x32xf32, #tpu.memory_space<vmem>> -> memref<128x32xf32, #tpu.memory_space<vmem>>
      %dma_wait3A_1605 = arith.constant 0 : i32
      %dma_wait3A_1606 = arith.constant 0 : i32
      %dma_wait3A_1607 = tpu.memref_slice %arg5[%dma_wait3A_1595, %dma_wait3A_1605, %dma_wait3A_1606] : memref<2x13x128xi32, #tpu.memory_space<vmem>> -> memref<1x13x128xi32, #tpu.memory_space<vmem>>
      %dma_wait3A_1608 = tpu.memref_squeeze %dma_wait3A_1607 : memref<1x13x128xi32, #tpu.memory_space<vmem>> -> memref<13x128xi32, #tpu.memory_space<vmem>>
      %dma_wait3A_1609 = arith.constant 0 : i32
      %dma_wait3A_1610 = tpu.memref_slice %dma_wait3A_1608[%dma_wait3A_1596, %dma_wait3A_1609] : memref<13x128xi32, #tpu.memory_space<vmem>> -> memref<1x128xi32, #tpu.memory_space<vmem>>
      %dma_wait3A_1611 = tpu.memref_squeeze %dma_wait3A_1610 : memref<1x128xi32, #tpu.memory_space<vmem>> -> memref<128xi32, #tpu.memory_space<vmem>>
      %dma_wait3A_1612 = arith.constant 0 : i32
      %dma_wait3A_1613 = arith.constant 0 : i32
      %dma_wait3A_1614 = tpu.memref_slice %arg3[%dma_wait3A_1612, %dma_wait3A_1613] : memref<1000001x32xf32, #tpu.memory_space<hbm>> -> memref<1000001x32xf32, #tpu.memory_space<hbm>>
      tpu.wait_indirect_dma semaphore(%arg7 : memref<!tpu.dma_semaphore, #tpu.memory_space<semaphore_mem>>) src(%dma_wait3A_1614 : memref<1000001x32xf32, #tpu.memory_space<hbm>>) dst(%dma_wait3A_1604 : memref<128x32xf32, #tpu.memory_space<vmem>>)
      %dma_wait3A_1615 = arith.constant 0 : i32
      %dma_wait3A_1616 = arith.constant 11 : i32
      %dma_wait3A_1617 = arith.constant 0 : i32
      %dma_wait3A_1618 = arith.constant 0 : i32
      %dma_wait3A_1619 = arith.constant 0 : i32
      %dma_wait3A_1620 = tpu.memref_slice %arg6[%dma_wait3A_1617, %dma_wait3A_1618, %dma_wait3A_1619] : memref<2x1664x32xf32, #tpu.memory_space<vmem>> -> memref<1x1664x32xf32, #tpu.memory_space<vmem>>
      %dma_wait3A_1621 = tpu.memref_squeeze %dma_wait3A_1620 : memref<1x1664x32xf32, #tpu.memory_space<vmem>> -> memref<1664x32xf32, #tpu.memory_space<vmem>>
      %dma_wait3A_1622 = arith.constant 1408 : i32
      %dma_wait3A_1623 = arith.constant 0 : i32
      %dma_wait3A_1624 = tpu.memref_slice %dma_wait3A_1621[%dma_wait3A_1622, %dma_wait3A_1623] : memref<1664x32xf32, #tpu.memory_space<vmem>> -> memref<128x32xf32, #tpu.memory_space<vmem>>
      %dma_wait3A_1625 = arith.constant 0 : i32
      %dma_wait3A_1626 = arith.constant 0 : i32
      %dma_wait3A_1627 = tpu.memref_slice %arg5[%dma_wait3A_1615, %dma_wait3A_1625, %dma_wait3A_1626] : memref<2x13x128xi32, #tpu.memory_space<vmem>> -> memref<1x13x128xi32, #tpu.memory_space<vmem>>
      %dma_wait3A_1628 = tpu.memref_squeeze %dma_wait3A_1627 : memref<1x13x128xi32, #tpu.memory_space<vmem>> -> memref<13x128xi32, #tpu.memory_space<vmem>>
      %dma_wait3A_1629 = arith.constant 0 : i32
      %dma_wait3A_1630 = tpu.memref_slice %dma_wait3A_1628[%dma_wait3A_1616, %dma_wait3A_1629] : memref<13x128xi32, #tpu.memory_space<vmem>> -> memref<1x128xi32, #tpu.memory_space<vmem>>
      %dma_wait3A_1631 = tpu.memref_squeeze %dma_wait3A_1630 : memref<1x128xi32, #tpu.memory_space<vmem>> -> memref<128xi32, #tpu.memory_space<vmem>>
      %dma_wait3A_1632 = arith.constant 0 : i32
      %dma_wait3A_1633 = arith.constant 0 : i32
      %dma_wait3A_1634 = tpu.memref_slice %arg3[%dma_wait3A_1632, %dma_wait3A_1633] : memref<1000001x32xf32, #tpu.memory_space<hbm>> -> memref<1000001x32xf32, #tpu.memory_space<hbm>>
      tpu.wait_indirect_dma semaphore(%arg7 : memref<!tpu.dma_semaphore, #tpu.memory_space<semaphore_mem>>) src(%dma_wait3A_1634 : memref<1000001x32xf32, #tpu.memory_space<hbm>>) dst(%dma_wait3A_1624 : memref<128x32xf32, #tpu.memory_space<vmem>>)
      %dma_wait3A_1635 = arith.constant 0 : i32
      %dma_wait3A_1636 = arith.constant 12 : i32
      %dma_wait3A_1637 = arith.constant 0 : i32
      %dma_wait3A_1638 = arith.constant 0 : i32
      %dma_wait3A_1639 = arith.constant 0 : i32
      %dma_wait3A_1640 = tpu.memref_slice %arg6[%dma_wait3A_1637, %dma_wait3A_1638, %dma_wait3A_1639] : memref<2x1664x32xf32, #tpu.memory_space<vmem>> -> memref<1x1664x32xf32, #tpu.memory_space<vmem>>
      %dma_wait3A_1641 = tpu.memref_squeeze %dma_wait3A_1640 : memref<1x1664x32xf32, #tpu.memory_space<vmem>> -> memref<1664x32xf32, #tpu.memory_space<vmem>>
      %dma_wait3A_1642 = arith.constant 1536 : i32
      %dma_wait3A_1643 = arith.constant 0 : i32
      %dma_wait3A_1644 = tpu.memref_slice %dma_wait3A_1641[%dma_wait3A_1642, %dma_wait3A_1643] : memref<1664x32xf32, #tpu.memory_space<vmem>> -> memref<128x32xf32, #tpu.memory_space<vmem>>
      %dma_wait3A_1645 = arith.constant 0 : i32
      %dma_wait3A_1646 = arith.constant 0 : i32
      %dma_wait3A_1647 = tpu.memref_slice %arg5[%dma_wait3A_1635, %dma_wait3A_1645, %dma_wait3A_1646] : memref<2x13x128xi32, #tpu.memory_space<vmem>> -> memref<1x13x128xi32, #tpu.memory_space<vmem>>
      %dma_wait3A_1648 = tpu.memref_squeeze %dma_wait3A_1647 : memref<1x13x128xi32, #tpu.memory_space<vmem>> -> memref<13x128xi32, #tpu.memory_space<vmem>>
      %dma_wait3A_1649 = arith.constant 0 : i32
      %dma_wait3A_1650 = tpu.memref_slice %dma_wait3A_1648[%dma_wait3A_1636, %dma_wait3A_1649] : memref<13x128xi32, #tpu.memory_space<vmem>> -> memref<1x128xi32, #tpu.memory_space<vmem>>
      %dma_wait3A_1651 = tpu.memref_squeeze %dma_wait3A_1650 : memref<1x128xi32, #tpu.memory_space<vmem>> -> memref<128xi32, #tpu.memory_space<vmem>>
      %dma_wait3A_1652 = arith.constant 0 : i32
      %dma_wait3A_1653 = arith.constant 0 : i32
      %dma_wait3A_1654 = tpu.memref_slice %arg3[%dma_wait3A_1652, %dma_wait3A_1653] : memref<1000001x32xf32, #tpu.memory_space<hbm>> -> memref<1000001x32xf32, #tpu.memory_space<hbm>>
      tpu.wait_indirect_dma semaphore(%arg7 : memref<!tpu.dma_semaphore, #tpu.memory_space<semaphore_mem>>) src(%dma_wait3A_1654 : memref<1000001x32xf32, #tpu.memory_space<hbm>>) dst(%dma_wait3A_1644 : memref<128x32xf32, #tpu.memory_space<vmem>>)
      %dma_start3A_1655 = arith.constant 0 : i32
      %dma_start3A_1656 = arith.constant 0 : i32
      %dma_start3A_1657 = arith.constant 0 : i32
      %dma_start3A_1658 = tpu.memref_slice %arg6[%dma_start3A_1655, %dma_start3A_1656, %dma_start3A_1657] : memref<2x1664x32xf32, #tpu.memory_space<vmem>> -> memref<1x1664x32xf32, #tpu.memory_space<vmem>>
      %dma_start3A_1659 = tpu.memref_squeeze %dma_start3A_1658 : memref<1x1664x32xf32, #tpu.memory_space<vmem>> -> memref<1664x32xf32, #tpu.memory_space<vmem>>
      %dma_start3A_1660 = arith.constant 0 : i32
      %dma_start3A_1661 = tpu.memref_slice %arg4[%mul3A_1120, %dma_start3A_1660] : memref<425984x32xf32, #tpu.memory_space<hbm>> -> memref<1664x32xf32, #tpu.memory_space<hbm>>
      %dma_start3A_1662 = arith.constant 0 : i32
      %dma_start3A_1663 = tpu.memref_slice %arg4[%mul3A_1120, %dma_start3A_1662] : memref<425984x32xf32, #tpu.memory_space<hbm>> -> memref<1664x32xf32, #tpu.memory_space<hbm>>
      %dma_start3A_1664 = arith.constant 0 : i32
      %dma_start3A_1665 = arith.constant 0 : i32
      %dma_start3A_1666 = tpu.memref_slice %arg6[%dma_start3A_1655, %dma_start3A_1664, %dma_start3A_1665] : memref<2x1664x32xf32, #tpu.memory_space<vmem>> -> memref<1x1664x32xf32, #tpu.memory_space<vmem>>
      %dma_start3A_1667 = tpu.memref_squeeze %dma_start3A_1666 : memref<1x1664x32xf32, #tpu.memory_space<vmem>> -> memref<1664x32xf32, #tpu.memory_space<vmem>>
      tpu.enqueue_dma source(%dma_start3A_1667 : memref<1664x32xf32, #tpu.memory_space<vmem>>) target(%dma_start3A_1663 : memref<1664x32xf32, #tpu.memory_space<hbm>>) target_semaphore(%arg8 : memref<!tpu.dma_semaphore, #tpu.memory_space<semaphore_mem>>)
      %mul3A_1668 = arith.constant 2 : i32
      %mul3A_1669 = arith.muli %mul3A_1668, %scan3A_1112 : i32
      %add3A_1670 = arith.constant 1 : i32
      %add3A_1671 = arith.addi %mul3A_1669, %add3A_1670 : i32
      %mul3A_1672 = arith.constant 13 : i32
      %mul3A_1673 = arith.muli %add3A_1671, %mul3A_1672 : i32
      %add3A_1674 = arith.addi %mul3A_2, %mul3A_1673 : i32
      %mul3A_1675 = arith.constant 128 : i32
      %mul3A_1676 = arith.muli %add3A_1674, %mul3A_1675 : i32
      %run_scoped3A_1677 = arith.constant 1 : i32
      "tpu.region"() ({
        %run_scoped3A_2225 = tpu.sem_alloc : memref<!tpu.dma_semaphore, #tpu.memory_space<semaphore_mem>>
        %dma_start3A_2226 = arith.constant 0 : i32
        %dma_start3A_2227 = arith.constant 0 : i32
        %dma_start3A_2228 = tpu.memref_slice %arg5[%run_scoped3A_1677, %dma_start3A_2226, %dma_start3A_2227] : memref<2x13x128xi32, #tpu.memory_space<vmem>> -> memref<1x13x128xi32, #tpu.memory_space<vmem>>
        %dma_start3A_2229 = tpu.memref_squeeze %dma_start3A_2228 : memref<1x13x128xi32, #tpu.memory_space<vmem>> -> memref<13x128xi32, #tpu.memory_space<vmem>>
        %dma_start3A_2230 = arith.constant 0 : i32
        %dma_start3A_2231 = tpu.memref_slice %arg2[%add3A_1674, %dma_start3A_2230] : memref<3328x128xi32, #tpu.memory_space<hbm>> -> memref<13x128xi32, #tpu.memory_space<hbm>>
        %dma_start3A_2232 = arith.constant 0 : i32
        %dma_start3A_2233 = arith.constant 0 : i32
        %dma_start3A_2234 = tpu.memref_slice %arg5[%run_scoped3A_1677, %dma_start3A_2232, %dma_start3A_2233] : memref<2x13x128xi32, #tpu.memory_space<vmem>> -> memref<1x13x128xi32, #tpu.memory_space<vmem>>
        %dma_start3A_2235 = tpu.memref_squeeze %dma_start3A_2234 : memref<1x13x128xi32, #tpu.memory_space<vmem>> -> memref<13x128xi32, #tpu.memory_space<vmem>>
        %dma_start3A_2236 = arith.constant 0 : i32
        %dma_start3A_2237 = tpu.memref_slice %arg2[%add3A_1674, %dma_start3A_2236] : memref<3328x128xi32, #tpu.memory_space<hbm>> -> memref<13x128xi32, #tpu.memory_space<hbm>>
        tpu.enqueue_dma source(%dma_start3A_2237 : memref<13x128xi32, #tpu.memory_space<hbm>>) target(%dma_start3A_2235 : memref<13x128xi32, #tpu.memory_space<vmem>>) target_semaphore(%run_scoped3A_2225 : memref<!tpu.dma_semaphore, #tpu.memory_space<semaphore_mem>>)
        %dma_wait3A_2238 = arith.constant 0 : i32
        %dma_wait3A_2239 = arith.constant 0 : i32
        %dma_wait3A_2240 = tpu.memref_slice %arg5[%run_scoped3A_1677, %dma_wait3A_2238, %dma_wait3A_2239] : memref<2x13x128xi32, #tpu.memory_space<vmem>> -> memref<1x13x128xi32, #tpu.memory_space<vmem>>
        %dma_wait3A_2241 = tpu.memref_squeeze %dma_wait3A_2240 : memref<1x13x128xi32, #tpu.memory_space<vmem>> -> memref<13x128xi32, #tpu.memory_space<vmem>>
        %dma_wait3A_2242 = arith.constant 0 : i32
        %dma_wait3A_2243 = tpu.memref_slice %arg2[%add3A_1674, %dma_wait3A_2242] : memref<3328x128xi32, #tpu.memory_space<hbm>> -> memref<13x128xi32, #tpu.memory_space<hbm>>
        %dma_wait3A_2244 = arith.constant 0 : i32
        %dma_wait3A_2245 = arith.constant 0 : i32
        %dma_wait3A_2246 = tpu.memref_slice %arg5[%run_scoped3A_1677, %dma_wait3A_2244, %dma_wait3A_2245] : memref<2x13x128xi32, #tpu.memory_space<vmem>> -> memref<1x13x128xi32, #tpu.memory_space<vmem>>
        %dma_wait3A_2247 = tpu.memref_squeeze %dma_wait3A_2246 : memref<1x13x128xi32, #tpu.memory_space<vmem>> -> memref<13x128xi32, #tpu.memory_space<vmem>>
        %dma_wait3A_2248 = arith.constant 0 : i32
        %dma_wait3A_2249 = tpu.memref_slice %arg2[%add3A_1674, %dma_wait3A_2248] : memref<3328x128xi32, #tpu.memory_space<hbm>> -> memref<13x128xi32, #tpu.memory_space<hbm>>
        tpu.wait_dma2 semaphore(%run_scoped3A_2225 : memref<!tpu.dma_semaphore, #tpu.memory_space<semaphore_mem>>) src(%dma_wait3A_2249 : memref<13x128xi32, #tpu.memory_space<hbm>>) dst(%dma_wait3A_2247 : memref<13x128xi32, #tpu.memory_space<vmem>>)
        tpu.yield
      }) : () -> ()
      %dma_wait3A_1678 = arith.constant 1 : i32
      %dma_wait3A_1679 = arith.constant 0 : i32
      %dma_wait3A_1680 = arith.constant 0 : i32
      %dma_wait3A_1681 = tpu.memref_slice %arg6[%dma_wait3A_1678, %dma_wait3A_1679, %dma_wait3A_1680] : memref<2x1664x32xf32, #tpu.memory_space<vmem>> -> memref<1x1664x32xf32, #tpu.memory_space<vmem>>
      %dma_wait3A_1682 = tpu.memref_squeeze %dma_wait3A_1681 : memref<1x1664x32xf32, #tpu.memory_space<vmem>> -> memref<1664x32xf32, #tpu.memory_space<vmem>>
      %dma_wait3A_1683 = arith.constant 0 : i32
      %dma_wait3A_1684 = tpu.memref_slice %arg4[%mul3A_1676, %dma_wait3A_1683] : memref<425984x32xf32, #tpu.memory_space<hbm>> -> memref<1664x32xf32, #tpu.memory_space<hbm>>
      %dma_wait3A_1685 = arith.constant 0 : i32
      %dma_wait3A_1686 = tpu.memref_slice %arg4[%mul3A_1676, %dma_wait3A_1685] : memref<425984x32xf32, #tpu.memory_space<hbm>> -> memref<1664x32xf32, #tpu.memory_space<hbm>>
      %dma_wait3A_1687 = arith.constant 0 : i32
      %dma_wait3A_1688 = arith.constant 0 : i32
      %dma_wait3A_1689 = tpu.memref_slice %arg6[%dma_wait3A_1678, %dma_wait3A_1687, %dma_wait3A_1688] : memref<2x1664x32xf32, #tpu.memory_space<vmem>> -> memref<1x1664x32xf32, #tpu.memory_space<vmem>>
      %dma_wait3A_1690 = tpu.memref_squeeze %dma_wait3A_1689 : memref<1x1664x32xf32, #tpu.memory_space<vmem>> -> memref<1664x32xf32, #tpu.memory_space<vmem>>
      tpu.wait_dma2 semaphore(%arg9 : memref<!tpu.dma_semaphore, #tpu.memory_space<semaphore_mem>>) src(%dma_wait3A_1690 : memref<1664x32xf32, #tpu.memory_space<vmem>>) dst(%dma_wait3A_1686 : memref<1664x32xf32, #tpu.memory_space<hbm>>)
      %dma_start3A_1691 = arith.constant 1 : i32
      %dma_start3A_1692 = arith.constant 0 : i32
      %dma_start3A_1693 = arith.constant 1 : i32
      %dma_start3A_1694 = arith.constant 0 : i32
      %dma_start3A_1695 = arith.constant 0 : i32
      %dma_start3A_1696 = tpu.memref_slice %arg6[%dma_start3A_1693, %dma_start3A_1694, %dma_start3A_1695] : memref<2x1664x32xf32, #tpu.memory_space<vmem>> -> memref<1x1664x32xf32, #tpu.memory_space<vmem>>
      %dma_start3A_1697 = tpu.memref_squeeze %dma_start3A_1696 : memref<1x1664x32xf32, #tpu.memory_space<vmem>> -> memref<1664x32xf32, #tpu.memory_space<vmem>>
      %dma_start3A_1698 = arith.constant 0 : i32
      %dma_start3A_1699 = arith.constant 0 : i32
      %dma_start3A_1700 = tpu.memref_slice %dma_start3A_1697[%dma_start3A_1698, %dma_start3A_1699] : memref<1664x32xf32, #tpu.memory_space<vmem>> -> memref<128x32xf32, #tpu.memory_space<vmem>>
      %dma_start3A_1701 = arith.constant 0 : i32
      %dma_start3A_1702 = arith.constant 0 : i32
      %dma_start3A_1703 = tpu.memref_slice %arg5[%dma_start3A_1691, %dma_start3A_1701, %dma_start3A_1702] : memref<2x13x128xi32, #tpu.memory_space<vmem>> -> memref<1x13x128xi32, #tpu.memory_space<vmem>>
      %dma_start3A_1704 = tpu.memref_squeeze %dma_start3A_1703 : memref<1x13x128xi32, #tpu.memory_space<vmem>> -> memref<13x128xi32, #tpu.memory_space<vmem>>
      %dma_start3A_1705 = arith.constant 0 : i32
      %dma_start3A_1706 = tpu.memref_slice %dma_start3A_1704[%dma_start3A_1692, %dma_start3A_1705] : memref<13x128xi32, #tpu.memory_space<vmem>> -> memref<1x128xi32, #tpu.memory_space<vmem>>
      %dma_start3A_1707 = tpu.memref_squeeze %dma_start3A_1706 : memref<1x128xi32, #tpu.memory_space<vmem>> -> memref<128xi32, #tpu.memory_space<vmem>>
      %dma_start3A_1708 = arith.constant 0 : i32
      %dma_start3A_1709 = arith.constant 0 : i32
      %dma_start3A_1710 = tpu.memref_slice %arg3[%dma_start3A_1708, %dma_start3A_1709] : memref<1000001x32xf32, #tpu.memory_space<hbm>> -> memref<1000001x32xf32, #tpu.memory_space<hbm>>
      tpu.enqueue_indirect_dma source(%dma_start3A_1710 : memref<1000001x32xf32, #tpu.memory_space<hbm>>) target(%dma_start3A_1700 : memref<128x32xf32, #tpu.memory_space<vmem>>) offsets(%dma_start3A_1707 : memref<128xi32, #tpu.memory_space<vmem>>) semaphore(%arg7 : memref<!tpu.dma_semaphore, #tpu.memory_space<semaphore_mem>>)
      %dma_start3A_1711 = arith.constant 1 : i32
      %dma_start3A_1712 = arith.constant 1 : i32
      %dma_start3A_1713 = arith.constant 1 : i32
      %dma_start3A_1714 = arith.constant 0 : i32
      %dma_start3A_1715 = arith.constant 0 : i32
      %dma_start3A_1716 = tpu.memref_slice %arg6[%dma_start3A_1713, %dma_start3A_1714, %dma_start3A_1715] : memref<2x1664x32xf32, #tpu.memory_space<vmem>> -> memref<1x1664x32xf32, #tpu.memory_space<vmem>>
      %dma_start3A_1717 = tpu.memref_squeeze %dma_start3A_1716 : memref<1x1664x32xf32, #tpu.memory_space<vmem>> -> memref<1664x32xf32, #tpu.memory_space<vmem>>
      %dma_start3A_1718 = arith.constant 128 : i32
      %dma_start3A_1719 = arith.constant 0 : i32
      %dma_start3A_1720 = tpu.memref_slice %dma_start3A_1717[%dma_start3A_1718, %dma_start3A_1719] : memref<1664x32xf32, #tpu.memory_space<vmem>> -> memref<128x32xf32, #tpu.memory_space<vmem>>
      %dma_start3A_1721 = arith.constant 0 : i32
      %dma_start3A_1722 = arith.constant 0 : i32
      %dma_start3A_1723 = tpu.memref_slice %arg5[%dma_start3A_1711, %dma_start3A_1721, %dma_start3A_1722] : memref<2x13x128xi32, #tpu.memory_space<vmem>> -> memref<1x13x128xi32, #tpu.memory_space<vmem>>
      %dma_start3A_1724 = tpu.memref_squeeze %dma_start3A_1723 : memref<1x13x128xi32, #tpu.memory_space<vmem>> -> memref<13x128xi32, #tpu.memory_space<vmem>>
      %dma_start3A_1725 = arith.constant 0 : i32
      %dma_start3A_1726 = tpu.memref_slice %dma_start3A_1724[%dma_start3A_1712, %dma_start3A_1725] : memref<13x128xi32, #tpu.memory_space<vmem>> -> memref<1x128xi32, #tpu.memory_space<vmem>>
      %dma_start3A_1727 = tpu.memref_squeeze %dma_start3A_1726 : memref<1x128xi32, #tpu.memory_space<vmem>> -> memref<128xi32, #tpu.memory_space<vmem>>
      %dma_start3A_1728 = arith.constant 0 : i32
      %dma_start3A_1729 = arith.constant 0 : i32
      %dma_start3A_1730 = tpu.memref_slice %arg3[%dma_start3A_1728, %dma_start3A_1729] : memref<1000001x32xf32, #tpu.memory_space<hbm>> -> memref<1000001x32xf32, #tpu.memory_space<hbm>>
      tpu.enqueue_indirect_dma source(%dma_start3A_1730 : memref<1000001x32xf32, #tpu.memory_space<hbm>>) target(%dma_start3A_1720 : memref<128x32xf32, #tpu.memory_space<vmem>>) offsets(%dma_start3A_1727 : memref<128xi32, #tpu.memory_space<vmem>>) semaphore(%arg7 : memref<!tpu.dma_semaphore, #tpu.memory_space<semaphore_mem>>)
      %dma_start3A_1731 = arith.constant 1 : i32
      %dma_start3A_1732 = arith.constant 2 : i32
      %dma_start3A_1733 = arith.constant 1 : i32
      %dma_start3A_1734 = arith.constant 0 : i32
      %dma_start3A_1735 = arith.constant 0 : i32
      %dma_start3A_1736 = tpu.memref_slice %arg6[%dma_start3A_1733, %dma_start3A_1734, %dma_start3A_1735] : memref<2x1664x32xf32, #tpu.memory_space<vmem>> -> memref<1x1664x32xf32, #tpu.memory_space<vmem>>
      %dma_start3A_1737 = tpu.memref_squeeze %dma_start3A_1736 : memref<1x1664x32xf32, #tpu.memory_space<vmem>> -> memref<1664x32xf32, #tpu.memory_space<vmem>>
      %dma_start3A_1738 = arith.constant 256 : i32
      %dma_start3A_1739 = arith.constant 0 : i32
      %dma_start3A_1740 = tpu.memref_slice %dma_start3A_1737[%dma_start3A_1738, %dma_start3A_1739] : memref<1664x32xf32, #tpu.memory_space<vmem>> -> memref<128x32xf32, #tpu.memory_space<vmem>>
      %dma_start3A_1741 = arith.constant 0 : i32
      %dma_start3A_1742 = arith.constant 0 : i32
      %dma_start3A_1743 = tpu.memref_slice %arg5[%dma_start3A_1731, %dma_start3A_1741, %dma_start3A_1742] : memref<2x13x128xi32, #tpu.memory_space<vmem>> -> memref<1x13x128xi32, #tpu.memory_space<vmem>>
      %dma_start3A_1744 = tpu.memref_squeeze %dma_start3A_1743 : memref<1x13x128xi32, #tpu.memory_space<vmem>> -> memref<13x128xi32, #tpu.memory_space<vmem>>
      %dma_start3A_1745 = arith.constant 0 : i32
      %dma_start3A_1746 = tpu.memref_slice %dma_start3A_1744[%dma_start3A_1732, %dma_start3A_1745] : memref<13x128xi32, #tpu.memory_space<vmem>> -> memref<1x128xi32, #tpu.memory_space<vmem>>
      %dma_start3A_1747 = tpu.memref_squeeze %dma_start3A_1746 : memref<1x128xi32, #tpu.memory_space<vmem>> -> memref<128xi32, #tpu.memory_space<vmem>>
      %dma_start3A_1748 = arith.constant 0 : i32
      %dma_start3A_1749 = arith.constant 0 : i32
      %dma_start3A_1750 = tpu.memref_slice %arg3[%dma_start3A_1748, %dma_start3A_1749] : memref<1000001x32xf32, #tpu.memory_space<hbm>> -> memref<1000001x32xf32, #tpu.memory_space<hbm>>
      tpu.enqueue_indirect_dma source(%dma_start3A_1750 : memref<1000001x32xf32, #tpu.memory_space<hbm>>) target(%dma_start3A_1740 : memref<128x32xf32, #tpu.memory_space<vmem>>) offsets(%dma_start3A_1747 : memref<128xi32, #tpu.memory_space<vmem>>) semaphore(%arg7 : memref<!tpu.dma_semaphore, #tpu.memory_space<semaphore_mem>>)
      %dma_start3A_1751 = arith.constant 1 : i32
      %dma_start3A_1752 = arith.constant 3 : i32
      %dma_start3A_1753 = arith.constant 1 : i32
      %dma_start3A_1754 = arith.constant 0 : i32
      %dma_start3A_1755 = arith.constant 0 : i32
      %dma_start3A_1756 = tpu.memref_slice %arg6[%dma_start3A_1753, %dma_start3A_1754, %dma_start3A_1755] : memref<2x1664x32xf32, #tpu.memory_space<vmem>> -> memref<1x1664x32xf32, #tpu.memory_space<vmem>>
      %dma_start3A_1757 = tpu.memref_squeeze %dma_start3A_1756 : memref<1x1664x32xf32, #tpu.memory_space<vmem>> -> memref<1664x32xf32, #tpu.memory_space<vmem>>
      %dma_start3A_1758 = arith.constant 384 : i32
      %dma_start3A_1759 = arith.constant 0 : i32
      %dma_start3A_1760 = tpu.memref_slice %dma_start3A_1757[%dma_start3A_1758, %dma_start3A_1759] : memref<1664x32xf32, #tpu.memory_space<vmem>> -> memref<128x32xf32, #tpu.memory_space<vmem>>
      %dma_start3A_1761 = arith.constant 0 : i32
      %dma_start3A_1762 = arith.constant 0 : i32
      %dma_start3A_1763 = tpu.memref_slice %arg5[%dma_start3A_1751, %dma_start3A_1761, %dma_start3A_1762] : memref<2x13x128xi32, #tpu.memory_space<vmem>> -> memref<1x13x128xi32, #tpu.memory_space<vmem>>
      %dma_start3A_1764 = tpu.memref_squeeze %dma_start3A_1763 : memref<1x13x128xi32, #tpu.memory_space<vmem>> -> memref<13x128xi32, #tpu.memory_space<vmem>>
      %dma_start3A_1765 = arith.constant 0 : i32
      %dma_start3A_1766 = tpu.memref_slice %dma_start3A_1764[%dma_start3A_1752, %dma_start3A_1765] : memref<13x128xi32, #tpu.memory_space<vmem>> -> memref<1x128xi32, #tpu.memory_space<vmem>>
      %dma_start3A_1767 = tpu.memref_squeeze %dma_start3A_1766 : memref<1x128xi32, #tpu.memory_space<vmem>> -> memref<128xi32, #tpu.memory_space<vmem>>
      %dma_start3A_1768 = arith.constant 0 : i32
      %dma_start3A_1769 = arith.constant 0 : i32
      %dma_start3A_1770 = tpu.memref_slice %arg3[%dma_start3A_1768, %dma_start3A_1769] : memref<1000001x32xf32, #tpu.memory_space<hbm>> -> memref<1000001x32xf32, #tpu.memory_space<hbm>>
      tpu.enqueue_indirect_dma source(%dma_start3A_1770 : memref<1000001x32xf32, #tpu.memory_space<hbm>>) target(%dma_start3A_1760 : memref<128x32xf32, #tpu.memory_space<vmem>>) offsets(%dma_start3A_1767 : memref<128xi32, #tpu.memory_space<vmem>>) semaphore(%arg7 : memref<!tpu.dma_semaphore, #tpu.memory_space<semaphore_mem>>)
      %dma_start3A_1771 = arith.constant 1 : i32
      %dma_start3A_1772 = arith.constant 4 : i32
      %dma_start3A_1773 = arith.constant 1 : i32
      %dma_start3A_1774 = arith.constant 0 : i32
      %dma_start3A_1775 = arith.constant 0 : i32
      %dma_start3A_1776 = tpu.memref_slice %arg6[%dma_start3A_1773, %dma_start3A_1774, %dma_start3A_1775] : memref<2x1664x32xf32, #tpu.memory_space<vmem>> -> memref<1x1664x32xf32, #tpu.memory_space<vmem>>
      %dma_start3A_1777 = tpu.memref_squeeze %dma_start3A_1776 : memref<1x1664x32xf32, #tpu.memory_space<vmem>> -> memref<1664x32xf32, #tpu.memory_space<vmem>>
      %dma_start3A_1778 = arith.constant 512 : i32
      %dma_start3A_1779 = arith.constant 0 : i32
      %dma_start3A_1780 = tpu.memref_slice %dma_start3A_1777[%dma_start3A_1778, %dma_start3A_1779] : memref<1664x32xf32, #tpu.memory_space<vmem>> -> memref<128x32xf32, #tpu.memory_space<vmem>>
      %dma_start3A_1781 = arith.constant 0 : i32
      %dma_start3A_1782 = arith.constant 0 : i32
      %dma_start3A_1783 = tpu.memref_slice %arg5[%dma_start3A_1771, %dma_start3A_1781, %dma_start3A_1782] : memref<2x13x128xi32, #tpu.memory_space<vmem>> -> memref<1x13x128xi32, #tpu.memory_space<vmem>>
      %dma_start3A_1784 = tpu.memref_squeeze %dma_start3A_1783 : memref<1x13x128xi32, #tpu.memory_space<vmem>> -> memref<13x128xi32, #tpu.memory_space<vmem>>
      %dma_start3A_1785 = arith.constant 0 : i32
      %dma_start3A_1786 = tpu.memref_slice %dma_start3A_1784[%dma_start3A_1772, %dma_start3A_1785] : memref<13x128xi32, #tpu.memory_space<vmem>> -> memref<1x128xi32, #tpu.memory_space<vmem>>
      %dma_start3A_1787 = tpu.memref_squeeze %dma_start3A_1786 : memref<1x128xi32, #tpu.memory_space<vmem>> -> memref<128xi32, #tpu.memory_space<vmem>>
      %dma_start3A_1788 = arith.constant 0 : i32
      %dma_start3A_1789 = arith.constant 0 : i32
      %dma_start3A_1790 = tpu.memref_slice %arg3[%dma_start3A_1788, %dma_start3A_1789] : memref<1000001x32xf32, #tpu.memory_space<hbm>> -> memref<1000001x32xf32, #tpu.memory_space<hbm>>
      tpu.enqueue_indirect_dma source(%dma_start3A_1790 : memref<1000001x32xf32, #tpu.memory_space<hbm>>) target(%dma_start3A_1780 : memref<128x32xf32, #tpu.memory_space<vmem>>) offsets(%dma_start3A_1787 : memref<128xi32, #tpu.memory_space<vmem>>) semaphore(%arg7 : memref<!tpu.dma_semaphore, #tpu.memory_space<semaphore_mem>>)
      %dma_start3A_1791 = arith.constant 1 : i32
      %dma_start3A_1792 = arith.constant 5 : i32
      %dma_start3A_1793 = arith.constant 1 : i32
      %dma_start3A_1794 = arith.constant 0 : i32
      %dma_start3A_1795 = arith.constant 0 : i32
      %dma_start3A_1796 = tpu.memref_slice %arg6[%dma_start3A_1793, %dma_start3A_1794, %dma_start3A_1795] : memref<2x1664x32xf32, #tpu.memory_space<vmem>> -> memref<1x1664x32xf32, #tpu.memory_space<vmem>>
      %dma_start3A_1797 = tpu.memref_squeeze %dma_start3A_1796 : memref<1x1664x32xf32, #tpu.memory_space<vmem>> -> memref<1664x32xf32, #tpu.memory_space<vmem>>
      %dma_start3A_1798 = arith.constant 640 : i32
      %dma_start3A_1799 = arith.constant 0 : i32
      %dma_start3A_1800 = tpu.memref_slice %dma_start3A_1797[%dma_start3A_1798, %dma_start3A_1799] : memref<1664x32xf32, #tpu.memory_space<vmem>> -> memref<128x32xf32, #tpu.memory_space<vmem>>
      %dma_start3A_1801 = arith.constant 0 : i32
      %dma_start3A_1802 = arith.constant 0 : i32
      %dma_start3A_1803 = tpu.memref_slice %arg5[%dma_start3A_1791, %dma_start3A_1801, %dma_start3A_1802] : memref<2x13x128xi32, #tpu.memory_space<vmem>> -> memref<1x13x128xi32, #tpu.memory_space<vmem>>
      %dma_start3A_1804 = tpu.memref_squeeze %dma_start3A_1803 : memref<1x13x128xi32, #tpu.memory_space<vmem>> -> memref<13x128xi32, #tpu.memory_space<vmem>>
      %dma_start3A_1805 = arith.constant 0 : i32
      %dma_start3A_1806 = tpu.memref_slice %dma_start3A_1804[%dma_start3A_1792, %dma_start3A_1805] : memref<13x128xi32, #tpu.memory_space<vmem>> -> memref<1x128xi32, #tpu.memory_space<vmem>>
      %dma_start3A_1807 = tpu.memref_squeeze %dma_start3A_1806 : memref<1x128xi32, #tpu.memory_space<vmem>> -> memref<128xi32, #tpu.memory_space<vmem>>
      %dma_start3A_1808 = arith.constant 0 : i32
      %dma_start3A_1809 = arith.constant 0 : i32
      %dma_start3A_1810 = tpu.memref_slice %arg3[%dma_start3A_1808, %dma_start3A_1809] : memref<1000001x32xf32, #tpu.memory_space<hbm>> -> memref<1000001x32xf32, #tpu.memory_space<hbm>>
      tpu.enqueue_indirect_dma source(%dma_start3A_1810 : memref<1000001x32xf32, #tpu.memory_space<hbm>>) target(%dma_start3A_1800 : memref<128x32xf32, #tpu.memory_space<vmem>>) offsets(%dma_start3A_1807 : memref<128xi32, #tpu.memory_space<vmem>>) semaphore(%arg7 : memref<!tpu.dma_semaphore, #tpu.memory_space<semaphore_mem>>)
      %dma_start3A_1811 = arith.constant 1 : i32
      %dma_start3A_1812 = arith.constant 6 : i32
      %dma_start3A_1813 = arith.constant 1 : i32
      %dma_start3A_1814 = arith.constant 0 : i32
      %dma_start3A_1815 = arith.constant 0 : i32
      %dma_start3A_1816 = tpu.memref_slice %arg6[%dma_start3A_1813, %dma_start3A_1814, %dma_start3A_1815] : memref<2x1664x32xf32, #tpu.memory_space<vmem>> -> memref<1x1664x32xf32, #tpu.memory_space<vmem>>
      %dma_start3A_1817 = tpu.memref_squeeze %dma_start3A_1816 : memref<1x1664x32xf32, #tpu.memory_space<vmem>> -> memref<1664x32xf32, #tpu.memory_space<vmem>>
      %dma_start3A_1818 = arith.constant 768 : i32
      %dma_start3A_1819 = arith.constant 0 : i32
      %dma_start3A_1820 = tpu.memref_slice %dma_start3A_1817[%dma_start3A_1818, %dma_start3A_1819] : memref<1664x32xf32, #tpu.memory_space<vmem>> -> memref<128x32xf32, #tpu.memory_space<vmem>>
      %dma_start3A_1821 = arith.constant 0 : i32
      %dma_start3A_1822 = arith.constant 0 : i32
      %dma_start3A_1823 = tpu.memref_slice %arg5[%dma_start3A_1811, %dma_start3A_1821, %dma_start3A_1822] : memref<2x13x128xi32, #tpu.memory_space<vmem>> -> memref<1x13x128xi32, #tpu.memory_space<vmem>>
      %dma_start3A_1824 = tpu.memref_squeeze %dma_start3A_1823 : memref<1x13x128xi32, #tpu.memory_space<vmem>> -> memref<13x128xi32, #tpu.memory_space<vmem>>
      %dma_start3A_1825 = arith.constant 0 : i32
      %dma_start3A_1826 = tpu.memref_slice %dma_start3A_1824[%dma_start3A_1812, %dma_start3A_1825] : memref<13x128xi32, #tpu.memory_space<vmem>> -> memref<1x128xi32, #tpu.memory_space<vmem>>
      %dma_start3A_1827 = tpu.memref_squeeze %dma_start3A_1826 : memref<1x128xi32, #tpu.memory_space<vmem>> -> memref<128xi32, #tpu.memory_space<vmem>>
      %dma_start3A_1828 = arith.constant 0 : i32
      %dma_start3A_1829 = arith.constant 0 : i32
      %dma_start3A_1830 = tpu.memref_slice %arg3[%dma_start3A_1828, %dma_start3A_1829] : memref<1000001x32xf32, #tpu.memory_space<hbm>> -> memref<1000001x32xf32, #tpu.memory_space<hbm>>
      tpu.enqueue_indirect_dma source(%dma_start3A_1830 : memref<1000001x32xf32, #tpu.memory_space<hbm>>) target(%dma_start3A_1820 : memref<128x32xf32, #tpu.memory_space<vmem>>) offsets(%dma_start3A_1827 : memref<128xi32, #tpu.memory_space<vmem>>) semaphore(%arg7 : memref<!tpu.dma_semaphore, #tpu.memory_space<semaphore_mem>>)
      %dma_start3A_1831 = arith.constant 1 : i32
      %dma_start3A_1832 = arith.constant 7 : i32
      %dma_start3A_1833 = arith.constant 1 : i32
      %dma_start3A_1834 = arith.constant 0 : i32
      %dma_start3A_1835 = arith.constant 0 : i32
      %dma_start3A_1836 = tpu.memref_slice %arg6[%dma_start3A_1833, %dma_start3A_1834, %dma_start3A_1835] : memref<2x1664x32xf32, #tpu.memory_space<vmem>> -> memref<1x1664x32xf32, #tpu.memory_space<vmem>>
      %dma_start3A_1837 = tpu.memref_squeeze %dma_start3A_1836 : memref<1x1664x32xf32, #tpu.memory_space<vmem>> -> memref<1664x32xf32, #tpu.memory_space<vmem>>
      %dma_start3A_1838 = arith.constant 896 : i32
      %dma_start3A_1839 = arith.constant 0 : i32
      %dma_start3A_1840 = tpu.memref_slice %dma_start3A_1837[%dma_start3A_1838, %dma_start3A_1839] : memref<1664x32xf32, #tpu.memory_space<vmem>> -> memref<128x32xf32, #tpu.memory_space<vmem>>
      %dma_start3A_1841 = arith.constant 0 : i32
      %dma_start3A_1842 = arith.constant 0 : i32
      %dma_start3A_1843 = tpu.memref_slice %arg5[%dma_start3A_1831, %dma_start3A_1841, %dma_start3A_1842] : memref<2x13x128xi32, #tpu.memory_space<vmem>> -> memref<1x13x128xi32, #tpu.memory_space<vmem>>
      %dma_start3A_1844 = tpu.memref_squeeze %dma_start3A_1843 : memref<1x13x128xi32, #tpu.memory_space<vmem>> -> memref<13x128xi32, #tpu.memory_space<vmem>>
      %dma_start3A_1845 = arith.constant 0 : i32
      %dma_start3A_1846 = tpu.memref_slice %dma_start3A_1844[%dma_start3A_1832, %dma_start3A_1845] : memref<13x128xi32, #tpu.memory_space<vmem>> -> memref<1x128xi32, #tpu.memory_space<vmem>>
      %dma_start3A_1847 = tpu.memref_squeeze %dma_start3A_1846 : memref<1x128xi32, #tpu.memory_space<vmem>> -> memref<128xi32, #tpu.memory_space<vmem>>
      %dma_start3A_1848 = arith.constant 0 : i32
      %dma_start3A_1849 = arith.constant 0 : i32
      %dma_start3A_1850 = tpu.memref_slice %arg3[%dma_start3A_1848, %dma_start3A_1849] : memref<1000001x32xf32, #tpu.memory_space<hbm>> -> memref<1000001x32xf32, #tpu.memory_space<hbm>>
      tpu.enqueue_indirect_dma source(%dma_start3A_1850 : memref<1000001x32xf32, #tpu.memory_space<hbm>>) target(%dma_start3A_1840 : memref<128x32xf32, #tpu.memory_space<vmem>>) offsets(%dma_start3A_1847 : memref<128xi32, #tpu.memory_space<vmem>>) semaphore(%arg7 : memref<!tpu.dma_semaphore, #tpu.memory_space<semaphore_mem>>)
      %dma_start3A_1851 = arith.constant 1 : i32
      %dma_start3A_1852 = arith.constant 8 : i32
      %dma_start3A_1853 = arith.constant 1 : i32
      %dma_start3A_1854 = arith.constant 0 : i32
      %dma_start3A_1855 = arith.constant 0 : i32
      %dma_start3A_1856 = tpu.memref_slice %arg6[%dma_start3A_1853, %dma_start3A_1854, %dma_start3A_1855] : memref<2x1664x32xf32, #tpu.memory_space<vmem>> -> memref<1x1664x32xf32, #tpu.memory_space<vmem>>
      %dma_start3A_1857 = tpu.memref_squeeze %dma_start3A_1856 : memref<1x1664x32xf32, #tpu.memory_space<vmem>> -> memref<1664x32xf32, #tpu.memory_space<vmem>>
      %dma_start3A_1858 = arith.constant 1024 : i32
      %dma_start3A_1859 = arith.constant 0 : i32
      %dma_start3A_1860 = tpu.memref_slice %dma_start3A_1857[%dma_start3A_1858, %dma_start3A_1859] : memref<1664x32xf32, #tpu.memory_space<vmem>> -> memref<128x32xf32, #tpu.memory_space<vmem>>
      %dma_start3A_1861 = arith.constant 0 : i32
      %dma_start3A_1862 = arith.constant 0 : i32
      %dma_start3A_1863 = tpu.memref_slice %arg5[%dma_start3A_1851, %dma_start3A_1861, %dma_start3A_1862] : memref<2x13x128xi32, #tpu.memory_space<vmem>> -> memref<1x13x128xi32, #tpu.memory_space<vmem>>
      %dma_start3A_1864 = tpu.memref_squeeze %dma_start3A_1863 : memref<1x13x128xi32, #tpu.memory_space<vmem>> -> memref<13x128xi32, #tpu.memory_space<vmem>>
      %dma_start3A_1865 = arith.constant 0 : i32
      %dma_start3A_1866 = tpu.memref_slice %dma_start3A_1864[%dma_start3A_1852, %dma_start3A_1865] : memref<13x128xi32, #tpu.memory_space<vmem>> -> memref<1x128xi32, #tpu.memory_space<vmem>>
      %dma_start3A_1867 = tpu.memref_squeeze %dma_start3A_1866 : memref<1x128xi32, #tpu.memory_space<vmem>> -> memref<128xi32, #tpu.memory_space<vmem>>
      %dma_start3A_1868 = arith.constant 0 : i32
      %dma_start3A_1869 = arith.constant 0 : i32
      %dma_start3A_1870 = tpu.memref_slice %arg3[%dma_start3A_1868, %dma_start3A_1869] : memref<1000001x32xf32, #tpu.memory_space<hbm>> -> memref<1000001x32xf32, #tpu.memory_space<hbm>>
      tpu.enqueue_indirect_dma source(%dma_start3A_1870 : memref<1000001x32xf32, #tpu.memory_space<hbm>>) target(%dma_start3A_1860 : memref<128x32xf32, #tpu.memory_space<vmem>>) offsets(%dma_start3A_1867 : memref<128xi32, #tpu.memory_space<vmem>>) semaphore(%arg7 : memref<!tpu.dma_semaphore, #tpu.memory_space<semaphore_mem>>)
      %dma_start3A_1871 = arith.constant 1 : i32
      %dma_start3A_1872 = arith.constant 9 : i32
      %dma_start3A_1873 = arith.constant 1 : i32
      %dma_start3A_1874 = arith.constant 0 : i32
      %dma_start3A_1875 = arith.constant 0 : i32
      %dma_start3A_1876 = tpu.memref_slice %arg6[%dma_start3A_1873, %dma_start3A_1874, %dma_start3A_1875] : memref<2x1664x32xf32, #tpu.memory_space<vmem>> -> memref<1x1664x32xf32, #tpu.memory_space<vmem>>
      %dma_start3A_1877 = tpu.memref_squeeze %dma_start3A_1876 : memref<1x1664x32xf32, #tpu.memory_space<vmem>> -> memref<1664x32xf32, #tpu.memory_space<vmem>>
      %dma_start3A_1878 = arith.constant 1152 : i32
      %dma_start3A_1879 = arith.constant 0 : i32
      %dma_start3A_1880 = tpu.memref_slice %dma_start3A_1877[%dma_start3A_1878, %dma_start3A_1879] : memref<1664x32xf32, #tpu.memory_space<vmem>> -> memref<128x32xf32, #tpu.memory_space<vmem>>
      %dma_start3A_1881 = arith.constant 0 : i32
      %dma_start3A_1882 = arith.constant 0 : i32
      %dma_start3A_1883 = tpu.memref_slice %arg5[%dma_start3A_1871, %dma_start3A_1881, %dma_start3A_1882] : memref<2x13x128xi32, #tpu.memory_space<vmem>> -> memref<1x13x128xi32, #tpu.memory_space<vmem>>
      %dma_start3A_1884 = tpu.memref_squeeze %dma_start3A_1883 : memref<1x13x128xi32, #tpu.memory_space<vmem>> -> memref<13x128xi32, #tpu.memory_space<vmem>>
      %dma_start3A_1885 = arith.constant 0 : i32
      %dma_start3A_1886 = tpu.memref_slice %dma_start3A_1884[%dma_start3A_1872, %dma_start3A_1885] : memref<13x128xi32, #tpu.memory_space<vmem>> -> memref<1x128xi32, #tpu.memory_space<vmem>>
      %dma_start3A_1887 = tpu.memref_squeeze %dma_start3A_1886 : memref<1x128xi32, #tpu.memory_space<vmem>> -> memref<128xi32, #tpu.memory_space<vmem>>
      %dma_start3A_1888 = arith.constant 0 : i32
      %dma_start3A_1889 = arith.constant 0 : i32
      %dma_start3A_1890 = tpu.memref_slice %arg3[%dma_start3A_1888, %dma_start3A_1889] : memref<1000001x32xf32, #tpu.memory_space<hbm>> -> memref<1000001x32xf32, #tpu.memory_space<hbm>>
      tpu.enqueue_indirect_dma source(%dma_start3A_1890 : memref<1000001x32xf32, #tpu.memory_space<hbm>>) target(%dma_start3A_1880 : memref<128x32xf32, #tpu.memory_space<vmem>>) offsets(%dma_start3A_1887 : memref<128xi32, #tpu.memory_space<vmem>>) semaphore(%arg7 : memref<!tpu.dma_semaphore, #tpu.memory_space<semaphore_mem>>)
      %dma_start3A_1891 = arith.constant 1 : i32
      %dma_start3A_1892 = arith.constant 10 : i32
      %dma_start3A_1893 = arith.constant 1 : i32
      %dma_start3A_1894 = arith.constant 0 : i32
      %dma_start3A_1895 = arith.constant 0 : i32
      %dma_start3A_1896 = tpu.memref_slice %arg6[%dma_start3A_1893, %dma_start3A_1894, %dma_start3A_1895] : memref<2x1664x32xf32, #tpu.memory_space<vmem>> -> memref<1x1664x32xf32, #tpu.memory_space<vmem>>
      %dma_start3A_1897 = tpu.memref_squeeze %dma_start3A_1896 : memref<1x1664x32xf32, #tpu.memory_space<vmem>> -> memref<1664x32xf32, #tpu.memory_space<vmem>>
      %dma_start3A_1898 = arith.constant 1280 : i32
      %dma_start3A_1899 = arith.constant 0 : i32
      %dma_start3A_1900 = tpu.memref_slice %dma_start3A_1897[%dma_start3A_1898, %dma_start3A_1899] : memref<1664x32xf32, #tpu.memory_space<vmem>> -> memref<128x32xf32, #tpu.memory_space<vmem>>
      %dma_start3A_1901 = arith.constant 0 : i32
      %dma_start3A_1902 = arith.constant 0 : i32
      %dma_start3A_1903 = tpu.memref_slice %arg5[%dma_start3A_1891, %dma_start3A_1901, %dma_start3A_1902] : memref<2x13x128xi32, #tpu.memory_space<vmem>> -> memref<1x13x128xi32, #tpu.memory_space<vmem>>
      %dma_start3A_1904 = tpu.memref_squeeze %dma_start3A_1903 : memref<1x13x128xi32, #tpu.memory_space<vmem>> -> memref<13x128xi32, #tpu.memory_space<vmem>>
      %dma_start3A_1905 = arith.constant 0 : i32
      %dma_start3A_1906 = tpu.memref_slice %dma_start3A_1904[%dma_start3A_1892, %dma_start3A_1905] : memref<13x128xi32, #tpu.memory_space<vmem>> -> memref<1x128xi32, #tpu.memory_space<vmem>>
      %dma_start3A_1907 = tpu.memref_squeeze %dma_start3A_1906 : memref<1x128xi32, #tpu.memory_space<vmem>> -> memref<128xi32, #tpu.memory_space<vmem>>
      %dma_start3A_1908 = arith.constant 0 : i32
      %dma_start3A_1909 = arith.constant 0 : i32
      %dma_start3A_1910 = tpu.memref_slice %arg3[%dma_start3A_1908, %dma_start3A_1909] : memref<1000001x32xf32, #tpu.memory_space<hbm>> -> memref<1000001x32xf32, #tpu.memory_space<hbm>>
      tpu.enqueue_indirect_dma source(%dma_start3A_1910 : memref<1000001x32xf32, #tpu.memory_space<hbm>>) target(%dma_start3A_1900 : memref<128x32xf32, #tpu.memory_space<vmem>>) offsets(%dma_start3A_1907 : memref<128xi32, #tpu.memory_space<vmem>>) semaphore(%arg7 : memref<!tpu.dma_semaphore, #tpu.memory_space<semaphore_mem>>)
      %dma_start3A_1911 = arith.constant 1 : i32
      %dma_start3A_1912 = arith.constant 11 : i32
      %dma_start3A_1913 = arith.constant 1 : i32
      %dma_start3A_1914 = arith.constant 0 : i32
      %dma_start3A_1915 = arith.constant 0 : i32
      %dma_start3A_1916 = tpu.memref_slice %arg6[%dma_start3A_1913, %dma_start3A_1914, %dma_start3A_1915] : memref<2x1664x32xf32, #tpu.memory_space<vmem>> -> memref<1x1664x32xf32, #tpu.memory_space<vmem>>
      %dma_start3A_1917 = tpu.memref_squeeze %dma_start3A_1916 : memref<1x1664x32xf32, #tpu.memory_space<vmem>> -> memref<1664x32xf32, #tpu.memory_space<vmem>>
      %dma_start3A_1918 = arith.constant 1408 : i32
      %dma_start3A_1919 = arith.constant 0 : i32
      %dma_start3A_1920 = tpu.memref_slice %dma_start3A_1917[%dma_start3A_1918, %dma_start3A_1919] : memref<1664x32xf32, #tpu.memory_space<vmem>> -> memref<128x32xf32, #tpu.memory_space<vmem>>
      %dma_start3A_1921 = arith.constant 0 : i32
      %dma_start3A_1922 = arith.constant 0 : i32
      %dma_start3A_1923 = tpu.memref_slice %arg5[%dma_start3A_1911, %dma_start3A_1921, %dma_start3A_1922] : memref<2x13x128xi32, #tpu.memory_space<vmem>> -> memref<1x13x128xi32, #tpu.memory_space<vmem>>
      %dma_start3A_1924 = tpu.memref_squeeze %dma_start3A_1923 : memref<1x13x128xi32, #tpu.memory_space<vmem>> -> memref<13x128xi32, #tpu.memory_space<vmem>>
      %dma_start3A_1925 = arith.constant 0 : i32
      %dma_start3A_1926 = tpu.memref_slice %dma_start3A_1924[%dma_start3A_1912, %dma_start3A_1925] : memref<13x128xi32, #tpu.memory_space<vmem>> -> memref<1x128xi32, #tpu.memory_space<vmem>>
      %dma_start3A_1927 = tpu.memref_squeeze %dma_start3A_1926 : memref<1x128xi32, #tpu.memory_space<vmem>> -> memref<128xi32, #tpu.memory_space<vmem>>
      %dma_start3A_1928 = arith.constant 0 : i32
      %dma_start3A_1929 = arith.constant 0 : i32
      %dma_start3A_1930 = tpu.memref_slice %arg3[%dma_start3A_1928, %dma_start3A_1929] : memref<1000001x32xf32, #tpu.memory_space<hbm>> -> memref<1000001x32xf32, #tpu.memory_space<hbm>>
      tpu.enqueue_indirect_dma source(%dma_start3A_1930 : memref<1000001x32xf32, #tpu.memory_space<hbm>>) target(%dma_start3A_1920 : memref<128x32xf32, #tpu.memory_space<vmem>>) offsets(%dma_start3A_1927 : memref<128xi32, #tpu.memory_space<vmem>>) semaphore(%arg7 : memref<!tpu.dma_semaphore, #tpu.memory_space<semaphore_mem>>)
      %dma_start3A_1931 = arith.constant 1 : i32
      %dma_start3A_1932 = arith.constant 12 : i32
      %dma_start3A_1933 = arith.constant 1 : i32
      %dma_start3A_1934 = arith.constant 0 : i32
      %dma_start3A_1935 = arith.constant 0 : i32
      %dma_start3A_1936 = tpu.memref_slice %arg6[%dma_start3A_1933, %dma_start3A_1934, %dma_start3A_1935] : memref<2x1664x32xf32, #tpu.memory_space<vmem>> -> memref<1x1664x32xf32, #tpu.memory_space<vmem>>
      %dma_start3A_1937 = tpu.memref_squeeze %dma_start3A_1936 : memref<1x1664x32xf32, #tpu.memory_space<vmem>> -> memref<1664x32xf32, #tpu.memory_space<vmem>>
      %dma_start3A_1938 = arith.constant 1536 : i32
      %dma_start3A_1939 = arith.constant 0 : i32
      %dma_start3A_1940 = tpu.memref_slice %dma_start3A_1937[%dma_start3A_1938, %dma_start3A_1939] : memref<1664x32xf32, #tpu.memory_space<vmem>> -> memref<128x32xf32, #tpu.memory_space<vmem>>
      %dma_start3A_1941 = arith.constant 0 : i32
      %dma_start3A_1942 = arith.constant 0 : i32
      %dma_start3A_1943 = tpu.memref_slice %arg5[%dma_start3A_1931, %dma_start3A_1941, %dma_start3A_1942] : memref<2x13x128xi32, #tpu.memory_space<vmem>> -> memref<1x13x128xi32, #tpu.memory_space<vmem>>
      %dma_start3A_1944 = tpu.memref_squeeze %dma_start3A_1943 : memref<1x13x128xi32, #tpu.memory_space<vmem>> -> memref<13x128xi32, #tpu.memory_space<vmem>>
      %dma_start3A_1945 = arith.constant 0 : i32
      %dma_start3A_1946 = tpu.memref_slice %dma_start3A_1944[%dma_start3A_1932, %dma_start3A_1945] : memref<13x128xi32, #tpu.memory_space<vmem>> -> memref<1x128xi32, #tpu.memory_space<vmem>>
      %dma_start3A_1947 = tpu.memref_squeeze %dma_start3A_1946 : memref<1x128xi32, #tpu.memory_space<vmem>> -> memref<128xi32, #tpu.memory_space<vmem>>
      %dma_start3A_1948 = arith.constant 0 : i32
      %dma_start3A_1949 = arith.constant 0 : i32
      %dma_start3A_1950 = tpu.memref_slice %arg3[%dma_start3A_1948, %dma_start3A_1949] : memref<1000001x32xf32, #tpu.memory_space<hbm>> -> memref<1000001x32xf32, #tpu.memory_space<hbm>>
      tpu.enqueue_indirect_dma source(%dma_start3A_1950 : memref<1000001x32xf32, #tpu.memory_space<hbm>>) target(%dma_start3A_1940 : memref<128x32xf32, #tpu.memory_space<vmem>>) offsets(%dma_start3A_1947 : memref<128xi32, #tpu.memory_space<vmem>>) semaphore(%arg7 : memref<!tpu.dma_semaphore, #tpu.memory_space<semaphore_mem>>)
      %dma_wait3A_1951 = arith.constant 1 : i32
      %dma_wait3A_1952 = arith.constant 0 : i32
      %dma_wait3A_1953 = arith.constant 1 : i32
      %dma_wait3A_1954 = arith.constant 0 : i32
      %dma_wait3A_1955 = arith.constant 0 : i32
      %dma_wait3A_1956 = tpu.memref_slice %arg6[%dma_wait3A_1953, %dma_wait3A_1954, %dma_wait3A_1955] : memref<2x1664x32xf32, #tpu.memory_space<vmem>> -> memref<1x1664x32xf32, #tpu.memory_space<vmem>>
      %dma_wait3A_1957 = tpu.memref_squeeze %dma_wait3A_1956 : memref<1x1664x32xf32, #tpu.memory_space<vmem>> -> memref<1664x32xf32, #tpu.memory_space<vmem>>
      %dma_wait3A_1958 = arith.constant 0 : i32
      %dma_wait3A_1959 = arith.constant 0 : i32
      %dma_wait3A_1960 = tpu.memref_slice %dma_wait3A_1957[%dma_wait3A_1958, %dma_wait3A_1959] : memref<1664x32xf32, #tpu.memory_space<vmem>> -> memref<128x32xf32, #tpu.memory_space<vmem>>
      %dma_wait3A_1961 = arith.constant 0 : i32
      %dma_wait3A_1962 = arith.constant 0 : i32
      %dma_wait3A_1963 = tpu.memref_slice %arg5[%dma_wait3A_1951, %dma_wait3A_1961, %dma_wait3A_1962] : memref<2x13x128xi32, #tpu.memory_space<vmem>> -> memref<1x13x128xi32, #tpu.memory_space<vmem>>
      %dma_wait3A_1964 = tpu.memref_squeeze %dma_wait3A_1963 : memref<1x13x128xi32, #tpu.memory_space<vmem>> -> memref<13x128xi32, #tpu.memory_space<vmem>>
      %dma_wait3A_1965 = arith.constant 0 : i32
      %dma_wait3A_1966 = tpu.memref_slice %dma_wait3A_1964[%dma_wait3A_1952, %dma_wait3A_1965] : memref<13x128xi32, #tpu.memory_space<vmem>> -> memref<1x128xi32, #tpu.memory_space<vmem>>
      %dma_wait3A_1967 = tpu.memref_squeeze %dma_wait3A_1966 : memref<1x128xi32, #tpu.memory_space<vmem>> -> memref<128xi32, #tpu.memory_space<vmem>>
      %dma_wait3A_1968 = arith.constant 0 : i32
      %dma_wait3A_1969 = arith.constant 0 : i32
      %dma_wait3A_1970 = tpu.memref_slice %arg3[%dma_wait3A_1968, %dma_wait3A_1969] : memref<1000001x32xf32, #tpu.memory_space<hbm>> -> memref<1000001x32xf32, #tpu.memory_space<hbm>>
      tpu.wait_indirect_dma semaphore(%arg7 : memref<!tpu.dma_semaphore, #tpu.memory_space<semaphore_mem>>) src(%dma_wait3A_1970 : memref<1000001x32xf32, #tpu.memory_space<hbm>>) dst(%dma_wait3A_1960 : memref<128x32xf32, #tpu.memory_space<vmem>>)
      %dma_wait3A_1971 = arith.constant 1 : i32
      %dma_wait3A_1972 = arith.constant 1 : i32
      %dma_wait3A_1973 = arith.constant 1 : i32
      %dma_wait3A_1974 = arith.constant 0 : i32
      %dma_wait3A_1975 = arith.constant 0 : i32
      %dma_wait3A_1976 = tpu.memref_slice %arg6[%dma_wait3A_1973, %dma_wait3A_1974, %dma_wait3A_1975] : memref<2x1664x32xf32, #tpu.memory_space<vmem>> -> memref<1x1664x32xf32, #tpu.memory_space<vmem>>
      %dma_wait3A_1977 = tpu.memref_squeeze %dma_wait3A_1976 : memref<1x1664x32xf32, #tpu.memory_space<vmem>> -> memref<1664x32xf32, #tpu.memory_space<vmem>>
      %dma_wait3A_1978 = arith.constant 128 : i32
      %dma_wait3A_1979 = arith.constant 0 : i32
      %dma_wait3A_1980 = tpu.memref_slice %dma_wait3A_1977[%dma_wait3A_1978, %dma_wait3A_1979] : memref<1664x32xf32, #tpu.memory_space<vmem>> -> memref<128x32xf32, #tpu.memory_space<vmem>>
      %dma_wait3A_1981 = arith.constant 0 : i32
      %dma_wait3A_1982 = arith.constant 0 : i32
      %dma_wait3A_1983 = tpu.memref_slice %arg5[%dma_wait3A_1971, %dma_wait3A_1981, %dma_wait3A_1982] : memref<2x13x128xi32, #tpu.memory_space<vmem>> -> memref<1x13x128xi32, #tpu.memory_space<vmem>>
      %dma_wait3A_1984 = tpu.memref_squeeze %dma_wait3A_1983 : memref<1x13x128xi32, #tpu.memory_space<vmem>> -> memref<13x128xi32, #tpu.memory_space<vmem>>
      %dma_wait3A_1985 = arith.constant 0 : i32
      %dma_wait3A_1986 = tpu.memref_slice %dma_wait3A_1984[%dma_wait3A_1972, %dma_wait3A_1985] : memref<13x128xi32, #tpu.memory_space<vmem>> -> memref<1x128xi32, #tpu.memory_space<vmem>>
      %dma_wait3A_1987 = tpu.memref_squeeze %dma_wait3A_1986 : memref<1x128xi32, #tpu.memory_space<vmem>> -> memref<128xi32, #tpu.memory_space<vmem>>
      %dma_wait3A_1988 = arith.constant 0 : i32
      %dma_wait3A_1989 = arith.constant 0 : i32
      %dma_wait3A_1990 = tpu.memref_slice %arg3[%dma_wait3A_1988, %dma_wait3A_1989] : memref<1000001x32xf32, #tpu.memory_space<hbm>> -> memref<1000001x32xf32, #tpu.memory_space<hbm>>
      tpu.wait_indirect_dma semaphore(%arg7 : memref<!tpu.dma_semaphore, #tpu.memory_space<semaphore_mem>>) src(%dma_wait3A_1990 : memref<1000001x32xf32, #tpu.memory_space<hbm>>) dst(%dma_wait3A_1980 : memref<128x32xf32, #tpu.memory_space<vmem>>)
      %dma_wait3A_1991 = arith.constant 1 : i32
      %dma_wait3A_1992 = arith.constant 2 : i32
      %dma_wait3A_1993 = arith.constant 1 : i32
      %dma_wait3A_1994 = arith.constant 0 : i32
      %dma_wait3A_1995 = arith.constant 0 : i32
      %dma_wait3A_1996 = tpu.memref_slice %arg6[%dma_wait3A_1993, %dma_wait3A_1994, %dma_wait3A_1995] : memref<2x1664x32xf32, #tpu.memory_space<vmem>> -> memref<1x1664x32xf32, #tpu.memory_space<vmem>>
      %dma_wait3A_1997 = tpu.memref_squeeze %dma_wait3A_1996 : memref<1x1664x32xf32, #tpu.memory_space<vmem>> -> memref<1664x32xf32, #tpu.memory_space<vmem>>
      %dma_wait3A_1998 = arith.constant 256 : i32
      %dma_wait3A_1999 = arith.constant 0 : i32
      %dma_wait3A_2000 = tpu.memref_slice %dma_wait3A_1997[%dma_wait3A_1998, %dma_wait3A_1999] : memref<1664x32xf32, #tpu.memory_space<vmem>> -> memref<128x32xf32, #tpu.memory_space<vmem>>
      %dma_wait3A_2001 = arith.constant 0 : i32
      %dma_wait3A_2002 = arith.constant 0 : i32
      %dma_wait3A_2003 = tpu.memref_slice %arg5[%dma_wait3A_1991, %dma_wait3A_2001, %dma_wait3A_2002] : memref<2x13x128xi32, #tpu.memory_space<vmem>> -> memref<1x13x128xi32, #tpu.memory_space<vmem>>
      %dma_wait3A_2004 = tpu.memref_squeeze %dma_wait3A_2003 : memref<1x13x128xi32, #tpu.memory_space<vmem>> -> memref<13x128xi32, #tpu.memory_space<vmem>>
      %dma_wait3A_2005 = arith.constant 0 : i32
      %dma_wait3A_2006 = tpu.memref_slice %dma_wait3A_2004[%dma_wait3A_1992, %dma_wait3A_2005] : memref<13x128xi32, #tpu.memory_space<vmem>> -> memref<1x128xi32, #tpu.memory_space<vmem>>
      %dma_wait3A_2007 = tpu.memref_squeeze %dma_wait3A_2006 : memref<1x128xi32, #tpu.memory_space<vmem>> -> memref<128xi32, #tpu.memory_space<vmem>>
      %dma_wait3A_2008 = arith.constant 0 : i32
      %dma_wait3A_2009 = arith.constant 0 : i32
      %dma_wait3A_2010 = tpu.memref_slice %arg3[%dma_wait3A_2008, %dma_wait3A_2009] : memref<1000001x32xf32, #tpu.memory_space<hbm>> -> memref<1000001x32xf32, #tpu.memory_space<hbm>>
      tpu.wait_indirect_dma semaphore(%arg7 : memref<!tpu.dma_semaphore, #tpu.memory_space<semaphore_mem>>) src(%dma_wait3A_2010 : memref<1000001x32xf32, #tpu.memory_space<hbm>>) dst(%dma_wait3A_2000 : memref<128x32xf32, #tpu.memory_space<vmem>>)
      %dma_wait3A_2011 = arith.constant 1 : i32
      %dma_wait3A_2012 = arith.constant 3 : i32
      %dma_wait3A_2013 = arith.constant 1 : i32
      %dma_wait3A_2014 = arith.constant 0 : i32
      %dma_wait3A_2015 = arith.constant 0 : i32
      %dma_wait3A_2016 = tpu.memref_slice %arg6[%dma_wait3A_2013, %dma_wait3A_2014, %dma_wait3A_2015] : memref<2x1664x32xf32, #tpu.memory_space<vmem>> -> memref<1x1664x32xf32, #tpu.memory_space<vmem>>
      %dma_wait3A_2017 = tpu.memref_squeeze %dma_wait3A_2016 : memref<1x1664x32xf32, #tpu.memory_space<vmem>> -> memref<1664x32xf32, #tpu.memory_space<vmem>>
      %dma_wait3A_2018 = arith.constant 384 : i32
      %dma_wait3A_2019 = arith.constant 0 : i32
      %dma_wait3A_2020 = tpu.memref_slice %dma_wait3A_2017[%dma_wait3A_2018, %dma_wait3A_2019] : memref<1664x32xf32, #tpu.memory_space<vmem>> -> memref<128x32xf32, #tpu.memory_space<vmem>>
      %dma_wait3A_2021 = arith.constant 0 : i32
      %dma_wait3A_2022 = arith.constant 0 : i32
      %dma_wait3A_2023 = tpu.memref_slice %arg5[%dma_wait3A_2011, %dma_wait3A_2021, %dma_wait3A_2022] : memref<2x13x128xi32, #tpu.memory_space<vmem>> -> memref<1x13x128xi32, #tpu.memory_space<vmem>>
      %dma_wait3A_2024 = tpu.memref_squeeze %dma_wait3A_2023 : memref<1x13x128xi32, #tpu.memory_space<vmem>> -> memref<13x128xi32, #tpu.memory_space<vmem>>
      %dma_wait3A_2025 = arith.constant 0 : i32
      %dma_wait3A_2026 = tpu.memref_slice %dma_wait3A_2024[%dma_wait3A_2012, %dma_wait3A_2025] : memref<13x128xi32, #tpu.memory_space<vmem>> -> memref<1x128xi32, #tpu.memory_space<vmem>>
      %dma_wait3A_2027 = tpu.memref_squeeze %dma_wait3A_2026 : memref<1x128xi32, #tpu.memory_space<vmem>> -> memref<128xi32, #tpu.memory_space<vmem>>
      %dma_wait3A_2028 = arith.constant 0 : i32
      %dma_wait3A_2029 = arith.constant 0 : i32
      %dma_wait3A_2030 = tpu.memref_slice %arg3[%dma_wait3A_2028, %dma_wait3A_2029] : memref<1000001x32xf32, #tpu.memory_space<hbm>> -> memref<1000001x32xf32, #tpu.memory_space<hbm>>
      tpu.wait_indirect_dma semaphore(%arg7 : memref<!tpu.dma_semaphore, #tpu.memory_space<semaphore_mem>>) src(%dma_wait3A_2030 : memref<1000001x32xf32, #tpu.memory_space<hbm>>) dst(%dma_wait3A_2020 : memref<128x32xf32, #tpu.memory_space<vmem>>)
      %dma_wait3A_2031 = arith.constant 1 : i32
      %dma_wait3A_2032 = arith.constant 4 : i32
      %dma_wait3A_2033 = arith.constant 1 : i32
      %dma_wait3A_2034 = arith.constant 0 : i32
      %dma_wait3A_2035 = arith.constant 0 : i32
      %dma_wait3A_2036 = tpu.memref_slice %arg6[%dma_wait3A_2033, %dma_wait3A_2034, %dma_wait3A_2035] : memref<2x1664x32xf32, #tpu.memory_space<vmem>> -> memref<1x1664x32xf32, #tpu.memory_space<vmem>>
      %dma_wait3A_2037 = tpu.memref_squeeze %dma_wait3A_2036 : memref<1x1664x32xf32, #tpu.memory_space<vmem>> -> memref<1664x32xf32, #tpu.memory_space<vmem>>
      %dma_wait3A_2038 = arith.constant 512 : i32
      %dma_wait3A_2039 = arith.constant 0 : i32
      %dma_wait3A_2040 = tpu.memref_slice %dma_wait3A_2037[%dma_wait3A_2038, %dma_wait3A_2039] : memref<1664x32xf32, #tpu.memory_space<vmem>> -> memref<128x32xf32, #tpu.memory_space<vmem>>
      %dma_wait3A_2041 = arith.constant 0 : i32
      %dma_wait3A_2042 = arith.constant 0 : i32
      %dma_wait3A_2043 = tpu.memref_slice %arg5[%dma_wait3A_2031, %dma_wait3A_2041, %dma_wait3A_2042] : memref<2x13x128xi32, #tpu.memory_space<vmem>> -> memref<1x13x128xi32, #tpu.memory_space<vmem>>
      %dma_wait3A_2044 = tpu.memref_squeeze %dma_wait3A_2043 : memref<1x13x128xi32, #tpu.memory_space<vmem>> -> memref<13x128xi32, #tpu.memory_space<vmem>>
      %dma_wait3A_2045 = arith.constant 0 : i32
      %dma_wait3A_2046 = tpu.memref_slice %dma_wait3A_2044[%dma_wait3A_2032, %dma_wait3A_2045] : memref<13x128xi32, #tpu.memory_space<vmem>> -> memref<1x128xi32, #tpu.memory_space<vmem>>
      %dma_wait3A_2047 = tpu.memref_squeeze %dma_wait3A_2046 : memref<1x128xi32, #tpu.memory_space<vmem>> -> memref<128xi32, #tpu.memory_space<vmem>>
      %dma_wait3A_2048 = arith.constant 0 : i32
      %dma_wait3A_2049 = arith.constant 0 : i32
      %dma_wait3A_2050 = tpu.memref_slice %arg3[%dma_wait3A_2048, %dma_wait3A_2049] : memref<1000001x32xf32, #tpu.memory_space<hbm>> -> memref<1000001x32xf32, #tpu.memory_space<hbm>>
      tpu.wait_indirect_dma semaphore(%arg7 : memref<!tpu.dma_semaphore, #tpu.memory_space<semaphore_mem>>) src(%dma_wait3A_2050 : memref<1000001x32xf32, #tpu.memory_space<hbm>>) dst(%dma_wait3A_2040 : memref<128x32xf32, #tpu.memory_space<vmem>>)
      %dma_wait3A_2051 = arith.constant 1 : i32
      %dma_wait3A_2052 = arith.constant 5 : i32
      %dma_wait3A_2053 = arith.constant 1 : i32
      %dma_wait3A_2054 = arith.constant 0 : i32
      %dma_wait3A_2055 = arith.constant 0 : i32
      %dma_wait3A_2056 = tpu.memref_slice %arg6[%dma_wait3A_2053, %dma_wait3A_2054, %dma_wait3A_2055] : memref<2x1664x32xf32, #tpu.memory_space<vmem>> -> memref<1x1664x32xf32, #tpu.memory_space<vmem>>
      %dma_wait3A_2057 = tpu.memref_squeeze %dma_wait3A_2056 : memref<1x1664x32xf32, #tpu.memory_space<vmem>> -> memref<1664x32xf32, #tpu.memory_space<vmem>>
      %dma_wait3A_2058 = arith.constant 640 : i32
      %dma_wait3A_2059 = arith.constant 0 : i32
      %dma_wait3A_2060 = tpu.memref_slice %dma_wait3A_2057[%dma_wait3A_2058, %dma_wait3A_2059] : memref<1664x32xf32, #tpu.memory_space<vmem>> -> memref<128x32xf32, #tpu.memory_space<vmem>>
      %dma_wait3A_2061 = arith.constant 0 : i32
      %dma_wait3A_2062 = arith.constant 0 : i32
      %dma_wait3A_2063 = tpu.memref_slice %arg5[%dma_wait3A_2051, %dma_wait3A_2061, %dma_wait3A_2062] : memref<2x13x128xi32, #tpu.memory_space<vmem>> -> memref<1x13x128xi32, #tpu.memory_space<vmem>>
      %dma_wait3A_2064 = tpu.memref_squeeze %dma_wait3A_2063 : memref<1x13x128xi32, #tpu.memory_space<vmem>> -> memref<13x128xi32, #tpu.memory_space<vmem>>
      %dma_wait3A_2065 = arith.constant 0 : i32
      %dma_wait3A_2066 = tpu.memref_slice %dma_wait3A_2064[%dma_wait3A_2052, %dma_wait3A_2065] : memref<13x128xi32, #tpu.memory_space<vmem>> -> memref<1x128xi32, #tpu.memory_space<vmem>>
      %dma_wait3A_2067 = tpu.memref_squeeze %dma_wait3A_2066 : memref<1x128xi32, #tpu.memory_space<vmem>> -> memref<128xi32, #tpu.memory_space<vmem>>
      %dma_wait3A_2068 = arith.constant 0 : i32
      %dma_wait3A_2069 = arith.constant 0 : i32
      %dma_wait3A_2070 = tpu.memref_slice %arg3[%dma_wait3A_2068, %dma_wait3A_2069] : memref<1000001x32xf32, #tpu.memory_space<hbm>> -> memref<1000001x32xf32, #tpu.memory_space<hbm>>
      tpu.wait_indirect_dma semaphore(%arg7 : memref<!tpu.dma_semaphore, #tpu.memory_space<semaphore_mem>>) src(%dma_wait3A_2070 : memref<1000001x32xf32, #tpu.memory_space<hbm>>) dst(%dma_wait3A_2060 : memref<128x32xf32, #tpu.memory_space<vmem>>)
      %dma_wait3A_2071 = arith.constant 1 : i32
      %dma_wait3A_2072 = arith.constant 6 : i32
      %dma_wait3A_2073 = arith.constant 1 : i32
      %dma_wait3A_2074 = arith.constant 0 : i32
      %dma_wait3A_2075 = arith.constant 0 : i32
      %dma_wait3A_2076 = tpu.memref_slice %arg6[%dma_wait3A_2073, %dma_wait3A_2074, %dma_wait3A_2075] : memref<2x1664x32xf32, #tpu.memory_space<vmem>> -> memref<1x1664x32xf32, #tpu.memory_space<vmem>>
      %dma_wait3A_2077 = tpu.memref_squeeze %dma_wait3A_2076 : memref<1x1664x32xf32, #tpu.memory_space<vmem>> -> memref<1664x32xf32, #tpu.memory_space<vmem>>
      %dma_wait3A_2078 = arith.constant 768 : i32
      %dma_wait3A_2079 = arith.constant 0 : i32
      %dma_wait3A_2080 = tpu.memref_slice %dma_wait3A_2077[%dma_wait3A_2078, %dma_wait3A_2079] : memref<1664x32xf32, #tpu.memory_space<vmem>> -> memref<128x32xf32, #tpu.memory_space<vmem>>
      %dma_wait3A_2081 = arith.constant 0 : i32
      %dma_wait3A_2082 = arith.constant 0 : i32
      %dma_wait3A_2083 = tpu.memref_slice %arg5[%dma_wait3A_2071, %dma_wait3A_2081, %dma_wait3A_2082] : memref<2x13x128xi32, #tpu.memory_space<vmem>> -> memref<1x13x128xi32, #tpu.memory_space<vmem>>
      %dma_wait3A_2084 = tpu.memref_squeeze %dma_wait3A_2083 : memref<1x13x128xi32, #tpu.memory_space<vmem>> -> memref<13x128xi32, #tpu.memory_space<vmem>>
      %dma_wait3A_2085 = arith.constant 0 : i32
      %dma_wait3A_2086 = tpu.memref_slice %dma_wait3A_2084[%dma_wait3A_2072, %dma_wait3A_2085] : memref<13x128xi32, #tpu.memory_space<vmem>> -> memref<1x128xi32, #tpu.memory_space<vmem>>
      %dma_wait3A_2087 = tpu.memref_squeeze %dma_wait3A_2086 : memref<1x128xi32, #tpu.memory_space<vmem>> -> memref<128xi32, #tpu.memory_space<vmem>>
      %dma_wait3A_2088 = arith.constant 0 : i32
      %dma_wait3A_2089 = arith.constant 0 : i32
      %dma_wait3A_2090 = tpu.memref_slice %arg3[%dma_wait3A_2088, %dma_wait3A_2089] : memref<1000001x32xf32, #tpu.memory_space<hbm>> -> memref<1000001x32xf32, #tpu.memory_space<hbm>>
      tpu.wait_indirect_dma semaphore(%arg7 : memref<!tpu.dma_semaphore, #tpu.memory_space<semaphore_mem>>) src(%dma_wait3A_2090 : memref<1000001x32xf32, #tpu.memory_space<hbm>>) dst(%dma_wait3A_2080 : memref<128x32xf32, #tpu.memory_space<vmem>>)
      %dma_wait3A_2091 = arith.constant 1 : i32
      %dma_wait3A_2092 = arith.constant 7 : i32
      %dma_wait3A_2093 = arith.constant 1 : i32
      %dma_wait3A_2094 = arith.constant 0 : i32
      %dma_wait3A_2095 = arith.constant 0 : i32
      %dma_wait3A_2096 = tpu.memref_slice %arg6[%dma_wait3A_2093, %dma_wait3A_2094, %dma_wait3A_2095] : memref<2x1664x32xf32, #tpu.memory_space<vmem>> -> memref<1x1664x32xf32, #tpu.memory_space<vmem>>
      %dma_wait3A_2097 = tpu.memref_squeeze %dma_wait3A_2096 : memref<1x1664x32xf32, #tpu.memory_space<vmem>> -> memref<1664x32xf32, #tpu.memory_space<vmem>>
      %dma_wait3A_2098 = arith.constant 896 : i32
      %dma_wait3A_2099 = arith.constant 0 : i32
      %dma_wait3A_2100 = tpu.memref_slice %dma_wait3A_2097[%dma_wait3A_2098, %dma_wait3A_2099] : memref<1664x32xf32, #tpu.memory_space<vmem>> -> memref<128x32xf32, #tpu.memory_space<vmem>>
      %dma_wait3A_2101 = arith.constant 0 : i32
      %dma_wait3A_2102 = arith.constant 0 : i32
      %dma_wait3A_2103 = tpu.memref_slice %arg5[%dma_wait3A_2091, %dma_wait3A_2101, %dma_wait3A_2102] : memref<2x13x128xi32, #tpu.memory_space<vmem>> -> memref<1x13x128xi32, #tpu.memory_space<vmem>>
      %dma_wait3A_2104 = tpu.memref_squeeze %dma_wait3A_2103 : memref<1x13x128xi32, #tpu.memory_space<vmem>> -> memref<13x128xi32, #tpu.memory_space<vmem>>
      %dma_wait3A_2105 = arith.constant 0 : i32
      %dma_wait3A_2106 = tpu.memref_slice %dma_wait3A_2104[%dma_wait3A_2092, %dma_wait3A_2105] : memref<13x128xi32, #tpu.memory_space<vmem>> -> memref<1x128xi32, #tpu.memory_space<vmem>>
      %dma_wait3A_2107 = tpu.memref_squeeze %dma_wait3A_2106 : memref<1x128xi32, #tpu.memory_space<vmem>> -> memref<128xi32, #tpu.memory_space<vmem>>
      %dma_wait3A_2108 = arith.constant 0 : i32
      %dma_wait3A_2109 = arith.constant 0 : i32
      %dma_wait3A_2110 = tpu.memref_slice %arg3[%dma_wait3A_2108, %dma_wait3A_2109] : memref<1000001x32xf32, #tpu.memory_space<hbm>> -> memref<1000001x32xf32, #tpu.memory_space<hbm>>
      tpu.wait_indirect_dma semaphore(%arg7 : memref<!tpu.dma_semaphore, #tpu.memory_space<semaphore_mem>>) src(%dma_wait3A_2110 : memref<1000001x32xf32, #tpu.memory_space<hbm>>) dst(%dma_wait3A_2100 : memref<128x32xf32, #tpu.memory_space<vmem>>)
      %dma_wait3A_2111 = arith.constant 1 : i32
      %dma_wait3A_2112 = arith.constant 8 : i32
      %dma_wait3A_2113 = arith.constant 1 : i32
      %dma_wait3A_2114 = arith.constant 0 : i32
      %dma_wait3A_2115 = arith.constant 0 : i32
      %dma_wait3A_2116 = tpu.memref_slice %arg6[%dma_wait3A_2113, %dma_wait3A_2114, %dma_wait3A_2115] : memref<2x1664x32xf32, #tpu.memory_space<vmem>> -> memref<1x1664x32xf32, #tpu.memory_space<vmem>>
      %dma_wait3A_2117 = tpu.memref_squeeze %dma_wait3A_2116 : memref<1x1664x32xf32, #tpu.memory_space<vmem>> -> memref<1664x32xf32, #tpu.memory_space<vmem>>
      %dma_wait3A_2118 = arith.constant 1024 : i32
      %dma_wait3A_2119 = arith.constant 0 : i32
      %dma_wait3A_2120 = tpu.memref_slice %dma_wait3A_2117[%dma_wait3A_2118, %dma_wait3A_2119] : memref<1664x32xf32, #tpu.memory_space<vmem>> -> memref<128x32xf32, #tpu.memory_space<vmem>>
      %dma_wait3A_2121 = arith.constant 0 : i32
      %dma_wait3A_2122 = arith.constant 0 : i32
      %dma_wait3A_2123 = tpu.memref_slice %arg5[%dma_wait3A_2111, %dma_wait3A_2121, %dma_wait3A_2122] : memref<2x13x128xi32, #tpu.memory_space<vmem>> -> memref<1x13x128xi32, #tpu.memory_space<vmem>>
      %dma_wait3A_2124 = tpu.memref_squeeze %dma_wait3A_2123 : memref<1x13x128xi32, #tpu.memory_space<vmem>> -> memref<13x128xi32, #tpu.memory_space<vmem>>
      %dma_wait3A_2125 = arith.constant 0 : i32
      %dma_wait3A_2126 = tpu.memref_slice %dma_wait3A_2124[%dma_wait3A_2112, %dma_wait3A_2125] : memref<13x128xi32, #tpu.memory_space<vmem>> -> memref<1x128xi32, #tpu.memory_space<vmem>>
      %dma_wait3A_2127 = tpu.memref_squeeze %dma_wait3A_2126 : memref<1x128xi32, #tpu.memory_space<vmem>> -> memref<128xi32, #tpu.memory_space<vmem>>
      %dma_wait3A_2128 = arith.constant 0 : i32
      %dma_wait3A_2129 = arith.constant 0 : i32
      %dma_wait3A_2130 = tpu.memref_slice %arg3[%dma_wait3A_2128, %dma_wait3A_2129] : memref<1000001x32xf32, #tpu.memory_space<hbm>> -> memref<1000001x32xf32, #tpu.memory_space<hbm>>
      tpu.wait_indirect_dma semaphore(%arg7 : memref<!tpu.dma_semaphore, #tpu.memory_space<semaphore_mem>>) src(%dma_wait3A_2130 : memref<1000001x32xf32, #tpu.memory_space<hbm>>) dst(%dma_wait3A_2120 : memref<128x32xf32, #tpu.memory_space<vmem>>)
      %dma_wait3A_2131 = arith.constant 1 : i32
      %dma_wait3A_2132 = arith.constant 9 : i32
      %dma_wait3A_2133 = arith.constant 1 : i32
      %dma_wait3A_2134 = arith.constant 0 : i32
      %dma_wait3A_2135 = arith.constant 0 : i32
      %dma_wait3A_2136 = tpu.memref_slice %arg6[%dma_wait3A_2133, %dma_wait3A_2134, %dma_wait3A_2135] : memref<2x1664x32xf32, #tpu.memory_space<vmem>> -> memref<1x1664x32xf32, #tpu.memory_space<vmem>>
      %dma_wait3A_2137 = tpu.memref_squeeze %dma_wait3A_2136 : memref<1x1664x32xf32, #tpu.memory_space<vmem>> -> memref<1664x32xf32, #tpu.memory_space<vmem>>
      %dma_wait3A_2138 = arith.constant 1152 : i32
      %dma_wait3A_2139 = arith.constant 0 : i32
      %dma_wait3A_2140 = tpu.memref_slice %dma_wait3A_2137[%dma_wait3A_2138, %dma_wait3A_2139] : memref<1664x32xf32, #tpu.memory_space<vmem>> -> memref<128x32xf32, #tpu.memory_space<vmem>>
      %dma_wait3A_2141 = arith.constant 0 : i32
      %dma_wait3A_2142 = arith.constant 0 : i32
      %dma_wait3A_2143 = tpu.memref_slice %arg5[%dma_wait3A_2131, %dma_wait3A_2141, %dma_wait3A_2142] : memref<2x13x128xi32, #tpu.memory_space<vmem>> -> memref<1x13x128xi32, #tpu.memory_space<vmem>>
      %dma_wait3A_2144 = tpu.memref_squeeze %dma_wait3A_2143 : memref<1x13x128xi32, #tpu.memory_space<vmem>> -> memref<13x128xi32, #tpu.memory_space<vmem>>
      %dma_wait3A_2145 = arith.constant 0 : i32
      %dma_wait3A_2146 = tpu.memref_slice %dma_wait3A_2144[%dma_wait3A_2132, %dma_wait3A_2145] : memref<13x128xi32, #tpu.memory_space<vmem>> -> memref<1x128xi32, #tpu.memory_space<vmem>>
      %dma_wait3A_2147 = tpu.memref_squeeze %dma_wait3A_2146 : memref<1x128xi32, #tpu.memory_space<vmem>> -> memref<128xi32, #tpu.memory_space<vmem>>
      %dma_wait3A_2148 = arith.constant 0 : i32
      %dma_wait3A_2149 = arith.constant 0 : i32
      %dma_wait3A_2150 = tpu.memref_slice %arg3[%dma_wait3A_2148, %dma_wait3A_2149] : memref<1000001x32xf32, #tpu.memory_space<hbm>> -> memref<1000001x32xf32, #tpu.memory_space<hbm>>
      tpu.wait_indirect_dma semaphore(%arg7 : memref<!tpu.dma_semaphore, #tpu.memory_space<semaphore_mem>>) src(%dma_wait3A_2150 : memref<1000001x32xf32, #tpu.memory_space<hbm>>) dst(%dma_wait3A_2140 : memref<128x32xf32, #tpu.memory_space<vmem>>)
      %dma_wait3A_2151 = arith.constant 1 : i32
      %dma_wait3A_2152 = arith.constant 10 : i32
      %dma_wait3A_2153 = arith.constant 1 : i32
      %dma_wait3A_2154 = arith.constant 0 : i32
      %dma_wait3A_2155 = arith.constant 0 : i32
      %dma_wait3A_2156 = tpu.memref_slice %arg6[%dma_wait3A_2153, %dma_wait3A_2154, %dma_wait3A_2155] : memref<2x1664x32xf32, #tpu.memory_space<vmem>> -> memref<1x1664x32xf32, #tpu.memory_space<vmem>>
      %dma_wait3A_2157 = tpu.memref_squeeze %dma_wait3A_2156 : memref<1x1664x32xf32, #tpu.memory_space<vmem>> -> memref<1664x32xf32, #tpu.memory_space<vmem>>
      %dma_wait3A_2158 = arith.constant 1280 : i32
      %dma_wait3A_2159 = arith.constant 0 : i32
      %dma_wait3A_2160 = tpu.memref_slice %dma_wait3A_2157[%dma_wait3A_2158, %dma_wait3A_2159] : memref<1664x32xf32, #tpu.memory_space<vmem>> -> memref<128x32xf32, #tpu.memory_space<vmem>>
      %dma_wait3A_2161 = arith.constant 0 : i32
      %dma_wait3A_2162 = arith.constant 0 : i32
      %dma_wait3A_2163 = tpu.memref_slice %arg5[%dma_wait3A_2151, %dma_wait3A_2161, %dma_wait3A_2162] : memref<2x13x128xi32, #tpu.memory_space<vmem>> -> memref<1x13x128xi32, #tpu.memory_space<vmem>>
      %dma_wait3A_2164 = tpu.memref_squeeze %dma_wait3A_2163 : memref<1x13x128xi32, #tpu.memory_space<vmem>> -> memref<13x128xi32, #tpu.memory_space<vmem>>
      %dma_wait3A_2165 = arith.constant 0 : i32
      %dma_wait3A_2166 = tpu.memref_slice %dma_wait3A_2164[%dma_wait3A_2152, %dma_wait3A_2165] : memref<13x128xi32, #tpu.memory_space<vmem>> -> memref<1x128xi32, #tpu.memory_space<vmem>>
      %dma_wait3A_2167 = tpu.memref_squeeze %dma_wait3A_2166 : memref<1x128xi32, #tpu.memory_space<vmem>> -> memref<128xi32, #tpu.memory_space<vmem>>
      %dma_wait3A_2168 = arith.constant 0 : i32
      %dma_wait3A_2169 = arith.constant 0 : i32
      %dma_wait3A_2170 = tpu.memref_slice %arg3[%dma_wait3A_2168, %dma_wait3A_2169] : memref<1000001x32xf32, #tpu.memory_space<hbm>> -> memref<1000001x32xf32, #tpu.memory_space<hbm>>
      tpu.wait_indirect_dma semaphore(%arg7 : memref<!tpu.dma_semaphore, #tpu.memory_space<semaphore_mem>>) src(%dma_wait3A_2170 : memref<1000001x32xf32, #tpu.memory_space<hbm>>) dst(%dma_wait3A_2160 : memref<128x32xf32, #tpu.memory_space<vmem>>)
      %dma_wait3A_2171 = arith.constant 1 : i32
      %dma_wait3A_2172 = arith.constant 11 : i32
      %dma_wait3A_2173 = arith.constant 1 : i32
      %dma_wait3A_2174 = arith.constant 0 : i32
      %dma_wait3A_2175 = arith.constant 0 : i32
      %dma_wait3A_2176 = tpu.memref_slice %arg6[%dma_wait3A_2173, %dma_wait3A_2174, %dma_wait3A_2175] : memref<2x1664x32xf32, #tpu.memory_space<vmem>> -> memref<1x1664x32xf32, #tpu.memory_space<vmem>>
      %dma_wait3A_2177 = tpu.memref_squeeze %dma_wait3A_2176 : memref<1x1664x32xf32, #tpu.memory_space<vmem>> -> memref<1664x32xf32, #tpu.memory_space<vmem>>
      %dma_wait3A_2178 = arith.constant 1408 : i32
      %dma_wait3A_2179 = arith.constant 0 : i32
      %dma_wait3A_2180 = tpu.memref_slice %dma_wait3A_2177[%dma_wait3A_2178, %dma_wait3A_2179] : memref<1664x32xf32, #tpu.memory_space<vmem>> -> memref<128x32xf32, #tpu.memory_space<vmem>>
      %dma_wait3A_2181 = arith.constant 0 : i32
      %dma_wait3A_2182 = arith.constant 0 : i32
      %dma_wait3A_2183 = tpu.memref_slice %arg5[%dma_wait3A_2171, %dma_wait3A_2181, %dma_wait3A_2182] : memref<2x13x128xi32, #tpu.memory_space<vmem>> -> memref<1x13x128xi32, #tpu.memory_space<vmem>>
      %dma_wait3A_2184 = tpu.memref_squeeze %dma_wait3A_2183 : memref<1x13x128xi32, #tpu.memory_space<vmem>> -> memref<13x128xi32, #tpu.memory_space<vmem>>
      %dma_wait3A_2185 = arith.constant 0 : i32
      %dma_wait3A_2186 = tpu.memref_slice %dma_wait3A_2184[%dma_wait3A_2172, %dma_wait3A_2185] : memref<13x128xi32, #tpu.memory_space<vmem>> -> memref<1x128xi32, #tpu.memory_space<vmem>>
      %dma_wait3A_2187 = tpu.memref_squeeze %dma_wait3A_2186 : memref<1x128xi32, #tpu.memory_space<vmem>> -> memref<128xi32, #tpu.memory_space<vmem>>
      %dma_wait3A_2188 = arith.constant 0 : i32
      %dma_wait3A_2189 = arith.constant 0 : i32
      %dma_wait3A_2190 = tpu.memref_slice %arg3[%dma_wait3A_2188, %dma_wait3A_2189] : memref<1000001x32xf32, #tpu.memory_space<hbm>> -> memref<1000001x32xf32, #tpu.memory_space<hbm>>
      tpu.wait_indirect_dma semaphore(%arg7 : memref<!tpu.dma_semaphore, #tpu.memory_space<semaphore_mem>>) src(%dma_wait3A_2190 : memref<1000001x32xf32, #tpu.memory_space<hbm>>) dst(%dma_wait3A_2180 : memref<128x32xf32, #tpu.memory_space<vmem>>)
      %dma_wait3A_2191 = arith.constant 1 : i32
      %dma_wait3A_2192 = arith.constant 12 : i32
      %dma_wait3A_2193 = arith.constant 1 : i32
      %dma_wait3A_2194 = arith.constant 0 : i32
      %dma_wait3A_2195 = arith.constant 0 : i32
      %dma_wait3A_2196 = tpu.memref_slice %arg6[%dma_wait3A_2193, %dma_wait3A_2194, %dma_wait3A_2195] : memref<2x1664x32xf32, #tpu.memory_space<vmem>> -> memref<1x1664x32xf32, #tpu.memory_space<vmem>>
      %dma_wait3A_2197 = tpu.memref_squeeze %dma_wait3A_2196 : memref<1x1664x32xf32, #tpu.memory_space<vmem>> -> memref<1664x32xf32, #tpu.memory_space<vmem>>
      %dma_wait3A_2198 = arith.constant 1536 : i32
      %dma_wait3A_2199 = arith.constant 0 : i32
      %dma_wait3A_2200 = tpu.memref_slice %dma_wait3A_2197[%dma_wait3A_2198, %dma_wait3A_2199] : memref<1664x32xf32, #tpu.memory_space<vmem>> -> memref<128x32xf32, #tpu.memory_space<vmem>>
      %dma_wait3A_2201 = arith.constant 0 : i32
      %dma_wait3A_2202 = arith.constant 0 : i32
      %dma_wait3A_2203 = tpu.memref_slice %arg5[%dma_wait3A_2191, %dma_wait3A_2201, %dma_wait3A_2202] : memref<2x13x128xi32, #tpu.memory_space<vmem>> -> memref<1x13x128xi32, #tpu.memory_space<vmem>>
      %dma_wait3A_2204 = tpu.memref_squeeze %dma_wait3A_2203 : memref<1x13x128xi32, #tpu.memory_space<vmem>> -> memref<13x128xi32, #tpu.memory_space<vmem>>
      %dma_wait3A_2205 = arith.constant 0 : i32
      %dma_wait3A_2206 = tpu.memref_slice %dma_wait3A_2204[%dma_wait3A_2192, %dma_wait3A_2205] : memref<13x128xi32, #tpu.memory_space<vmem>> -> memref<1x128xi32, #tpu.memory_space<vmem>>
      %dma_wait3A_2207 = tpu.memref_squeeze %dma_wait3A_2206 : memref<1x128xi32, #tpu.memory_space<vmem>> -> memref<128xi32, #tpu.memory_space<vmem>>
      %dma_wait3A_2208 = arith.constant 0 : i32
      %dma_wait3A_2209 = arith.constant 0 : i32
      %dma_wait3A_2210 = tpu.memref_slice %arg3[%dma_wait3A_2208, %dma_wait3A_2209] : memref<1000001x32xf32, #tpu.memory_space<hbm>> -> memref<1000001x32xf32, #tpu.memory_space<hbm>>
      tpu.wait_indirect_dma semaphore(%arg7 : memref<!tpu.dma_semaphore, #tpu.memory_space<semaphore_mem>>) src(%dma_wait3A_2210 : memref<1000001x32xf32, #tpu.memory_space<hbm>>) dst(%dma_wait3A_2200 : memref<128x32xf32, #tpu.memory_space<vmem>>)
      %dma_start3A_2211 = arith.constant 1 : i32
      %dma_start3A_2212 = arith.constant 0 : i32
      %dma_start3A_2213 = arith.constant 0 : i32
      %dma_start3A_2214 = tpu.memref_slice %arg6[%dma_start3A_2211, %dma_start3A_2212, %dma_start3A_2213] : memref<2x1664x32xf32, #tpu.memory_space<vmem>> -> memref<1x1664x32xf32, #tpu.memory_space<vmem>>
      %dma_start3A_2215 = tpu.memref_squeeze %dma_start3A_2214 : memref<1x1664x32xf32, #tpu.memory_space<vmem>> -> memref<1664x32xf32, #tpu.memory_space<vmem>>
      %dma_start3A_2216 = arith.constant 0 : i32
      %dma_start3A_2217 = tpu.memref_slice %arg4[%mul3A_1676, %dma_start3A_2216] : memref<425984x32xf32, #tpu.memory_space<hbm>> -> memref<1664x32xf32, #tpu.memory_space<hbm>>
      %dma_start3A_2218 = arith.constant 0 : i32
      %dma_start3A_2219 = tpu.memref_slice %arg4[%mul3A_1676, %dma_start3A_2218] : memref<425984x32xf32, #tpu.memory_space<hbm>> -> memref<1664x32xf32, #tpu.memory_space<hbm>>
      %dma_start3A_2220 = arith.constant 0 : i32
      %dma_start3A_2221 = arith.constant 0 : i32
      %dma_start3A_2222 = tpu.memref_slice %arg6[%dma_start3A_2211, %dma_start3A_2220, %dma_start3A_2221] : memref<2x1664x32xf32, #tpu.memory_space<vmem>> -> memref<1x1664x32xf32, #tpu.memory_space<vmem>>
      %dma_start3A_2223 = tpu.memref_squeeze %dma_start3A_2222 : memref<1x1664x32xf32, #tpu.memory_space<vmem>> -> memref<1664x32xf32, #tpu.memory_space<vmem>>
      tpu.enqueue_dma source(%dma_start3A_2223 : memref<1664x32xf32, #tpu.memory_space<vmem>>) target(%dma_start3A_2219 : memref<1664x32xf32, #tpu.memory_space<hbm>>) target_semaphore(%arg9 : memref<!tpu.dma_semaphore, #tpu.memory_space<semaphore_mem>>)
      %scan3A_2224 = arith.constant 0 : i32
      scf.yield %scan3A_2224 : i32
    }
    %scan3A_1081 = arith.constant 3 : i32
    %dma_wait3A_1082 = arith.constant 0 : i32
    %dma_wait3A_1083 = arith.constant 0 : i32
    %dma_wait3A_1084 = arith.constant 0 : i32
    %dma_wait3A_1085 = tpu.memref_slice %arg6[%dma_wait3A_1082, %dma_wait3A_1083, %dma_wait3A_1084] : memref<2x1664x32xf32, #tpu.memory_space<vmem>> -> memref<1x1664x32xf32, #tpu.memory_space<vmem>>
    %dma_wait3A_1086 = tpu.memref_squeeze %dma_wait3A_1085 : memref<1x1664x32xf32, #tpu.memory_space<vmem>> -> memref<1664x32xf32, #tpu.memory_space<vmem>>
    %dma_wait3A_1087 = arith.constant 0 : i32
    %dma_wait3A_1088 = arith.constant 0 : i32
    %dma_wait3A_1089 = tpu.memref_slice %arg4[%dma_wait3A_1087, %dma_wait3A_1088] : memref<425984x32xf32, #tpu.memory_space<hbm>> -> memref<1664x32xf32, #tpu.memory_space<hbm>>
    %dma_wait3A_1090 = arith.constant 0 : i32
    %dma_wait3A_1091 = arith.constant 0 : i32
    %dma_wait3A_1092 = tpu.memref_slice %arg4[%dma_wait3A_1090, %dma_wait3A_1091] : memref<425984x32xf32, #tpu.memory_space<hbm>> -> memref<1664x32xf32, #tpu.memory_space<hbm>>
    %dma_wait3A_1093 = arith.constant 0 : i32
    %dma_wait3A_1094 = arith.constant 0 : i32
    %dma_wait3A_1095 = tpu.memref_slice %arg6[%dma_wait3A_1082, %dma_wait3A_1093, %dma_wait3A_1094] : memref<2x1664x32xf32, #tpu.memory_space<vmem>> -> memref<1x1664x32xf32, #tpu.memory_space<vmem>>
    %dma_wait3A_1096 = tpu.memref_squeeze %dma_wait3A_1095 : memref<1x1664x32xf32, #tpu.memory_space<vmem>> -> memref<1664x32xf32, #tpu.memory_space<vmem>>
    tpu.wait_dma2 semaphore(%arg8 : memref<!tpu.dma_semaphore, #tpu.memory_space<semaphore_mem>>) src(%dma_wait3A_1096 : memref<1664x32xf32, #tpu.memory_space<vmem>>) dst(%dma_wait3A_1092 : memref<1664x32xf32, #tpu.memory_space<hbm>>)
    %dma_wait3A_1097 = arith.constant 1 : i32
    %dma_wait3A_1098 = arith.constant 0 : i32
    %dma_wait3A_1099 = arith.constant 0 : i32
    %dma_wait3A_1100 = tpu.memref_slice %arg6[%dma_wait3A_1097, %dma_wait3A_1098, %dma_wait3A_1099] : memref<2x1664x32xf32, #tpu.memory_space<vmem>> -> memref<1x1664x32xf32, #tpu.memory_space<vmem>>
    %dma_wait3A_1101 = tpu.memref_squeeze %dma_wait3A_1100 : memref<1x1664x32xf32, #tpu.memory_space<vmem>> -> memref<1664x32xf32, #tpu.memory_space<vmem>>
    %dma_wait3A_1102 = arith.constant 0 : i32
    %dma_wait3A_1103 = arith.constant 0 : i32
    %dma_wait3A_1104 = tpu.memref_slice %arg4[%dma_wait3A_1102, %dma_wait3A_1103] : memref<425984x32xf32, #tpu.memory_space<hbm>> -> memref<1664x32xf32, #tpu.memory_space<hbm>>
    %dma_wait3A_1105 = arith.constant 0 : i32
    %dma_wait3A_1106 = arith.constant 0 : i32
    %dma_wait3A_1107 = tpu.memref_slice %arg4[%dma_wait3A_1105, %dma_wait3A_1106] : memref<425984x32xf32, #tpu.memory_space<hbm>> -> memref<1664x32xf32, #tpu.memory_space<hbm>>
    %dma_wait3A_1108 = arith.constant 0 : i32
    %dma_wait3A_1109 = arith.constant 0 : i32
    %dma_wait3A_1110 = tpu.memref_slice %arg6[%dma_wait3A_1097, %dma_wait3A_1108, %dma_wait3A_1109] : memref<2x1664x32xf32, #tpu.memory_space<vmem>> -> memref<1x1664x32xf32, #tpu.memory_space<vmem>>
    %dma_wait3A_1111 = tpu.memref_squeeze %dma_wait3A_1110 : memref<1x1664x32xf32, #tpu.memory_space<vmem>> -> memref<1664x32xf32, #tpu.memory_space<vmem>>
    tpu.wait_dma2 semaphore(%arg9 : memref<!tpu.dma_semaphore, #tpu.memory_space<semaphore_mem>>) src(%dma_wait3A_1111 : memref<1664x32xf32, #tpu.memory_space<vmem>>) dst(%dma_wait3A_1107 : memref<1664x32xf32, #tpu.memory_space<hbm>>)
    return
  }
}

</mosaic_0001>

<sc_bundles>
// kernel: kernel.3.cloned.1.call-start
scs
__scs_entry_jumppad:
0x0: {  	(pc) =	sbr.rel $0x88, $3  }
0x1: {  	(tag) =	ssettag $0x0;
	lr =	simm.s32 $0x1  }
0x2: {  	[smem:$0x3F9F] =	sst lr;
	_ =	strace $0xD0000000  }
0x3: {  	_ = 	snop  }
0x4: {  	_ = 	snop  }
0x5: {  	_ = 	snop  }
0x6: {  	_ = 	snop  }
0x7: {  	_ = 	snop  }
__scs_overlays_trampoline_lowered:
0x8: {  	[smem:$0x3FAE] =	sst s0  }
0x9: {  	[smem:$0x3FAF] =	sst s1  }
0xa: {  	[smem:$0x3FB0] =	sst s2  }
0xb: {  	[smem:$0x3FB1] =	sst s3  }
0xc: {  	[smem:$0x3FB2] =	sst s4  }
0xd: {  	[smem:$0x3FB3] =	sst s5  }
0xe: {  	[smem:$0x3FB4] =	sst s6  }
0xf: {  	[smem:$0x3FB5] =	sst s7  }
0x10: {  	[smem:$0x3FB6] =	sst s8  }
0x11: {  	[smem:$0x3FB7] =	sst s9;
	s0 =	simm.s32 @!p0 $0x0  }
0x12: {  	s1 =	sld [smem:$0x3F9D];
	s0 =	simm.s32 @p0 $0x1  }
0x13: {  	[smem:$0x3FB8] =	sst s0;
	s0 =	simm.s32 @!p1 $0x0  }
0x14: {  	s2 =	sld [smem:$0x3F9C];
	s0 =	simm.s32 @p1 $0x1  }
0x15: {  	[smem:$0x3FB9] =	sst s0;
	s0 =	simm.s32 @!p2 $0x0  }
0x16: {  	s3 =	sld [smem:$0x3FDB];
	s0 =	simm.s32 @p2 $0x1  }
0x17: {  	s4 =	simm.s32 $0x1BF5;
	[smem:$0x3FBB] =	sst s0  }
0x18: {  	s0 =	sld [smem:$0x3F9E];
	_ =	swait.ge [sflag:s4], $0x0  }
0x19: {  	s7 =	sld [smem:$0x3F9F]  }
0x1a: {  	s8 =	sadd.s32 $0xFFFFE003, lr  }
0x1b: {  	s9 =	sadd.s32 $0xFFFFFEF7, lr;
	s5 =	simm.s32 $0xFFFFFFFF;
	p2 =	slt.u32 s8, $0xFFFFF086  }
0x1c: {  	p1 =	slt.u32 s9, $0xF7A;
	s5 =	simm.s32 @!p2 $0x0  }
0x1d: {  	s5 =	simm.s32 @p1 $0x1;
	p0 =	seq.s32 s7, s2  }
0x1e: {  	s7 =	smul.u32 @!p0 $0xF7A, s2;
	p2 =	seq.s32 @!p0 s5, $0x0  }
0x1f: {  	s9 =	smul.u32 $0xF7A, s1;
	s8 =	simm.s32 @!p0 $0x1BF5;
	p2 =	por !p2, p0  }
0x20: {  	[sflag:s8] =	ssyncset.s32 @!p0 $0xFFFFF086;
	s6 =	sadd.s32 @!p0 s3, s7;
	s7 =	simm.s32 @!p0 $0x108  }
0x21: {  	s3 =	sadd.s32 s3, s9;
	s6 =	sadd.s32 @!p0 $0x88, s6;
	s7 =	simm.s32 @p2 $0x1082  }
0x22: {  	[simem:s7], [sflag:s8] =	dma.local @!p0 [hbm:s6], $0xF7A  }
0x23: {  	s9 =	sor.u32 $0xD0000000, s2;
	s6 =	simm.s32 $0x108;
	_ =	swait.ge @!p0 [sflag:s8], $0x0  }
0x24: {  	s3 =	sadd.s32 $0x88, s3;
	s6 =	simm.s32 @!p1 $0x1082;
	[sflag:s4] =	ssyncset.s32 $0xFFFFF086  }
0x25: {  	[simem:s6], [sflag:s4] =	dma.local [hbm:s3], $0xF7A  }
0x26: {  	[smem:$0x3F9F] =	sst s1;
	(tag) =	ssettag s2;
	_ =	strace s9  }
0x27: {  	s1 =	sld [smem:$0x3FAF]  }
0x28: {  	s2 =	sld [smem:$0x3FB0]  }
0x29: {  	s4 =	sld [smem:$0x3FB2]  }
0x2a: {  	p0 =	seq.s32 s5, $0x0;
	s5 =	sld [smem:$0x3FB3]  }
0x2b: {  	s6 =	sld [smem:$0x3FB4]  }
0x2c: {  	s7 =	sld [smem:$0x3FB5]  }
0x2d: {  	s3 =	simm.s32 $0x108;
	s8 =	sld [smem:$0x3FB6]  }
0x2e: {  	s3 =	simm.s32 @!p0 $0x1082;
	s9 =	sld [smem:$0x3FB7]  }
0x2f: {  	lr =	sadd.s32 s0, s3;
	s0 =	sld [smem:$0x3FAE]  }
0x30: {  	s3 =	sld [smem:$0x3FB1]  }
0x31: {  	[smem:$0x3FBA] =	sst s10  }
0x32: {  	s10 =	sld [smem:$0x3FB8];
	_ =	sdelay $0x3  }
0x33: {  	p0 =	seq.s32 s10, $0x1;
	s10 =	sld [smem:$0x3FBA];
	_ =	sdelay $0x3  }
0x34: {  	[smem:$0x3FBA] =	sst s10  }
0x35: {  	s10 =	sld [smem:$0x3FB9];
	_ =	sdelay $0x3  }
0x36: {  	p1 =	seq.s32 s10, $0x1;
	s10 =	sld [smem:$0x3FBA];
	_ =	sdelay $0x3  }
0x37: {  	[smem:$0x3FBA] =	sst s10  }
0x38: {  	s10 =	sld [smem:$0x3FBB]  }
0x39: {  	_ = 	snop;
	(pc) =	sbr.ind lr, $3  }
0x3a: {  	_ = 	snop  }
0x3b: {  	_ = 	snop  }
0x3c: {  	p2 =	seq.s32 s10, $0x1;
	s10 =	sld [smem:$0x3FBA]  }
0x3d: {  	_ =	shalt  }
0x3e: {  	_ =	shalt  }
0x3f: {  	_ =	shalt  }
0x40: {  	_ =	shalt  }
0x41: {  	_ =	shalt  }
0x42: {  	_ =	shalt  }
0x43: {  	_ =	shalt  }
0x44: {  	_ =	shalt  }
0x45: {  	_ =	shalt  }
0x46: {  	_ =	shalt  }
0x47: {  	_ =	shalt  }
0x48: {  	_ =	shalt  }
0x49: {  	_ =	shalt  }
0x4a: {  	_ =	shalt  }
0x4b: {  	_ =	shalt  }
0x4c: {  	_ =	shalt  }
0x4d: {  	_ =	shalt  }
0x4e: {  	_ =	shalt  }
0x4f: {  	_ =	shalt  }
0x50: {  	_ =	shalt  }
0x51: {  	_ =	shalt  }
0x52: {  	_ =	shalt  }
0x53: {  	_ =	shalt  }
0x54: {  	_ =	shalt  }
0x55: {  	_ =	shalt  }
0x56: {  	_ =	shalt  }
0x57: {  	_ =	shalt  }
0x58: {  	_ =	shalt  }
0x59: {  	_ =	shalt  }
0x5a: {  	_ =	shalt  }
0x5b: {  	_ =	shalt  }
0x5c: {  	_ =	shalt  }
0x5d: {  	_ =	shalt  }
0x5e: {  	_ =	shalt  }
0x5f: {  	_ =	shalt  }
0x60: {  	_ =	shalt  }
0x61: {  	_ =	shalt  }
0x62: {  	_ =	shalt  }
0x63: {  	_ =	shalt  }
0x64: {  	_ =	shalt  }
0x65: {  	_ =	shalt  }
0x66: {  	_ =	shalt  }
0x67: {  	_ =	shalt  }
0x68: {  	_ =	shalt  }
0x69: {  	_ =	shalt  }
0x6a: {  	_ =	shalt  }
0x6b: {  	_ =	shalt  }
0x6c: {  	_ =	shalt  }
0x6d: {  	_ =	shalt  }
0x6e: {  	_ =	shalt  }
0x6f: {  	_ =	shalt  }
0x70: {  	_ =	shalt  }
0x71: {  	_ =	shalt  }
0x72: {  	_ =	shalt  }
0x73: {  	_ =	shalt  }
0x74: {  	_ =	shalt  }
0x75: {  	_ =	shalt  }
0x76: {  	_ =	shalt  }
0x77: {  	_ =	shalt  }
0x78: {  	_ =	shalt  }
0x79: {  	_ =	shalt  }
0x7a: {  	_ =	shalt  }
0x7b: {  	_ =	shalt  }
0x7c: {  	_ =	shalt  }
0x7d: {  	_ =	shalt  }
0x7e: {  	_ =	shalt  }
0x7f: {  	_ =	shalt  }
0x80: {  	_ =	shalt  }
0x81: {  	_ =	shalt  }
0x82: {  	_ =	shalt  }
0x83: {  	_ =	shalt  }
0x84: {  	_ =	shalt  }
0x85: {  	_ =	shalt  }
0x86: {  	_ =	shalt  }
0x87: {  	_ =	shalt  }
.Lfunc_end0:
.L_simem_size_0:
called_computation.1_lowered:
.L_overlay_start_0:
0x88: {  	s2 =	sld [smem:$0x3FD9]  }
0x89: {  	s3 =	sld [smem:$0x3FFE];
	_ =	sdelay $0x1  }
0x8a: {  	s1 =	srdreg.scid  }
0x8b: {  	s0 =	sand.u32 $0x1, s1  }
0x8c: {  	s17 =	sshll.u32 s0, $0xA;
	s2 =	sadd.s32 s3, s2  }
0x8d: {  	s2 =	sadd.s32 s2, s17  }
0x8e: {  	[smem:$0x3FC6] =	sst s2  }
0x8f: {  	_ = 	snop  }
0x90: {  	s2 =	sld [smem:$0x3FD0];
	(tm) =	ssettm $0x1  }
0x91: {  	s18 =	sld [smem:$0x3FFB];
	_ =	sdelay $0x3  }
0x92: {  	_ =	strace s18  }
0x93: {  	s3 =	sld [smem:$0x3FFC];
	_ =	sdelay $0x3  }
0x94: {  	_ =	strace s3  }
0x95: {  	s3 =	sld [smem:$0x3FFD];
	_ =	sdelay $0x3  }
0x96: {  	_ =	strace s3  }
0x97: {  	_ =	strace $0x8FFFFFFF  }
0x98: {  	s19 =	sld [smem:$0x3FDB];
	_ =	sdelay $0x1  }
0x99: {  	s4 =	simm.s32 $_scs_section_size  }
0x9a: {  	s5 =	simm.s32 $_size__tile_overlayer_lowered;
	s6 =	simm.s32 $_tile_overlayer_lowered  }
0x9b: {  	s22 =	simm.s32 $0x1BFF;
	s21 =	sshll.u32 s6, $0x1;
	s3 =	sadd.s32 s4, s19  }
0x9c: {  	s7 =	simm.s32 $0x0;
	s20 =	sshll.u32 s5, $0x1;
	s5 =	sadd.s32 s21, s3  }
0x9d: {  	[timem:s7], [sflag:s22] =	dma.local [hbm:s5], s20  }
0x9e: {  	_ =	swait.ge [sflag:s22], s20  }
0x9f: {  	s4 =	ssub.s32 $0x0, s20;
	[sflag:s22] =	ssyncset.done $0x0  }
0xa0: {  	[sflag:s22] =	ssyncadd.s32 s4;
	_ =	sdelay $0x1  }
0xa1: {  	s23 =	simm.s32 $0x1B8B  }
0xa2: {  	_ =	swait.ge [sflag:s23], $0x1  }
0xa3: {  	[sflag:s23] =	ssyncset.done $0x0  }
0xa4: {  	s25 =	simm.s32 $0x1B8E;
	s24 =	sld [smem:$0x3FFE];
	[sflag:s23] =	ssyncadd.s32 $0xFFFFFFFF  }
0xa5: {  	s26 =	simm.s32 $execute0_lowered;
	[smem:$0x3FD2] =	sst s25  }
0xa6: {  	s5 =	sshll.u32 s26, $0x1;
	_ =	strace $0x80000046;
	[dreg:$0x1] =	wrdreg $0xFFFFFFFF  }
0xa7: {  	s28 =	simm.s32 $_size_execute0_lowered;
	s3 =	sadd.s32 s3, s5;
	[dreg:$0x0] =	wrdreg $0x0  }
0xa8: {  	s5 =	sshll.u32 s28, $0x1;
	[dreg:$0x2] =	wrdreg s3  }
0xa9: {  	[dreg:$0x3] =	wrdreg s5  }
0xaa: {  	[dreg:$0x4] =	wrdreg $0xC0  }
0xab: {  	_ =	task [dreg:s7], $0x5FFFF  }
0xac: {  	[dreg:$0x1] =	wrdreg $0xFFFFFFFF  }
0xad: {  	[dreg:$0x0] =	wrdreg $0x60  }
0xae: {  	[dreg:$0x2] =	wrdreg s24  }
0xaf: {  	[dreg:$0x3] =	wrdreg s2  }
0xb0: {  	[dreg:$0x4] =	wrdreg $0x9  }
0xb1: {  	_ =	task.clear_ibuf [dreg:s7], $0x5FFFF;
	_ =	strace $0x90000046  }
0xb2: {  	s29 =	simm.s32 $0x9;
	_ =	strace $0x80000048  }
0xb3: {  	_ =	swait.ge [sflag:s29], $0x1  }
0xb4: {  	[sflag:s29] =	ssyncadd.s32 $0xFFFFFFFF  }
0xb5: {  	_ =	strace $0x90000048  }
0xb6: {  	_ =	sfence  }
0xb7: {  	s30 =	sld [smem:$0x0];
	_ =	sdelay $0x2  }
0xb8: {  	s31 =	sshll.u32 s1, $0xD;
	s1 =	sshrl.u32 s1, $0x2  }
0xb9: {  	s3 =	sand.u32 $0x4000, s31;
	s1 =	sadd.s32 s1, s30  }
0xba: {  	s0 =	sor.u32 s3, s0;
	s1 =	sshll.u32 s1, $0x11  }
0xbb: {  	s0 =	sor.u32 s1, s0  }
0xbc: {  	s0 =	sadd.s32 $0x8F2B, s0  }
0xbd: {  	[sflag:s0] =	ssyncadd.remote.s32 $0x1  }
0xbe: {  	_ =	sfence.sel $0xFFFF  }
0xbf: {  	[dreg:$0x0] =	wrdreg $0xFFFFFFFF;
	(pc) =	sbr.abs _section_cstart, $3  }
0xc0: {  	[dreg:$0x1] =	wrdreg $0xFFFFFFFF  }
0xc1: {  	_ =	task.clear_ibuf [dreg:s7], $0x2FFFF;
	_ =	strace $0x9FFFFFFF  }
0xc2: {  	(tm) =	ssettm $0x7FFFFFFF  }
0xc3: {  	_ =	shalt  }
tec
execute0_lowered:
.L_overlay_start_1:
0x0: {  	(tag) =	ssettag $0x1  }
0x1: {  	s0 =	rddreg [dreg:$0x0];
	s1 =	srdreg.scid  }
0x2: {  	s10 =	stileid.u32;
	s4 =	rddreg [dreg:$0x1];
	s2 =	simm.s32 $0x0  }
0x3: {  	s11 =	simm.s32 $0x4;
	s12 =	simm.s32 $0x80;
	s13 =	simm.s32 $0xD00  }
0x4: {  	s14 =	simm.s32 $0x8D00;
	s28 =	simm.s32 $0x480;
	s29 =	simm.s32 $0x9D00  }
0x5: {  	s30 =	simm.s32 $0x500;
	s31 =	simm.s32 $0xAD00;
	s15 =	simm.s32 $0x2  }
0x6: {  	s1 =	sand.u32 $0x1, s1;
	s3 =	sshll.u32 s10, $0x1;
	s10 =	smul.u32 $0xD0, s10  }
0x7: {  	s3 =	sor.u32 s1, s3;
	s8 =	ssub.s32 $0x2, s1;
	s1 =	smul.u32 $0x68, s1  }
0x8: {  	[smem:$0x7FF] =	sst s2;
	s7 =	sadd.s32 $0xA00, s0;
	s5 =	smul.u32 $0x680, s3  }
0x9: {  	_ =	strace $0x80000047;
	s6 =	smul.u32 $0xD000, s3;
	s16 =	sshrl.u32 s8, $0x1  }
0xa: {  	s9 =	smul.u32 $0x3400, s3;
	s3 =	sadd.s32 $0xF43000, s0;
	s0 =	ssub.s32 s8, s16  }
0xb: {  	s1 =	sadd.s32 s1, s10;
	s8 =	simm.s32 $0x1;
	s10 =	simm.s32 $0xDD00  }
0xc: {  	s16 =	simm.s32 $0x3;
	s17 =	sadd.s32 $0x680, s9;
	s5 =	sadd.s32 s7, s5  }
0xd: {  	s18 =	sadd.s32 s4, s6;
	s0 =	smax.u32 s0, $0x1;
	s21 =	sshll.u32 s1, $0x9  }
0xe: {  	s22 =	sshll.u32 s1, $0x4;
	s1 =	sadd.s32 $0x1A, s1;
	[dreg:$0x5] =	wrdreg s5  }
0xf: {  	s6 =	simm.s32 $0x7D00;
	s9 =	simm.s32 $0x680;
	[dreg:$0x6] =	wrdreg s18  }
0x10: {  	s19 =	sshrl.u32 s17, $0x3;
	s20 =	sshll.u32 s17, $0x2;
	[dreg:$0x9] =	wrdreg s0  }
0x11: {  	s0 =	sadd.s32 s4, s21;
	s23 =	sadd.s32 s7, s22;
	s1 =	sshrl.u32 s1, $0x1  }
0x12: {  	s21 =	simm.s32 $0x2D00;
	s22 =	simm.s32 $0x180;
	s18 =	simm.s32 $0x580  }
0x13: {  	s17 =	simm.s32 $0x0;
	s5 =	sadd.s32 s7, s19;
	s0 =	sadd.s32 $0x4E00, s0  }
0x14: {  	s24 =	sshll.u32 s1, $0xA;
	s1 =	sshll.u32 s1, $0x5;
	[dreg:$0xc] =	wrdreg s17  }
0x15: {  	s19 =	simm.s32 $0x1D00;
	[dreg:$0x7] =	wrdreg s5;
	s5 =	sadd.s32 s4, s20  }
0x16: {  	[dreg:$0xa] =	wrdreg s0;
	s0 =	sadd.s32 $0x270, s23;
	s25 =	sadd.s32 s24, s4  }
0x17: {  	s26 =	sadd.s32 s1, s7;
	s20 =	simm.s32 $0x100;
	[dreg:$0x8] =	wrdreg s5  }
0x18: {  	s23 =	simm.s32 $0x3D00;
	s24 =	simm.s32 $0x200;
	[dreg:$0x3] =	wrdreg s0  }
0x19: {  	s1 =	simm.s32 $0x5D00;
	s4 =	simm.s32 $0x6D00;
	[dreg:$0xb] =	wrdreg s25  }
0x1a: {  	s7 =	simm.s32 $0x400;
	[dreg:$0x4] =	wrdreg s26;
	s25 =	simm.s32 $0x4D00  }
0x1b: {  	s26 =	simm.s32 $0x280;
	s0 =	simm.s32 $0x300;
	s5 =	simm.s32 $0x380  }
.LBB2_1:
0x1c: {  	s17 =	rddreg [dreg:$0x5]  }
0x1d: {  	[tilespmem:s2], [sflag:$0x4] =	stream.linear.gather [hbm4b:s17+s2], $0x680, $0x38;
	[tilespmem:$0x1AD00] =	vst v63  }
0x1e: {  	_ =	swait.ge [sflag:s11], $0x680  }
0x1f: {  	[sflag:s11] =	ssyncset.done $0x0  }
0x20: {  	[sflag:s11] =	ssyncadd.s32 $0xFFFFF980  }
0x21: {  	[tilespmem:s13], [sflag:$0x1] =	stream.indirect.gather [hbm4b:s3+s12], $0x20, s2, s12, $0xb8;
	[tilespmem:$0x1AD00] =	vst v63  }
0x22: {  	_ = 	snop  }
0x23: {  	[tilespmem:s19], [sflag:$0x1] =	stream.indirect.gather [hbm4b:s3+s12], $0x20, s12, s12, $0xb8;
	[tilespmem:$0x1AD00] =	vst v63  }
0x24: {  	_ = 	snop  }
0x25: {  	[tilespmem:s21], [sflag:$0x1] =	stream.indirect.gather [hbm4b:s3+s12], $0x20, s20, s12, $0xb8;
	[tilespmem:$0x1AD00] =	vst v63  }
0x26: {  	_ = 	snop  }
0x27: {  	[tilespmem:s23], [sflag:$0x1] =	stream.indirect.gather [hbm4b:s3+s12], $0x20, s22, s12, $0xb8;
	[tilespmem:$0x1AD00] =	vst v63  }
0x28: {  	_ = 	snop  }
0x29: {  	[tilespmem:s25], [sflag:$0x1] =	stream.indirect.gather [hbm4b:s3+s12], $0x20, s24, s12, $0xb8;
	[tilespmem:$0x1AD00] =	vst v63  }
0x2a: {  	_ = 	snop  }
0x2b: {  	[tilespmem:s1], [sflag:$0x1] =	stream.indirect.gather [hbm4b:s3+s12], $0x20, s26, s12, $0xb8;
	[tilespmem:$0x1AD00] =	vst v63  }
0x2c: {  	_ = 	snop  }
0x2d: {  	[tilespmem:s4], [sflag:$0x1] =	stream.indirect.gather [hbm4b:s3+s12], $0x20, s0, s12, $0xb8;
	[tilespmem:$0x1AD00] =	vst v63  }
0x2e: {  	_ = 	snop  }
0x2f: {  	[tilespmem:s6], [sflag:$0x1] =	stream.indirect.gather [hbm4b:s3+s12], $0x20, s5, s12, $0xb8;
	[tilespmem:$0x1AD00] =	vst v63  }
0x30: {  	_ = 	snop  }
0x31: {  	[tilespmem:s14], [sflag:$0x1] =	stream.indirect.gather [hbm4b:s3+s12], $0x20, s7, s12, $0xb8;
	[tilespmem:$0x1AD00] =	vst v63  }
0x32: {  	_ = 	snop  }
0x33: {  	[tilespmem:s29], [sflag:$0x1] =	stream.indirect.gather [hbm4b:s3+s12], $0x20, s28, s12, $0xb8;
	[tilespmem:$0x1AD00] =	vst v63  }
0x34: {  	_ = 	snop  }
0x35: {  	[tilespmem:s31], [sflag:$0x1] =	stream.indirect.gather [hbm4b:s3+s12], $0x20, s30, s12, $0xb8;
	[tilespmem:$0x1AD00] =	vst v63  }
0x36: {  	s17 =	simm.s32 $0xBD00  }
0x37: {  	[tilespmem:s17], [sflag:$0x1] =	stream.indirect.gather [hbm4b:s3+s12], $0x20, s18, s12, $0xb8;
	[tilespmem:$0x1AD00] =	vst v63  }
0x38: {  	s17 =	simm.s32 $0x600;
	s18 =	simm.s32 $0xCD00  }
0x39: {  	[tilespmem:s18], [sflag:$0x1] =	stream.indirect.gather [hbm4b:s3+s12], $0x20, s17, s12, $0xb8;
	[tilespmem:$0x1AD00] =	vst v63  }
0x3a: {  	_ =	swait.ge [sflag:s8], $0x1000  }
0x3b: {  	[sflag:s8] =	ssyncset.done $0x0  }
0x3c: {  	[sflag:s8] =	ssyncadd.s32 $0xFFFFF000  }
0x3d: {  	_ =	swait.ge [sflag:s8], $0x1000  }
0x3e: {  	[sflag:s8] =	ssyncset.done $0x0  }
0x3f: {  	[sflag:s8] =	ssyncadd.s32 $0xFFFFF000  }
0x40: {  	_ =	swait.ge [sflag:s8], $0x1000  }
0x41: {  	[sflag:s8] =	ssyncset.done $0x0  }
0x42: {  	[sflag:s8] =	ssyncadd.s32 $0xFFFFF000  }
0x43: {  	_ =	swait.ge [sflag:s8], $0x1000  }
0x44: {  	[sflag:s8] =	ssyncset.done $0x0  }
0x45: {  	[sflag:s8] =	ssyncadd.s32 $0xFFFFF000  }
0x46: {  	_ =	swait.ge [sflag:s8], $0x1000  }
0x47: {  	[sflag:s8] =	ssyncset.done $0x0  }
0x48: {  	[sflag:s8] =	ssyncadd.s32 $0xFFFFF000  }
0x49: {  	_ =	swait.ge [sflag:s8], $0x1000  }
0x4a: {  	[sflag:s8] =	ssyncset.done $0x0  }
0x4b: {  	[sflag:s8] =	ssyncadd.s32 $0xFFFFF000  }
0x4c: {  	_ =	swait.ge [sflag:s8], $0x1000  }
0x4d: {  	[sflag:s8] =	ssyncset.done $0x0  }
0x4e: {  	[sflag:s8] =	ssyncadd.s32 $0xFFFFF000  }
0x4f: {  	_ =	swait.ge [sflag:s8], $0x1000  }
0x50: {  	[sflag:s8] =	ssyncset.done $0x0  }
0x51: {  	[sflag:s8] =	ssyncadd.s32 $0xFFFFF000  }
0x52: {  	_ =	swait.ge [sflag:s8], $0x1000  }
0x53: {  	[sflag:s8] =	ssyncset.done $0x0  }
0x54: {  	[sflag:s8] =	ssyncadd.s32 $0xFFFFF000  }
0x55: {  	_ =	swait.ge [sflag:s8], $0x1000  }
0x56: {  	[sflag:s8] =	ssyncset.done $0x0  }
0x57: {  	[sflag:s8] =	ssyncadd.s32 $0xFFFFF000  }
0x58: {  	_ =	swait.ge [sflag:s8], $0x1000  }
0x59: {  	[sflag:s8] =	ssyncset.done $0x0  }
0x5a: {  	[sflag:s8] =	ssyncadd.s32 $0xFFFFF000  }
0x5b: {  	_ =	swait.ge [sflag:s8], $0x1000  }
0x5c: {  	[sflag:s8] =	ssyncset.done $0x0  }
0x5d: {  	[sflag:s8] =	ssyncadd.s32 $0xFFFFF000  }
0x5e: {  	_ =	swait.ge [sflag:s8], $0x1000  }
0x5f: {  	[sflag:s8] =	ssyncset.done $0x0  }
0x60: {  	s18 =	rddreg [dreg:$0x6];
	[sflag:s8] =	ssyncadd.s32 $0xFFFFF000  }
0x61: {  	[hbm4b:s18+s2] =	stream.linear.scatter [tilespmem:s13], [sflag:$0x2], $0xD000, $0x38;
	[tilespmem:$0x1AD00] =	vst v63  }
0x62: {  	s18 =	rddreg [dreg:$0x7]  }
0x63: {  	[tilespmem:s9], [sflag:$0x4] =	stream.linear.gather [hbm4b:s18+s2], $0x680, $0x38;
	[tilespmem:$0x1AD00] =	vst v63  }
0x64: {  	_ =	swait.ge [sflag:s11], $0x680  }
0x65: {  	[sflag:s11] =	ssyncset.done $0x0  }
0x66: {  	[sflag:s11] =	ssyncadd.s32 $0xFFFFF980  }
0x67: {  	[tilespmem:s10], [sflag:$0x1] =	stream.indirect.gather [hbm4b:s3+s12], $0x20, s9, s12, $0xb8;
	[tilespmem:$0x1AD00] =	vst v63  }
0x68: {  	s17 =	simm.s32 $0x700;
	s18 =	simm.s32 $0xED00  }
0x69: {  	[tilespmem:s18], [sflag:$0x1] =	stream.indirect.gather [hbm4b:s3+s12], $0x20, s17, s12, $0xb8;
	[tilespmem:$0x1AD00] =	vst v63  }
0x6a: {  	s17 =	simm.s32 $0x780;
	s18 =	simm.s32 $0xFD00  }
0x6b: {  	[tilespmem:s18], [sflag:$0x1] =	stream.indirect.gather [hbm4b:s3+s12], $0x20, s17, s12, $0xb8;
	[tilespmem:$0x1AD00] =	vst v63  }
0x6c: {  	s17 =	simm.s32 $0x800;
	s18 =	simm.s32 $0x10D00  }
0x6d: {  	[tilespmem:s18], [sflag:$0x1] =	stream.indirect.gather [hbm4b:s3+s12], $0x20, s17, s12, $0xb8;
	[tilespmem:$0x1AD00] =	vst v63  }
0x6e: {  	s17 =	simm.s32 $0x880;
	s18 =	simm.s32 $0x11D00  }
0x6f: {  	[tilespmem:s18], [sflag:$0x1] =	stream.indirect.gather [hbm4b:s3+s12], $0x20, s17, s12, $0xb8;
	[tilespmem:$0x1AD00] =	vst v63  }
0x70: {  	s17 =	simm.s32 $0x900;
	s18 =	simm.s32 $0x12D00  }
0x71: {  	[tilespmem:s18], [sflag:$0x1] =	stream.indirect.gather [hbm4b:s3+s12], $0x20, s17, s12, $0xb8;
	[tilespmem:$0x1AD00] =	vst v63  }
0x72: {  	s17 =	simm.s32 $0x980;
	s18 =	simm.s32 $0x13D00  }
0x73: {  	[tilespmem:s18], [sflag:$0x1] =	stream.indirect.gather [hbm4b:s3+s12], $0x20, s17, s12, $0xb8;
	[tilespmem:$0x1AD00] =	vst v63  }
0x74: {  	s17 =	simm.s32 $0xA00;
	s18 =	simm.s32 $0x14D00  }
0x75: {  	[tilespmem:s18], [sflag:$0x1] =	stream.indirect.gather [hbm4b:s3+s12], $0x20, s17, s12, $0xb8;
	[tilespmem:$0x1AD00] =	vst v63  }
0x76: {  	s17 =	simm.s32 $0xA80;
	s18 =	simm.s32 $0x15D00  }
0x77: {  	[tilespmem:s18], [sflag:$0x1] =	stream.indirect.gather [hbm4b:s3+s12], $0x20, s17, s12, $0xb8;
	[tilespmem:$0x1AD00] =	vst v63  }
0x78: {  	s17 =	simm.s32 $0xB00;
	s18 =	simm.s32 $0x16D00  }
0x79: {  	[tilespmem:s18], [sflag:$0x1] =	stream.indirect.gather [hbm4b:s3+s12], $0x20, s17, s12, $0xb8;
	[tilespmem:$0x1AD00] =	vst v63  }
0x7a: {  	s17 =	simm.s32 $0xB80;
	s18 =	simm.s32 $0x17D00  }
0x7b: {  	[tilespmem:s18], [sflag:$0x1] =	stream.indirect.gather [hbm4b:s3+s12], $0x20, s17, s12, $0xb8;
	[tilespmem:$0x1AD00] =	vst v63  }
0x7c: {  	s17 =	simm.s32 $0xC00;
	s18 =	simm.s32 $0x18D00  }
0x7d: {  	[tilespmem:s18], [sflag:$0x1] =	stream.indirect.gather [hbm4b:s3+s12], $0x20, s17, s12, $0xb8;
	[tilespmem:$0x1AD00] =	vst v63  }
0x7e: {  	s17 =	simm.s32 $0xC80;
	s18 =	simm.s32 $0x19D00  }
0x7f: {  	[tilespmem:s18], [sflag:$0x1] =	stream.indirect.gather [hbm4b:s3+s12], $0x20, s17, s12, $0xb8;
	[tilespmem:$0x1AD00] =	vst v63  }
0x80: {  	_ =	swait.ge [sflag:s8], $0x1000  }
0x81: {  	[sflag:s8] =	ssyncset.done $0x0  }
0x82: {  	[sflag:s8] =	ssyncadd.s32 $0xFFFFF000  }
0x83: {  	_ =	swait.ge [sflag:s8], $0x1000  }
0x84: {  	[sflag:s8] =	ssyncset.done $0x0  }
0x85: {  	[sflag:s8] =	ssyncadd.s32 $0xFFFFF000  }
0x86: {  	_ =	swait.ge [sflag:s8], $0x1000  }
0x87: {  	[sflag:s8] =	ssyncset.done $0x0  }
0x88: {  	[sflag:s8] =	ssyncadd.s32 $0xFFFFF000  }
0x89: {  	_ =	swait.ge [sflag:s8], $0x1000  }
0x8a: {  	[sflag:s8] =	ssyncset.done $0x0  }
0x8b: {  	[sflag:s8] =	ssyncadd.s32 $0xFFFFF000  }
0x8c: {  	_ =	swait.ge [sflag:s8], $0x1000  }
0x8d: {  	[sflag:s8] =	ssyncset.done $0x0  }
0x8e: {  	[sflag:s8] =	ssyncadd.s32 $0xFFFFF000  }
0x8f: {  	_ =	swait.ge [sflag:s8], $0x1000  }
0x90: {  	[sflag:s8] =	ssyncset.done $0x0  }
0x91: {  	[sflag:s8] =	ssyncadd.s32 $0xFFFFF000  }
0x92: {  	_ =	swait.ge [sflag:s8], $0x1000  }
0x93: {  	[sflag:s8] =	ssyncset.done $0x0  }
0x94: {  	[sflag:s8] =	ssyncadd.s32 $0xFFFFF000  }
0x95: {  	_ =	swait.ge [sflag:s8], $0x1000  }
0x96: {  	[sflag:s8] =	ssyncset.done $0x0  }
0x97: {  	[sflag:s8] =	ssyncadd.s32 $0xFFFFF000  }
0x98: {  	_ =	swait.ge [sflag:s8], $0x1000  }
0x99: {  	[sflag:s8] =	ssyncset.done $0x0  }
0x9a: {  	[sflag:s8] =	ssyncadd.s32 $0xFFFFF000  }
0x9b: {  	_ =	swait.ge [sflag:s8], $0x1000  }
0x9c: {  	[sflag:s8] =	ssyncset.done $0x0  }
0x9d: {  	[sflag:s8] =	ssyncadd.s32 $0xFFFFF000  }
0x9e: {  	_ =	swait.ge [sflag:s8], $0x1000  }
0x9f: {  	[sflag:s8] =	ssyncset.done $0x0  }
0xa0: {  	[sflag:s8] =	ssyncadd.s32 $0xFFFFF000  }
0xa1: {  	_ =	swait.ge [sflag:s8], $0x1000  }
0xa2: {  	[sflag:s8] =	ssyncset.done $0x0  }
0xa3: {  	[sflag:s8] =	ssyncadd.s32 $0xFFFFF000  }
0xa4: {  	_ =	swait.ge [sflag:s8], $0x1000  }
0xa5: {  	[sflag:s8] =	ssyncset.done $0x0;
	s17 =	rddreg [dreg:$0x4]  }
0xa6: {  	s18 =	rddreg [dreg:$0x8];
	[sflag:s8] =	ssyncadd.s32 $0xFFFFF000  }
0xa7: {  	[hbm4b:s18+s2] =	stream.linear.scatter [tilespmem:s10], [sflag:$0x3], $0xD000, $0x38;
	[tilespmem:$0x1AD00] =	vst v63  }
0xa8: {  	s17 =	sadd.s32 $0x0, s17  }
0xa9: {  	[tilespmem:s2], [sflag:$0x4] =	stream.linear.gather [hbm4b:s17+s2], $0x680, $0x38;
	[tilespmem:$0x1AD00] =	vst v63  }
0xaa: {  	_ =	swait.ge [sflag:s11], $0x680  }
0xab: {  	[sflag:s11] =	ssyncset.done $0x0  }
0xac: {  	[sflag:s11] =	ssyncadd.s32 $0xFFFFF980  }
0xad: {  	_ =	swait.ge [sflag:s15], $0xD000  }
0xae: {  	[sflag:s15] =	ssyncset.done $0x0  }
0xaf: {  	[sflag:s15] =	ssyncadd.s32 $0xFFFF3000  }
0xb0: {  	[tilespmem:s13], [sflag:$0x1] =	stream.indirect.gather [hbm4b:s3+s12], $0x20, s2, s12, $0xb8;
	[tilespmem:$0x1AD00] =	vst v63  }
0xb1: {  	_ = 	snop  }
0xb2: {  	[tilespmem:s19], [sflag:$0x1] =	stream.indirect.gather [hbm4b:s3+s12], $0x20, s12, s12, $0xb8;
	[tilespmem:$0x1AD00] =	vst v63  }
0xb3: {  	_ = 	snop  }
0xb4: {  	[tilespmem:s21], [sflag:$0x1] =	stream.indirect.gather [hbm4b:s3+s12], $0x20, s20, s12, $0xb8;
	[tilespmem:$0x1AD00] =	vst v63  }
0xb5: {  	_ = 	snop  }
0xb6: {  	[tilespmem:s23], [sflag:$0x1] =	stream.indirect.gather [hbm4b:s3+s12], $0x20, s22, s12, $0xb8;
	[tilespmem:$0x1AD00] =	vst v63  }
0xb7: {  	_ = 	snop  }
0xb8: {  	[tilespmem:s25], [sflag:$0x1] =	stream.indirect.gather [hbm4b:s3+s12], $0x20, s24, s12, $0xb8;
	[tilespmem:$0x1AD00] =	vst v63  }
0xb9: {  	_ = 	snop  }
0xba: {  	[tilespmem:s1], [sflag:$0x1] =	stream.indirect.gather [hbm4b:s3+s12], $0x20, s26, s12, $0xb8;
	[tilespmem:$0x1AD00] =	vst v63  }
0xbb: {  	_ = 	snop  }
0xbc: {  	[tilespmem:s4], [sflag:$0x1] =	stream.indirect.gather [hbm4b:s3+s12], $0x20, s0, s12, $0xb8;
	[tilespmem:$0x1AD00] =	vst v63  }
0xbd: {  	_ = 	snop  }
0xbe: {  	[tilespmem:s6], [sflag:$0x1] =	stream.indirect.gather [hbm4b:s3+s12], $0x20, s5, s12, $0xb8;
	[tilespmem:$0x1AD00] =	vst v63  }
0xbf: {  	_ = 	snop  }
0xc0: {  	[tilespmem:s14], [sflag:$0x1] =	stream.indirect.gather [hbm4b:s3+s12], $0x20, s7, s12, $0xb8;
	[tilespmem:$0x1AD00] =	vst v63  }
0xc1: {  	_ = 	snop  }
0xc2: {  	[tilespmem:s29], [sflag:$0x1] =	stream.indirect.gather [hbm4b:s3+s12], $0x20, s28, s12, $0xb8;
	[tilespmem:$0x1AD00] =	vst v63  }
0xc3: {  	_ = 	snop  }
0xc4: {  	[tilespmem:s31], [sflag:$0x1] =	stream.indirect.gather [hbm4b:s3+s12], $0x20, s30, s12, $0xb8;
	[tilespmem:$0x1AD00] =	vst v63  }
0xc5: {  	s1 =	simm.s32 $0xBD00;
	s4 =	simm.s32 $0x580  }
0xc6: {  	[tilespmem:s1], [sflag:$0x1] =	stream.indirect.gather [hbm4b:s3+s12], $0x20, s4, s12, $0xb8;
	[tilespmem:$0x1AD00] =	vst v63  }
0xc7: {  	s5 =	simm.s32 $0xCD00;
	s6 =	simm.s32 $0x600  }
0xc8: {  	[tilespmem:s5], [sflag:$0x1] =	stream.indirect.gather [hbm4b:s3+s12], $0x20, s6, s12, $0xb8;
	[tilespmem:$0x1AD00] =	vst v63  }
0xc9: {  	_ =	swait.ge [sflag:s8], $0x1000  }
0xca: {  	[sflag:s8] =	ssyncset.done $0x0  }
0xcb: {  	[sflag:s8] =	ssyncadd.s32 $0xFFFFF000  }
0xcc: {  	_ =	swait.ge [sflag:s8], $0x1000  }
0xcd: {  	[sflag:s8] =	ssyncset.done $0x0  }
0xce: {  	[sflag:s8] =	ssyncadd.s32 $0xFFFFF000  }
0xcf: {  	_ =	swait.ge [sflag:s8], $0x1000  }
0xd0: {  	[sflag:s8] =	ssyncset.done $0x0  }
0xd1: {  	[sflag:s8] =	ssyncadd.s32 $0xFFFFF000  }
0xd2: {  	_ =	swait.ge [sflag:s8], $0x1000  }
0xd3: {  	[sflag:s8] =	ssyncset.done $0x0  }
0xd4: {  	[sflag:s8] =	ssyncadd.s32 $0xFFFFF000  }
0xd5: {  	_ =	swait.ge [sflag:s8], $0x1000  }
0xd6: {  	[sflag:s8] =	ssyncset.done $0x0  }
0xd7: {  	[sflag:s8] =	ssyncadd.s32 $0xFFFFF000  }
0xd8: {  	_ =	swait.ge [sflag:s8], $0x1000  }
0xd9: {  	[sflag:s8] =	ssyncset.done $0x0  }
0xda: {  	[sflag:s8] =	ssyncadd.s32 $0xFFFFF000  }
0xdb: {  	_ =	swait.ge [sflag:s8], $0x1000  }
0xdc: {  	[sflag:s8] =	ssyncset.done $0x0  }
0xdd: {  	[sflag:s8] =	ssyncadd.s32 $0xFFFFF000  }
0xde: {  	_ =	swait.ge [sflag:s8], $0x1000  }
0xdf: {  	[sflag:s8] =	ssyncset.done $0x0  }
0xe0: {  	[sflag:s8] =	ssyncadd.s32 $0xFFFFF000  }
0xe1: {  	_ =	swait.ge [sflag:s8], $0x1000  }
0xe2: {  	[sflag:s8] =	ssyncset.done $0x0  }
0xe3: {  	[sflag:s8] =	ssyncadd.s32 $0xFFFFF000  }
0xe4: {  	_ =	swait.ge [sflag:s8], $0x1000  }
0xe5: {  	[sflag:s8] =	ssyncset.done $0x0  }
0xe6: {  	[sflag:s8] =	ssyncadd.s32 $0xFFFFF000  }
0xe7: {  	_ =	swait.ge [sflag:s8], $0x1000  }
0xe8: {  	[sflag:s8] =	ssyncset.done $0x0  }
0xe9: {  	[sflag:s8] =	ssyncadd.s32 $0xFFFFF000  }
0xea: {  	_ =	swait.ge [sflag:s8], $0x1000  }
0xeb: {  	[sflag:s8] =	ssyncset.done $0x0  }
0xec: {  	[sflag:s8] =	ssyncadd.s32 $0xFFFFF000  }
0xed: {  	_ =	swait.ge [sflag:s8], $0x1000  }
0xee: {  	[sflag:s8] =	ssyncset.done $0x0;
	s7 =	rddreg [dreg:$0x3]  }
0xef: {  	s19 =	rddreg [dreg:$0xb];
	[sflag:s8] =	ssyncadd.s32 $0xFFFFF000  }
0xf0: {  	[hbm4b:s19+s2] =	stream.linear.scatter [tilespmem:s13], [sflag:$0x2], $0xD000, $0x38;
	[tilespmem:$0x1AD00] =	vst v63  }
0xf1: {  	s17 =	sadd.s32 $0x0, s7  }
0xf2: {  	[tilespmem:s9], [sflag:$0x4] =	stream.linear.gather [hbm4b:s17+s2], $0x680, $0x38;
	[tilespmem:$0x1AD00] =	vst v63  }
0xf3: {  	_ =	swait.ge [sflag:s11], $0x680  }
0xf4: {  	[sflag:s11] =	ssyncset.done $0x0  }
0xf5: {  	[sflag:s11] =	ssyncadd.s32 $0xFFFFF980  }
0xf6: {  	_ =	swait.ge [sflag:s16], $0xD000  }
0xf7: {  	[sflag:s16] =	ssyncset.done $0x0  }
0xf8: {  	[sflag:s16] =	ssyncadd.s32 $0xFFFF3000  }
0xf9: {  	[tilespmem:s10], [sflag:$0x1] =	stream.indirect.gather [hbm4b:s3+s12], $0x20, s9, s12, $0xb8;
	[tilespmem:$0x1AD00] =	vst v63  }
0xfa: {  	s14 =	simm.s32 $0x700;
	s17 =	simm.s32 $0xED00  }
0xfb: {  	[tilespmem:s17], [sflag:$0x1] =	stream.indirect.gather [hbm4b:s3+s12], $0x20, s14, s12, $0xb8;
	[tilespmem:$0x1AD00] =	vst v63  }
0xfc: {  	s18 =	simm.s32 $0x780;
	s20 =	simm.s32 $0xFD00  }
0xfd: {  	[tilespmem:s20], [sflag:$0x1] =	stream.indirect.gather [hbm4b:s3+s12], $0x20, s18, s12, $0xb8;
	[tilespmem:$0x1AD00] =	vst v63  }
0xfe: {  	s21 =	simm.s32 $0x800;
	s22 =	simm.s32 $0x10D00  }
0xff: {  	[tilespmem:s22], [sflag:$0x1] =	stream.indirect.gather [hbm4b:s3+s12], $0x20, s21, s12, $0xb8;
	[tilespmem:$0x1AD00] =	vst v63  }
0x100: {  	s23 =	simm.s32 $0x880;
	s24 =	simm.s32 $0x11D00  }
0x101: {  	[tilespmem:s24], [sflag:$0x1] =	stream.indirect.gather [hbm4b:s3+s12], $0x20, s23, s12, $0xb8;
	[tilespmem:$0x1AD00] =	vst v63  }
0x102: {  	s25 =	simm.s32 $0x900;
	s26 =	simm.s32 $0x12D00  }
0x103: {  	[tilespmem:s26], [sflag:$0x1] =	stream.indirect.gather [hbm4b:s3+s12], $0x20, s25, s12, $0xb8;
	[tilespmem:$0x1AD00] =	vst v63  }
0x104: {  	s4 =	simm.s32 $0x980;
	s5 =	simm.s32 $0x13D00  }
0x105: {  	[tilespmem:s5], [sflag:$0x1] =	stream.indirect.gather [hbm4b:s3+s12], $0x20, s4, s12, $0xb8;
	[tilespmem:$0x1AD00] =	vst v63  }
0x106: {  	s6 =	simm.s32 $0xA00;
	s7 =	simm.s32 $0x14D00  }
0x107: {  	[tilespmem:s7], [sflag:$0x1] =	stream.indirect.gather [hbm4b:s3+s12], $0x20, s6, s12, $0xb8;
	[tilespmem:$0x1AD00] =	vst v63  }
0x108: {  	s14 =	simm.s32 $0xA80;
	s17 =	simm.s32 $0x15D00  }
0x109: {  	[tilespmem:s17], [sflag:$0x1] =	stream.indirect.gather [hbm4b:s3+s12], $0x20, s14, s12, $0xb8;
	[tilespmem:$0x1AD00] =	vst v63  }
0x10a: {  	s18 =	simm.s32 $0xB00;
	s20 =	simm.s32 $0x16D00  }
0x10b: {  	[tilespmem:s20], [sflag:$0x1] =	stream.indirect.gather [hbm4b:s3+s12], $0x20, s18, s12, $0xb8;
	[tilespmem:$0x1AD00] =	vst v63  }
0x10c: {  	s21 =	simm.s32 $0xB80;
	s22 =	simm.s32 $0x17D00  }
0x10d: {  	[tilespmem:s22], [sflag:$0x1] =	stream.indirect.gather [hbm4b:s3+s12], $0x20, s21, s12, $0xb8;
	[tilespmem:$0x1AD00] =	vst v63  }
0x10e: {  	s23 =	simm.s32 $0xC00;
	s24 =	simm.s32 $0x18D00  }
0x10f: {  	[tilespmem:s24], [sflag:$0x1] =	stream.indirect.gather [hbm4b:s3+s12], $0x20, s23, s12, $0xb8;
	[tilespmem:$0x1AD00] =	vst v63  }
0x110: {  	s25 =	simm.s32 $0xC80;
	s26 =	simm.s32 $0x19D00  }
0x111: {  	[tilespmem:s26], [sflag:$0x1] =	stream.indirect.gather [hbm4b:s3+s12], $0x20, s25, s12, $0xb8;
	[tilespmem:$0x1AD00] =	vst v63  }
0x112: {  	_ =	swait.ge [sflag:s8], $0x1000  }
0x113: {  	[sflag:s8] =	ssyncset.done $0x0  }
0x114: {  	[sflag:s8] =	ssyncadd.s32 $0xFFFFF000  }
0x115: {  	_ =	swait.ge [sflag:s8], $0x1000  }
0x116: {  	[sflag:s8] =	ssyncset.done $0x0  }
0x117: {  	[sflag:s8] =	ssyncadd.s32 $0xFFFFF000  }
0x118: {  	_ =	swait.ge [sflag:s8], $0x1000  }
0x119: {  	[sflag:s8] =	ssyncset.done $0x0  }
0x11a: {  	[sflag:s8] =	ssyncadd.s32 $0xFFFFF000  }
0x11b: {  	_ =	swait.ge [sflag:s8], $0x1000  }
0x11c: {  	[sflag:s8] =	ssyncset.done $0x0  }
0x11d: {  	[sflag:s8] =	ssyncadd.s32 $0xFFFFF000  }
0x11e: {  	_ =	swait.ge [sflag:s8], $0x1000  }
0x11f: {  	[sflag:s8] =	ssyncset.done $0x0  }
0x120: {  	[sflag:s8] =	ssyncadd.s32 $0xFFFFF000  }
0x121: {  	_ =	swait.ge [sflag:s8], $0x1000  }
0x122: {  	[sflag:s8] =	ssyncset.done $0x0  }
0x123: {  	[sflag:s8] =	ssyncadd.s32 $0xFFFFF000  }
0x124: {  	_ =	swait.ge [sflag:s8], $0x1000  }
0x125: {  	[sflag:s8] =	ssyncset.done $0x0  }
0x126: {  	[sflag:s8] =	ssyncadd.s32 $0xFFFFF000  }
0x127: {  	_ =	swait.ge [sflag:s8], $0x1000  }
0x128: {  	[sflag:s8] =	ssyncset.done $0x0  }
0x129: {  	[sflag:s8] =	ssyncadd.s32 $0xFFFFF000  }
0x12a: {  	_ =	swait.ge [sflag:s8], $0x1000  }
0x12b: {  	[sflag:s8] =	ssyncset.done $0x0  }
0x12c: {  	[sflag:s8] =	ssyncadd.s32 $0xFFFFF000  }
0x12d: {  	_ =	swait.ge [sflag:s8], $0x1000  }
0x12e: {  	[sflag:s8] =	ssyncset.done $0x0  }
0x12f: {  	[sflag:s8] =	ssyncadd.s32 $0xFFFFF000  }
0x130: {  	s0 =	simm.s32 $0xAD00;
	s29 =	simm.s32 $0x200;
	_ =	swait.ge [sflag:s8], $0x1000  }
0x131: {  	s28 =	simm.s32 $0x500;
	s30 =	simm.s32 $0x4D00;
	[sflag:s8] =	ssyncset.done $0x0  }
0x132: {  	s31 =	simm.s32 $0x280;
	s1 =	simm.s32 $0x17D00;
	[sflag:s8] =	ssyncadd.s32 $0xFFFFF000  }
0x133: {  	s19 =	sadd.s32 $0x3400, s19;
	s5 =	simm.s32 $0xC00;
	_ =	swait.ge [sflag:s8], $0x1000  }
0x134: {  	s6 =	simm.s32 $0x18D00;
	s7 =	simm.s32 $0xC80;
	[sflag:s8] =	ssyncset.done $0x0  }
0x135: {  	s14 =	simm.s32 $0x19D00;
	s17 =	simm.s32 $0x1A0;
	[sflag:s8] =	ssyncadd.s32 $0xFFFFF000  }
0x136: {  	s23 =	simm.s32 $0x9D00;
	s24 =	simm.s32 $0x100;
	_ =	swait.ge [sflag:s8], $0x1000  }
0x137: {  	s25 =	simm.s32 $0x2D00;
	[sflag:s8] =	ssyncset.done $0x0;
	s20 =	rddreg [dreg:$0xa]  }
0x138: {  	s26 =	simm.s32 $0x180;
	[sflag:s8] =	ssyncadd.s32 $0xFFFFF000;
	s18 =	sadd.s32 $0x3400, s20  }
.LBB2_2:
0x139: {  	[hbm4b:s20+s2] =	stream.linear.scatter [tilespmem:s10], [sflag:$0x3], $0xD000, $0x38;
	[tilespmem:$0x1AD00] =	vst v63  }
0x13a: {  	s21 =	smov.u32 s17;
	s22 =	rddreg [dreg:$0x4]  }
0x13b: {  	s22 =	sadd.s32 s21, s22  }
0x13c: {  	[tilespmem:s2], [sflag:$0x4] =	stream.linear.gather [hbm4b:s22+s2], $0x680, $0x38;
	[tilespmem:$0x1AD00] =	vst v63  }
0x13d: {  	_ =	swait.ge [sflag:s11], $0x680  }
0x13e: {  	[sflag:s11] =	ssyncset.done $0x0  }
0x13f: {  	[sflag:s11] =	ssyncadd.s32 $0xFFFFF980  }
0x140: {  	_ =	swait.ge [sflag:s15], $0xD000  }
0x141: {  	[sflag:s15] =	ssyncset.done $0x0  }
0x142: {  	[sflag:s15] =	ssyncadd.s32 $0xFFFF3000  }
0x143: {  	[tilespmem:s13], [sflag:$0x1] =	stream.indirect.gather [hbm4b:s3+s12], $0x20, s2, s12, $0xb8;
	[tilespmem:$0x1AD00] =	vst v63  }
0x144: {  	s4 =	simm.s32 $0x1D00  }
0x145: {  	[tilespmem:s4], [sflag:$0x1] =	stream.indirect.gather [hbm4b:s3+s12], $0x20, s12, s12, $0xb8;
	[tilespmem:$0x1AD00] =	vst v63  }
0x146: {  	_ = 	snop  }
0x147: {  	[tilespmem:s25], [sflag:$0x1] =	stream.indirect.gather [hbm4b:s3+s12], $0x20, s24, s12, $0xb8;
	[tilespmem:$0x1AD00] =	vst v63  }
0x148: {  	s22 =	simm.s32 $0x3D00  }
0x149: {  	[tilespmem:s22], [sflag:$0x1] =	stream.indirect.gather [hbm4b:s3+s12], $0x20, s26, s12, $0xb8;
	[tilespmem:$0x1AD00] =	vst v63  }
0x14a: {  	_ = 	snop  }
0x14b: {  	[tilespmem:s30], [sflag:$0x1] =	stream.indirect.gather [hbm4b:s3+s12], $0x20, s29, s12, $0xb8;
	[tilespmem:$0x1AD00] =	vst v63  }
0x14c: {  	s22 =	simm.s32 $0x5D00  }
0x14d: {  	[tilespmem:s22], [sflag:$0x1] =	stream.indirect.gather [hbm4b:s3+s12], $0x20, s31, s12, $0xb8;
	[tilespmem:$0x1AD00] =	vst v63  }
0x14e: {  	s4 =	simm.s32 $0x300;
	s22 =	simm.s32 $0x6D00  }
0x14f: {  	[tilespmem:s22], [sflag:$0x1] =	stream.indirect.gather [hbm4b:s3+s12], $0x20, s4, s12, $0xb8;
	[tilespmem:$0x1AD00] =	vst v63  }
0x150: {  	s4 =	simm.s32 $0x380;
	s22 =	simm.s32 $0x7D00  }
0x151: {  	[tilespmem:s22], [sflag:$0x1] =	stream.indirect.gather [hbm4b:s3+s12], $0x20, s4, s12, $0xb8;
	[tilespmem:$0x1AD00] =	vst v63  }
0x152: {  	s4 =	simm.s32 $0x400;
	s22 =	simm.s32 $0x8D00  }
0x153: {  	[tilespmem:s22], [sflag:$0x1] =	stream.indirect.gather [hbm4b:s3+s12], $0x20, s4, s12, $0xb8;
	[tilespmem:$0x1AD00] =	vst v63  }
0x154: {  	s22 =	simm.s32 $0x480  }
0x155: {  	[tilespmem:s23], [sflag:$0x1] =	stream.indirect.gather [hbm4b:s3+s12], $0x20, s22, s12, $0xb8;
	[tilespmem:$0x1AD00] =	vst v63  }
0x156: {  	_ = 	snop  }
0x157: {  	[tilespmem:s0], [sflag:$0x1] =	stream.indirect.gather [hbm4b:s3+s12], $0x20, s28, s12, $0xb8;
	[tilespmem:$0x1AD00] =	vst v63  }
0x158: {  	s4 =	simm.s32 $0x580;
	s22 =	simm.s32 $0xBD00  }
0x159: {  	[tilespmem:s22], [sflag:$0x1] =	stream.indirect.gather [hbm4b:s3+s12], $0x20, s4, s12, $0xb8;
	[tilespmem:$0x1AD00] =	vst v63  }
0x15a: {  	s22 =	simm.s32 $0x600;
	s4 =	simm.s32 $0xCD00  }
0x15b: {  	[tilespmem:s4], [sflag:$0x1] =	stream.indirect.gather [hbm4b:s3+s12], $0x20, s22, s12, $0xb8;
	[tilespmem:$0x1AD00] =	vst v63  }
0x15c: {  	_ =	swait.ge [sflag:s8], $0x1000  }
0x15d: {  	[sflag:s8] =	ssyncset.done $0x0  }
0x15e: {  	[sflag:s8] =	ssyncadd.s32 $0xFFFFF000  }
0x15f: {  	_ =	swait.ge [sflag:s8], $0x1000  }
0x160: {  	[sflag:s8] =	ssyncset.done $0x0  }
0x161: {  	[sflag:s8] =	ssyncadd.s32 $0xFFFFF000  }
0x162: {  	_ =	swait.ge [sflag:s8], $0x1000  }
0x163: {  	[sflag:s8] =	ssyncset.done $0x0  }
0x164: {  	[sflag:s8] =	ssyncadd.s32 $0xFFFFF000  }
0x165: {  	_ =	swait.ge [sflag:s8], $0x1000  }
0x166: {  	[sflag:s8] =	ssyncset.done $0x0  }
0x167: {  	[sflag:s8] =	ssyncadd.s32 $0xFFFFF000  }
0x168: {  	_ =	swait.ge [sflag:s8], $0x1000  }
0x169: {  	[sflag:s8] =	ssyncset.done $0x0  }
0x16a: {  	[sflag:s8] =	ssyncadd.s32 $0xFFFFF000  }
0x16b: {  	_ =	swait.ge [sflag:s8], $0x1000  }
0x16c: {  	[sflag:s8] =	ssyncset.done $0x0  }
0x16d: {  	[sflag:s8] =	ssyncadd.s32 $0xFFFFF000  }
0x16e: {  	_ =	swait.ge [sflag:s8], $0x1000  }
0x16f: {  	[sflag:s8] =	ssyncset.done $0x0  }
0x170: {  	[sflag:s8] =	ssyncadd.s32 $0xFFFFF000  }
0x171: {  	_ =	swait.ge [sflag:s8], $0x1000  }
0x172: {  	[sflag:s8] =	ssyncset.done $0x0  }
0x173: {  	[sflag:s8] =	ssyncadd.s32 $0xFFFFF000  }
0x174: {  	_ =	swait.ge [sflag:s8], $0x1000  }
0x175: {  	[sflag:s8] =	ssyncset.done $0x0  }
0x176: {  	[sflag:s8] =	ssyncadd.s32 $0xFFFFF000  }
0x177: {  	_ =	swait.ge [sflag:s8], $0x1000  }
0x178: {  	[sflag:s8] =	ssyncset.done $0x0  }
0x179: {  	[sflag:s8] =	ssyncadd.s32 $0xFFFFF000  }
0x17a: {  	_ =	swait.ge [sflag:s8], $0x1000  }
0x17b: {  	[sflag:s8] =	ssyncset.done $0x0  }
0x17c: {  	[sflag:s8] =	ssyncadd.s32 $0xFFFFF000  }
0x17d: {  	_ =	swait.ge [sflag:s8], $0x1000  }
0x17e: {  	[sflag:s8] =	ssyncset.done $0x0  }
0x17f: {  	[sflag:s8] =	ssyncadd.s32 $0xFFFFF000  }
0x180: {  	_ =	swait.ge [sflag:s8], $0x1000  }
0x181: {  	[sflag:s8] =	ssyncset.done $0x0  }
0x182: {  	s4 =	rddreg [dreg:$0x3];
	[sflag:s8] =	ssyncadd.s32 $0xFFFFF000  }
0x183: {  	[hbm4b:s19+s2] =	stream.linear.scatter [tilespmem:s13], [sflag:$0x2], $0xD000, $0x38;
	[tilespmem:$0x1AD00] =	vst v63  }
0x184: {  	s21 =	sadd.s32 s21, s4  }
0x185: {  	[tilespmem:s9], [sflag:$0x4] =	stream.linear.gather [hbm4b:s21+s2], $0x680, $0x38;
	[tilespmem:$0x1AD00] =	vst v63  }
0x186: {  	_ =	swait.ge [sflag:s11], $0x680  }
0x187: {  	[sflag:s11] =	ssyncset.done $0x0  }
0x188: {  	[sflag:s11] =	ssyncadd.s32 $0xFFFFF980  }
0x189: {  	_ =	swait.ge [sflag:s16], $0xD000  }
0x18a: {  	[sflag:s16] =	ssyncset.done $0x0  }
0x18b: {  	[sflag:s16] =	ssyncadd.s32 $0xFFFF3000  }
0x18c: {  	[tilespmem:s10], [sflag:$0x1] =	stream.indirect.gather [hbm4b:s3+s12], $0x20, s9, s12, $0xb8;
	[tilespmem:$0x1AD00] =	vst v63  }
0x18d: {  	s22 =	simm.s32 $0xED00;
	s21 =	simm.s32 $0x700  }
0x18e: {  	[tilespmem:s22], [sflag:$0x1] =	stream.indirect.gather [hbm4b:s3+s12], $0x20, s21, s12, $0xb8;
	[tilespmem:$0x1AD00] =	vst v63  }
0x18f: {  	s21 =	simm.s32 $0x780;
	s22 =	simm.s32 $0xFD00  }
0x190: {  	[tilespmem:s22], [sflag:$0x1] =	stream.indirect.gather [hbm4b:s3+s12], $0x20, s21, s12, $0xb8;
	[tilespmem:$0x1AD00] =	vst v63  }
0x191: {  	s21 =	simm.s32 $0x800;
	s22 =	simm.s32 $0x10D00  }
0x192: {  	[tilespmem:s22], [sflag:$0x1] =	stream.indirect.gather [hbm4b:s3+s12], $0x20, s21, s12, $0xb8;
	[tilespmem:$0x1AD00] =	vst v63  }
0x193: {  	s21 =	simm.s32 $0x880;
	s22 =	simm.s32 $0x11D00  }
0x194: {  	[tilespmem:s22], [sflag:$0x1] =	stream.indirect.gather [hbm4b:s3+s12], $0x20, s21, s12, $0xb8;
	[tilespmem:$0x1AD00] =	vst v63  }
0x195: {  	s21 =	simm.s32 $0x900;
	s22 =	simm.s32 $0x12D00  }
0x196: {  	[tilespmem:s22], [sflag:$0x1] =	stream.indirect.gather [hbm4b:s3+s12], $0x20, s21, s12, $0xb8;
	[tilespmem:$0x1AD00] =	vst v63  }
0x197: {  	s21 =	simm.s32 $0x980;
	s22 =	simm.s32 $0x13D00  }
0x198: {  	[tilespmem:s22], [sflag:$0x1] =	stream.indirect.gather [hbm4b:s3+s12], $0x20, s21, s12, $0xb8;
	[tilespmem:$0x1AD00] =	vst v63  }
0x199: {  	s21 =	simm.s32 $0xA00;
	s22 =	simm.s32 $0x14D00  }
0x19a: {  	[tilespmem:s22], [sflag:$0x1] =	stream.indirect.gather [hbm4b:s3+s12], $0x20, s21, s12, $0xb8;
	[tilespmem:$0x1AD00] =	vst v63  }
0x19b: {  	s21 =	simm.s32 $0xA80;
	s22 =	simm.s32 $0x15D00  }
0x19c: {  	[tilespmem:s22], [sflag:$0x1] =	stream.indirect.gather [hbm4b:s3+s12], $0x20, s21, s12, $0xb8;
	[tilespmem:$0x1AD00] =	vst v63  }
0x19d: {  	s21 =	simm.s32 $0xB00;
	s22 =	simm.s32 $0x16D00  }
0x19e: {  	[tilespmem:s22], [sflag:$0x1] =	stream.indirect.gather [hbm4b:s3+s12], $0x20, s21, s12, $0xb8;
	[tilespmem:$0x1AD00] =	vst v63  }
0x19f: {  	s22 =	simm.s32 $0xB80  }
0x1a0: {  	[tilespmem:s1], [sflag:$0x1] =	stream.indirect.gather [hbm4b:s3+s12], $0x20, s22, s12, $0xb8;
	[tilespmem:$0x1AD00] =	vst v63  }
0x1a1: {  	_ = 	snop  }
0x1a2: {  	[tilespmem:s6], [sflag:$0x1] =	stream.indirect.gather [hbm4b:s3+s12], $0x20, s5, s12, $0xb8;
	[tilespmem:$0x1AD00] =	vst v63  }
0x1a3: {  	_ = 	snop  }
0x1a4: {  	[tilespmem:s14], [sflag:$0x1] =	stream.indirect.gather [hbm4b:s3+s12], $0x20, s7, s12, $0xb8;
	[tilespmem:$0x1AD00] =	vst v63  }
0x1a5: {  	_ =	swait.ge [sflag:s8], $0x1000  }
0x1a6: {  	[sflag:s8] =	ssyncset.done $0x0  }
0x1a7: {  	[sflag:s8] =	ssyncadd.s32 $0xFFFFF000  }
0x1a8: {  	_ =	swait.ge [sflag:s8], $0x1000  }
0x1a9: {  	[sflag:s8] =	ssyncset.done $0x0  }
0x1aa: {  	[sflag:s8] =	ssyncadd.s32 $0xFFFFF000  }
0x1ab: {  	_ =	swait.ge [sflag:s8], $0x1000  }
0x1ac: {  	[sflag:s8] =	ssyncset.done $0x0  }
0x1ad: {  	[sflag:s8] =	ssyncadd.s32 $0xFFFFF000  }
0x1ae: {  	_ =	swait.ge [sflag:s8], $0x1000  }
0x1af: {  	[sflag:s8] =	ssyncset.done $0x0  }
0x1b0: {  	[sflag:s8] =	ssyncadd.s32 $0xFFFFF000  }
0x1b1: {  	_ =	swait.ge [sflag:s8], $0x1000  }
0x1b2: {  	[sflag:s8] =	ssyncset.done $0x0  }
0x1b3: {  	[sflag:s8] =	ssyncadd.s32 $0xFFFFF000  }
0x1b4: {  	_ =	swait.ge [sflag:s8], $0x1000  }
0x1b5: {  	[sflag:s8] =	ssyncset.done $0x0  }
0x1b6: {  	[sflag:s8] =	ssyncadd.s32 $0xFFFFF000  }
0x1b7: {  	_ =	swait.ge [sflag:s8], $0x1000  }
0x1b8: {  	[sflag:s8] =	ssyncset.done $0x0  }
0x1b9: {  	[sflag:s8] =	ssyncadd.s32 $0xFFFFF000  }
0x1ba: {  	_ =	swait.ge [sflag:s8], $0x1000  }
0x1bb: {  	[sflag:s8] =	ssyncset.done $0x0  }
0x1bc: {  	[sflag:s8] =	ssyncadd.s32 $0xFFFFF000  }
0x1bd: {  	_ =	swait.ge [sflag:s8], $0x1000  }
0x1be: {  	[sflag:s8] =	ssyncset.done $0x0  }
0x1bf: {  	[sflag:s8] =	ssyncadd.s32 $0xFFFFF000  }
0x1c0: {  	_ =	swait.ge [sflag:s8], $0x1000  }
0x1c1: {  	[sflag:s8] =	ssyncset.done $0x0  }
0x1c2: {  	[sflag:s8] =	ssyncadd.s32 $0xFFFFF000  }
0x1c3: {  	_ =	swait.ge [sflag:s8], $0x1000  }
0x1c4: {  	[sflag:s8] =	ssyncset.done $0x0  }
0x1c5: {  	[sflag:s8] =	ssyncadd.s32 $0xFFFFF000  }
0x1c6: {  	p0 =	sne.s32 s17, $0x340;
	_ =	swait.ge [sflag:s8], $0x1000  }
.Ltmp0:
0x1c7: {  	[sflag:s8] =	ssyncset.done $0x0;
	(pc) =	sbr.rel @p0 .LBB2_2-.Ltmp0, $4  }
0x1c8: {  	[sflag:s8] =	ssyncadd.s32 $0xFFFFF000  }
0x1c9: {  	_ =	swait.ge [sflag:s8], $0x1000  }
0x1ca: {  	s20 =	smov.u32 s18;
	s17 =	sadd.s32 $0x1A0, s17;
	[sflag:s8] =	ssyncset.done $0x0  }
0x1cb: {  	s18 =	sadd.s32 $0x3400, s18;
	s19 =	sadd.s32 $0x3400, s19;
	[sflag:s8] =	ssyncadd.s32 $0xFFFFF000  }
0x1cc: {  	[hbm4b:s20+s2] =	stream.linear.scatter [tilespmem:s10], [sflag:$0x3], $0xD000, $0x38;
	[tilespmem:$0x1AD00] =	vst v63  }
0x1cd: {  	_ =	swait.ge [sflag:s15], $0xD000  }
0x1ce: {  	[sflag:s15] =	ssyncset.done $0x0  }
0x1cf: {  	s19 =	simm.s32 $0x1D00;
	s20 =	simm.s32 $0x100;
	[sflag:s15] =	ssyncadd.s32 $0xFFFF3000  }
0x1d0: {  	s21 =	simm.s32 $0x2D00;
	s22 =	simm.s32 $0x180;
	_ =	swait.ge [sflag:s16], $0xD000  }
0x1d1: {  	s23 =	simm.s32 $0x3D00;
	s24 =	simm.s32 $0x200;
	s0 =	rddreg [dreg:$0xc]  }
0x1d2: {  	s25 =	simm.s32 $0x4D00;
	s17 =	rddreg [dreg:$0x9];
	s0 =	sadd.s32 $0x1, s0  }
0x1d3: {  	s26 =	simm.s32 $0x280;
	s1 =	simm.s32 $0x5D00;
	p0 =	sne.s32 s0, s17  }
.Ltmp1:
0x1d4: {  	s4 =	simm.s32 $0x6D00;
	s5 =	simm.s32 $0x380;
	(pc) =	sbr.rel @p0 .LBB2_1-.Ltmp1, $4  }
0x1d5: {  	s6 =	simm.s32 $0x7D00;
	s7 =	simm.s32 $0x400;
	s14 =	simm.s32 $0x8D00  }
0x1d6: {  	s28 =	simm.s32 $0x480;
	s29 =	simm.s32 $0x9D00;
	s30 =	simm.s32 $0x500  }
0x1d7: {  	s31 =	simm.s32 $0xAD00;
	s18 =	simm.s32 $0x580;
	[sflag:s16] =	ssyncset.done $0x0  }
0x1d8: {  	[sflag:s16] =	ssyncadd.s32 $0xFFFF3000;
	[dreg:$0xc] =	wrdreg s0;
	s0 =	simm.s32 $0x300  }
0x1d9: {  	_ =	sfence.sel $0x180000  }
0x1da: {  	[bflag:$0x0] =	sbarrier.arrive $0xFFFF  }
0x1db: {  	_ =	strace $0x90000047  }
0x1dc: {  	s0 =	stileid.u32;
	[bflag:$0x2] =	sbarrier.arrive $0xFFFF  }
0x1dd: {  	p0 =	sne.s32 s0, $0x0;
	s0 =	rddreg [dreg:$0x2]  }
0x1de: {  	s0 =	sadd.s32 @!p0 $0x100000, s0  }
0x1df: {  	[sflag:s0] =	ssyncadd.tile.s32 @!p0 $0x1;
	_ =	shalt  }
.Lfunc_end2:
_tile_overlayer_lowered:
.L_overlay_start_2:
0x1e0: {  	(tag) =	ssettag $0x2  }
0x1e1: {  	s0 =	rddreg [dreg:$0x0];
	s2 =	stileid.u32  }
0x1e2: {  	s1 =	rddreg [dreg:$0x1];
	p0 =	sne.s32 s2, $0x0  }
0x1e3: {  	s3 =	rddreg [dreg:$0x2];
	[bflag:$0x3] =	sbarrier.arrive $0xFFFF;
	s2 =	simm.s32 @!p0 $0x1C04  }
0x1e4: {  	[timem:s3], [sflag:s2] =	dma.local @!p0 [hbm:s0], s1  }
0x1e5: {  	s0 =	simm.s32 @!p0 $0x4  }
0x1e6: {  	_ =	swait.ge @!p0 [sflag:s0], s1  }
0x1e7: {  	s1 =	ssub.s32 @!p0 $0x0, s1;
	[sflag:s0] =	ssyncset.done @!p0 $0x0  }
0x1e8: {  	[sflag:s0] =	ssyncadd.s32 @!p0 s1  }
0x1e9: {  	[bflag:$0x3] =	sbarrier.arrive $0xFFFF  }
0x1ea: {  	_ =	shalt  }

// kernel: sparse-core-data-format-call.cloned.1.call-start
scs
called_computation_lowered:
.L_overlay_start_0:
0x0: {  	s2 =	sld [smem:$0x3FD9]  }
0x1: {  	s3 =	sld [smem:$0x3FFE];
	_ =	sdelay $0x1  }
0x2: {  	s1 =	srdreg.scid  }
0x3: {  	s0 =	sand.u32 $0x1, s1  }
0x4: {  	s18 =	sshll.u32 s0, $0xA;
	s2 =	sadd.s32 s3, s2  }
0x5: {  	s2 =	sadd.s32 s2, s18  }
0x6: {  	[smem:$0x3FC6] =	sst s2  }
0x7: {  	_ = 	snop  }
0x8: {  	s2 =	sld [smem:$0x3FD0];
	(tm) =	ssettm $0x1  }
0x9: {  	s19 =	sld [smem:$0x3FFB];
	_ =	sdelay $0x3  }
0xa: {  	_ =	strace s19  }
0xb: {  	s3 =	sld [smem:$0x3FFC];
	_ =	sdelay $0x3  }
0xc: {  	_ =	strace s3  }
0xd: {  	s3 =	sld [smem:$0x3FFD];
	_ =	sdelay $0x3  }
0xe: {  	_ =	strace s3  }
0xf: {  	_ =	strace $0x8FFFFFFF  }
0x10: {  	s20 =	sld [smem:$0x3FDB];
	_ =	sdelay $0x1  }
0x11: {  	s4 =	simm.s32 $_scs_section_size  }
0x12: {  	s5 =	simm.s32 $_size__tile_overlayer_lowered;
	s6 =	simm.s32 $_tile_overlayer_lowered  }
0x13: {  	s23 =	simm.s32 $0x1BFF;
	s22 =	sshll.u32 s6, $0x1;
	s3 =	sadd.s32 s4, s20  }
0x14: {  	s7 =	simm.s32 $0x0;
	s21 =	sshll.u32 s5, $0x1;
	s5 =	sadd.s32 s22, s3  }
0x15: {  	[timem:s7], [sflag:s23] =	dma.local [hbm:s5], s21  }
0x16: {  	_ =	swait.ge [sflag:s23], s21  }
0x17: {  	s4 =	ssub.s32 $0x0, s21;
	[sflag:s23] =	ssyncset.done $0x0  }
0x18: {  	[sflag:s23] =	ssyncadd.s32 s4;
	_ =	sdelay $0x1  }
0x19: {  	s24 =	simm.s32 $0x1B8B  }
0x1a: {  	_ =	swait.ge [sflag:s24], $0x1  }
0x1b: {  	[sflag:s24] =	ssyncset.done $0x0  }
0x1c: {  	s26 =	simm.s32 $0x1B8E;
	s25 =	sld [smem:$0x3FFE];
	[sflag:s24] =	ssyncadd.s32 $0xFFFFFFFF  }
0x1d: {  	s27 =	simm.s32 $execute0_lowered;
	[smem:$0x3FD2] =	sst s26  }
0x1e: {  	s5 =	sshll.u32 s27, $0x1;
	_ =	strace $0x80000049;
	[dreg:$0x1] =	wrdreg $0xFFFFFFFF  }
0x1f: {  	s28 =	simm.s32 $_size_execute0_lowered;
	s3 =	sadd.s32 s3, s5;
	[dreg:$0x0] =	wrdreg $0x0  }
0x20: {  	s5 =	sshll.u32 s28, $0x1;
	[dreg:$0x2] =	wrdreg s3  }
0x21: {  	[dreg:$0x3] =	wrdreg s5  }
0x22: {  	[dreg:$0x4] =	wrdreg $0xC0  }
0x23: {  	_ =	task [dreg:s7], $0x5FFFF  }
0x24: {  	[dreg:$0x1] =	wrdreg $0xFFFFFFFF  }
0x25: {  	[dreg:$0x0] =	wrdreg $0x60  }
0x26: {  	[dreg:$0x2] =	wrdreg s25  }
0x27: {  	[dreg:$0x3] =	wrdreg s2  }
0x28: {  	[dreg:$0x4] =	wrdreg $0x9  }
0x29: {  	_ =	task.clear_ibuf [dreg:s7], $0x5FFFF;
	_ =	strace $0x90000049  }
0x2a: {  	s29 =	simm.s32 $0x9;
	_ =	strace $0x8000004B  }
0x2b: {  	_ =	swait.ge [sflag:s29], $0x1  }
0x2c: {  	[sflag:s29] =	ssyncadd.s32 $0xFFFFFFFF  }
0x2d: {  	_ =	strace $0x9000004B  }
0x2e: {  	_ =	sfence  }
0x2f: {  	s30 =	sld [smem:$0x0];
	_ =	sdelay $0x2  }
0x30: {  	s31 =	sshll.u32 s1, $0xD;
	s1 =	sshrl.u32 s1, $0x2  }
0x31: {  	s3 =	sand.u32 $0x4000, s31;
	s1 =	sadd.s32 s1, s30  }
0x32: {  	s0 =	sor.u32 s3, s0;
	s1 =	sshll.u32 s1, $0x11  }
0x33: {  	s0 =	sor.u32 s1, s0  }
0x34: {  	s0 =	sadd.s32 $0x8F2B, s0  }
0x35: {  	[sflag:s0] =	ssyncadd.remote.s32 $0x1  }
0x36: {  	_ =	sfence.sel $0xFFFF  }
0x37: {  	[dreg:$0x0] =	wrdreg $0xFFFFFFFF;
	(pc) =	sbr.abs _section_cstart, $3  }
0x38: {  	[dreg:$0x1] =	wrdreg $0xFFFFFFFF  }
0x39: {  	_ =	task.clear_ibuf [dreg:s7], $0x2FFFF;
	_ =	strace $0x9FFFFFFF  }
0x3a: {  	(tm) =	ssettm $0x7FFFFFFF  }
0x3b: {  	_ =	shalt  }
tec
execute0_lowered:
.L_overlay_start_1:
0x0: {  	(tag) =	ssettag $0x1  }
0x1: {  	s0 =	srdreg.scid  }
0x2: {  	s1 =	sshll.u32 s0, $0x4  }
0x3: {  	s0 =	stileid.u32;
	s1 =	sand.u32 $0x10, s1  }
0x4: {  	s1 =	sor.u32 s0, s1  }
0x5: {  	s6 =	rddreg [dreg:$0x0];
	s4 =	simm.s32 $0x1;
	s2 =	sshll.u32 s1, $0x7  }
0x6: {  	s7 =	simm.s32 $0x2;
	s12 =	simm.s32 $0x0;
	s1 =	ssub.s32 $0x4000, s2  }
0x7: {  	s8 =	simm.s32 $0x20000;
	s13 =	simm.s32 $0x0;
	s3 =	sand.u32 $0xF80, s1  }
0x8: {  	s9 =	simm.s32 $0x0;
	s5 =	sshrl.u32 s1, $0xC;
	p0 =	sne.s32 s3, $0x0  }
.Ltmp0:
0x9: {  	s1 =	rddreg [dreg:$0x2];
	s4 =	simm.s32 @!p0 $0x0;
	(pc) =	sbr.rel .LBB1_1-.Ltmp0, $4  }
0xa: {  	s11 =	simm.s32 $0x0;
	s3 =	rddreg [dreg:$0x1];
	s5 =	sadd.s32 s4, s5  }
0xb: {  	_ =	strace $0x8000004A;
	s4 =	simm.s32 $0x1;
	s5 =	smul.u32 $0x1A, s5  }
0xc: {  	s6 =	sadd.s32 $0xA00, s6;
	s10 =	smov.u32 s2;
	[sflag:s4] =	ssyncpa.u1 $0x0  }
0xd: {  	p0 =	por $0x0, $0x0;
	[sflag:s7] =	ssyncpa.u1 $0x0;
	s7 =	sor.u32 $0x1, s5  }
.LBB1_4:
0xe: {  	s16 =	sshll.u32 s13, $0x3;
	s17 =	sand.u32 $0x78, s13  }
0xf: {  	s30 =	sand.u32 $0xF800, s13;
	s12 =	sshll.u32 s12, $0x10;
	s16 =	sand.u32 $0x3C00, s16  }
0x10: {  	s31 =	sand.u32 $0x7, s13;
	s16 =	sor.u32 s17, s16;
	s17 =	sadd.s32 s3, s30  }
0x11: {  	s13 =	sshll.u32 s31, $0x12;
	s16 =	sshrl.u32 s16, $0x3;
	s12 =	sadd.s32 s12, s17  }
0x12: {  	[tilespmem:s15+$0x0 ss:$0x81] =	vst.msk $0xffff, v0;
	s13 =	sor.u32 $0x400, s13;
	s12 =	sadd.s32 s16, s12  }
0x13: {  	[hbm4b:s12+s13] =	stream.strided.scatter [tilespmem:s14], [sflag:$0x2], $0x1000, s8, s13, $0x20;
	[tilespmem:$0x4040] =	vst v63  }
.LBB1_5:
0x14: {  	s14 =	sadd.s32 $0x1, s9  }
0x15: {  	s12 =	sadd.s32 $0x1000, s10;
	s16 =	smov.u32 s10;
	p2 =	sgt.s32 s14, $0x19  }
0x16: {  	s16 =	smov.u32 @p2 s12  }
0x17: {  	s14 =	simm.s32 @p2 $0x0;
	p2 =	sgt.s32 s16, $0x3FFF  }
0x18: {  	s16 =	smov.u32 @p2 s2;
	p2 =	sne.s32 s11, s7  }
.Ltmp1:
0x19: {  	p1 =	slt.u32 s11, $0x2;
	(pc) =	sbr.rel @!p2 .LBB1_6-.Ltmp1, $4  }
0x1a: {  	s15 =	simm.s32 @!p1 $0x2  }
0x1b: {  	s13 =	smov.u32 s10;
	p0 =	por !p0, !p0;
	_ =	swait.ge @!p1 [sflag:s15], $0x1000  }
0x1c: {  	s12 =	smov.u32 s9;
	[sflag:s15] =	ssyncset.done @!p1 $0x0;
	s9 =	smov.u32 s14  }
0x1d: {  	s11 =	sadd.s32 $0x1, s11;
	[sflag:s15] =	ssyncadd.s32 @!p1 $0xFFFFF000;
	s10 =	smov.u32 s16  }
.LBB1_1:
0x1e: {  	p1 =	sge.u32 s11, s5  }
0x1f: {  	s31 =	sadd.s32 $0xFFFFFFFF, s11;
	s14 =	sxor.u32 @!p1 $0xFFFFFFFF, s11  }
0x20: {  	s15 =	sshll.u32 @!p1 s10, $0x9;
	s16 =	sshll.u32 @!p1 s9, $0x4;
	s17 =	simm.s32 @!p1 $0x1000  }
0x21: {  	s14 =	sshll.u32 @!p1 s14, $0xC;
	s16 =	sand.u32 @!p1 $0x1F0, s16;
	s15 =	sadd.s32 @!p1 s6, s15  }
0x22: {  	s14 =	sand.u32 @!p1 $0x1000, s14;
	s15 =	sadd.s32 @!p1 s16, s15;
	s16 =	simm.s32 @!p1 $0x20  }
0x23: {  	[tilespmem:s14], [sflag:$0x1] =	stream.strided.gather @!p1 [hbm4b:s15+s16], $0x1000, s17, s16, $0x38;
	[tilespmem:$0x4040] =	vst v63  }
0x24: {  	p1 =	sge.u32 s31, s5  }
.Ltmp2:
0x25: {  	_ = 	snop;
	(pc) =	sbr.rel @p1 .LBB1_5-.Ltmp2, $1  }
0x26: {  	_ =	sdelay $0x3  }
0x27: {  	s14 =	simm.s32 $0x1  }
0x28: {  	_ =	swait.ge [sflag:s4], $0x1000;
	s14 =	simm.s32 @!p0 $0x0  }
0x29: {  	[sflag:s4] =	ssyncset.done $0x0;
	s15 =	sshll.u32 s14, $0xC  }
0x2a: {  	[sflag:s4] =	ssyncadd.s32 $0xFFFFF000;
	s18 =	sor.u32 $0x10, s15  }
0x2b: {  	s14 =	smul.u32 $0x4080, s14;
	v1 =	vld [tilespmem:s18+$0x0]  }
0x2c: {  	s30 =	sand.u32 $0x1, s11;
	v0 =	vld [tilespmem:s18+$0xFFFFFFF0]  }
0x2d: {  	s15 =	smul.u32 $0x4080, s30;
	s14 =	sshrl.u32 s14, $0x2  }
0x2e: {  	s16 =	sor.u32 $0x2000, s14  }
0x2f: {  	s31 =	sshrl.u32 s15, $0x2;
	s15 =	sadd.s32 $0x0, s16  }
0x30: {  	s17 =	simm.s32 $0x4;
	s18 =	sadd.s32 $0x20, s18;
	s14 =	sor.u32 $0x2000, s31;
	[tilespmem:s15+$0x810 ss:$0x81] =	vst.msk $0xffff, v1  }
.LBB1_3:
0x31: {  	v1 =	vld [tilespmem:s18+$0x0];
	p1 =	sne.s32 s17, $0x1FC;
	[tilespmem:s15+$0x0 ss:$0x81] =	vst.msk $0xffff, v0;
	s15 =	smov.u32 s17;
	s17 =	sadd.s32 $0x4, s17  }
.Ltmp3:
0x32: {  	v0 =	vld [tilespmem:s18+$0xFFFFFFF0];
	(pc) =	sbr.rel @p1 .LBB1_3-.Ltmp3, $4  }
0x33: {  	_ = 	snop  }
0x34: {  	s15 =	sshra.s32 s15, $0x2  }
0x35: {  	s15 =	sadd.s32 s15, s16  }
0x36: {  	s18 =	sadd.s32 $0x20, s18;
	[tilespmem:s15+$0x810 ss:$0x81] =	vst.msk $0xffff, v1  }
.Ltmp4:
0x37: {  	_ = 	snop;
	(pc) =	sbr.rel .LBB1_4-.Ltmp4, $1  }
0x38: {  	_ =	sdelay $0x3  }
.LBB1_6:
0x39: {  	_ =	sfence.sel $0x180000  }
0x3a: {  	s2 =	simm.s32 $0x1;
	[bflag:$0x0] =	sbarrier.arrive $0xFFFF  }
0x3b: {  	s31 =	simm.s32 $0x2;
	[sflag:s2] =	ssyncpa.u1 $0x1  }
0x3c: {  	[sflag:s31] =	ssyncpa.u1 $0x1  }
0x3d: {  	p0 =	sne.s32 s0, $0x0;
	_ =	strace $0x9000004A  }
0x3e: {  	s0 =	sadd.s32 @!p0 $0x100000, s1;
	[bflag:$0x2] =	sbarrier.arrive $0xFFFF  }
0x3f: {  	[sflag:s0] =	ssyncadd.tile.s32 @!p0 $0x1;
	_ =	shalt  }
.Lfunc_end1:
_tile_overlayer_lowered:
.L_overlay_start_2:
0x40: {  	(tag) =	ssettag $0x2  }
0x41: {  	s0 =	rddreg [dreg:$0x0];
	s2 =	stileid.u32  }
0x42: {  	s1 =	rddreg [dreg:$0x1];
	p0 =	sne.s32 s2, $0x0  }
0x43: {  	s3 =	rddreg [dreg:$0x2];
	[bflag:$0x3] =	sbarrier.arrive $0xFFFF;
	s2 =	simm.s32 @!p0 $0x1C01  }
0x44: {  	[timem:s3], [sflag:s2] =	dma.local @!p0 [hbm:s0], s1  }
0x45: {  	s0 =	simm.s32 @!p0 $0x1  }
0x46: {  	_ =	swait.ge @!p0 [sflag:s0], s1  }
0x47: {  	s1 =	ssub.s32 @!p0 $0x0, s1;
	[sflag:s0] =	ssyncset.done @!p0 $0x0  }
0x48: {  	[sflag:s0] =	ssyncadd.s32 @!p0 s1  }
0x49: {  	[bflag:$0x3] =	sbarrier.arrive $0xFFFF  }
0x4a: {  	_ =	shalt  }

</sc_bundles>
